<compile_context>
chip_gen: v7x
topology: tpu7x:2x2x1
jax: 0.10.2.dev20260603
libtpu: 0.0.44.dev20260713+nightly
codegen_flags: <defaults>
</compile_context>

<pallas_src>
import functools

import numpy as np

import jax
import jax.numpy as jnp
from jax import lax
from jax.experimental import pallas as pl
from jax.experimental.pallas import tpu as pltpu
from jax.experimental.pallas import tpu_sc as plsc

NW = 32
LANES = 16
SLOTS = 12


def _depth_weights(depths, depth, dsize):
    depths = jnp.asarray(depths, dtype=jnp.float32)
    depth = jnp.asarray(depth, dtype=jnp.float32)
    iota = jnp.arange(dsize, dtype=jnp.int32)
    ind = jnp.sum((depths <= depth).astype(jnp.int32))
    dind = ind - 1
    dl = jnp.sum(jnp.where(iota == dind, depths, 0.0))
    du = jnp.sum(jnp.where(iota == ind, depths, 0.0))
    depth_r = (depth - dl) / (du - dl)
    dc = dind.astype(jnp.float32) + depth_r
    td = depths - jnp.concatenate([jnp.zeros((1,), jnp.float32), depths[:-1]])
    d1 = jnp.sum(jnp.where(iota == dind, td, 0.0))
    d2 = jnp.sum(jnp.where(iota == dind + 1, td, 0.0))
    d3 = jnp.sum(jnp.where(iota == dind + 2, td, 0.0))

    i0 = dc.astype(jnp.int32)
    s = jnp.clip(dc - i0.astype(jnp.float32), 0.0, 1.0)
    s2_ = s * s
    h0 = (2.0 * s - 3.0) * s2_ + 1.0
    h1 = (3.0 - 2.0 * s) * s2_
    h2 = ((s - 2.0) * s + 1.0) * s
    h3 = (s - 1.0) * s2_

    def rev_tangents(a, b):
        q = a / b
        r = b / a
        inv = 1.0 / (a + b)
        return (-r * inv, (r - q) * inv, q * inv)

    t10, t11, t12 = rev_tangents(d1, d2)
    t20, t21, t22 = rev_tangents(d2, d3)
    s10, s11, s12 = d2 * t10, d2 * t11, d2 * t12
    s20, s21, s22 = d2 * t20, d2 * t21, d2 * t22

    cd = jnp.stack([
        h2 * s10,
        h0 + h2 * s11 + h3 * s20,
        h1 + h2 * s12 + h3 * s21,
        h3 * s22,
    ])
    idp = jnp.clip(i0 - 1 + jnp.arange(4, dtype=jnp.int32), 0, dsize - 1)
    return idp, cd


def _collapse_depth(kn, idp, cd):
    D, Z, Y, X = kn.shape
    BZ = 16

    def body(idp_ref, cd_ref, k0, k1, k2, k3, w_ref):
        w_ref[...] = (cd_ref[0] * k0[0] + cd_ref[1] * k1[0]
                      + cd_ref[2] * k2[0] + cd_ref[3] * k3[0])

    in_specs = [
        pl.BlockSpec((1, BZ, Y, X),
                     functools.partial(lambda i, z, idp_ref, cd_ref: (idp_ref[i], z, 0, 0), i))
        for i in range(4)
    ]
    return pl.pallas_call(
        body,
        grid_spec=pltpu.PrefetchScalarGridSpec(
            num_scalar_prefetch=2,
            grid=(Z // BZ,),
            in_specs=in_specs,
            out_specs=pl.BlockSpec((BZ, Y, X), lambda z, idp_ref, cd_ref: (z, 0, 0)),
        ),
        out_shape=jax.ShapeDtypeStruct((Z, Y, X), jnp.float32),
    )(idp, cd, kn, kn, kn, kn)


def _cr_weights(f):
    w0 = ((-0.5 * f + 1.0) * f - 0.5) * f
    w1 = ((1.5 * f - 2.5) * f) * f + 1.0
    w2 = ((-1.5 * f + 2.0) * f + 0.5) * f
    w3 = ((0.5 * f - 0.5) * f) * f
    return (w0, w1, w2, w3)


def _make_sc_eval(Z, Y, X, PT):
    G = PT // LANES
    assert G % 4 == 0 and PT % 8 == 0
    PTL = PT + 3 * LANES
    LC = [((t >> 2) * Y + (t & 3)) * SLOTS for t in range(16)]

    def body(t_h, zc_h, yc_h, xc_h, out_h,
             zc_v, yc_v, xc_v, out_v,
             i00, i01, i10, i11, i20, i21, i30, i31,
             r00, r01, r10, r11, r20, r21, r30, r31,
             sem0, sem1, sem2, sem3):
        wid = lax.axis_index("s") * 2 + lax.axis_index("c")
        base = wid * PT
        ib = [(i00, i01), (i10, i11), (i20, i21), (i30, i31)]
        rb = [(r00, r01), (r10, r11), (r20, r21), (r30, r31)]
        sems = [sem0, sem1, sem2, sem3]
        pltpu.sync_copy(zc_h.at[pl.ds(base, PTL)], zc_v)
        pltpu.sync_copy(yc_h.at[pl.ds(base, PTL)], yc_v)
        pltpu.sync_copy(xc_h.at[pl.ds(base, PTL)], xc_v)

        iota = lax.iota(jnp.int32, 16)
        rv = [iota + 16 * t8 for t8 in range(8)]

        def x_layout(xi):
            ix0 = jnp.clip(xi - 1, 0, X - 4)
            use_b = (ix0 & 15) > 12
            e = ix0 - jnp.where(use_b, 8, 0)
            sel = jnp.where(use_b, 6, 0)
            return sel + (e >> 4), e & 15

        def fire(g, bi):
            ij0, ij1 = ib[bi]
            st = g * LANES
            zc = zc_v[pl.ds(st, LANES)]
            yc = yc_v[pl.ds(st, LANES)]
            xc = xc_v[pl.ds(st, LANES)]
            iz0 = jnp.clip(zc.astype(jnp.int32) - 1, 0, Z - 4)
            iy0 = jnp.clip(yc.astype(jnp.int32) - 1, 0, Y - 4)
            blk, _ = x_layout(xc.astype(jnp.int32))
            rowbase = (iz0 * Y + iy0) * SLOTS + blk
            for t in range(8):
                ij0[pl.ds(t * 16, 16)] = rowbase + LC[t]
            for t in range(8, 16):
                ij1[pl.ds((t - 8) * 16, 16)] = rowbase + LC[t]
            pltpu.make_async_copy(t_h.at[ij0], rb[bi][0], sems[bi]).start()
            pltpu.make_async_copy(t_h.at[ij1], rb[bi][1], sems[bi]).start()

        def drain(bi):
            pltpu.make_async_copy(t_h.at[ib[bi][0]], rb[bi][0], sems[bi]).wait()
            pltpu.make_async_copy(t_h.at[ib[bi][1]], rb[bi][1], sems[bi]).wait()

        def combine(g, bi):
            rj0, rj1 = rb[bi]
            st = g * LANES
            zc = zc_v[pl.ds(st, LANES)]
            yc = yc_v[pl.ds(st, LANES)]
            xc = xc_v[pl.ds(st, LANES)]
            zi = zc.astype(jnp.int32)
            yi = yc.astype(jnp.int32)
            xi = xc.astype(jnp.int32)
            cz = _cr_weights(zc - zi.astype(jnp.float32))
            cy = _cr_weights(yc - yi.astype(jnp.float32))
            cx = _cr_weights(xc - xi.astype(jnp.float32))
            _, off = x_layout(xi)
            ox = [off + k for k in range(4)]
            acc = [jnp.zeros((16,), jnp.float32) for _ in range(4)]
            for t in range(16):
                czy = cz[t >> 2] * cy[t & 3]
                rj = rj0 if t < 8 else rj1
                for k in range(4):
                    val = plsc.load_gather(rj, [rv[t & 7], ox[k]])
                    acc[k] = acc[k] + val * czy
            out = (acc[0] * cx[0] + acc[1] * cx[1]) + (acc[2] * cx[2] + acc[3] * cx[3])
            out_v[pl.ds(st, LANES)] = out

        fire(0, 0)
        fire(1, 1)
        fire(2, 2)

        def loop(q, carry):
            g = 4 * q
            for j in range(4):
                fire(g + j + 3, (j + 3) & 3)
                drain(j)
                combine(g + j, j)
            return carry

        lax.fori_loop(0, G // 4, loop, 0)
        for j in range(3):
            drain(j)
        pltpu.sync_copy(out_v, out_h.at[pl.ds(base, PT)])

    mesh = plsc.VectorSubcoreMesh(core_axis_name="c", subcore_axis_name="s")
    return pl.kernel(
        body,
        out_type=jax.ShapeDtypeStruct((NW * PT,), jnp.float32),
        mesh=mesh,
        compiler_params=pltpu.CompilerParams(
            needs_layout_passes=False, use_tc_tiling_on_sc=False),
        scratch_types=(
            [pltpu.VMEM((PTL,), jnp.float32)] * 3
            + [pltpu.VMEM((PT,), jnp.float32)]
            + [pltpu.VMEM((128,), jnp.int32)] * 8
            + [pltpu.VMEM((128, 16), jnp.float32)] * 8
            + [pltpu.SemaphoreType.DMA] * 4
        ),
    )


def kernel(idx, knots, depths, depth):
    D, Z, Y, X, C = knots.shape
    N = idx.shape[0]
    kn = knots.reshape(D, Z, Y, X)

    idp, cd = _depth_weights(depths, depth, D)
    W = _collapse_depth(kn, idp, cd)

    a = W.reshape(Z, Y, X // 16, 16)
    b = W[:, :, 8:X - 8].reshape(Z, Y, X // 16 - 1, 16)
    pad = jnp.zeros((Z, Y, SLOTS - (2 * (X // 16) - 1), 16), jnp.float32)
    table = jnp.concatenate([a, b, pad], axis=2).reshape(Z * Y * SLOTS, 16)

    PT = ((N + NW * 64 - 1) // (NW * 64)) * 64
    npc = NW * PT + 3 * LANES
    zc = jnp.pad(idx[:, 0], (0, npc - N), constant_values=2.0)
    yc = jnp.pad(idx[:, 1], (0, npc - N), constant_values=2.0)
    xc = jnp.pad(idx[:, 2], (0, npc - N), constant_values=2.0)

    out = _make_sc_eval(Z, Y, X, PT)(table, zc, yc, xc)
    return out[:N, None]

# --- scband reference (transcript-rebuilt; emitter-appended) ---
"""Pipeline reference for scband-catmull-rom-spline4-d-80470507258269 (READ-ONLY COPY).

The authoritative reference and input builder live on the scoring server;
editing this copy changes nothing except your own understanding.
"""

import jax, jax.numpy as jnp
import numpy as np

_HERMITE = np.array([[2, -2, 1, 1], [-3, 3, -2, -1], [0, 0, 1, 0], [1, 0, 0, 0]], dtype=np.float64)


def _get_tangents(d0, d1):
    return np.array([[1, 0], [-1, 1], [0, -1]], dtype=np.float64) @ np.array([d0 / d1, d1 / d0], dtype=np.float64) * (1.0 / (d0 + d1))


def _get_spline_basis(d1, d2, d3):
    if d1 == d2 == d3 == 1:
        cm = np.array([[0, 1, 0, 0], [0, 0, 1, 0], [-0.5, 0, 0.5, 0], [0, -0.5, 0, 0.5]], dtype=np.float64)
    else:
        s1 = d2 * _get_tangents(d1, d2)[::-1]
        s2 = d2 * _get_tangents(d2, d3)[::-1]
        cm = np.array([[0, 1, 0, 0], [0, 0, 1, 0], [s1[0], s1[1], s1[2], 0], [0, s2[0], s2[1], s2[2]]], dtype=np.float64)
    return jnp.asarray(_HERMITE @ cm, dtype=jnp.float32)


def _get_tangents_traced(d0, d1):
    m = jnp.asarray(np.array([[1, 0], [-1, 1], [0, -1]], dtype=np.float64), dtype=jnp.float32)
    return m @ jnp.stack([d0 / d1, d1 / d0]) * (1.0 / (d0 + d1))


def _get_spline_basis_traced(d1, d2, d3):
    s1 = d2 * _get_tangents_traced(d1, d2)[::-1]
    s2 = d2 * _get_tangents_traced(d2, d3)[::-1]
    zero = jnp.zeros_like(s1[0])
    one = jnp.ones_like(s1[0])
    cm = jnp.stack([
        jnp.stack([zero, one, zero, zero]),
        jnp.stack([zero, zero, one, zero]),
        jnp.stack([s1[0], s1[1], s1[2], zero]),
        jnp.stack([zero, s2[0], s2[1], s2[2]]),
    ])
    return (jnp.asarray(_HERMITE, dtype=jnp.float32) @ cm).astype(jnp.float32)


def _spline_idx(coord, axis_size, basis):
    i = coord.astype(jnp.int32)
    s = jnp.clip(coord - i.astype(coord.dtype), 0.0, 1.0)
    i = i - 1
    i = jnp.clip(i[:, None] + jnp.arange(4, dtype=jnp.int32)[None, :], 0, axis_size - 1)
    c = s[:, None] ** jnp.arange(3, -1, -1, dtype=jnp.float32)[None, :]
    return i, c @ basis


def setup_inputs(seed: int = 0) -> dict:
    key = jax.random.key(seed)
    k1, k2 = jax.random.split(key)
    N = 250000
    D, Z, Y, X, C = 16, 96, 96, 96, 1
    # fill=rand scaled into valid coordinate range [1, 94) per fill_max
    idx = jax.random.uniform(k1, (N, 3), dtype=jnp.float32, minval=1.0, maxval=94.0)
    knots = jax.random.normal(k2, (D, Z, Y, X, C), dtype=jnp.float32)
    depths = np.arange(D, dtype=np.float64)
    depth = 7
    return {"idx": idx, "knots": knots, "depths": depths, "depth": depth}


def reference(idx, knots, depths, depth):
    depths = jnp.asarray(depths)
    time_diffs = jnp.diff(depths, prepend=0)
    ind = jnp.searchsorted(depths, depth, side='right').astype(jnp.int32)
    depth_ind = ind - 1
    depth_r = (depth - depths[ind - 1]) / (depths[ind] - depths[ind - 1])
    depth_coord = jnp.broadcast_to((depth_ind + depth_r).astype(jnp.float32), (idx.shape[0],))
    deltas = jax.lax.dynamic_slice(time_diffs, (depth_ind,), (3,))
    basis_d = _get_spline_basis_traced(deltas[0], deltas[1], deltas[2])
    basis_u = _get_spline_basis(1, 1, 1)
    idp, cd = _spline_idx(depth_coord, knots.shape[0], basis_d)
    iz, cz = _spline_idx(idx[:, 0], knots.shape[1], basis_u)
    iy, cy = _spline_idx(idx[:, 1], knots.shape[2], basis_u)
    ix, cx = _spline_idx(idx[:, 2], knots.shape[3], basis_u)
    sel = knots[idp[:, :, None, None, None], iz[:, None, :, None, None], iy[:, None, None, :, None], ix[:, None, None, None, :]]
    out = (sel * cd[:, :, None, None, None, None] * cz[:, None, :, None, None, None] * cy[:, None, None, :, None, None] * cx[:, None, None, None, :, None]).sum(axis=(1, 2, 3, 4))
    return out

if __name__ == "__main__":
    import jax
    _d = setup_inputs()
    print(jax.jit(kernel)(*tuple(_d.values())))

</pallas_src>

<mosaic_0001>
#map = affine_map<(d0, d1) -> (0, 0)>
#map1 = affine_map<(d0, d1) -> (0)>
module attributes {stable_mosaic.version = 14 : i64} {
  func.func @body(%arg0: i32, %arg1: i32, %arg2: memref<110592x16xf32, #tpu.memory_space<hbm>>, %arg3: memref<251952xf32, #tpu.memory_space<hbm>>, %arg4: memref<251952xf32, #tpu.memory_space<hbm>>, %arg5: memref<251952xf32, #tpu.memory_space<hbm>>, %arg6: memref<251904xf32, #tpu.memory_space<hbm>>, %arg7: memref<7920xf32, #tpu.memory_space<vmem>>, %arg8: memref<7920xf32, #tpu.memory_space<vmem>>, %arg9: memref<7920xf32, #tpu.memory_space<vmem>>, %arg10: memref<7872xf32, #tpu.memory_space<vmem>>, %arg11: memref<128xi32, #tpu.memory_space<vmem>>, %arg12: memref<128xi32, #tpu.memory_space<vmem>>, %arg13: memref<128xi32, #tpu.memory_space<vmem>>, %arg14: memref<128xi32, #tpu.memory_space<vmem>>, %arg15: memref<128xi32, #tpu.memory_space<vmem>>, %arg16: memref<128xi32, #tpu.memory_space<vmem>>, %arg17: memref<128xi32, #tpu.memory_space<vmem>>, %arg18: memref<128xi32, #tpu.memory_space<vmem>>, %arg19: memref<128x16xf32, #tpu.memory_space<vmem>>, %arg20: memref<128x16xf32, #tpu.memory_space<vmem>>, %arg21: memref<128x16xf32, #tpu.memory_space<vmem>>, %arg22: memref<128x16xf32, #tpu.memory_space<vmem>>, %arg23: memref<128x16xf32, #tpu.memory_space<vmem>>, %arg24: memref<128x16xf32, #tpu.memory_space<vmem>>, %arg25: memref<128x16xf32, #tpu.memory_space<vmem>>, %arg26: memref<128x16xf32, #tpu.memory_space<vmem>>, %arg27: memref<!tpu.dma_semaphore, #tpu.memory_space<semaphore_mem>>, %arg28: memref<!tpu.dma_semaphore, #tpu.memory_space<semaphore_mem>>, %arg29: memref<!tpu.dma_semaphore, #tpu.memory_space<semaphore_mem>>, %arg30: memref<!tpu.dma_semaphore, #tpu.memory_space<semaphore_mem>>) attributes {dimension_semantics = [#tpu.dimension_semantics<core_parallel>, #tpu.dimension_semantics<subcore_parallel>], iteration_bounds = array<i64: 2, 16>, scalar_prefetch = 0 : i64, scratch_operands = 24 : i64, tpu.core_type = #tpu.core_type<sc_vector_subcore>, window_params = [{transform_indices = #map}, {transform_indices = #map1}, {transform_indices = #map1}, {transform_indices = #map1}, {transform_indices = #map1}]} {
    %mul3A = arith.constant 2 : i32
    %mul3A_0 = arith.muli %arg1, %mul3A : i32
    %add3A = arith.addi %mul3A_0, %arg0 : i32
    %mul3A_1 = arith.constant 7872 : i32
    %mul3A_2 = arith.muli %add3A, %mul3A_1 : i32
    "tpu.region"() ({
      %run_scoped3A = tpu.sem_alloc : memref<!tpu.dma_semaphore, #tpu.memory_space<semaphore_mem>>
      %dma_start3A_498 = tpu.memref_slice %arg3[%mul3A_2] : memref<251952xf32, #tpu.memory_space<hbm>> -> memref<7920xf32, #tpu.memory_space<hbm>>
      %dma_start3A_499 = tpu.memref_slice %arg3[%mul3A_2] : memref<251952xf32, #tpu.memory_space<hbm>> -> memref<7920xf32, #tpu.memory_space<hbm>>
      tpu.enqueue_dma source(%dma_start3A_499 : memref<7920xf32, #tpu.memory_space<hbm>>) target(%arg7 : memref<7920xf32, #tpu.memory_space<vmem>>) target_semaphore(%run_scoped3A : memref<!tpu.dma_semaphore, #tpu.memory_space<semaphore_mem>>)
      %dma_wait3A_500 = tpu.memref_slice %arg3[%mul3A_2] : memref<251952xf32, #tpu.memory_space<hbm>> -> memref<7920xf32, #tpu.memory_space<hbm>>
      %dma_wait3A_501 = tpu.memref_slice %arg3[%mul3A_2] : memref<251952xf32, #tpu.memory_space<hbm>> -> memref<7920xf32, #tpu.memory_space<hbm>>
      tpu.wait_dma2 semaphore(%run_scoped3A : memref<!tpu.dma_semaphore, #tpu.memory_space<semaphore_mem>>) src(%dma_wait3A_501 : memref<7920xf32, #tpu.memory_space<hbm>>) dst(%arg7 : memref<7920xf32, #tpu.memory_space<vmem>>)
      tpu.yield
    }) : () -> ()
    "tpu.region"() ({
      %run_scoped3A = tpu.sem_alloc : memref<!tpu.dma_semaphore, #tpu.memory_space<semaphore_mem>>
      %dma_start3A_498 = tpu.memref_slice %arg4[%mul3A_2] : memref<251952xf32, #tpu.memory_space<hbm>> -> memref<7920xf32, #tpu.memory_space<hbm>>
      %dma_start3A_499 = tpu.memref_slice %arg4[%mul3A_2] : memref<251952xf32, #tpu.memory_space<hbm>> -> memref<7920xf32, #tpu.memory_space<hbm>>
      tpu.enqueue_dma source(%dma_start3A_499 : memref<7920xf32, #tpu.memory_space<hbm>>) target(%arg8 : memref<7920xf32, #tpu.memory_space<vmem>>) target_semaphore(%run_scoped3A : memref<!tpu.dma_semaphore, #tpu.memory_space<semaphore_mem>>)
      %dma_wait3A_500 = tpu.memref_slice %arg4[%mul3A_2] : memref<251952xf32, #tpu.memory_space<hbm>> -> memref<7920xf32, #tpu.memory_space<hbm>>
      %dma_wait3A_501 = tpu.memref_slice %arg4[%mul3A_2] : memref<251952xf32, #tpu.memory_space<hbm>> -> memref<7920xf32, #tpu.memory_space<hbm>>
      tpu.wait_dma2 semaphore(%run_scoped3A : memref<!tpu.dma_semaphore, #tpu.memory_space<semaphore_mem>>) src(%dma_wait3A_501 : memref<7920xf32, #tpu.memory_space<hbm>>) dst(%arg8 : memref<7920xf32, #tpu.memory_space<vmem>>)
      tpu.yield
    }) : () -> ()
    "tpu.region"() ({
      %run_scoped3A = tpu.sem_alloc : memref<!tpu.dma_semaphore, #tpu.memory_space<semaphore_mem>>
      %dma_start3A_498 = tpu.memref_slice %arg5[%mul3A_2] : memref<251952xf32, #tpu.memory_space<hbm>> -> memref<7920xf32, #tpu.memory_space<hbm>>
      %dma_start3A_499 = tpu.memref_slice %arg5[%mul3A_2] : memref<251952xf32, #tpu.memory_space<hbm>> -> memref<7920xf32, #tpu.memory_space<hbm>>
      tpu.enqueue_dma source(%dma_start3A_499 : memref<7920xf32, #tpu.memory_space<hbm>>) target(%arg9 : memref<7920xf32, #tpu.memory_space<vmem>>) target_semaphore(%run_scoped3A : memref<!tpu.dma_semaphore, #tpu.memory_space<semaphore_mem>>)
      %dma_wait3A_500 = tpu.memref_slice %arg5[%mul3A_2] : memref<251952xf32, #tpu.memory_space<hbm>> -> memref<7920xf32, #tpu.memory_space<hbm>>
      %dma_wait3A_501 = tpu.memref_slice %arg5[%mul3A_2] : memref<251952xf32, #tpu.memory_space<hbm>> -> memref<7920xf32, #tpu.memory_space<hbm>>
      tpu.wait_dma2 semaphore(%run_scoped3A : memref<!tpu.dma_semaphore, #tpu.memory_space<semaphore_mem>>) src(%dma_wait3A_501 : memref<7920xf32, #tpu.memory_space<hbm>>) dst(%arg9 : memref<7920xf32, #tpu.memory_space<vmem>>)
      tpu.yield
    }) : () -> ()
    %iota3A = tpu.iota {dimensions = array<i32: 0>} : vector<16xi32>
    %add3A_3 = arith.constant 0 : i32
    %add3A_4 = vector.broadcast %add3A_3 : i32 to vector<16xi32>
    %add3A_5 = arith.addi %iota3A, %add3A_4 : vector<16xi32>
    %add3A_6 = arith.constant 16 : i32
    %add3A_7 = vector.broadcast %add3A_6 : i32 to vector<16xi32>
    %add3A_8 = arith.addi %iota3A, %add3A_7 : vector<16xi32>
    %add3A_9 = arith.constant 32 : i32
    %add3A_10 = vector.broadcast %add3A_9 : i32 to vector<16xi32>
    %add3A_11 = arith.addi %iota3A, %add3A_10 : vector<16xi32>
    %add3A_12 = arith.constant 48 : i32
    %add3A_13 = vector.broadcast %add3A_12 : i32 to vector<16xi32>
    %add3A_14 = arith.addi %iota3A, %add3A_13 : vector<16xi32>
    %add3A_15 = arith.constant 64 : i32
    %add3A_16 = vector.broadcast %add3A_15 : i32 to vector<16xi32>
    %add3A_17 = arith.addi %iota3A, %add3A_16 : vector<16xi32>
    %add3A_18 = arith.constant 80 : i32
    %add3A_19 = vector.broadcast %add3A_18 : i32 to vector<16xi32>
    %add3A_20 = arith.addi %iota3A, %add3A_19 : vector<16xi32>
    %add3A_21 = arith.constant 96 : i32
    %add3A_22 = vector.broadcast %add3A_21 : i32 to vector<16xi32>
    %add3A_23 = arith.addi %iota3A, %add3A_22 : vector<16xi32>
    %add3A_24 = arith.constant 112 : i32
    %add3A_25 = vector.broadcast %add3A_24 : i32 to vector<16xi32>
    %add3A_26 = arith.addi %iota3A, %add3A_25 : vector<16xi32>
    %get3A = arith.constant 0 : index
    %get3A_27 = tpu.vector_load %arg7[%get3A] {strides = array<i32>} : memref<7920xf32, #tpu.memory_space<vmem>>, vector<16xf32>,
    %get3A_28 = arith.constant 0 : index
    %get3A_29 = tpu.vector_load %arg8[%get3A_28] {strides = array<i32>} : memref<7920xf32, #tpu.memory_space<vmem>>, vector<16xf32>,
    %get3A_30 = arith.constant 0 : index
    %get3A_31 = tpu.vector_load %arg9[%get3A_30] {strides = array<i32>} : memref<7920xf32, #tpu.memory_space<vmem>>, vector<16xf32>,
    %convert_element_type3A = arith.fptosi %get3A_27 : vector<16xf32> to vector<16xi32>
    %sub3A = arith.constant 1 : i32
    %sub3A_32 = vector.broadcast %sub3A : i32 to vector<16xi32>
    %sub3A_33 = arith.subi %convert_element_type3A, %sub3A_32 : vector<16xi32>
    %jit3A = arith.constant 0 : i32
    %jit3A_34 = arith.constant 92 : i32
    %max3A = vector.broadcast %jit3A : i32 to vector<16xi32>
    %max3A_35 = arith.maxsi %max3A, %sub3A_33 : vector<16xi32>
    %min3A = vector.broadcast %jit3A_34 : i32 to vector<16xi32>
    %min3A_36 = arith.minsi %min3A, %max3A_35 : vector<16xi32>
    %convert_element_type3A_37 = arith.fptosi %get3A_29 : vector<16xf32> to vector<16xi32>
    %sub3A_38 = arith.constant 1 : i32
    %sub3A_39 = vector.broadcast %sub3A_38 : i32 to vector<16xi32>
    %sub3A_40 = arith.subi %convert_element_type3A_37, %sub3A_39 : vector<16xi32>
    %jit3A_41 = arith.constant 0 : i32
    %jit3A_42 = arith.constant 92 : i32
    %max3A_43 = vector.broadcast %jit3A_41 : i32 to vector<16xi32>
    %max3A_44 = arith.maxsi %max3A_43, %sub3A_40 : vector<16xi32>
    %min3A_45 = vector.broadcast %jit3A_42 : i32 to vector<16xi32>
    %min3A_46 = arith.minsi %min3A_45, %max3A_44 : vector<16xi32>
    %convert_element_type3A_47 = arith.fptosi %get3A_31 : vector<16xf32> to vector<16xi32>
    %sub3A_48 = arith.constant 1 : i32
    %sub3A_49 = vector.broadcast %sub3A_48 : i32 to vector<16xi32>
    %sub3A_50 = arith.subi %convert_element_type3A_47, %sub3A_49 : vector<16xi32>
    %jit3A_51 = arith.constant 0 : i32
    %jit3A_52 = arith.constant 92 : i32
    %max3A_53 = vector.broadcast %jit3A_51 : i32 to vector<16xi32>
    %max3A_54 = arith.maxsi %max3A_53, %sub3A_50 : vector<16xi32>
    %min3A_55 = vector.broadcast %jit3A_52 : i32 to vector<16xi32>
    %min3A_56 = arith.minsi %min3A_55, %max3A_54 : vector<16xi32>
    %and3A = arith.constant 15 : i32
    %and3A_57 = vector.broadcast %and3A : i32 to vector<16xi32>
    %and3A_58 = arith.andi %min3A_56, %and3A_57 : vector<16xi32>
    %gt3A = arith.constant 12 : i32
    %gt3A_59 = vector.broadcast %gt3A : i32 to vector<16xi32>
    %gt3A_60 = arith.cmpi sgt, %and3A_58, %gt3A_59 : vector<16xi32>
    %jit3A_61 = arith.constant 8 : i32
    %jit3A_62 = arith.constant 0 : i32
    %broadcast_in_dim3A = vector.broadcast %jit3A_61 : i32 to vector<16xi32>
    %broadcast_in_dim3A_63 = vector.broadcast %jit3A_62 : i32 to vector<16xi32>
    %select_n3A = arith.select %gt3A_60, %broadcast_in_dim3A, %broadcast_in_dim3A_63 : vector<16xi1>, vector<16xi32>
    %sub3A_64 = arith.subi %min3A_56, %select_n3A : vector<16xi32>
    %jit3A_65 = arith.constant 6 : i32
    %jit3A_66 = arith.constant 0 : i32
    %broadcast_in_dim3A_67 = vector.broadcast %jit3A_65 : i32 to vector<16xi32>
    %broadcast_in_dim3A_68 = vector.broadcast %jit3A_66 : i32 to vector<16xi32>
    %select_n3A_69 = arith.select %gt3A_60, %broadcast_in_dim3A_67, %broadcast_in_dim3A_68 : vector<16xi1>, vector<16xi32>
    %shift_right_arithmetic3A = arith.constant 4 : i32
    %shift_right_arithmetic3A_70 = vector.broadcast %shift_right_arithmetic3A : i32 to vector<16xi32>
    %shift_right_arithmetic3A_71 = arith.shrsi %sub3A_64, %shift_right_arithmetic3A_70 : vector<16xi32>
    %add3A_72 = arith.addi %select_n3A_69, %shift_right_arithmetic3A_71 : vector<16xi32>
    %and3A_73 = arith.constant 15 : i32
    %and3A_74 = vector.broadcast %and3A_73 : i32 to vector<16xi32>
    %and3A_75 = arith.andi %sub3A_64, %and3A_74 : vector<16xi32>
    %mul3A_76 = arith.constant 96 : i32
    %mul3A_77 = vector.broadcast %mul3A_76 : i32 to vector<16xi32>
    %mul3A_78 = arith.muli %min3A_36, %mul3A_77 : vector<16xi32>
    %add3A_79 = arith.addi %mul3A_78, %min3A_46 : vector<16xi32>
    %mul3A_80 = arith.constant 12 : i32
    %mul3A_81 = vector.broadcast %mul3A_80 : i32 to vector<16xi32>
    %mul3A_82 = arith.muli %add3A_79, %mul3A_81 : vector<16xi32>
    %add3A_83 = arith.addi %mul3A_82, %add3A_72 : vector<16xi32>
    %add3A_84 = arith.constant 0 : i32
    %add3A_85 = vector.broadcast %add3A_84 : i32 to vector<16xi32>
    %add3A_86 = arith.addi %add3A_83, %add3A_85 : vector<16xi32>
    %swap3A = arith.constant 0 : index
    %swap3A_87 = tpu.vector_load %arg11[%swap3A] {strides = array<i32>} : memref<128xi32, #tpu.memory_space<vmem>>, vector<16xi32>,
    tpu.vector_store %arg11[%swap3A], %add3A_86 {strides = array<i32>} : memref<128xi32, #tpu.memory_space<vmem>>, vector<16xi32>,
    %add3A_88 = arith.constant 12 : i32
    %add3A_89 = vector.broadcast %add3A_88 : i32 to vector<16xi32>
    %add3A_90 = arith.addi %add3A_83, %add3A_89 : vector<16xi32>
    %swap3A_91 = arith.constant 16 : index
    %swap3A_92 = tpu.vector_load %arg11[%swap3A_91] {strides = array<i32>} : memref<128xi32, #tpu.memory_space<vmem>>, vector<16xi32>,
    tpu.vector_store %arg11[%swap3A_91], %add3A_90 {strides = array<i32>} : memref<128xi32, #tpu.memory_space<vmem>>, vector<16xi32>,
    %add3A_93 = arith.constant 24 : i32
    %add3A_94 = vector.broadcast %add3A_93 : i32 to vector<16xi32>
    %add3A_95 = arith.addi %add3A_83, %add3A_94 : vector<16xi32>
    %swap3A_96 = arith.constant 32 : index
    %swap3A_97 = tpu.vector_load %arg11[%swap3A_96] {strides = array<i32>} : memref<128xi32, #tpu.memory_space<vmem>>, vector<16xi32>,
    tpu.vector_store %arg11[%swap3A_96], %add3A_95 {strides = array<i32>} : memref<128xi32, #tpu.memory_space<vmem>>, vector<16xi32>,
    %add3A_98 = arith.constant 36 : i32
    %add3A_99 = vector.broadcast %add3A_98 : i32 to vector<16xi32>
    %add3A_100 = arith.addi %add3A_83, %add3A_99 : vector<16xi32>
    %swap3A_101 = arith.constant 48 : index
    %swap3A_102 = tpu.vector_load %arg11[%swap3A_101] {strides = array<i32>} : memref<128xi32, #tpu.memory_space<vmem>>, vector<16xi32>,
    tpu.vector_store %arg11[%swap3A_101], %add3A_100 {strides = array<i32>} : memref<128xi32, #tpu.memory_space<vmem>>, vector<16xi32>,
    %add3A_103 = arith.constant 1152 : i32
    %add3A_104 = vector.broadcast %add3A_103 : i32 to vector<16xi32>
    %add3A_105 = arith.addi %add3A_83, %add3A_104 : vector<16xi32>
    %swap3A_106 = arith.constant 64 : index
    %swap3A_107 = tpu.vector_load %arg11[%swap3A_106] {strides = array<i32>} : memref<128xi32, #tpu.memory_space<vmem>>, vector<16xi32>,
    tpu.vector_store %arg11[%swap3A_106], %add3A_105 {strides = array<i32>} : memref<128xi32, #tpu.memory_space<vmem>>, vector<16xi32>,
    %add3A_108 = arith.constant 1164 : i32
    %add3A_109 = vector.broadcast %add3A_108 : i32 to vector<16xi32>
    %add3A_110 = arith.addi %add3A_83, %add3A_109 : vector<16xi32>
    %swap3A_111 = arith.constant 80 : index
    %swap3A_112 = tpu.vector_load %arg11[%swap3A_111] {strides = array<i32>} : memref<128xi32, #tpu.memory_space<vmem>>, vector<16xi32>,
    tpu.vector_store %arg11[%swap3A_111], %add3A_110 {strides = array<i32>} : memref<128xi32, #tpu.memory_space<vmem>>, vector<16xi32>,
    %add3A_113 = arith.constant 1176 : i32
    %add3A_114 = vector.broadcast %add3A_113 : i32 to vector<16xi32>
    %add3A_115 = arith.addi %add3A_83, %add3A_114 : vector<16xi32>
    %swap3A_116 = arith.constant 96 : index
    %swap3A_117 = tpu.vector_load %arg11[%swap3A_116] {strides = array<i32>} : memref<128xi32, #tpu.memory_space<vmem>>, vector<16xi32>,
    tpu.vector_store %arg11[%swap3A_116], %add3A_115 {strides = array<i32>} : memref<128xi32, #tpu.memory_space<vmem>>, vector<16xi32>,
    %add3A_118 = arith.constant 1188 : i32
    %add3A_119 = vector.broadcast %add3A_118 : i32 to vector<16xi32>
    %add3A_120 = arith.addi %add3A_83, %add3A_119 : vector<16xi32>
    %swap3A_121 = arith.constant 112 : index
    %swap3A_122 = tpu.vector_load %arg11[%swap3A_121] {strides = array<i32>} : memref<128xi32, #tpu.memory_space<vmem>>, vector<16xi32>,
    tpu.vector_store %arg11[%swap3A_121], %add3A_120 {strides = array<i32>} : memref<128xi32, #tpu.memory_space<vmem>>, vector<16xi32>,
    %add3A_123 = arith.constant 2304 : i32
    %add3A_124 = vector.broadcast %add3A_123 : i32 to vector<16xi32>
    %add3A_125 = arith.addi %add3A_83, %add3A_124 : vector<16xi32>
    %swap3A_126 = arith.constant 0 : index
    %swap3A_127 = tpu.vector_load %arg12[%swap3A_126] {strides = array<i32>} : memref<128xi32, #tpu.memory_space<vmem>>, vector<16xi32>,
    tpu.vector_store %arg12[%swap3A_126], %add3A_125 {strides = array<i32>} : memref<128xi32, #tpu.memory_space<vmem>>, vector<16xi32>,
    %add3A_128 = arith.constant 2316 : i32
    %add3A_129 = vector.broadcast %add3A_128 : i32 to vector<16xi32>
    %add3A_130 = arith.addi %add3A_83, %add3A_129 : vector<16xi32>
    %swap3A_131 = arith.constant 16 : index
    %swap3A_132 = tpu.vector_load %arg12[%swap3A_131] {strides = array<i32>} : memref<128xi32, #tpu.memory_space<vmem>>, vector<16xi32>,
    tpu.vector_store %arg12[%swap3A_131], %add3A_130 {strides = array<i32>} : memref<128xi32, #tpu.memory_space<vmem>>, vector<16xi32>,
    %add3A_133 = arith.constant 2328 : i32
    %add3A_134 = vector.broadcast %add3A_133 : i32 to vector<16xi32>
    %add3A_135 = arith.addi %add3A_83, %add3A_134 : vector<16xi32>
    %swap3A_136 = arith.constant 32 : index
    %swap3A_137 = tpu.vector_load %arg12[%swap3A_136] {strides = array<i32>} : memref<128xi32, #tpu.memory_space<vmem>>, vector<16xi32>,
    tpu.vector_store %arg12[%swap3A_136], %add3A_135 {strides = array<i32>} : memref<128xi32, #tpu.memory_space<vmem>>, vector<16xi32>,
    %add3A_138 = arith.constant 2340 : i32
    %add3A_139 = vector.broadcast %add3A_138 : i32 to vector<16xi32>
    %add3A_140 = arith.addi %add3A_83, %add3A_139 : vector<16xi32>
    %swap3A_141 = arith.constant 48 : index
    %swap3A_142 = tpu.vector_load %arg12[%swap3A_141] {strides = array<i32>} : memref<128xi32, #tpu.memory_space<vmem>>, vector<16xi32>,
    tpu.vector_store %arg12[%swap3A_141], %add3A_140 {strides = array<i32>} : memref<128xi32, #tpu.memory_space<vmem>>, vector<16xi32>,
    %add3A_143 = arith.constant 3456 : i32
    %add3A_144 = vector.broadcast %add3A_143 : i32 to vector<16xi32>
    %add3A_145 = arith.addi %add3A_83, %add3A_144 : vector<16xi32>
    %swap3A_146 = arith.constant 64 : index
    %swap3A_147 = tpu.vector_load %arg12[%swap3A_146] {strides = array<i32>} : memref<128xi32, #tpu.memory_space<vmem>>, vector<16xi32>,
    tpu.vector_store %arg12[%swap3A_146], %add3A_145 {strides = array<i32>} : memref<128xi32, #tpu.memory_space<vmem>>, vector<16xi32>,
    %add3A_148 = arith.constant 3468 : i32
    %add3A_149 = vector.broadcast %add3A_148 : i32 to vector<16xi32>
    %add3A_150 = arith.addi %add3A_83, %add3A_149 : vector<16xi32>
    %swap3A_151 = arith.constant 80 : index
    %swap3A_152 = tpu.vector_load %arg12[%swap3A_151] {strides = array<i32>} : memref<128xi32, #tpu.memory_space<vmem>>, vector<16xi32>,
    tpu.vector_store %arg12[%swap3A_151], %add3A_150 {strides = array<i32>} : memref<128xi32, #tpu.memory_space<vmem>>, vector<16xi32>,
    %add3A_153 = arith.constant 3480 : i32
    %add3A_154 = vector.broadcast %add3A_153 : i32 to vector<16xi32>
    %add3A_155 = arith.addi %add3A_83, %add3A_154 : vector<16xi32>
    %swap3A_156 = arith.constant 96 : index
    %swap3A_157 = tpu.vector_load %arg12[%swap3A_156] {strides = array<i32>} : memref<128xi32, #tpu.memory_space<vmem>>, vector<16xi32>,
    tpu.vector_store %arg12[%swap3A_156], %add3A_155 {strides = array<i32>} : memref<128xi32, #tpu.memory_space<vmem>>, vector<16xi32>,
    %add3A_158 = arith.constant 3492 : i32
    %add3A_159 = vector.broadcast %add3A_158 : i32 to vector<16xi32>
    %add3A_160 = arith.addi %add3A_83, %add3A_159 : vector<16xi32>
    %swap3A_161 = arith.constant 112 : index
    %swap3A_162 = tpu.vector_load %arg12[%swap3A_161] {strides = array<i32>} : memref<128xi32, #tpu.memory_space<vmem>>, vector<16xi32>,
    tpu.vector_store %arg12[%swap3A_161], %add3A_160 {strides = array<i32>} : memref<128xi32, #tpu.memory_space<vmem>>, vector<16xi32>,
    %dma_start3A = arith.constant 0 : i32
    %dma_start3A_163 = arith.constant 0 : i32
    %dma_start3A_164 = tpu.memref_slice %arg2[%dma_start3A, %dma_start3A_163] : memref<110592x16xf32, #tpu.memory_space<hbm>> -> memref<110592x16xf32, #tpu.memory_space<hbm>>
    tpu.enqueue_indirect_dma source(%dma_start3A_164 : memref<110592x16xf32, #tpu.memory_space<hbm>>) target(%arg19 : memref<128x16xf32, #tpu.memory_space<vmem>>) offsets(%arg11 : memref<128xi32, #tpu.memory_space<vmem>>) semaphore(%arg27 : memref<!tpu.dma_semaphore, #tpu.memory_space<semaphore_mem>>)
    %dma_start3A_165 = arith.constant 0 : i32
    %dma_start3A_166 = arith.constant 0 : i32
    %dma_start3A_167 = tpu.memref_slice %arg2[%dma_start3A_165, %dma_start3A_166] : memref<110592x16xf32, #tpu.memory_space<hbm>> -> memref<110592x16xf32, #tpu.memory_space<hbm>>
    tpu.enqueue_indirect_dma source(%dma_start3A_167 : memref<110592x16xf32, #tpu.memory_space<hbm>>) target(%arg20 : memref<128x16xf32, #tpu.memory_space<vmem>>) offsets(%arg12 : memref<128xi32, #tpu.memory_space<vmem>>) semaphore(%arg27 : memref<!tpu.dma_semaphore, #tpu.memory_space<semaphore_mem>>)
    %get3A_168 = arith.constant 16 : index
    %get3A_169 = tpu.vector_load %arg7[%get3A_168] {strides = array<i32>} : memref<7920xf32, #tpu.memory_space<vmem>>, vector<16xf32>,
    %get3A_170 = arith.constant 16 : index
    %get3A_171 = tpu.vector_load %arg8[%get3A_170] {strides = array<i32>} : memref<7920xf32, #tpu.memory_space<vmem>>, vector<16xf32>,
    %get3A_172 = arith.constant 16 : index
    %get3A_173 = tpu.vector_load %arg9[%get3A_172] {strides = array<i32>} : memref<7920xf32, #tpu.memory_space<vmem>>, vector<16xf32>,
    %convert_element_type3A_174 = arith.fptosi %get3A_169 : vector<16xf32> to vector<16xi32>
    %sub3A_175 = arith.constant 1 : i32
    %sub3A_176 = vector.broadcast %sub3A_175 : i32 to vector<16xi32>
    %sub3A_177 = arith.subi %convert_element_type3A_174, %sub3A_176 : vector<16xi32>
    %jit3A_178 = arith.constant 0 : i32
    %jit3A_179 = arith.constant 92 : i32
    %max3A_180 = vector.broadcast %jit3A_178 : i32 to vector<16xi32>
    %max3A_181 = arith.maxsi %max3A_180, %sub3A_177 : vector<16xi32>
    %min3A_182 = vector.broadcast %jit3A_179 : i32 to vector<16xi32>
    %min3A_183 = arith.minsi %min3A_182, %max3A_181 : vector<16xi32>
    %convert_element_type3A_184 = arith.fptosi %get3A_171 : vector<16xf32> to vector<16xi32>
    %sub3A_185 = arith.constant 1 : i32
    %sub3A_186 = vector.broadcast %sub3A_185 : i32 to vector<16xi32>
    %sub3A_187 = arith.subi %convert_element_type3A_184, %sub3A_186 : vector<16xi32>
    %jit3A_188 = arith.constant 0 : i32
    %jit3A_189 = arith.constant 92 : i32
    %max3A_190 = vector.broadcast %jit3A_188 : i32 to vector<16xi32>
    %max3A_191 = arith.maxsi %max3A_190, %sub3A_187 : vector<16xi32>
    %min3A_192 = vector.broadcast %jit3A_189 : i32 to vector<16xi32>
    %min3A_193 = arith.minsi %min3A_192, %max3A_191 : vector<16xi32>
    %convert_element_type3A_194 = arith.fptosi %get3A_173 : vector<16xf32> to vector<16xi32>
    %sub3A_195 = arith.constant 1 : i32
    %sub3A_196 = vector.broadcast %sub3A_195 : i32 to vector<16xi32>
    %sub3A_197 = arith.subi %convert_element_type3A_194, %sub3A_196 : vector<16xi32>
    %jit3A_198 = arith.constant 0 : i32
    %jit3A_199 = arith.constant 92 : i32
    %max3A_200 = vector.broadcast %jit3A_198 : i32 to vector<16xi32>
    %max3A_201 = arith.maxsi %max3A_200, %sub3A_197 : vector<16xi32>
    %min3A_202 = vector.broadcast %jit3A_199 : i32 to vector<16xi32>
    %min3A_203 = arith.minsi %min3A_202, %max3A_201 : vector<16xi32>
    %and3A_204 = arith.constant 15 : i32
    %and3A_205 = vector.broadcast %and3A_204 : i32 to vector<16xi32>
    %and3A_206 = arith.andi %min3A_203, %and3A_205 : vector<16xi32>
    %gt3A_207 = arith.constant 12 : i32
    %gt3A_208 = vector.broadcast %gt3A_207 : i32 to vector<16xi32>
    %gt3A_209 = arith.cmpi sgt, %and3A_206, %gt3A_208 : vector<16xi32>
    %jit3A_210 = arith.constant 8 : i32
    %jit3A_211 = arith.constant 0 : i32
    %broadcast_in_dim3A_212 = vector.broadcast %jit3A_210 : i32 to vector<16xi32>
    %broadcast_in_dim3A_213 = vector.broadcast %jit3A_211 : i32 to vector<16xi32>
    %select_n3A_214 = arith.select %gt3A_209, %broadcast_in_dim3A_212, %broadcast_in_dim3A_213 : vector<16xi1>, vector<16xi32>
    %sub3A_215 = arith.subi %min3A_203, %select_n3A_214 : vector<16xi32>
    %jit3A_216 = arith.constant 6 : i32
    %jit3A_217 = arith.constant 0 : i32
    %broadcast_in_dim3A_218 = vector.broadcast %jit3A_216 : i32 to vector<16xi32>
    %broadcast_in_dim3A_219 = vector.broadcast %jit3A_217 : i32 to vector<16xi32>
    %select_n3A_220 = arith.select %gt3A_209, %broadcast_in_dim3A_218, %broadcast_in_dim3A_219 : vector<16xi1>, vector<16xi32>
    %shift_right_arithmetic3A_221 = arith.constant 4 : i32
    %shift_right_arithmetic3A_222 = vector.broadcast %shift_right_arithmetic3A_221 : i32 to vector<16xi32>
    %shift_right_arithmetic3A_223 = arith.shrsi %sub3A_215, %shift_right_arithmetic3A_222 : vector<16xi32>
    %add3A_224 = arith.addi %select_n3A_220, %shift_right_arithmetic3A_223 : vector<16xi32>
    %and3A_225 = arith.constant 15 : i32
    %and3A_226 = vector.broadcast %and3A_225 : i32 to vector<16xi32>
    %and3A_227 = arith.andi %sub3A_215, %and3A_226 : vector<16xi32>
    %mul3A_228 = arith.constant 96 : i32
    %mul3A_229 = vector.broadcast %mul3A_228 : i32 to vector<16xi32>
    %mul3A_230 = arith.muli %min3A_183, %mul3A_229 : vector<16xi32>
    %add3A_231 = arith.addi %mul3A_230, %min3A_193 : vector<16xi32>
    %mul3A_232 = arith.constant 12 : i32
    %mul3A_233 = vector.broadcast %mul3A_232 : i32 to vector<16xi32>
    %mul3A_234 = arith.muli %add3A_231, %mul3A_233 : vector<16xi32>
    %add3A_235 = arith.addi %mul3A_234, %add3A_224 : vector<16xi32>
    %add3A_236 = arith.constant 0 : i32
    %add3A_237 = vector.broadcast %add3A_236 : i32 to vector<16xi32>
    %add3A_238 = arith.addi %add3A_235, %add3A_237 : vector<16xi32>
    %swap3A_239 = arith.constant 0 : index
    %swap3A_240 = tpu.vector_load %arg13[%swap3A_239] {strides = array<i32>} : memref<128xi32, #tpu.memory_space<vmem>>, vector<16xi32>,
    tpu.vector_store %arg13[%swap3A_239], %add3A_238 {strides = array<i32>} : memref<128xi32, #tpu.memory_space<vmem>>, vector<16xi32>,
    %add3A_241 = arith.constant 12 : i32
    %add3A_242 = vector.broadcast %add3A_241 : i32 to vector<16xi32>
    %add3A_243 = arith.addi %add3A_235, %add3A_242 : vector<16xi32>
    %swap3A_244 = arith.constant 16 : index
    %swap3A_245 = tpu.vector_load %arg13[%swap3A_244] {strides = array<i32>} : memref<128xi32, #tpu.memory_space<vmem>>, vector<16xi32>,
    tpu.vector_store %arg13[%swap3A_244], %add3A_243 {strides = array<i32>} : memref<128xi32, #tpu.memory_space<vmem>>, vector<16xi32>,
    %add3A_246 = arith.constant 24 : i32
    %add3A_247 = vector.broadcast %add3A_246 : i32 to vector<16xi32>
    %add3A_248 = arith.addi %add3A_235, %add3A_247 : vector<16xi32>
    %swap3A_249 = arith.constant 32 : index
    %swap3A_250 = tpu.vector_load %arg13[%swap3A_249] {strides = array<i32>} : memref<128xi32, #tpu.memory_space<vmem>>, vector<16xi32>,
    tpu.vector_store %arg13[%swap3A_249], %add3A_248 {strides = array<i32>} : memref<128xi32, #tpu.memory_space<vmem>>, vector<16xi32>,
    %add3A_251 = arith.constant 36 : i32
    %add3A_252 = vector.broadcast %add3A_251 : i32 to vector<16xi32>
    %add3A_253 = arith.addi %add3A_235, %add3A_252 : vector<16xi32>
    %swap3A_254 = arith.constant 48 : index
    %swap3A_255 = tpu.vector_load %arg13[%swap3A_254] {strides = array<i32>} : memref<128xi32, #tpu.memory_space<vmem>>, vector<16xi32>,
    tpu.vector_store %arg13[%swap3A_254], %add3A_253 {strides = array<i32>} : memref<128xi32, #tpu.memory_space<vmem>>, vector<16xi32>,
    %add3A_256 = arith.constant 1152 : i32
    %add3A_257 = vector.broadcast %add3A_256 : i32 to vector<16xi32>
    %add3A_258 = arith.addi %add3A_235, %add3A_257 : vector<16xi32>
    %swap3A_259 = arith.constant 64 : index
    %swap3A_260 = tpu.vector_load %arg13[%swap3A_259] {strides = array<i32>} : memref<128xi32, #tpu.memory_space<vmem>>, vector<16xi32>,
    tpu.vector_store %arg13[%swap3A_259], %add3A_258 {strides = array<i32>} : memref<128xi32, #tpu.memory_space<vmem>>, vector<16xi32>,
    %add3A_261 = arith.constant 1164 : i32
    %add3A_262 = vector.broadcast %add3A_261 : i32 to vector<16xi32>
    %add3A_263 = arith.addi %add3A_235, %add3A_262 : vector<16xi32>
    %swap3A_264 = arith.constant 80 : index
    %swap3A_265 = tpu.vector_load %arg13[%swap3A_264] {strides = array<i32>} : memref<128xi32, #tpu.memory_space<vmem>>, vector<16xi32>,
    tpu.vector_store %arg13[%swap3A_264], %add3A_263 {strides = array<i32>} : memref<128xi32, #tpu.memory_space<vmem>>, vector<16xi32>,
    %add3A_266 = arith.constant 1176 : i32
    %add3A_267 = vector.broadcast %add3A_266 : i32 to vector<16xi32>
    %add3A_268 = arith.addi %add3A_235, %add3A_267 : vector<16xi32>
    %swap3A_269 = arith.constant 96 : index
    %swap3A_270 = tpu.vector_load %arg13[%swap3A_269] {strides = array<i32>} : memref<128xi32, #tpu.memory_space<vmem>>, vector<16xi32>,
    tpu.vector_store %arg13[%swap3A_269], %add3A_268 {strides = array<i32>} : memref<128xi32, #tpu.memory_space<vmem>>, vector<16xi32>,
    %add3A_271 = arith.constant 1188 : i32
    %add3A_272 = vector.broadcast %add3A_271 : i32 to vector<16xi32>
    %add3A_273 = arith.addi %add3A_235, %add3A_272 : vector<16xi32>
    %swap3A_274 = arith.constant 112 : index
    %swap3A_275 = tpu.vector_load %arg13[%swap3A_274] {strides = array<i32>} : memref<128xi32, #tpu.memory_space<vmem>>, vector<16xi32>,
    tpu.vector_store %arg13[%swap3A_274], %add3A_273 {strides = array<i32>} : memref<128xi32, #tpu.memory_space<vmem>>, vector<16xi32>,
    %add3A_276 = arith.constant 2304 : i32
    %add3A_277 = vector.broadcast %add3A_276 : i32 to vector<16xi32>
    %add3A_278 = arith.addi %add3A_235, %add3A_277 : vector<16xi32>
    %swap3A_279 = arith.constant 0 : index
    %swap3A_280 = tpu.vector_load %arg14[%swap3A_279] {strides = array<i32>} : memref<128xi32, #tpu.memory_space<vmem>>, vector<16xi32>,
    tpu.vector_store %arg14[%swap3A_279], %add3A_278 {strides = array<i32>} : memref<128xi32, #tpu.memory_space<vmem>>, vector<16xi32>,
    %add3A_281 = arith.constant 2316 : i32
    %add3A_282 = vector.broadcast %add3A_281 : i32 to vector<16xi32>
    %add3A_283 = arith.addi %add3A_235, %add3A_282 : vector<16xi32>
    %swap3A_284 = arith.constant 16 : index
    %swap3A_285 = tpu.vector_load %arg14[%swap3A_284] {strides = array<i32>} : memref<128xi32, #tpu.memory_space<vmem>>, vector<16xi32>,
    tpu.vector_store %arg14[%swap3A_284], %add3A_283 {strides = array<i32>} : memref<128xi32, #tpu.memory_space<vmem>>, vector<16xi32>,
    %add3A_286 = arith.constant 2328 : i32
    %add3A_287 = vector.broadcast %add3A_286 : i32 to vector<16xi32>
    %add3A_288 = arith.addi %add3A_235, %add3A_287 : vector<16xi32>
    %swap3A_289 = arith.constant 32 : index
    %swap3A_290 = tpu.vector_load %arg14[%swap3A_289] {strides = array<i32>} : memref<128xi32, #tpu.memory_space<vmem>>, vector<16xi32>,
    tpu.vector_store %arg14[%swap3A_289], %add3A_288 {strides = array<i32>} : memref<128xi32, #tpu.memory_space<vmem>>, vector<16xi32>,
    %add3A_291 = arith.constant 2340 : i32
    %add3A_292 = vector.broadcast %add3A_291 : i32 to vector<16xi32>
    %add3A_293 = arith.addi %add3A_235, %add3A_292 : vector<16xi32>
    %swap3A_294 = arith.constant 48 : index
    %swap3A_295 = tpu.vector_load %arg14[%swap3A_294] {strides = array<i32>} : memref<128xi32, #tpu.memory_space<vmem>>, vector<16xi32>,
    tpu.vector_store %arg14[%swap3A_294], %add3A_293 {strides = array<i32>} : memref<128xi32, #tpu.memory_space<vmem>>, vector<16xi32>,
    %add3A_296 = arith.constant 3456 : i32
    %add3A_297 = vector.broadcast %add3A_296 : i32 to vector<16xi32>
    %add3A_298 = arith.addi %add3A_235, %add3A_297 : vector<16xi32>
    %swap3A_299 = arith.constant 64 : index
    %swap3A_300 = tpu.vector_load %arg14[%swap3A_299] {strides = array<i32>} : memref<128xi32, #tpu.memory_space<vmem>>, vector<16xi32>,
    tpu.vector_store %arg14[%swap3A_299], %add3A_298 {strides = array<i32>} : memref<128xi32, #tpu.memory_space<vmem>>, vector<16xi32>,
    %add3A_301 = arith.constant 3468 : i32
    %add3A_302 = vector.broadcast %add3A_301 : i32 to vector<16xi32>
    %add3A_303 = arith.addi %add3A_235, %add3A_302 : vector<16xi32>
    %swap3A_304 = arith.constant 80 : index
    %swap3A_305 = tpu.vector_load %arg14[%swap3A_304] {strides = array<i32>} : memref<128xi32, #tpu.memory_space<vmem>>, vector<16xi32>,
    tpu.vector_store %arg14[%swap3A_304], %add3A_303 {strides = array<i32>} : memref<128xi32, #tpu.memory_space<vmem>>, vector<16xi32>,
    %add3A_306 = arith.constant 3480 : i32
    %add3A_307 = vector.broadcast %add3A_306 : i32 to vector<16xi32>
    %add3A_308 = arith.addi %add3A_235, %add3A_307 : vector<16xi32>
    %swap3A_309 = arith.constant 96 : index
    %swap3A_310 = tpu.vector_load %arg14[%swap3A_309] {strides = array<i32>} : memref<128xi32, #tpu.memory_space<vmem>>, vector<16xi32>,
    tpu.vector_store %arg14[%swap3A_309], %add3A_308 {strides = array<i32>} : memref<128xi32, #tpu.memory_space<vmem>>, vector<16xi32>,
    %add3A_311 = arith.constant 3492 : i32
    %add3A_312 = vector.broadcast %add3A_311 : i32 to vector<16xi32>
    %add3A_313 = arith.addi %add3A_235, %add3A_312 : vector<16xi32>
    %swap3A_314 = arith.constant 112 : index
    %swap3A_315 = tpu.vector_load %arg14[%swap3A_314] {strides = array<i32>} : memref<128xi32, #tpu.memory_space<vmem>>, vector<16xi32>,
    tpu.vector_store %arg14[%swap3A_314], %add3A_313 {strides = array<i32>} : memref<128xi32, #tpu.memory_space<vmem>>, vector<16xi32>,
    %dma_start3A_316 = arith.constant 0 : i32
    %dma_start3A_317 = arith.constant 0 : i32
    %dma_start3A_318 = tpu.memref_slice %arg2[%dma_start3A_316, %dma_start3A_317] : memref<110592x16xf32, #tpu.memory_space<hbm>> -> memref<110592x16xf32, #tpu.memory_space<hbm>>
    tpu.enqueue_indirect_dma source(%dma_start3A_318 : memref<110592x16xf32, #tpu.memory_space<hbm>>) target(%arg21 : memref<128x16xf32, #tpu.memory_space<vmem>>) offsets(%arg13 : memref<128xi32, #tpu.memory_space<vmem>>) semaphore(%arg28 : memref<!tpu.dma_semaphore, #tpu.memory_space<semaphore_mem>>)
    %dma_start3A_319 = arith.constant 0 : i32
    %dma_start3A_320 = arith.constant 0 : i32
    %dma_start3A_321 = tpu.memref_slice %arg2[%dma_start3A_319, %dma_start3A_320] : memref<110592x16xf32, #tpu.memory_space<hbm>> -> memref<110592x16xf32, #tpu.memory_space<hbm>>
    tpu.enqueue_indirect_dma source(%dma_start3A_321 : memref<110592x16xf32, #tpu.memory_space<hbm>>) target(%arg22 : memref<128x16xf32, #tpu.memory_space<vmem>>) offsets(%arg14 : memref<128xi32, #tpu.memory_space<vmem>>) semaphore(%arg28 : memref<!tpu.dma_semaphore, #tpu.memory_space<semaphore_mem>>)
    %get3A_322 = arith.constant 32 : index
    %get3A_323 = tpu.vector_load %arg7[%get3A_322] {strides = array<i32>} : memref<7920xf32, #tpu.memory_space<vmem>>, vector<16xf32>,
    %get3A_324 = arith.constant 32 : index
    %get3A_325 = tpu.vector_load %arg8[%get3A_324] {strides = array<i32>} : memref<7920xf32, #tpu.memory_space<vmem>>, vector<16xf32>,
    %get3A_326 = arith.constant 32 : index
    %get3A_327 = tpu.vector_load %arg9[%get3A_326] {strides = array<i32>} : memref<7920xf32, #tpu.memory_space<vmem>>, vector<16xf32>,
    %convert_element_type3A_328 = arith.fptosi %get3A_323 : vector<16xf32> to vector<16xi32>
    %sub3A_329 = arith.constant 1 : i32
    %sub3A_330 = vector.broadcast %sub3A_329 : i32 to vector<16xi32>
    %sub3A_331 = arith.subi %convert_element_type3A_328, %sub3A_330 : vector<16xi32>
    %jit3A_332 = arith.constant 0 : i32
    %jit3A_333 = arith.constant 92 : i32
    %max3A_334 = vector.broadcast %jit3A_332 : i32 to vector<16xi32>
    %max3A_335 = arith.maxsi %max3A_334, %sub3A_331 : vector<16xi32>
    %min3A_336 = vector.broadcast %jit3A_333 : i32 to vector<16xi32>
    %min3A_337 = arith.minsi %min3A_336, %max3A_335 : vector<16xi32>
    %convert_element_type3A_338 = arith.fptosi %get3A_325 : vector<16xf32> to vector<16xi32>
    %sub3A_339 = arith.constant 1 : i32
    %sub3A_340 = vector.broadcast %sub3A_339 : i32 to vector<16xi32>
    %sub3A_341 = arith.subi %convert_element_type3A_338, %sub3A_340 : vector<16xi32>
    %jit3A_342 = arith.constant 0 : i32
    %jit3A_343 = arith.constant 92 : i32
    %max3A_344 = vector.broadcast %jit3A_342 : i32 to vector<16xi32>
    %max3A_345 = arith.maxsi %max3A_344, %sub3A_341 : vector<16xi32>
    %min3A_346 = vector.broadcast %jit3A_343 : i32 to vector<16xi32>
    %min3A_347 = arith.minsi %min3A_346, %max3A_345 : vector<16xi32>
    %convert_element_type3A_348 = arith.fptosi %get3A_327 : vector<16xf32> to vector<16xi32>
    %sub3A_349 = arith.constant 1 : i32
    %sub3A_350 = vector.broadcast %sub3A_349 : i32 to vector<16xi32>
    %sub3A_351 = arith.subi %convert_element_type3A_348, %sub3A_350 : vector<16xi32>
    %jit3A_352 = arith.constant 0 : i32
    %jit3A_353 = arith.constant 92 : i32
    %max3A_354 = vector.broadcast %jit3A_352 : i32 to vector<16xi32>
    %max3A_355 = arith.maxsi %max3A_354, %sub3A_351 : vector<16xi32>
    %min3A_356 = vector.broadcast %jit3A_353 : i32 to vector<16xi32>
    %min3A_357 = arith.minsi %min3A_356, %max3A_355 : vector<16xi32>
    %and3A_358 = arith.constant 15 : i32
    %and3A_359 = vector.broadcast %and3A_358 : i32 to vector<16xi32>
    %and3A_360 = arith.andi %min3A_357, %and3A_359 : vector<16xi32>
    %gt3A_361 = arith.constant 12 : i32
    %gt3A_362 = vector.broadcast %gt3A_361 : i32 to vector<16xi32>
    %gt3A_363 = arith.cmpi sgt, %and3A_360, %gt3A_362 : vector<16xi32>
    %jit3A_364 = arith.constant 8 : i32
    %jit3A_365 = arith.constant 0 : i32
    %broadcast_in_dim3A_366 = vector.broadcast %jit3A_364 : i32 to vector<16xi32>
    %broadcast_in_dim3A_367 = vector.broadcast %jit3A_365 : i32 to vector<16xi32>
    %select_n3A_368 = arith.select %gt3A_363, %broadcast_in_dim3A_366, %broadcast_in_dim3A_367 : vector<16xi1>, vector<16xi32>
    %sub3A_369 = arith.subi %min3A_357, %select_n3A_368 : vector<16xi32>
    %jit3A_370 = arith.constant 6 : i32
    %jit3A_371 = arith.constant 0 : i32
    %broadcast_in_dim3A_372 = vector.broadcast %jit3A_370 : i32 to vector<16xi32>
    %broadcast_in_dim3A_373 = vector.broadcast %jit3A_371 : i32 to vector<16xi32>
    %select_n3A_374 = arith.select %gt3A_363, %broadcast_in_dim3A_372, %broadcast_in_dim3A_373 : vector<16xi1>, vector<16xi32>
    %shift_right_arithmetic3A_375 = arith.constant 4 : i32
    %shift_right_arithmetic3A_376 = vector.broadcast %shift_right_arithmetic3A_375 : i32 to vector<16xi32>
    %shift_right_arithmetic3A_377 = arith.shrsi %sub3A_369, %shift_right_arithmetic3A_376 : vector<16xi32>
    %add3A_378 = arith.addi %select_n3A_374, %shift_right_arithmetic3A_377 : vector<16xi32>
    %and3A_379 = arith.constant 15 : i32
    %and3A_380 = vector.broadcast %and3A_379 : i32 to vector<16xi32>
    %and3A_381 = arith.andi %sub3A_369, %and3A_380 : vector<16xi32>
    %mul3A_382 = arith.constant 96 : i32
    %mul3A_383 = vector.broadcast %mul3A_382 : i32 to vector<16xi32>
    %mul3A_384 = arith.muli %min3A_337, %mul3A_383 : vector<16xi32>
    %add3A_385 = arith.addi %mul3A_384, %min3A_347 : vector<16xi32>
    %mul3A_386 = arith.constant 12 : i32
    %mul3A_387 = vector.broadcast %mul3A_386 : i32 to vector<16xi32>
    %mul3A_388 = arith.muli %add3A_385, %mul3A_387 : vector<16xi32>
    %add3A_389 = arith.addi %mul3A_388, %add3A_378 : vector<16xi32>
    %add3A_390 = arith.constant 0 : i32
    %add3A_391 = vector.broadcast %add3A_390 : i32 to vector<16xi32>
    %add3A_392 = arith.addi %add3A_389, %add3A_391 : vector<16xi32>
    %swap3A_393 = arith.constant 0 : index
    %swap3A_394 = tpu.vector_load %arg15[%swap3A_393] {strides = array<i32>} : memref<128xi32, #tpu.memory_space<vmem>>, vector<16xi32>,
    tpu.vector_store %arg15[%swap3A_393], %add3A_392 {strides = array<i32>} : memref<128xi32, #tpu.memory_space<vmem>>, vector<16xi32>,
    %add3A_395 = arith.constant 12 : i32
    %add3A_396 = vector.broadcast %add3A_395 : i32 to vector<16xi32>
    %add3A_397 = arith.addi %add3A_389, %add3A_396 : vector<16xi32>
    %swap3A_398 = arith.constant 16 : index
    %swap3A_399 = tpu.vector_load %arg15[%swap3A_398] {strides = array<i32>} : memref<128xi32, #tpu.memory_space<vmem>>, vector<16xi32>,
    tpu.vector_store %arg15[%swap3A_398], %add3A_397 {strides = array<i32>} : memref<128xi32, #tpu.memory_space<vmem>>, vector<16xi32>,
    %add3A_400 = arith.constant 24 : i32
    %add3A_401 = vector.broadcast %add3A_400 : i32 to vector<16xi32>
    %add3A_402 = arith.addi %add3A_389, %add3A_401 : vector<16xi32>
    %swap3A_403 = arith.constant 32 : index
    %swap3A_404 = tpu.vector_load %arg15[%swap3A_403] {strides = array<i32>} : memref<128xi32, #tpu.memory_space<vmem>>, vector<16xi32>,
    tpu.vector_store %arg15[%swap3A_403], %add3A_402 {strides = array<i32>} : memref<128xi32, #tpu.memory_space<vmem>>, vector<16xi32>,
    %add3A_405 = arith.constant 36 : i32
    %add3A_406 = vector.broadcast %add3A_405 : i32 to vector<16xi32>
    %add3A_407 = arith.addi %add3A_389, %add3A_406 : vector<16xi32>
    %swap3A_408 = arith.constant 48 : index
    %swap3A_409 = tpu.vector_load %arg15[%swap3A_408] {strides = array<i32>} : memref<128xi32, #tpu.memory_space<vmem>>, vector<16xi32>,
    tpu.vector_store %arg15[%swap3A_408], %add3A_407 {strides = array<i32>} : memref<128xi32, #tpu.memory_space<vmem>>, vector<16xi32>,
    %add3A_410 = arith.constant 1152 : i32
    %add3A_411 = vector.broadcast %add3A_410 : i32 to vector<16xi32>
    %add3A_412 = arith.addi %add3A_389, %add3A_411 : vector<16xi32>
    %swap3A_413 = arith.constant 64 : index
    %swap3A_414 = tpu.vector_load %arg15[%swap3A_413] {strides = array<i32>} : memref<128xi32, #tpu.memory_space<vmem>>, vector<16xi32>,
    tpu.vector_store %arg15[%swap3A_413], %add3A_412 {strides = array<i32>} : memref<128xi32, #tpu.memory_space<vmem>>, vector<16xi32>,
    %add3A_415 = arith.constant 1164 : i32
    %add3A_416 = vector.broadcast %add3A_415 : i32 to vector<16xi32>
    %add3A_417 = arith.addi %add3A_389, %add3A_416 : vector<16xi32>
    %swap3A_418 = arith.constant 80 : index
    %swap3A_419 = tpu.vector_load %arg15[%swap3A_418] {strides = array<i32>} : memref<128xi32, #tpu.memory_space<vmem>>, vector<16xi32>,
    tpu.vector_store %arg15[%swap3A_418], %add3A_417 {strides = array<i32>} : memref<128xi32, #tpu.memory_space<vmem>>, vector<16xi32>,
    %add3A_420 = arith.constant 1176 : i32
    %add3A_421 = vector.broadcast %add3A_420 : i32 to vector<16xi32>
    %add3A_422 = arith.addi %add3A_389, %add3A_421 : vector<16xi32>
    %swap3A_423 = arith.constant 96 : index
    %swap3A_424 = tpu.vector_load %arg15[%swap3A_423] {strides = array<i32>} : memref<128xi32, #tpu.memory_space<vmem>>, vector<16xi32>,
    tpu.vector_store %arg15[%swap3A_423], %add3A_422 {strides = array<i32>} : memref<128xi32, #tpu.memory_space<vmem>>, vector<16xi32>,
    %add3A_425 = arith.constant 1188 : i32
    %add3A_426 = vector.broadcast %add3A_425 : i32 to vector<16xi32>
    %add3A_427 = arith.addi %add3A_389, %add3A_426 : vector<16xi32>
    %swap3A_428 = arith.constant 112 : index
    %swap3A_429 = tpu.vector_load %arg15[%swap3A_428] {strides = array<i32>} : memref<128xi32, #tpu.memory_space<vmem>>, vector<16xi32>,
    tpu.vector_store %arg15[%swap3A_428], %add3A_427 {strides = array<i32>} : memref<128xi32, #tpu.memory_space<vmem>>, vector<16xi32>,
    %add3A_430 = arith.constant 2304 : i32
    %add3A_431 = vector.broadcast %add3A_430 : i32 to vector<16xi32>
    %add3A_432 = arith.addi %add3A_389, %add3A_431 : vector<16xi32>
    %swap3A_433 = arith.constant 0 : index
    %swap3A_434 = tpu.vector_load %arg16[%swap3A_433] {strides = array<i32>} : memref<128xi32, #tpu.memory_space<vmem>>, vector<16xi32>,
    tpu.vector_store %arg16[%swap3A_433], %add3A_432 {strides = array<i32>} : memref<128xi32, #tpu.memory_space<vmem>>, vector<16xi32>,
    %add3A_435 = arith.constant 2316 : i32
    %add3A_436 = vector.broadcast %add3A_435 : i32 to vector<16xi32>
    %add3A_437 = arith.addi %add3A_389, %add3A_436 : vector<16xi32>
    %swap3A_438 = arith.constant 16 : index
    %swap3A_439 = tpu.vector_load %arg16[%swap3A_438] {strides = array<i32>} : memref<128xi32, #tpu.memory_space<vmem>>, vector<16xi32>,
    tpu.vector_store %arg16[%swap3A_438], %add3A_437 {strides = array<i32>} : memref<128xi32, #tpu.memory_space<vmem>>, vector<16xi32>,
    %add3A_440 = arith.constant 2328 : i32
    %add3A_441 = vector.broadcast %add3A_440 : i32 to vector<16xi32>
    %add3A_442 = arith.addi %add3A_389, %add3A_441 : vector<16xi32>
    %swap3A_443 = arith.constant 32 : index
    %swap3A_444 = tpu.vector_load %arg16[%swap3A_443] {strides = array<i32>} : memref<128xi32, #tpu.memory_space<vmem>>, vector<16xi32>,
    tpu.vector_store %arg16[%swap3A_443], %add3A_442 {strides = array<i32>} : memref<128xi32, #tpu.memory_space<vmem>>, vector<16xi32>,
    %add3A_445 = arith.constant 2340 : i32
    %add3A_446 = vector.broadcast %add3A_445 : i32 to vector<16xi32>
    %add3A_447 = arith.addi %add3A_389, %add3A_446 : vector<16xi32>
    %swap3A_448 = arith.constant 48 : index
    %swap3A_449 = tpu.vector_load %arg16[%swap3A_448] {strides = array<i32>} : memref<128xi32, #tpu.memory_space<vmem>>, vector<16xi32>,
    tpu.vector_store %arg16[%swap3A_448], %add3A_447 {strides = array<i32>} : memref<128xi32, #tpu.memory_space<vmem>>, vector<16xi32>,
    %add3A_450 = arith.constant 3456 : i32
    %add3A_451 = vector.broadcast %add3A_450 : i32 to vector<16xi32>
    %add3A_452 = arith.addi %add3A_389, %add3A_451 : vector<16xi32>
    %swap3A_453 = arith.constant 64 : index
    %swap3A_454 = tpu.vector_load %arg16[%swap3A_453] {strides = array<i32>} : memref<128xi32, #tpu.memory_space<vmem>>, vector<16xi32>,
    tpu.vector_store %arg16[%swap3A_453], %add3A_452 {strides = array<i32>} : memref<128xi32, #tpu.memory_space<vmem>>, vector<16xi32>,
    %add3A_455 = arith.constant 3468 : i32
    %add3A_456 = vector.broadcast %add3A_455 : i32 to vector<16xi32>
    %add3A_457 = arith.addi %add3A_389, %add3A_456 : vector<16xi32>
    %swap3A_458 = arith.constant 80 : index
    %swap3A_459 = tpu.vector_load %arg16[%swap3A_458] {strides = array<i32>} : memref<128xi32, #tpu.memory_space<vmem>>, vector<16xi32>,
    tpu.vector_store %arg16[%swap3A_458], %add3A_457 {strides = array<i32>} : memref<128xi32, #tpu.memory_space<vmem>>, vector<16xi32>,
    %add3A_460 = arith.constant 3480 : i32
    %add3A_461 = vector.broadcast %add3A_460 : i32 to vector<16xi32>
    %add3A_462 = arith.addi %add3A_389, %add3A_461 : vector<16xi32>
    %swap3A_463 = arith.constant 96 : index
    %swap3A_464 = tpu.vector_load %arg16[%swap3A_463] {strides = array<i32>} : memref<128xi32, #tpu.memory_space<vmem>>, vector<16xi32>,
    tpu.vector_store %arg16[%swap3A_463], %add3A_462 {strides = array<i32>} : memref<128xi32, #tpu.memory_space<vmem>>, vector<16xi32>,
    %add3A_465 = arith.constant 3492 : i32
    %add3A_466 = vector.broadcast %add3A_465 : i32 to vector<16xi32>
    %add3A_467 = arith.addi %add3A_389, %add3A_466 : vector<16xi32>
    %swap3A_468 = arith.constant 112 : index
    %swap3A_469 = tpu.vector_load %arg16[%swap3A_468] {strides = array<i32>} : memref<128xi32, #tpu.memory_space<vmem>>, vector<16xi32>,
    tpu.vector_store %arg16[%swap3A_468], %add3A_467 {strides = array<i32>} : memref<128xi32, #tpu.memory_space<vmem>>, vector<16xi32>,
    %dma_start3A_470 = arith.constant 0 : i32
    %dma_start3A_471 = arith.constant 0 : i32
    %dma_start3A_472 = tpu.memref_slice %arg2[%dma_start3A_470, %dma_start3A_471] : memref<110592x16xf32, #tpu.memory_space<hbm>> -> memref<110592x16xf32, #tpu.memory_space<hbm>>
    tpu.enqueue_indirect_dma source(%dma_start3A_472 : memref<110592x16xf32, #tpu.memory_space<hbm>>) target(%arg23 : memref<128x16xf32, #tpu.memory_space<vmem>>) offsets(%arg15 : memref<128xi32, #tpu.memory_space<vmem>>) semaphore(%arg29 : memref<!tpu.dma_semaphore, #tpu.memory_space<semaphore_mem>>)
    %dma_start3A_473 = arith.constant 0 : i32
    %dma_start3A_474 = arith.constant 0 : i32
    %dma_start3A_475 = tpu.memref_slice %arg2[%dma_start3A_473, %dma_start3A_474] : memref<110592x16xf32, #tpu.memory_space<hbm>> -> memref<110592x16xf32, #tpu.memory_space<hbm>>
    tpu.enqueue_indirect_dma source(%dma_start3A_475 : memref<110592x16xf32, #tpu.memory_space<hbm>>) target(%arg24 : memref<128x16xf32, #tpu.memory_space<vmem>>) offsets(%arg16 : memref<128xi32, #tpu.memory_space<vmem>>) semaphore(%arg29 : memref<!tpu.dma_semaphore, #tpu.memory_space<semaphore_mem>>)
    %scan3A = arith.constant 0 : i32
    %scan3A_476 = arith.constant 0 : i32
    %scan3A_477 = arith.constant 123 : i32
    %scan3A_478 = arith.addi %scan3A_476, %scan3A_477 : i32
    %scan3A_479 = arith.constant 1 : i32
    scf.for %scan3A_498 = %scan3A_476 to %scan3A_478 step %scan3A_479  : i32 {
      %mul3A_499 = arith.constant 4 : i32
      %mul3A_500 = arith.muli %mul3A_499, %scan3A_498 : i32
      %add3A_501 = arith.constant 0 : i32
      %add3A_502 = arith.addi %mul3A_500, %add3A_501 : i32
      %add3A_503 = arith.constant 3 : i32
      %add3A_504 = arith.addi %add3A_502, %add3A_503 : i32
      %mul3A_505 = arith.constant 16 : i32
      %mul3A_506 = arith.muli %add3A_504, %mul3A_505 : i32
      %get3A_507 = arith.index_cast %mul3A_506 : i32 to index
      %get3A_508 = tpu.vector_load %arg7[%get3A_507] {strides = array<i32>} : memref<7920xf32, #tpu.memory_space<vmem>>, vector<16xf32>,
      %get3A_509 = arith.index_cast %mul3A_506 : i32 to index
      %get3A_510 = tpu.vector_load %arg8[%get3A_509] {strides = array<i32>} : memref<7920xf32, #tpu.memory_space<vmem>>, vector<16xf32>,
      %get3A_511 = arith.index_cast %mul3A_506 : i32 to index
      %get3A_512 = tpu.vector_load %arg9[%get3A_511] {strides = array<i32>} : memref<7920xf32, #tpu.memory_space<vmem>>, vector<16xf32>,
      %convert_element_type3A_513 = arith.fptosi %get3A_508 : vector<16xf32> to vector<16xi32>
      %sub3A_514 = arith.constant 1 : i32
      %sub3A_515 = vector.broadcast %sub3A_514 : i32 to vector<16xi32>
      %sub3A_516 = arith.subi %convert_element_type3A_513, %sub3A_515 : vector<16xi32>
      %jit3A_517 = arith.constant 0 : i32
      %jit3A_518 = arith.constant 92 : i32
      %max3A_519 = vector.broadcast %jit3A_517 : i32 to vector<16xi32>
      %max3A_520 = arith.maxsi %max3A_519, %sub3A_516 : vector<16xi32>
      %min3A_521 = vector.broadcast %jit3A_518 : i32 to vector<16xi32>
      %min3A_522 = arith.minsi %min3A_521, %max3A_520 : vector<16xi32>
      %convert_element_type3A_523 = arith.fptosi %get3A_510 : vector<16xf32> to vector<16xi32>
      %sub3A_524 = arith.constant 1 : i32
      %sub3A_525 = vector.broadcast %sub3A_524 : i32 to vector<16xi32>
      %sub3A_526 = arith.subi %convert_element_type3A_523, %sub3A_525 : vector<16xi32>
      %jit3A_527 = arith.constant 0 : i32
      %jit3A_528 = arith.constant 92 : i32
      %max3A_529 = vector.broadcast %jit3A_527 : i32 to vector<16xi32>
      %max3A_530 = arith.maxsi %max3A_529, %sub3A_526 : vector<16xi32>
      %min3A_531 = vector.broadcast %jit3A_528 : i32 to vector<16xi32>
      %min3A_532 = arith.minsi %min3A_531, %max3A_530 : vector<16xi32>
      %convert_element_type3A_533 = arith.fptosi %get3A_512 : vector<16xf32> to vector<16xi32>
      %sub3A_534 = arith.constant 1 : i32
      %sub3A_535 = vector.broadcast %sub3A_534 : i32 to vector<16xi32>
      %sub3A_536 = arith.subi %convert_element_type3A_533, %sub3A_535 : vector<16xi32>
      %jit3A_537 = arith.constant 0 : i32
      %jit3A_538 = arith.constant 92 : i32
      %max3A_539 = vector.broadcast %jit3A_537 : i32 to vector<16xi32>
      %max3A_540 = arith.maxsi %max3A_539, %sub3A_536 : vector<16xi32>
      %min3A_541 = vector.broadcast %jit3A_538 : i32 to vector<16xi32>
      %min3A_542 = arith.minsi %min3A_541, %max3A_540 : vector<16xi32>
      %and3A_543 = arith.constant 15 : i32
      %and3A_544 = vector.broadcast %and3A_543 : i32 to vector<16xi32>
      %and3A_545 = arith.andi %min3A_542, %and3A_544 : vector<16xi32>
      %gt3A_546 = arith.constant 12 : i32
      %gt3A_547 = vector.broadcast %gt3A_546 : i32 to vector<16xi32>
      %gt3A_548 = arith.cmpi sgt, %and3A_545, %gt3A_547 : vector<16xi32>
      %jit3A_549 = arith.constant 8 : i32
      %jit3A_550 = arith.constant 0 : i32
      %broadcast_in_dim3A_551 = vector.broadcast %jit3A_549 : i32 to vector<16xi32>
      %broadcast_in_dim3A_552 = vector.broadcast %jit3A_550 : i32 to vector<16xi32>
      %select_n3A_553 = arith.select %gt3A_548, %broadcast_in_dim3A_551, %broadcast_in_dim3A_552 : vector<16xi1>, vector<16xi32>
      %sub3A_554 = arith.subi %min3A_542, %select_n3A_553 : vector<16xi32>
      %jit3A_555 = arith.constant 6 : i32
      %jit3A_556 = arith.constant 0 : i32
      %broadcast_in_dim3A_557 = vector.broadcast %jit3A_555 : i32 to vector<16xi32>
      %broadcast_in_dim3A_558 = vector.broadcast %jit3A_556 : i32 to vector<16xi32>
      %select_n3A_559 = arith.select %gt3A_548, %broadcast_in_dim3A_557, %broadcast_in_dim3A_558 : vector<16xi1>, vector<16xi32>
      %shift_right_arithmetic3A_560 = arith.constant 4 : i32
      %shift_right_arithmetic3A_561 = vector.broadcast %shift_right_arithmetic3A_560 : i32 to vector<16xi32>
      %shift_right_arithmetic3A_562 = arith.shrsi %sub3A_554, %shift_right_arithmetic3A_561 : vector<16xi32>
      %add3A_563 = arith.addi %select_n3A_559, %shift_right_arithmetic3A_562 : vector<16xi32>
      %and3A_564 = arith.constant 15 : i32
      %and3A_565 = vector.broadcast %and3A_564 : i32 to vector<16xi32>
      %and3A_566 = arith.andi %sub3A_554, %and3A_565 : vector<16xi32>
      %mul3A_567 = arith.constant 96 : i32
      %mul3A_568 = vector.broadcast %mul3A_567 : i32 to vector<16xi32>
      %mul3A_569 = arith.muli %min3A_522, %mul3A_568 : vector<16xi32>
      %add3A_570 = arith.addi %mul3A_569, %min3A_532 : vector<16xi32>
      %mul3A_571 = arith.constant 12 : i32
      %mul3A_572 = vector.broadcast %mul3A_571 : i32 to vector<16xi32>
      %mul3A_573 = arith.muli %add3A_570, %mul3A_572 : vector<16xi32>
      %add3A_574 = arith.addi %mul3A_573, %add3A_563 : vector<16xi32>
      %add3A_575 = arith.constant 0 : i32
      %add3A_576 = vector.broadcast %add3A_575 : i32 to vector<16xi32>
      %add3A_577 = arith.addi %add3A_574, %add3A_576 : vector<16xi32>
      %swap3A_578 = arith.constant 0 : index
      %swap3A_579 = tpu.vector_load %arg17[%swap3A_578] {strides = array<i32>} : memref<128xi32, #tpu.memory_space<vmem>>, vector<16xi32>,
      tpu.vector_store %arg17[%swap3A_578], %add3A_577 {strides = array<i32>} : memref<128xi32, #tpu.memory_space<vmem>>, vector<16xi32>,
      %add3A_580 = arith.constant 12 : i32
      %add3A_581 = vector.broadcast %add3A_580 : i32 to vector<16xi32>
      %add3A_582 = arith.addi %add3A_574, %add3A_581 : vector<16xi32>
      %swap3A_583 = arith.constant 16 : index
      %swap3A_584 = tpu.vector_load %arg17[%swap3A_583] {strides = array<i32>} : memref<128xi32, #tpu.memory_space<vmem>>, vector<16xi32>,
      tpu.vector_store %arg17[%swap3A_583], %add3A_582 {strides = array<i32>} : memref<128xi32, #tpu.memory_space<vmem>>, vector<16xi32>,
      %add3A_585 = arith.constant 24 : i32
      %add3A_586 = vector.broadcast %add3A_585 : i32 to vector<16xi32>
      %add3A_587 = arith.addi %add3A_574, %add3A_586 : vector<16xi32>
      %swap3A_588 = arith.constant 32 : index
      %swap3A_589 = tpu.vector_load %arg17[%swap3A_588] {strides = array<i32>} : memref<128xi32, #tpu.memory_space<vmem>>, vector<16xi32>,
      tpu.vector_store %arg17[%swap3A_588], %add3A_587 {strides = array<i32>} : memref<128xi32, #tpu.memory_space<vmem>>, vector<16xi32>,
      %add3A_590 = arith.constant 36 : i32
      %add3A_591 = vector.broadcast %add3A_590 : i32 to vector<16xi32>
      %add3A_592 = arith.addi %add3A_574, %add3A_591 : vector<16xi32>
      %swap3A_593 = arith.constant 48 : index
      %swap3A_594 = tpu.vector_load %arg17[%swap3A_593] {strides = array<i32>} : memref<128xi32, #tpu.memory_space<vmem>>, vector<16xi32>,
      tpu.vector_store %arg17[%swap3A_593], %add3A_592 {strides = array<i32>} : memref<128xi32, #tpu.memory_space<vmem>>, vector<16xi32>,
      %add3A_595 = arith.constant 1152 : i32
      %add3A_596 = vector.broadcast %add3A_595 : i32 to vector<16xi32>
      %add3A_597 = arith.addi %add3A_574, %add3A_596 : vector<16xi32>
      %swap3A_598 = arith.constant 64 : index
      %swap3A_599 = tpu.vector_load %arg17[%swap3A_598] {strides = array<i32>} : memref<128xi32, #tpu.memory_space<vmem>>, vector<16xi32>,
      tpu.vector_store %arg17[%swap3A_598], %add3A_597 {strides = array<i32>} : memref<128xi32, #tpu.memory_space<vmem>>, vector<16xi32>,
      %add3A_600 = arith.constant 1164 : i32
      %add3A_601 = vector.broadcast %add3A_600 : i32 to vector<16xi32>
      %add3A_602 = arith.addi %add3A_574, %add3A_601 : vector<16xi32>
      %swap3A_603 = arith.constant 80 : index
      %swap3A_604 = tpu.vector_load %arg17[%swap3A_603] {strides = array<i32>} : memref<128xi32, #tpu.memory_space<vmem>>, vector<16xi32>,
      tpu.vector_store %arg17[%swap3A_603], %add3A_602 {strides = array<i32>} : memref<128xi32, #tpu.memory_space<vmem>>, vector<16xi32>,
      %add3A_605 = arith.constant 1176 : i32
      %add3A_606 = vector.broadcast %add3A_605 : i32 to vector<16xi32>
      %add3A_607 = arith.addi %add3A_574, %add3A_606 : vector<16xi32>
      %swap3A_608 = arith.constant 96 : index
      %swap3A_609 = tpu.vector_load %arg17[%swap3A_608] {strides = array<i32>} : memref<128xi32, #tpu.memory_space<vmem>>, vector<16xi32>,
      tpu.vector_store %arg17[%swap3A_608], %add3A_607 {strides = array<i32>} : memref<128xi32, #tpu.memory_space<vmem>>, vector<16xi32>,
      %add3A_610 = arith.constant 1188 : i32
      %add3A_611 = vector.broadcast %add3A_610 : i32 to vector<16xi32>
      %add3A_612 = arith.addi %add3A_574, %add3A_611 : vector<16xi32>
      %swap3A_613 = arith.constant 112 : index
      %swap3A_614 = tpu.vector_load %arg17[%swap3A_613] {strides = array<i32>} : memref<128xi32, #tpu.memory_space<vmem>>, vector<16xi32>,
      tpu.vector_store %arg17[%swap3A_613], %add3A_612 {strides = array<i32>} : memref<128xi32, #tpu.memory_space<vmem>>, vector<16xi32>,
      %add3A_615 = arith.constant 2304 : i32
      %add3A_616 = vector.broadcast %add3A_615 : i32 to vector<16xi32>
      %add3A_617 = arith.addi %add3A_574, %add3A_616 : vector<16xi32>
      %swap3A_618 = arith.constant 0 : index
      %swap3A_619 = tpu.vector_load %arg18[%swap3A_618] {strides = array<i32>} : memref<128xi32, #tpu.memory_space<vmem>>, vector<16xi32>,
      tpu.vector_store %arg18[%swap3A_618], %add3A_617 {strides = array<i32>} : memref<128xi32, #tpu.memory_space<vmem>>, vector<16xi32>,
      %add3A_620 = arith.constant 2316 : i32
      %add3A_621 = vector.broadcast %add3A_620 : i32 to vector<16xi32>
      %add3A_622 = arith.addi %add3A_574, %add3A_621 : vector<16xi32>
      %swap3A_623 = arith.constant 16 : index
      %swap3A_624 = tpu.vector_load %arg18[%swap3A_623] {strides = array<i32>} : memref<128xi32, #tpu.memory_space<vmem>>, vector<16xi32>,
      tpu.vector_store %arg18[%swap3A_623], %add3A_622 {strides = array<i32>} : memref<128xi32, #tpu.memory_space<vmem>>, vector<16xi32>,
      %add3A_625 = arith.constant 2328 : i32
      %add3A_626 = vector.broadcast %add3A_625 : i32 to vector<16xi32>
      %add3A_627 = arith.addi %add3A_574, %add3A_626 : vector<16xi32>
      %swap3A_628 = arith.constant 32 : index
      %swap3A_629 = tpu.vector_load %arg18[%swap3A_628] {strides = array<i32>} : memref<128xi32, #tpu.memory_space<vmem>>, vector<16xi32>,
      tpu.vector_store %arg18[%swap3A_628], %add3A_627 {strides = array<i32>} : memref<128xi32, #tpu.memory_space<vmem>>, vector<16xi32>,
      %add3A_630 = arith.constant 2340 : i32
      %add3A_631 = vector.broadcast %add3A_630 : i32 to vector<16xi32>
      %add3A_632 = arith.addi %add3A_574, %add3A_631 : vector<16xi32>
      %swap3A_633 = arith.constant 48 : index
      %swap3A_634 = tpu.vector_load %arg18[%swap3A_633] {strides = array<i32>} : memref<128xi32, #tpu.memory_space<vmem>>, vector<16xi32>,
      tpu.vector_store %arg18[%swap3A_633], %add3A_632 {strides = array<i32>} : memref<128xi32, #tpu.memory_space<vmem>>, vector<16xi32>,
      %add3A_635 = arith.constant 3456 : i32
      %add3A_636 = vector.broadcast %add3A_635 : i32 to vector<16xi32>
      %add3A_637 = arith.addi %add3A_574, %add3A_636 : vector<16xi32>
      %swap3A_638 = arith.constant 64 : index
      %swap3A_639 = tpu.vector_load %arg18[%swap3A_638] {strides = array<i32>} : memref<128xi32, #tpu.memory_space<vmem>>, vector<16xi32>,
      tpu.vector_store %arg18[%swap3A_638], %add3A_637 {strides = array<i32>} : memref<128xi32, #tpu.memory_space<vmem>>, vector<16xi32>,
      %add3A_640 = arith.constant 3468 : i32
      %add3A_641 = vector.broadcast %add3A_640 : i32 to vector<16xi32>
      %add3A_642 = arith.addi %add3A_574, %add3A_641 : vector<16xi32>
      %swap3A_643 = arith.constant 80 : index
      %swap3A_644 = tpu.vector_load %arg18[%swap3A_643] {strides = array<i32>} : memref<128xi32, #tpu.memory_space<vmem>>, vector<16xi32>,
      tpu.vector_store %arg18[%swap3A_643], %add3A_642 {strides = array<i32>} : memref<128xi32, #tpu.memory_space<vmem>>, vector<16xi32>,
      %add3A_645 = arith.constant 3480 : i32
      %add3A_646 = vector.broadcast %add3A_645 : i32 to vector<16xi32>
      %add3A_647 = arith.addi %add3A_574, %add3A_646 : vector<16xi32>
      %swap3A_648 = arith.constant 96 : index
      %swap3A_649 = tpu.vector_load %arg18[%swap3A_648] {strides = array<i32>} : memref<128xi32, #tpu.memory_space<vmem>>, vector<16xi32>,
      tpu.vector_store %arg18[%swap3A_648], %add3A_647 {strides = array<i32>} : memref<128xi32, #tpu.memory_space<vmem>>, vector<16xi32>,
      %add3A_650 = arith.constant 3492 : i32
      %add3A_651 = vector.broadcast %add3A_650 : i32 to vector<16xi32>
      %add3A_652 = arith.addi %add3A_574, %add3A_651 : vector<16xi32>
      %swap3A_653 = arith.constant 112 : index
      %swap3A_654 = tpu.vector_load %arg18[%swap3A_653] {strides = array<i32>} : memref<128xi32, #tpu.memory_space<vmem>>, vector<16xi32>,
      tpu.vector_store %arg18[%swap3A_653], %add3A_652 {strides = array<i32>} : memref<128xi32, #tpu.memory_space<vmem>>, vector<16xi32>,
      %dma_start3A_655 = arith.constant 0 : i32
      %dma_start3A_656 = arith.constant 0 : i32
      %dma_start3A_657 = tpu.memref_slice %arg2[%dma_start3A_655, %dma_start3A_656] : memref<110592x16xf32, #tpu.memory_space<hbm>> -> memref<110592x16xf32, #tpu.memory_space<hbm>>
      tpu.enqueue_indirect_dma source(%dma_start3A_657 : memref<110592x16xf32, #tpu.memory_space<hbm>>) target(%arg25 : memref<128x16xf32, #tpu.memory_space<vmem>>) offsets(%arg17 : memref<128xi32, #tpu.memory_space<vmem>>) semaphore(%arg30 : memref<!tpu.dma_semaphore, #tpu.memory_space<semaphore_mem>>)
      %dma_start3A_658 = arith.constant 0 : i32
      %dma_start3A_659 = arith.constant 0 : i32
      %dma_start3A_660 = tpu.memref_slice %arg2[%dma_start3A_658, %dma_start3A_659] : memref<110592x16xf32, #tpu.memory_space<hbm>> -> memref<110592x16xf32, #tpu.memory_space<hbm>>
      tpu.enqueue_indirect_dma source(%dma_start3A_660 : memref<110592x16xf32, #tpu.memory_space<hbm>>) target(%arg26 : memref<128x16xf32, #tpu.memory_space<vmem>>) offsets(%arg18 : memref<128xi32, #tpu.memory_space<vmem>>) semaphore(%arg30 : memref<!tpu.dma_semaphore, #tpu.memory_space<semaphore_mem>>)
      %dma_wait3A_661 = arith.constant 0 : i32
      %dma_wait3A_662 = arith.constant 0 : i32
      %dma_wait3A_663 = tpu.memref_slice %arg2[%dma_wait3A_661, %dma_wait3A_662] : memref<110592x16xf32, #tpu.memory_space<hbm>> -> memref<110592x16xf32, #tpu.memory_space<hbm>>
      tpu.wait_indirect_dma semaphore(%arg27 : memref<!tpu.dma_semaphore, #tpu.memory_space<semaphore_mem>>) src(%dma_wait3A_663 : memref<110592x16xf32, #tpu.memory_space<hbm>>) dst(%arg19 : memref<128x16xf32, #tpu.memory_space<vmem>>)
      %dma_wait3A_664 = arith.constant 0 : i32
      %dma_wait3A_665 = arith.constant 0 : i32
      %dma_wait3A_666 = tpu.memref_slice %arg2[%dma_wait3A_664, %dma_wait3A_665] : memref<110592x16xf32, #tpu.memory_space<hbm>> -> memref<110592x16xf32, #tpu.memory_space<hbm>>
      tpu.wait_indirect_dma semaphore(%arg27 : memref<!tpu.dma_semaphore, #tpu.memory_space<semaphore_mem>>) src(%dma_wait3A_666 : memref<110592x16xf32, #tpu.memory_space<hbm>>) dst(%arg20 : memref<128x16xf32, #tpu.memory_space<vmem>>)
      %add3A_667 = arith.constant 0 : i32
      %add3A_668 = arith.addi %mul3A_500, %add3A_667 : i32
      %mul3A_669 = arith.constant 16 : i32
      %mul3A_670 = arith.muli %add3A_668, %mul3A_669 : i32
      %get3A_671 = arith.index_cast %mul3A_670 : i32 to index
      %get3A_672 = tpu.vector_load %arg7[%get3A_671] {strides = array<i32>} : memref<7920xf32, #tpu.memory_space<vmem>>, vector<16xf32>,
      %get3A_673 = arith.index_cast %mul3A_670 : i32 to index
      %get3A_674 = tpu.vector_load %arg8[%get3A_673] {strides = array<i32>} : memref<7920xf32, #tpu.memory_space<vmem>>, vector<16xf32>,
      %get3A_675 = arith.index_cast %mul3A_670 : i32 to index
      %get3A_676 = tpu.vector_load %arg9[%get3A_675] {strides = array<i32>} : memref<7920xf32, #tpu.memory_space<vmem>>, vector<16xf32>,
      %convert_element_type3A_677 = arith.fptosi %get3A_672 : vector<16xf32> to vector<16xi32>
      %convert_element_type3A_678 = arith.fptosi %get3A_674 : vector<16xf32> to vector<16xi32>
      %convert_element_type3A_679 = arith.fptosi %get3A_676 : vector<16xf32> to vector<16xi32>
      %convert_element_type3A_680 = arith.sitofp %convert_element_type3A_677 : vector<16xi32> to vector<16xf32>
      %sub3A_681 = arith.subf %get3A_672, %convert_element_type3A_680 : vector<16xf32>
      %mul3A_682 = arith.constant -5.000000e-01 : f32
      %mul3A_683 = vector.broadcast %mul3A_682 : f32 to vector<16xf32>
      %mul3A_684 = arith.mulf %mul3A_683, %sub3A_681 : vector<16xf32>
      %add3A_685 = arith.constant 1.000000e+00 : f32
      %add3A_686 = vector.broadcast %add3A_685 : f32 to vector<16xf32>
      %add3A_687 = arith.addf %mul3A_684, %add3A_686 : vector<16xf32>
      %mul3A_688 = arith.mulf %add3A_687, %sub3A_681 : vector<16xf32>
      %sub3A_689 = arith.constant 5.000000e-01 : f32
      %sub3A_690 = vector.broadcast %sub3A_689 : f32 to vector<16xf32>
      %sub3A_691 = arith.subf %mul3A_688, %sub3A_690 : vector<16xf32>
      %mul3A_692 = arith.mulf %sub3A_691, %sub3A_681 : vector<16xf32>
      %mul3A_693 = arith.constant 1.500000e+00 : f32
      %mul3A_694 = vector.broadcast %mul3A_693 : f32 to vector<16xf32>
      %mul3A_695 = arith.mulf %mul3A_694, %sub3A_681 : vector<16xf32>
      %sub3A_696 = arith.constant 2.500000e+00 : f32
      %sub3A_697 = vector.broadcast %sub3A_696 : f32 to vector<16xf32>
      %sub3A_698 = arith.subf %mul3A_695, %sub3A_697 : vector<16xf32>
      %mul3A_699 = arith.mulf %sub3A_698, %sub3A_681 : vector<16xf32>
      %mul3A_700 = arith.mulf %mul3A_699, %sub3A_681 : vector<16xf32>
      %add3A_701 = arith.constant 1.000000e+00 : f32
      %add3A_702 = vector.broadcast %add3A_701 : f32 to vector<16xf32>
      %add3A_703 = arith.addf %mul3A_700, %add3A_702 : vector<16xf32>
      %mul3A_704 = arith.constant -1.500000e+00 : f32
      %mul3A_705 = vector.broadcast %mul3A_704 : f32 to vector<16xf32>
      %mul3A_706 = arith.mulf %mul3A_705, %sub3A_681 : vector<16xf32>
      %add3A_707 = arith.constant 2.000000e+00 : f32
      %add3A_708 = vector.broadcast %add3A_707 : f32 to vector<16xf32>
      %add3A_709 = arith.addf %mul3A_706, %add3A_708 : vector<16xf32>
      %mul3A_710 = arith.mulf %add3A_709, %sub3A_681 : vector<16xf32>
      %add3A_711 = arith.constant 5.000000e-01 : f32
      %add3A_712 = vector.broadcast %add3A_711 : f32 to vector<16xf32>
      %add3A_713 = arith.addf %mul3A_710, %add3A_712 : vector<16xf32>
      %mul3A_714 = arith.mulf %add3A_713, %sub3A_681 : vector<16xf32>
      %mul3A_715 = arith.constant 5.000000e-01 : f32
      %mul3A_716 = vector.broadcast %mul3A_715 : f32 to vector<16xf32>
      %mul3A_717 = arith.mulf %mul3A_716, %sub3A_681 : vector<16xf32>
      %sub3A_718 = arith.constant 5.000000e-01 : f32
      %sub3A_719 = vector.broadcast %sub3A_718 : f32 to vector<16xf32>
      %sub3A_720 = arith.subf %mul3A_717, %sub3A_719 : vector<16xf32>
      %mul3A_721 = arith.mulf %sub3A_720, %sub3A_681 : vector<16xf32>
      %mul3A_722 = arith.mulf %mul3A_721, %sub3A_681 : vector<16xf32>
      %convert_element_type3A_723 = arith.sitofp %convert_element_type3A_678 : vector<16xi32> to vector<16xf32>
      %sub3A_724 = arith.subf %get3A_674, %convert_element_type3A_723 : vector<16xf32>
      %mul3A_725 = arith.constant -5.000000e-01 : f32
      %mul3A_726 = vector.broadcast %mul3A_725 : f32 to vector<16xf32>
      %mul3A_727 = arith.mulf %mul3A_726, %sub3A_724 : vector<16xf32>
      %add3A_728 = arith.constant 1.000000e+00 : f32
      %add3A_729 = vector.broadcast %add3A_728 : f32 to vector<16xf32>
      %add3A_730 = arith.addf %mul3A_727, %add3A_729 : vector<16xf32>
      %mul3A_731 = arith.mulf %add3A_730, %sub3A_724 : vector<16xf32>
      %sub3A_732 = arith.constant 5.000000e-01 : f32
      %sub3A_733 = vector.broadcast %sub3A_732 : f32 to vector<16xf32>
      %sub3A_734 = arith.subf %mul3A_731, %sub3A_733 : vector<16xf32>
      %mul3A_735 = arith.mulf %sub3A_734, %sub3A_724 : vector<16xf32>
      %mul3A_736 = arith.constant 1.500000e+00 : f32
      %mul3A_737 = vector.broadcast %mul3A_736 : f32 to vector<16xf32>
      %mul3A_738 = arith.mulf %mul3A_737, %sub3A_724 : vector<16xf32>
      %sub3A_739 = arith.constant 2.500000e+00 : f32
      %sub3A_740 = vector.broadcast %sub3A_739 : f32 to vector<16xf32>
      %sub3A_741 = arith.subf %mul3A_738, %sub3A_740 : vector<16xf32>
      %mul3A_742 = arith.mulf %sub3A_741, %sub3A_724 : vector<16xf32>
      %mul3A_743 = arith.mulf %mul3A_742, %sub3A_724 : vector<16xf32>
      %add3A_744 = arith.constant 1.000000e+00 : f32
      %add3A_745 = vector.broadcast %add3A_744 : f32 to vector<16xf32>
      %add3A_746 = arith.addf %mul3A_743, %add3A_745 : vector<16xf32>
      %mul3A_747 = arith.constant -1.500000e+00 : f32
      %mul3A_748 = vector.broadcast %mul3A_747 : f32 to vector<16xf32>
      %mul3A_749 = arith.mulf %mul3A_748, %sub3A_724 : vector<16xf32>
      %add3A_750 = arith.constant 2.000000e+00 : f32
      %add3A_751 = vector.broadcast %add3A_750 : f32 to vector<16xf32>
      %add3A_752 = arith.addf %mul3A_749, %add3A_751 : vector<16xf32>
      %mul3A_753 = arith.mulf %add3A_752, %sub3A_724 : vector<16xf32>
      %add3A_754 = arith.constant 5.000000e-01 : f32
      %add3A_755 = vector.broadcast %add3A_754 : f32 to vector<16xf32>
      %add3A_756 = arith.addf %mul3A_753, %add3A_755 : vector<16xf32>
      %mul3A_757 = arith.mulf %add3A_756, %sub3A_724 : vector<16xf32>
      %mul3A_758 = arith.constant 5.000000e-01 : f32
      %mul3A_759 = vector.broadcast %mul3A_758 : f32 to vector<16xf32>
      %mul3A_760 = arith.mulf %mul3A_759, %sub3A_724 : vector<16xf32>
      %sub3A_761 = arith.constant 5.000000e-01 : f32
      %sub3A_762 = vector.broadcast %sub3A_761 : f32 to vector<16xf32>
      %sub3A_763 = arith.subf %mul3A_760, %sub3A_762 : vector<16xf32>
      %mul3A_764 = arith.mulf %sub3A_763, %sub3A_724 : vector<16xf32>
      %mul3A_765 = arith.mulf %mul3A_764, %sub3A_724 : vector<16xf32>
      %convert_element_type3A_766 = arith.sitofp %convert_element_type3A_679 : vector<16xi32> to vector<16xf32>
      %sub3A_767 = arith.subf %get3A_676, %convert_element_type3A_766 : vector<16xf32>
      %mul3A_768 = arith.constant -5.000000e-01 : f32
      %mul3A_769 = vector.broadcast %mul3A_768 : f32 to vector<16xf32>
      %mul3A_770 = arith.mulf %mul3A_769, %sub3A_767 : vector<16xf32>
      %add3A_771 = arith.constant 1.000000e+00 : f32
      %add3A_772 = vector.broadcast %add3A_771 : f32 to vector<16xf32>
      %add3A_773 = arith.addf %mul3A_770, %add3A_772 : vector<16xf32>
      %mul3A_774 = arith.mulf %add3A_773, %sub3A_767 : vector<16xf32>
      %sub3A_775 = arith.constant 5.000000e-01 : f32
      %sub3A_776 = vector.broadcast %sub3A_775 : f32 to vector<16xf32>
      %sub3A_777 = arith.subf %mul3A_774, %sub3A_776 : vector<16xf32>
      %mul3A_778 = arith.mulf %sub3A_777, %sub3A_767 : vector<16xf32>
      %mul3A_779 = arith.constant 1.500000e+00 : f32
      %mul3A_780 = vector.broadcast %mul3A_779 : f32 to vector<16xf32>
      %mul3A_781 = arith.mulf %mul3A_780, %sub3A_767 : vector<16xf32>
      %sub3A_782 = arith.constant 2.500000e+00 : f32
      %sub3A_783 = vector.broadcast %sub3A_782 : f32 to vector<16xf32>
      %sub3A_784 = arith.subf %mul3A_781, %sub3A_783 : vector<16xf32>
      %mul3A_785 = arith.mulf %sub3A_784, %sub3A_767 : vector<16xf32>
      %mul3A_786 = arith.mulf %mul3A_785, %sub3A_767 : vector<16xf32>
      %add3A_787 = arith.constant 1.000000e+00 : f32
      %add3A_788 = vector.broadcast %add3A_787 : f32 to vector<16xf32>
      %add3A_789 = arith.addf %mul3A_786, %add3A_788 : vector<16xf32>
      %mul3A_790 = arith.constant -1.500000e+00 : f32
      %mul3A_791 = vector.broadcast %mul3A_790 : f32 to vector<16xf32>
      %mul3A_792 = arith.mulf %mul3A_791, %sub3A_767 : vector<16xf32>
      %add3A_793 = arith.constant 2.000000e+00 : f32
      %add3A_794 = vector.broadcast %add3A_793 : f32 to vector<16xf32>
      %add3A_795 = arith.addf %mul3A_792, %add3A_794 : vector<16xf32>
      %mul3A_796 = arith.mulf %add3A_795, %sub3A_767 : vector<16xf32>
      %add3A_797 = arith.constant 5.000000e-01 : f32
      %add3A_798 = vector.broadcast %add3A_797 : f32 to vector<16xf32>
      %add3A_799 = arith.addf %mul3A_796, %add3A_798 : vector<16xf32>
      %mul3A_800 = arith.mulf %add3A_799, %sub3A_767 : vector<16xf32>
      %mul3A_801 = arith.constant 5.000000e-01 : f32
      %mul3A_802 = vector.broadcast %mul3A_801 : f32 to vector<16xf32>
      %mul3A_803 = arith.mulf %mul3A_802, %sub3A_767 : vector<16xf32>
      %sub3A_804 = arith.constant 5.000000e-01 : f32
      %sub3A_805 = vector.broadcast %sub3A_804 : f32 to vector<16xf32>
      %sub3A_806 = arith.subf %mul3A_803, %sub3A_805 : vector<16xf32>
      %mul3A_807 = arith.mulf %sub3A_806, %sub3A_767 : vector<16xf32>
      %mul3A_808 = arith.mulf %mul3A_807, %sub3A_767 : vector<16xf32>
      %sub3A_809 = arith.constant 1 : i32
      %sub3A_810 = vector.broadcast %sub3A_809 : i32 to vector<16xi32>
      %sub3A_811 = arith.subi %convert_element_type3A_679, %sub3A_810 : vector<16xi32>
      %jit3A_812 = arith.constant 0 : i32
      %jit3A_813 = arith.constant 92 : i32
      %max3A_814 = vector.broadcast %jit3A_812 : i32 to vector<16xi32>
      %max3A_815 = arith.maxsi %max3A_814, %sub3A_811 : vector<16xi32>
      %min3A_816 = vector.broadcast %jit3A_813 : i32 to vector<16xi32>
      %min3A_817 = arith.minsi %min3A_816, %max3A_815 : vector<16xi32>
      %and3A_818 = arith.constant 15 : i32
      %and3A_819 = vector.broadcast %and3A_818 : i32 to vector<16xi32>
      %and3A_820 = arith.andi %min3A_817, %and3A_819 : vector<16xi32>
      %gt3A_821 = arith.constant 12 : i32
      %gt3A_822 = vector.broadcast %gt3A_821 : i32 to vector<16xi32>
      %gt3A_823 = arith.cmpi sgt, %and3A_820, %gt3A_822 : vector<16xi32>
      %jit3A_824 = arith.constant 8 : i32
      %jit3A_825 = arith.constant 0 : i32
      %broadcast_in_dim3A_826 = vector.broadcast %jit3A_824 : i32 to vector<16xi32>
      %broadcast_in_dim3A_827 = vector.broadcast %jit3A_825 : i32 to vector<16xi32>
      %select_n3A_828 = arith.select %gt3A_823, %broadcast_in_dim3A_826, %broadcast_in_dim3A_827 : vector<16xi1>, vector<16xi32>
      %sub3A_829 = arith.subi %min3A_817, %select_n3A_828 : vector<16xi32>
      %jit3A_830 = arith.constant 6 : i32
      %jit3A_831 = arith.constant 0 : i32
      %broadcast_in_dim3A_832 = vector.broadcast %jit3A_830 : i32 to vector<16xi32>
      %broadcast_in_dim3A_833 = vector.broadcast %jit3A_831 : i32 to vector<16xi32>
      %select_n3A_834 = arith.select %gt3A_823, %broadcast_in_dim3A_832, %broadcast_in_dim3A_833 : vector<16xi1>, vector<16xi32>
      %shift_right_arithmetic3A_835 = arith.constant 4 : i32
      %shift_right_arithmetic3A_836 = vector.broadcast %shift_right_arithmetic3A_835 : i32 to vector<16xi32>
      %shift_right_arithmetic3A_837 = arith.shrsi %sub3A_829, %shift_right_arithmetic3A_836 : vector<16xi32>
      %add3A_838 = arith.addi %select_n3A_834, %shift_right_arithmetic3A_837 : vector<16xi32>
      %and3A_839 = arith.constant 15 : i32
      %and3A_840 = vector.broadcast %and3A_839 : i32 to vector<16xi32>
      %and3A_841 = arith.andi %sub3A_829, %and3A_840 : vector<16xi32>
      %add3A_842 = arith.constant 0 : i32
      %add3A_843 = vector.broadcast %add3A_842 : i32 to vector<16xi32>
      %add3A_844 = arith.addi %and3A_841, %add3A_843 : vector<16xi32>
      %add3A_845 = arith.constant 1 : i32
      %add3A_846 = vector.broadcast %add3A_845 : i32 to vector<16xi32>
      %add3A_847 = arith.addi %and3A_841, %add3A_846 : vector<16xi32>
      %add3A_848 = arith.constant 2 : i32
      %add3A_849 = vector.broadcast %add3A_848 : i32 to vector<16xi32>
      %add3A_850 = arith.addi %and3A_841, %add3A_849 : vector<16xi32>
      %add3A_851 = arith.constant 3 : i32
      %add3A_852 = vector.broadcast %add3A_851 : i32 to vector<16xi32>
      %add3A_853 = arith.addi %and3A_841, %add3A_852 : vector<16xi32>
      %broadcast_in_dim3A_854 = arith.constant 0.000000e+00 : f32
      %broadcast_in_dim3A_855 = vector.broadcast %broadcast_in_dim3A_854 : f32 to vector<16xf32>
      %broadcast_in_dim3A_856 = arith.constant 0.000000e+00 : f32
      %broadcast_in_dim3A_857 = vector.broadcast %broadcast_in_dim3A_856 : f32 to vector<16xf32>
      %broadcast_in_dim3A_858 = arith.constant 0.000000e+00 : f32
      %broadcast_in_dim3A_859 = vector.broadcast %broadcast_in_dim3A_858 : f32 to vector<16xf32>
      %broadcast_in_dim3A_860 = arith.constant 0.000000e+00 : f32
      %broadcast_in_dim3A_861 = vector.broadcast %broadcast_in_dim3A_860 : f32 to vector<16xf32>
      %mul3A_862 = arith.mulf %mul3A_692, %mul3A_735 : vector<16xf32>
      %gather3A = tpu.vector_load_idx %arg19[%add3A_5, %add3A_844] : memref<128x16xf32, #tpu.memory_space<vmem>>[vector<16xi32>, vector<16xi32>], vector<16xf32>,
      %mul3A_863 = arith.mulf %gather3A, %mul3A_862 : vector<16xf32>
      %add3A_864 = arith.addf %broadcast_in_dim3A_855, %mul3A_863 : vector<16xf32>
      %gather3A_865 = tpu.vector_load_idx %arg19[%add3A_5, %add3A_847] : memref<128x16xf32, #tpu.memory_space<vmem>>[vector<16xi32>, vector<16xi32>], vector<16xf32>,
      %mul3A_866 = arith.mulf %gather3A_865, %mul3A_862 : vector<16xf32>
      %add3A_867 = arith.addf %broadcast_in_dim3A_857, %mul3A_866 : vector<16xf32>
      %gather3A_868 = tpu.vector_load_idx %arg19[%add3A_5, %add3A_850] : memref<128x16xf32, #tpu.memory_space<vmem>>[vector<16xi32>, vector<16xi32>], vector<16xf32>,
      %mul3A_869 = arith.mulf %gather3A_868, %mul3A_862 : vector<16xf32>
      %add3A_870 = arith.addf %broadcast_in_dim3A_859, %mul3A_869 : vector<16xf32>
      %gather3A_871 = tpu.vector_load_idx %arg19[%add3A_5, %add3A_853] : memref<128x16xf32, #tpu.memory_space<vmem>>[vector<16xi32>, vector<16xi32>], vector<16xf32>,
      %mul3A_872 = arith.mulf %gather3A_871, %mul3A_862 : vector<16xf32>
      %add3A_873 = arith.addf %broadcast_in_dim3A_861, %mul3A_872 : vector<16xf32>
      %mul3A_874 = arith.mulf %mul3A_692, %add3A_746 : vector<16xf32>
      %gather3A_875 = tpu.vector_load_idx %arg19[%add3A_8, %add3A_844] : memref<128x16xf32, #tpu.memory_space<vmem>>[vector<16xi32>, vector<16xi32>], vector<16xf32>,
      %mul3A_876 = arith.mulf %gather3A_875, %mul3A_874 : vector<16xf32>
      %add3A_877 = arith.addf %add3A_864, %mul3A_876 : vector<16xf32>
      %gather3A_878 = tpu.vector_load_idx %arg19[%add3A_8, %add3A_847] : memref<128x16xf32, #tpu.memory_space<vmem>>[vector<16xi32>, vector<16xi32>], vector<16xf32>,
      %mul3A_879 = arith.mulf %gather3A_878, %mul3A_874 : vector<16xf32>
      %add3A_880 = arith.addf %add3A_867, %mul3A_879 : vector<16xf32>
      %gather3A_881 = tpu.vector_load_idx %arg19[%add3A_8, %add3A_850] : memref<128x16xf32, #tpu.memory_space<vmem>>[vector<16xi32>, vector<16xi32>], vector<16xf32>,
      %mul3A_882 = arith.mulf %gather3A_881, %mul3A_874 : vector<16xf32>
      %add3A_883 = arith.addf %add3A_870, %mul3A_882 : vector<16xf32>
      %gather3A_884 = tpu.vector_load_idx %arg19[%add3A_8, %add3A_853] : memref<128x16xf32, #tpu.memory_space<vmem>>[vector<16xi32>, vector<16xi32>], vector<16xf32>,
      %mul3A_885 = arith.mulf %gather3A_884, %mul3A_874 : vector<16xf32>
      %add3A_886 = arith.addf %add3A_873, %mul3A_885 : vector<16xf32>
      %mul3A_887 = arith.mulf %mul3A_692, %mul3A_757 : vector<16xf32>
      %gather3A_888 = tpu.vector_load_idx %arg19[%add3A_11, %add3A_844] : memref<128x16xf32, #tpu.memory_space<vmem>>[vector<16xi32>, vector<16xi32>], vector<16xf32>,
      %mul3A_889 = arith.mulf %gather3A_888, %mul3A_887 : vector<16xf32>
      %add3A_890 = arith.addf %add3A_877, %mul3A_889 : vector<16xf32>
      %gather3A_891 = tpu.vector_load_idx %arg19[%add3A_11, %add3A_847] : memref<128x16xf32, #tpu.memory_space<vmem>>[vector<16xi32>, vector<16xi32>], vector<16xf32>,
      %mul3A_892 = arith.mulf %gather3A_891, %mul3A_887 : vector<16xf32>
      %add3A_893 = arith.addf %add3A_880, %mul3A_892 : vector<16xf32>
      %gather3A_894 = tpu.vector_load_idx %arg19[%add3A_11, %add3A_850] : memref<128x16xf32, #tpu.memory_space<vmem>>[vector<16xi32>, vector<16xi32>], vector<16xf32>,
      %mul3A_895 = arith.mulf %gather3A_894, %mul3A_887 : vector<16xf32>
      %add3A_896 = arith.addf %add3A_883, %mul3A_895 : vector<16xf32>
      %gather3A_897 = tpu.vector_load_idx %arg19[%add3A_11, %add3A_853] : memref<128x16xf32, #tpu.memory_space<vmem>>[vector<16xi32>, vector<16xi32>], vector<16xf32>,
      %mul3A_898 = arith.mulf %gather3A_897, %mul3A_887 : vector<16xf32>
      %add3A_899 = arith.addf %add3A_886, %mul3A_898 : vector<16xf32>
      %mul3A_900 = arith.mulf %mul3A_692, %mul3A_765 : vector<16xf32>
      %gather3A_901 = tpu.vector_load_idx %arg19[%add3A_14, %add3A_844] : memref<128x16xf32, #tpu.memory_space<vmem>>[vector<16xi32>, vector<16xi32>], vector<16xf32>,
      %mul3A_902 = arith.mulf %gather3A_901, %mul3A_900 : vector<16xf32>
      %add3A_903 = arith.addf %add3A_890, %mul3A_902 : vector<16xf32>
      %gather3A_904 = tpu.vector_load_idx %arg19[%add3A_14, %add3A_847] : memref<128x16xf32, #tpu.memory_space<vmem>>[vector<16xi32>, vector<16xi32>], vector<16xf32>,
      %mul3A_905 = arith.mulf %gather3A_904, %mul3A_900 : vector<16xf32>
      %add3A_906 = arith.addf %add3A_893, %mul3A_905 : vector<16xf32>
      %gather3A_907 = tpu.vector_load_idx %arg19[%add3A_14, %add3A_850] : memref<128x16xf32, #tpu.memory_space<vmem>>[vector<16xi32>, vector<16xi32>], vector<16xf32>,
      %mul3A_908 = arith.mulf %gather3A_907, %mul3A_900 : vector<16xf32>
      %add3A_909 = arith.addf %add3A_896, %mul3A_908 : vector<16xf32>
      %gather3A_910 = tpu.vector_load_idx %arg19[%add3A_14, %add3A_853] : memref<128x16xf32, #tpu.memory_space<vmem>>[vector<16xi32>, vector<16xi32>], vector<16xf32>,
      %mul3A_911 = arith.mulf %gather3A_910, %mul3A_900 : vector<16xf32>
      %add3A_912 = arith.addf %add3A_899, %mul3A_911 : vector<16xf32>
      %mul3A_913 = arith.mulf %add3A_703, %mul3A_735 : vector<16xf32>
      %gather3A_914 = tpu.vector_load_idx %arg19[%add3A_17, %add3A_844] : memref<128x16xf32, #tpu.memory_space<vmem>>[vector<16xi32>, vector<16xi32>], vector<16xf32>,
      %mul3A_915 = arith.mulf %gather3A_914, %mul3A_913 : vector<16xf32>
      %add3A_916 = arith.addf %add3A_903, %mul3A_915 : vector<16xf32>
      %gather3A_917 = tpu.vector_load_idx %arg19[%add3A_17, %add3A_847] : memref<128x16xf32, #tpu.memory_space<vmem>>[vector<16xi32>, vector<16xi32>], vector<16xf32>,
      %mul3A_918 = arith.mulf %gather3A_917, %mul3A_913 : vector<16xf32>
      %add3A_919 = arith.addf %add3A_906, %mul3A_918 : vector<16xf32>
      %gather3A_920 = tpu.vector_load_idx %arg19[%add3A_17, %add3A_850] : memref<128x16xf32, #tpu.memory_space<vmem>>[vector<16xi32>, vector<16xi32>], vector<16xf32>,
      %mul3A_921 = arith.mulf %gather3A_920, %mul3A_913 : vector<16xf32>
      %add3A_922 = arith.addf %add3A_909, %mul3A_921 : vector<16xf32>
      %gather3A_923 = tpu.vector_load_idx %arg19[%add3A_17, %add3A_853] : memref<128x16xf32, #tpu.memory_space<vmem>>[vector<16xi32>, vector<16xi32>], vector<16xf32>,
      %mul3A_924 = arith.mulf %gather3A_923, %mul3A_913 : vector<16xf32>
      %add3A_925 = arith.addf %add3A_912, %mul3A_924 : vector<16xf32>
      %mul3A_926 = arith.mulf %add3A_703, %add3A_746 : vector<16xf32>
      %gather3A_927 = tpu.vector_load_idx %arg19[%add3A_20, %add3A_844] : memref<128x16xf32, #tpu.memory_space<vmem>>[vector<16xi32>, vector<16xi32>], vector<16xf32>,
      %mul3A_928 = arith.mulf %gather3A_927, %mul3A_926 : vector<16xf32>
      %add3A_929 = arith.addf %add3A_916, %mul3A_928 : vector<16xf32>
      %gather3A_930 = tpu.vector_load_idx %arg19[%add3A_20, %add3A_847] : memref<128x16xf32, #tpu.memory_space<vmem>>[vector<16xi32>, vector<16xi32>], vector<16xf32>,
      %mul3A_931 = arith.mulf %gather3A_930, %mul3A_926 : vector<16xf32>
      %add3A_932 = arith.addf %add3A_919, %mul3A_931 : vector<16xf32>
      %gather3A_933 = tpu.vector_load_idx %arg19[%add3A_20, %add3A_850] : memref<128x16xf32, #tpu.memory_space<vmem>>[vector<16xi32>, vector<16xi32>], vector<16xf32>,
      %mul3A_934 = arith.mulf %gather3A_933, %mul3A_926 : vector<16xf32>
      %add3A_935 = arith.addf %add3A_922, %mul3A_934 : vector<16xf32>
      %gather3A_936 = tpu.vector_load_idx %arg19[%add3A_20, %add3A_853] : memref<128x16xf32, #tpu.memory_space<vmem>>[vector<16xi32>, vector<16xi32>], vector<16xf32>,
      %mul3A_937 = arith.mulf %gather3A_936, %mul3A_926 : vector<16xf32>
      %add3A_938 = arith.addf %add3A_925, %mul3A_937 : vector<16xf32>
      %mul3A_939 = arith.mulf %add3A_703, %mul3A_757 : vector<16xf32>
      %gather3A_940 = tpu.vector_load_idx %arg19[%add3A_23, %add3A_844] : memref<128x16xf32, #tpu.memory_space<vmem>>[vector<16xi32>, vector<16xi32>], vector<16xf32>,
      %mul3A_941 = arith.mulf %gather3A_940, %mul3A_939 : vector<16xf32>
      %add3A_942 = arith.addf %add3A_929, %mul3A_941 : vector<16xf32>
      %gather3A_943 = tpu.vector_load_idx %arg19[%add3A_23, %add3A_847] : memref<128x16xf32, #tpu.memory_space<vmem>>[vector<16xi32>, vector<16xi32>], vector<16xf32>,
      %mul3A_944 = arith.mulf %gather3A_943, %mul3A_939 : vector<16xf32>
      %add3A_945 = arith.addf %add3A_932, %mul3A_944 : vector<16xf32>
      %gather3A_946 = tpu.vector_load_idx %arg19[%add3A_23, %add3A_850] : memref<128x16xf32, #tpu.memory_space<vmem>>[vector<16xi32>, vector<16xi32>], vector<16xf32>,
      %mul3A_947 = arith.mulf %gather3A_946, %mul3A_939 : vector<16xf32>
      %add3A_948 = arith.addf %add3A_935, %mul3A_947 : vector<16xf32>
      %gather3A_949 = tpu.vector_load_idx %arg19[%add3A_23, %add3A_853] : memref<128x16xf32, #tpu.memory_space<vmem>>[vector<16xi32>, vector<16xi32>], vector<16xf32>,
      %mul3A_950 = arith.mulf %gather3A_949, %mul3A_939 : vector<16xf32>
      %add3A_951 = arith.addf %add3A_938, %mul3A_950 : vector<16xf32>
      %mul3A_952 = arith.mulf %add3A_703, %mul3A_765 : vector<16xf32>
      %gather3A_953 = tpu.vector_load_idx %arg19[%add3A_26, %add3A_844] : memref<128x16xf32, #tpu.memory_space<vmem>>[vector<16xi32>, vector<16xi32>], vector<16xf32>,
      %mul3A_954 = arith.mulf %gather3A_953, %mul3A_952 : vector<16xf32>
      %add3A_955 = arith.addf %add3A_942, %mul3A_954 : vector<16xf32>
      %gather3A_956 = tpu.vector_load_idx %arg19[%add3A_26, %add3A_847] : memref<128x16xf32, #tpu.memory_space<vmem>>[vector<16xi32>, vector<16xi32>], vector<16xf32>,
      %mul3A_957 = arith.mulf %gather3A_956, %mul3A_952 : vector<16xf32>
      %add3A_958 = arith.addf %add3A_945, %mul3A_957 : vector<16xf32>
      %gather3A_959 = tpu.vector_load_idx %arg19[%add3A_26, %add3A_850] : memref<128x16xf32, #tpu.memory_space<vmem>>[vector<16xi32>, vector<16xi32>], vector<16xf32>,
      %mul3A_960 = arith.mulf %gather3A_959, %mul3A_952 : vector<16xf32>
      %add3A_961 = arith.addf %add3A_948, %mul3A_960 : vector<16xf32>
      %gather3A_962 = tpu.vector_load_idx %arg19[%add3A_26, %add3A_853] : memref<128x16xf32, #tpu.memory_space<vmem>>[vector<16xi32>, vector<16xi32>], vector<16xf32>,
      %mul3A_963 = arith.mulf %gather3A_962, %mul3A_952 : vector<16xf32>
      %add3A_964 = arith.addf %add3A_951, %mul3A_963 : vector<16xf32>
      %mul3A_965 = arith.mulf %mul3A_714, %mul3A_735 : vector<16xf32>
      %gather3A_966 = tpu.vector_load_idx %arg20[%add3A_5, %add3A_844] : memref<128x16xf32, #tpu.memory_space<vmem>>[vector<16xi32>, vector<16xi32>], vector<16xf32>,
      %mul3A_967 = arith.mulf %gather3A_966, %mul3A_965 : vector<16xf32>
      %add3A_968 = arith.addf %add3A_955, %mul3A_967 : vector<16xf32>
      %gather3A_969 = tpu.vector_load_idx %arg20[%add3A_5, %add3A_847] : memref<128x16xf32, #tpu.memory_space<vmem>>[vector<16xi32>, vector<16xi32>], vector<16xf32>,
      %mul3A_970 = arith.mulf %gather3A_969, %mul3A_965 : vector<16xf32>
      %add3A_971 = arith.addf %add3A_958, %mul3A_970 : vector<16xf32>
      %gather3A_972 = tpu.vector_load_idx %arg20[%add3A_5, %add3A_850] : memref<128x16xf32, #tpu.memory_space<vmem>>[vector<16xi32>, vector<16xi32>], vector<16xf32>,
      %mul3A_973 = arith.mulf %gather3A_972, %mul3A_965 : vector<16xf32>
      %add3A_974 = arith.addf %add3A_961, %mul3A_973 : vector<16xf32>
      %gather3A_975 = tpu.vector_load_idx %arg20[%add3A_5, %add3A_853] : memref<128x16xf32, #tpu.memory_space<vmem>>[vector<16xi32>, vector<16xi32>], vector<16xf32>,
      %mul3A_976 = arith.mulf %gather3A_975, %mul3A_965 : vector<16xf32>
      %add3A_977 = arith.addf %add3A_964, %mul3A_976 : vector<16xf32>
      %mul3A_978 = arith.mulf %mul3A_714, %add3A_746 : vector<16xf32>
      %gather3A_979 = tpu.vector_load_idx %arg20[%add3A_8, %add3A_844] : memref<128x16xf32, #tpu.memory_space<vmem>>[vector<16xi32>, vector<16xi32>], vector<16xf32>,
      %mul3A_980 = arith.mulf %gather3A_979, %mul3A_978 : vector<16xf32>
      %add3A_981 = arith.addf %add3A_968, %mul3A_980 : vector<16xf32>
      %gather3A_982 = tpu.vector_load_idx %arg20[%add3A_8, %add3A_847] : memref<128x16xf32, #tpu.memory_space<vmem>>[vector<16xi32>, vector<16xi32>], vector<16xf32>,
      %mul3A_983 = arith.mulf %gather3A_982, %mul3A_978 : vector<16xf32>
      %add3A_984 = arith.addf %add3A_971, %mul3A_983 : vector<16xf32>
      %gather3A_985 = tpu.vector_load_idx %arg20[%add3A_8, %add3A_850] : memref<128x16xf32, #tpu.memory_space<vmem>>[vector<16xi32>, vector<16xi32>], vector<16xf32>,
      %mul3A_986 = arith.mulf %gather3A_985, %mul3A_978 : vector<16xf32>
      %add3A_987 = arith.addf %add3A_974, %mul3A_986 : vector<16xf32>
      %gather3A_988 = tpu.vector_load_idx %arg20[%add3A_8, %add3A_853] : memref<128x16xf32, #tpu.memory_space<vmem>>[vector<16xi32>, vector<16xi32>], vector<16xf32>,
      %mul3A_989 = arith.mulf %gather3A_988, %mul3A_978 : vector<16xf32>
      %add3A_990 = arith.addf %add3A_977, %mul3A_989 : vector<16xf32>
      %mul3A_991 = arith.mulf %mul3A_714, %mul3A_757 : vector<16xf32>
      %gather3A_992 = tpu.vector_load_idx %arg20[%add3A_11, %add3A_844] : memref<128x16xf32, #tpu.memory_space<vmem>>[vector<16xi32>, vector<16xi32>], vector<16xf32>,
      %mul3A_993 = arith.mulf %gather3A_992, %mul3A_991 : vector<16xf32>
      %add3A_994 = arith.addf %add3A_981, %mul3A_993 : vector<16xf32>
      %gather3A_995 = tpu.vector_load_idx %arg20[%add3A_11, %add3A_847] : memref<128x16xf32, #tpu.memory_space<vmem>>[vector<16xi32>, vector<16xi32>], vector<16xf32>,
      %mul3A_996 = arith.mulf %gather3A_995, %mul3A_991 : vector<16xf32>
      %add3A_997 = arith.addf %add3A_984, %mul3A_996 : vector<16xf32>
      %gather3A_998 = tpu.vector_load_idx %arg20[%add3A_11, %add3A_850] : memref<128x16xf32, #tpu.memory_space<vmem>>[vector<16xi32>, vector<16xi32>], vector<16xf32>,
      %mul3A_999 = arith.mulf %gather3A_998, %mul3A_991 : vector<16xf32>
      %add3A_1000 = arith.addf %add3A_987, %mul3A_999 : vector<16xf32>
      %gather3A_1001 = tpu.vector_load_idx %arg20[%add3A_11, %add3A_853] : memref<128x16xf32, #tpu.memory_space<vmem>>[vector<16xi32>, vector<16xi32>], vector<16xf32>,
      %mul3A_1002 = arith.mulf %gather3A_1001, %mul3A_991 : vector<16xf32>
      %add3A_1003 = arith.addf %add3A_990, %mul3A_1002 : vector<16xf32>
      %mul3A_1004 = arith.mulf %mul3A_714, %mul3A_765 : vector<16xf32>
      %gather3A_1005 = tpu.vector_load_idx %arg20[%add3A_14, %add3A_844] : memref<128x16xf32, #tpu.memory_space<vmem>>[vector<16xi32>, vector<16xi32>], vector<16xf32>,
      %mul3A_1006 = arith.mulf %gather3A_1005, %mul3A_1004 : vector<16xf32>
      %add3A_1007 = arith.addf %add3A_994, %mul3A_1006 : vector<16xf32>
      %gather3A_1008 = tpu.vector_load_idx %arg20[%add3A_14, %add3A_847] : memref<128x16xf32, #tpu.memory_space<vmem>>[vector<16xi32>, vector<16xi32>], vector<16xf32>,
      %mul3A_1009 = arith.mulf %gather3A_1008, %mul3A_1004 : vector<16xf32>
      %add3A_1010 = arith.addf %add3A_997, %mul3A_1009 : vector<16xf32>
      %gather3A_1011 = tpu.vector_load_idx %arg20[%add3A_14, %add3A_850] : memref<128x16xf32, #tpu.memory_space<vmem>>[vector<16xi32>, vector<16xi32>], vector<16xf32>,
      %mul3A_1012 = arith.mulf %gather3A_1011, %mul3A_1004 : vector<16xf32>
      %add3A_1013 = arith.addf %add3A_1000, %mul3A_1012 : vector<16xf32>
      %gather3A_1014 = tpu.vector_load_idx %arg20[%add3A_14, %add3A_853] : memref<128x16xf32, #tpu.memory_space<vmem>>[vector<16xi32>, vector<16xi32>], vector<16xf32>,
      %mul3A_1015 = arith.mulf %gather3A_1014, %mul3A_1004 : vector<16xf32>
      %add3A_1016 = arith.addf %add3A_1003, %mul3A_1015 : vector<16xf32>
      %mul3A_1017 = arith.mulf %mul3A_722, %mul3A_735 : vector<16xf32>
      %gather3A_1018 = tpu.vector_load_idx %arg20[%add3A_17, %add3A_844] : memref<128x16xf32, #tpu.memory_space<vmem>>[vector<16xi32>, vector<16xi32>], vector<16xf32>,
      %mul3A_1019 = arith.mulf %gather3A_1018, %mul3A_1017 : vector<16xf32>
      %add3A_1020 = arith.addf %add3A_1007, %mul3A_1019 : vector<16xf32>
      %gather3A_1021 = tpu.vector_load_idx %arg20[%add3A_17, %add3A_847] : memref<128x16xf32, #tpu.memory_space<vmem>>[vector<16xi32>, vector<16xi32>], vector<16xf32>,
      %mul3A_1022 = arith.mulf %gather3A_1021, %mul3A_1017 : vector<16xf32>
      %add3A_1023 = arith.addf %add3A_1010, %mul3A_1022 : vector<16xf32>
      %gather3A_1024 = tpu.vector_load_idx %arg20[%add3A_17, %add3A_850] : memref<128x16xf32, #tpu.memory_space<vmem>>[vector<16xi32>, vector<16xi32>], vector<16xf32>,
      %mul3A_1025 = arith.mulf %gather3A_1024, %mul3A_1017 : vector<16xf32>
      %add3A_1026 = arith.addf %add3A_1013, %mul3A_1025 : vector<16xf32>
      %gather3A_1027 = tpu.vector_load_idx %arg20[%add3A_17, %add3A_853] : memref<128x16xf32, #tpu.memory_space<vmem>>[vector<16xi32>, vector<16xi32>], vector<16xf32>,
      %mul3A_1028 = arith.mulf %gather3A_1027, %mul3A_1017 : vector<16xf32>
      %add3A_1029 = arith.addf %add3A_1016, %mul3A_1028 : vector<16xf32>
      %mul3A_1030 = arith.mulf %mul3A_722, %add3A_746 : vector<16xf32>
      %gather3A_1031 = tpu.vector_load_idx %arg20[%add3A_20, %add3A_844] : memref<128x16xf32, #tpu.memory_space<vmem>>[vector<16xi32>, vector<16xi32>], vector<16xf32>,
      %mul3A_1032 = arith.mulf %gather3A_1031, %mul3A_1030 : vector<16xf32>
      %add3A_1033 = arith.addf %add3A_1020, %mul3A_1032 : vector<16xf32>
      %gather3A_1034 = tpu.vector_load_idx %arg20[%add3A_20, %add3A_847] : memref<128x16xf32, #tpu.memory_space<vmem>>[vector<16xi32>, vector<16xi32>], vector<16xf32>,
      %mul3A_1035 = arith.mulf %gather3A_1034, %mul3A_1030 : vector<16xf32>
      %add3A_1036 = arith.addf %add3A_1023, %mul3A_1035 : vector<16xf32>
      %gather3A_1037 = tpu.vector_load_idx %arg20[%add3A_20, %add3A_850] : memref<128x16xf32, #tpu.memory_space<vmem>>[vector<16xi32>, vector<16xi32>], vector<16xf32>,
      %mul3A_1038 = arith.mulf %gather3A_1037, %mul3A_1030 : vector<16xf32>
      %add3A_1039 = arith.addf %add3A_1026, %mul3A_1038 : vector<16xf32>
      %gather3A_1040 = tpu.vector_load_idx %arg20[%add3A_20, %add3A_853] : memref<128x16xf32, #tpu.memory_space<vmem>>[vector<16xi32>, vector<16xi32>], vector<16xf32>,
      %mul3A_1041 = arith.mulf %gather3A_1040, %mul3A_1030 : vector<16xf32>
      %add3A_1042 = arith.addf %add3A_1029, %mul3A_1041 : vector<16xf32>
      %mul3A_1043 = arith.mulf %mul3A_722, %mul3A_757 : vector<16xf32>
      %gather3A_1044 = tpu.vector_load_idx %arg20[%add3A_23, %add3A_844] : memref<128x16xf32, #tpu.memory_space<vmem>>[vector<16xi32>, vector<16xi32>], vector<16xf32>,
      %mul3A_1045 = arith.mulf %gather3A_1044, %mul3A_1043 : vector<16xf32>
      %add3A_1046 = arith.addf %add3A_1033, %mul3A_1045 : vector<16xf32>
      %gather3A_1047 = tpu.vector_load_idx %arg20[%add3A_23, %add3A_847] : memref<128x16xf32, #tpu.memory_space<vmem>>[vector<16xi32>, vector<16xi32>], vector<16xf32>,
      %mul3A_1048 = arith.mulf %gather3A_1047, %mul3A_1043 : vector<16xf32>
      %add3A_1049 = arith.addf %add3A_1036, %mul3A_1048 : vector<16xf32>
      %gather3A_1050 = tpu.vector_load_idx %arg20[%add3A_23, %add3A_850] : memref<128x16xf32, #tpu.memory_space<vmem>>[vector<16xi32>, vector<16xi32>], vector<16xf32>,
      %mul3A_1051 = arith.mulf %gather3A_1050, %mul3A_1043 : vector<16xf32>
      %add3A_1052 = arith.addf %add3A_1039, %mul3A_1051 : vector<16xf32>
      %gather3A_1053 = tpu.vector_load_idx %arg20[%add3A_23, %add3A_853] : memref<128x16xf32, #tpu.memory_space<vmem>>[vector<16xi32>, vector<16xi32>], vector<16xf32>,
      %mul3A_1054 = arith.mulf %gather3A_1053, %mul3A_1043 : vector<16xf32>
      %add3A_1055 = arith.addf %add3A_1042, %mul3A_1054 : vector<16xf32>
      %mul3A_1056 = arith.mulf %mul3A_722, %mul3A_765 : vector<16xf32>
      %gather3A_1057 = tpu.vector_load_idx %arg20[%add3A_26, %add3A_844] : memref<128x16xf32, #tpu.memory_space<vmem>>[vector<16xi32>, vector<16xi32>], vector<16xf32>,
      %mul3A_1058 = arith.mulf %gather3A_1057, %mul3A_1056 : vector<16xf32>
      %add3A_1059 = arith.addf %add3A_1046, %mul3A_1058 : vector<16xf32>
      %gather3A_1060 = tpu.vector_load_idx %arg20[%add3A_26, %add3A_847] : memref<128x16xf32, #tpu.memory_space<vmem>>[vector<16xi32>, vector<16xi32>], vector<16xf32>,
      %mul3A_1061 = arith.mulf %gather3A_1060, %mul3A_1056 : vector<16xf32>
      %add3A_1062 = arith.addf %add3A_1049, %mul3A_1061 : vector<16xf32>
      %gather3A_1063 = tpu.vector_load_idx %arg20[%add3A_26, %add3A_850] : memref<128x16xf32, #tpu.memory_space<vmem>>[vector<16xi32>, vector<16xi32>], vector<16xf32>,
      %mul3A_1064 = arith.mulf %gather3A_1063, %mul3A_1056 : vector<16xf32>
      %add3A_1065 = arith.addf %add3A_1052, %mul3A_1064 : vector<16xf32>
      %gather3A_1066 = tpu.vector_load_idx %arg20[%add3A_26, %add3A_853] : memref<128x16xf32, #tpu.memory_space<vmem>>[vector<16xi32>, vector<16xi32>], vector<16xf32>,
      %mul3A_1067 = arith.mulf %gather3A_1066, %mul3A_1056 : vector<16xf32>
      %add3A_1068 = arith.addf %add3A_1055, %mul3A_1067 : vector<16xf32>
      %mul3A_1069 = arith.mulf %add3A_1059, %mul3A_778 : vector<16xf32>
      %mul3A_1070 = arith.mulf %add3A_1062, %add3A_789 : vector<16xf32>
      %add3A_1071 = arith.addf %mul3A_1069, %mul3A_1070 : vector<16xf32>
      %mul3A_1072 = arith.mulf %add3A_1065, %mul3A_800 : vector<16xf32>
      %mul3A_1073 = arith.mulf %add3A_1068, %mul3A_808 : vector<16xf32>
      %add3A_1074 = arith.addf %mul3A_1072, %mul3A_1073 : vector<16xf32>
      %add3A_1075 = arith.addf %add3A_1071, %add3A_1074 : vector<16xf32>
      %swap3A_1076 = arith.index_cast %mul3A_670 : i32 to index
      %swap3A_1077 = tpu.vector_load %arg10[%swap3A_1076] {strides = array<i32>} : memref<7872xf32, #tpu.memory_space<vmem>>, vector<16xf32>,
      tpu.vector_store %arg10[%swap3A_1076], %add3A_1075 {strides = array<i32>} : memref<7872xf32, #tpu.memory_space<vmem>>, vector<16xf32>,
      %add3A_1078 = arith.constant 1 : i32
      %add3A_1079 = arith.addi %mul3A_500, %add3A_1078 : i32
      %add3A_1080 = arith.constant 3 : i32
      %add3A_1081 = arith.addi %add3A_1079, %add3A_1080 : i32
      %mul3A_1082 = arith.constant 16 : i32
      %mul3A_1083 = arith.muli %add3A_1081, %mul3A_1082 : i32
      %get3A_1084 = arith.index_cast %mul3A_1083 : i32 to index
      %get3A_1085 = tpu.vector_load %arg7[%get3A_1084] {strides = array<i32>} : memref<7920xf32, #tpu.memory_space<vmem>>, vector<16xf32>,
      %get3A_1086 = arith.index_cast %mul3A_1083 : i32 to index
      %get3A_1087 = tpu.vector_load %arg8[%get3A_1086] {strides = array<i32>} : memref<7920xf32, #tpu.memory_space<vmem>>, vector<16xf32>,
      %get3A_1088 = arith.index_cast %mul3A_1083 : i32 to index
      %get3A_1089 = tpu.vector_load %arg9[%get3A_1088] {strides = array<i32>} : memref<7920xf32, #tpu.memory_space<vmem>>, vector<16xf32>,
      %convert_element_type3A_1090 = arith.fptosi %get3A_1085 : vector<16xf32> to vector<16xi32>
      %sub3A_1091 = arith.constant 1 : i32
      %sub3A_1092 = vector.broadcast %sub3A_1091 : i32 to vector<16xi32>
      %sub3A_1093 = arith.subi %convert_element_type3A_1090, %sub3A_1092 : vector<16xi32>
      %jit3A_1094 = arith.constant 0 : i32
      %jit3A_1095 = arith.constant 92 : i32
      %max3A_1096 = vector.broadcast %jit3A_1094 : i32 to vector<16xi32>
      %max3A_1097 = arith.maxsi %max3A_1096, %sub3A_1093 : vector<16xi32>
      %min3A_1098 = vector.broadcast %jit3A_1095 : i32 to vector<16xi32>
      %min3A_1099 = arith.minsi %min3A_1098, %max3A_1097 : vector<16xi32>
      %convert_element_type3A_1100 = arith.fptosi %get3A_1087 : vector<16xf32> to vector<16xi32>
      %sub3A_1101 = arith.constant 1 : i32
      %sub3A_1102 = vector.broadcast %sub3A_1101 : i32 to vector<16xi32>
      %sub3A_1103 = arith.subi %convert_element_type3A_1100, %sub3A_1102 : vector<16xi32>
      %jit3A_1104 = arith.constant 0 : i32
      %jit3A_1105 = arith.constant 92 : i32
      %max3A_1106 = vector.broadcast %jit3A_1104 : i32 to vector<16xi32>
      %max3A_1107 = arith.maxsi %max3A_1106, %sub3A_1103 : vector<16xi32>
      %min3A_1108 = vector.broadcast %jit3A_1105 : i32 to vector<16xi32>
      %min3A_1109 = arith.minsi %min3A_1108, %max3A_1107 : vector<16xi32>
      %convert_element_type3A_1110 = arith.fptosi %get3A_1089 : vector<16xf32> to vector<16xi32>
      %sub3A_1111 = arith.constant 1 : i32
      %sub3A_1112 = vector.broadcast %sub3A_1111 : i32 to vector<16xi32>
      %sub3A_1113 = arith.subi %convert_element_type3A_1110, %sub3A_1112 : vector<16xi32>
      %jit3A_1114 = arith.constant 0 : i32
      %jit3A_1115 = arith.constant 92 : i32
      %max3A_1116 = vector.broadcast %jit3A_1114 : i32 to vector<16xi32>
      %max3A_1117 = arith.maxsi %max3A_1116, %sub3A_1113 : vector<16xi32>
      %min3A_1118 = vector.broadcast %jit3A_1115 : i32 to vector<16xi32>
      %min3A_1119 = arith.minsi %min3A_1118, %max3A_1117 : vector<16xi32>
      %and3A_1120 = arith.constant 15 : i32
      %and3A_1121 = vector.broadcast %and3A_1120 : i32 to vector<16xi32>
      %and3A_1122 = arith.andi %min3A_1119, %and3A_1121 : vector<16xi32>
      %gt3A_1123 = arith.constant 12 : i32
      %gt3A_1124 = vector.broadcast %gt3A_1123 : i32 to vector<16xi32>
      %gt3A_1125 = arith.cmpi sgt, %and3A_1122, %gt3A_1124 : vector<16xi32>
      %jit3A_1126 = arith.constant 8 : i32
      %jit3A_1127 = arith.constant 0 : i32
      %broadcast_in_dim3A_1128 = vector.broadcast %jit3A_1126 : i32 to vector<16xi32>
      %broadcast_in_dim3A_1129 = vector.broadcast %jit3A_1127 : i32 to vector<16xi32>
      %select_n3A_1130 = arith.select %gt3A_1125, %broadcast_in_dim3A_1128, %broadcast_in_dim3A_1129 : vector<16xi1>, vector<16xi32>
      %sub3A_1131 = arith.subi %min3A_1119, %select_n3A_1130 : vector<16xi32>
      %jit3A_1132 = arith.constant 6 : i32
      %jit3A_1133 = arith.constant 0 : i32
      %broadcast_in_dim3A_1134 = vector.broadcast %jit3A_1132 : i32 to vector<16xi32>
      %broadcast_in_dim3A_1135 = vector.broadcast %jit3A_1133 : i32 to vector<16xi32>
      %select_n3A_1136 = arith.select %gt3A_1125, %broadcast_in_dim3A_1134, %broadcast_in_dim3A_1135 : vector<16xi1>, vector<16xi32>
      %shift_right_arithmetic3A_1137 = arith.constant 4 : i32
      %shift_right_arithmetic3A_1138 = vector.broadcast %shift_right_arithmetic3A_1137 : i32 to vector<16xi32>
      %shift_right_arithmetic3A_1139 = arith.shrsi %sub3A_1131, %shift_right_arithmetic3A_1138 : vector<16xi32>
      %add3A_1140 = arith.addi %select_n3A_1136, %shift_right_arithmetic3A_1139 : vector<16xi32>
      %and3A_1141 = arith.constant 15 : i32
      %and3A_1142 = vector.broadcast %and3A_1141 : i32 to vector<16xi32>
      %and3A_1143 = arith.andi %sub3A_1131, %and3A_1142 : vector<16xi32>
      %mul3A_1144 = arith.constant 96 : i32
      %mul3A_1145 = vector.broadcast %mul3A_1144 : i32 to vector<16xi32>
      %mul3A_1146 = arith.muli %min3A_1099, %mul3A_1145 : vector<16xi32>
      %add3A_1147 = arith.addi %mul3A_1146, %min3A_1109 : vector<16xi32>
      %mul3A_1148 = arith.constant 12 : i32
      %mul3A_1149 = vector.broadcast %mul3A_1148 : i32 to vector<16xi32>
      %mul3A_1150 = arith.muli %add3A_1147, %mul3A_1149 : vector<16xi32>
      %add3A_1151 = arith.addi %mul3A_1150, %add3A_1140 : vector<16xi32>
      %add3A_1152 = arith.constant 0 : i32
      %add3A_1153 = vector.broadcast %add3A_1152 : i32 to vector<16xi32>
      %add3A_1154 = arith.addi %add3A_1151, %add3A_1153 : vector<16xi32>
      %swap3A_1155 = arith.constant 0 : index
      %swap3A_1156 = tpu.vector_load %arg11[%swap3A_1155] {strides = array<i32>} : memref<128xi32, #tpu.memory_space<vmem>>, vector<16xi32>,
      tpu.vector_store %arg11[%swap3A_1155], %add3A_1154 {strides = array<i32>} : memref<128xi32, #tpu.memory_space<vmem>>, vector<16xi32>,
      %add3A_1157 = arith.constant 12 : i32
      %add3A_1158 = vector.broadcast %add3A_1157 : i32 to vector<16xi32>
      %add3A_1159 = arith.addi %add3A_1151, %add3A_1158 : vector<16xi32>
      %swap3A_1160 = arith.constant 16 : index
      %swap3A_1161 = tpu.vector_load %arg11[%swap3A_1160] {strides = array<i32>} : memref<128xi32, #tpu.memory_space<vmem>>, vector<16xi32>,
      tpu.vector_store %arg11[%swap3A_1160], %add3A_1159 {strides = array<i32>} : memref<128xi32, #tpu.memory_space<vmem>>, vector<16xi32>,
      %add3A_1162 = arith.constant 24 : i32
      %add3A_1163 = vector.broadcast %add3A_1162 : i32 to vector<16xi32>
      %add3A_1164 = arith.addi %add3A_1151, %add3A_1163 : vector<16xi32>
      %swap3A_1165 = arith.constant 32 : index
      %swap3A_1166 = tpu.vector_load %arg11[%swap3A_1165] {strides = array<i32>} : memref<128xi32, #tpu.memory_space<vmem>>, vector<16xi32>,
      tpu.vector_store %arg11[%swap3A_1165], %add3A_1164 {strides = array<i32>} : memref<128xi32, #tpu.memory_space<vmem>>, vector<16xi32>,
      %add3A_1167 = arith.constant 36 : i32
      %add3A_1168 = vector.broadcast %add3A_1167 : i32 to vector<16xi32>
      %add3A_1169 = arith.addi %add3A_1151, %add3A_1168 : vector<16xi32>
      %swap3A_1170 = arith.constant 48 : index
      %swap3A_1171 = tpu.vector_load %arg11[%swap3A_1170] {strides = array<i32>} : memref<128xi32, #tpu.memory_space<vmem>>, vector<16xi32>,
      tpu.vector_store %arg11[%swap3A_1170], %add3A_1169 {strides = array<i32>} : memref<128xi32, #tpu.memory_space<vmem>>, vector<16xi32>,
      %add3A_1172 = arith.constant 1152 : i32
      %add3A_1173 = vector.broadcast %add3A_1172 : i32 to vector<16xi32>
      %add3A_1174 = arith.addi %add3A_1151, %add3A_1173 : vector<16xi32>
      %swap3A_1175 = arith.constant 64 : index
      %swap3A_1176 = tpu.vector_load %arg11[%swap3A_1175] {strides = array<i32>} : memref<128xi32, #tpu.memory_space<vmem>>, vector<16xi32>,
      tpu.vector_store %arg11[%swap3A_1175], %add3A_1174 {strides = array<i32>} : memref<128xi32, #tpu.memory_space<vmem>>, vector<16xi32>,
      %add3A_1177 = arith.constant 1164 : i32
      %add3A_1178 = vector.broadcast %add3A_1177 : i32 to vector<16xi32>
      %add3A_1179 = arith.addi %add3A_1151, %add3A_1178 : vector<16xi32>
      %swap3A_1180 = arith.constant 80 : index
      %swap3A_1181 = tpu.vector_load %arg11[%swap3A_1180] {strides = array<i32>} : memref<128xi32, #tpu.memory_space<vmem>>, vector<16xi32>,
      tpu.vector_store %arg11[%swap3A_1180], %add3A_1179 {strides = array<i32>} : memref<128xi32, #tpu.memory_space<vmem>>, vector<16xi32>,
      %add3A_1182 = arith.constant 1176 : i32
      %add3A_1183 = vector.broadcast %add3A_1182 : i32 to vector<16xi32>
      %add3A_1184 = arith.addi %add3A_1151, %add3A_1183 : vector<16xi32>
      %swap3A_1185 = arith.constant 96 : index
      %swap3A_1186 = tpu.vector_load %arg11[%swap3A_1185] {strides = array<i32>} : memref<128xi32, #tpu.memory_space<vmem>>, vector<16xi32>,
      tpu.vector_store %arg11[%swap3A_1185], %add3A_1184 {strides = array<i32>} : memref<128xi32, #tpu.memory_space<vmem>>, vector<16xi32>,
      %add3A_1187 = arith.constant 1188 : i32
      %add3A_1188 = vector.broadcast %add3A_1187 : i32 to vector<16xi32>
      %add3A_1189 = arith.addi %add3A_1151, %add3A_1188 : vector<16xi32>
      %swap3A_1190 = arith.constant 112 : index
      %swap3A_1191 = tpu.vector_load %arg11[%swap3A_1190] {strides = array<i32>} : memref<128xi32, #tpu.memory_space<vmem>>, vector<16xi32>,
      tpu.vector_store %arg11[%swap3A_1190], %add3A_1189 {strides = array<i32>} : memref<128xi32, #tpu.memory_space<vmem>>, vector<16xi32>,
      %add3A_1192 = arith.constant 2304 : i32
      %add3A_1193 = vector.broadcast %add3A_1192 : i32 to vector<16xi32>
      %add3A_1194 = arith.addi %add3A_1151, %add3A_1193 : vector<16xi32>
      %swap3A_1195 = arith.constant 0 : index
      %swap3A_1196 = tpu.vector_load %arg12[%swap3A_1195] {strides = array<i32>} : memref<128xi32, #tpu.memory_space<vmem>>, vector<16xi32>,
      tpu.vector_store %arg12[%swap3A_1195], %add3A_1194 {strides = array<i32>} : memref<128xi32, #tpu.memory_space<vmem>>, vector<16xi32>,
      %add3A_1197 = arith.constant 2316 : i32
      %add3A_1198 = vector.broadcast %add3A_1197 : i32 to vector<16xi32>
      %add3A_1199 = arith.addi %add3A_1151, %add3A_1198 : vector<16xi32>
      %swap3A_1200 = arith.constant 16 : index
      %swap3A_1201 = tpu.vector_load %arg12[%swap3A_1200] {strides = array<i32>} : memref<128xi32, #tpu.memory_space<vmem>>, vector<16xi32>,
      tpu.vector_store %arg12[%swap3A_1200], %add3A_1199 {strides = array<i32>} : memref<128xi32, #tpu.memory_space<vmem>>, vector<16xi32>,
      %add3A_1202 = arith.constant 2328 : i32
      %add3A_1203 = vector.broadcast %add3A_1202 : i32 to vector<16xi32>
      %add3A_1204 = arith.addi %add3A_1151, %add3A_1203 : vector<16xi32>
      %swap3A_1205 = arith.constant 32 : index
      %swap3A_1206 = tpu.vector_load %arg12[%swap3A_1205] {strides = array<i32>} : memref<128xi32, #tpu.memory_space<vmem>>, vector<16xi32>,
      tpu.vector_store %arg12[%swap3A_1205], %add3A_1204 {strides = array<i32>} : memref<128xi32, #tpu.memory_space<vmem>>, vector<16xi32>,
      %add3A_1207 = arith.constant 2340 : i32
      %add3A_1208 = vector.broadcast %add3A_1207 : i32 to vector<16xi32>
      %add3A_1209 = arith.addi %add3A_1151, %add3A_1208 : vector<16xi32>
      %swap3A_1210 = arith.constant 48 : index
      %swap3A_1211 = tpu.vector_load %arg12[%swap3A_1210] {strides = array<i32>} : memref<128xi32, #tpu.memory_space<vmem>>, vector<16xi32>,
      tpu.vector_store %arg12[%swap3A_1210], %add3A_1209 {strides = array<i32>} : memref<128xi32, #tpu.memory_space<vmem>>, vector<16xi32>,
      %add3A_1212 = arith.constant 3456 : i32
      %add3A_1213 = vector.broadcast %add3A_1212 : i32 to vector<16xi32>
      %add3A_1214 = arith.addi %add3A_1151, %add3A_1213 : vector<16xi32>
      %swap3A_1215 = arith.constant 64 : index
      %swap3A_1216 = tpu.vector_load %arg12[%swap3A_1215] {strides = array<i32>} : memref<128xi32, #tpu.memory_space<vmem>>, vector<16xi32>,
      tpu.vector_store %arg12[%swap3A_1215], %add3A_1214 {strides = array<i32>} : memref<128xi32, #tpu.memory_space<vmem>>, vector<16xi32>,
      %add3A_1217 = arith.constant 3468 : i32
      %add3A_1218 = vector.broadcast %add3A_1217 : i32 to vector<16xi32>
      %add3A_1219 = arith.addi %add3A_1151, %add3A_1218 : vector<16xi32>
      %swap3A_1220 = arith.constant 80 : index
      %swap3A_1221 = tpu.vector_load %arg12[%swap3A_1220] {strides = array<i32>} : memref<128xi32, #tpu.memory_space<vmem>>, vector<16xi32>,
      tpu.vector_store %arg12[%swap3A_1220], %add3A_1219 {strides = array<i32>} : memref<128xi32, #tpu.memory_space<vmem>>, vector<16xi32>,
      %add3A_1222 = arith.constant 3480 : i32
      %add3A_1223 = vector.broadcast %add3A_1222 : i32 to vector<16xi32>
      %add3A_1224 = arith.addi %add3A_1151, %add3A_1223 : vector<16xi32>
      %swap3A_1225 = arith.constant 96 : index
      %swap3A_1226 = tpu.vector_load %arg12[%swap3A_1225] {strides = array<i32>} : memref<128xi32, #tpu.memory_space<vmem>>, vector<16xi32>,
      tpu.vector_store %arg12[%swap3A_1225], %add3A_1224 {strides = array<i32>} : memref<128xi32, #tpu.memory_space<vmem>>, vector<16xi32>,
      %add3A_1227 = arith.constant 3492 : i32
      %add3A_1228 = vector.broadcast %add3A_1227 : i32 to vector<16xi32>
      %add3A_1229 = arith.addi %add3A_1151, %add3A_1228 : vector<16xi32>
      %swap3A_1230 = arith.constant 112 : index
      %swap3A_1231 = tpu.vector_load %arg12[%swap3A_1230] {strides = array<i32>} : memref<128xi32, #tpu.memory_space<vmem>>, vector<16xi32>,
      tpu.vector_store %arg12[%swap3A_1230], %add3A_1229 {strides = array<i32>} : memref<128xi32, #tpu.memory_space<vmem>>, vector<16xi32>,
      %dma_start3A_1232 = arith.constant 0 : i32
      %dma_start3A_1233 = arith.constant 0 : i32
      %dma_start3A_1234 = tpu.memref_slice %arg2[%dma_start3A_1232, %dma_start3A_1233] : memref<110592x16xf32, #tpu.memory_space<hbm>> -> memref<110592x16xf32, #tpu.memory_space<hbm>>
      tpu.enqueue_indirect_dma source(%dma_start3A_1234 : memref<110592x16xf32, #tpu.memory_space<hbm>>) target(%arg19 : memref<128x16xf32, #tpu.memory_space<vmem>>) offsets(%arg11 : memref<128xi32, #tpu.memory_space<vmem>>) semaphore(%arg27 : memref<!tpu.dma_semaphore, #tpu.memory_space<semaphore_mem>>)
      %dma_start3A_1235 = arith.constant 0 : i32
      %dma_start3A_1236 = arith.constant 0 : i32
      %dma_start3A_1237 = tpu.memref_slice %arg2[%dma_start3A_1235, %dma_start3A_1236] : memref<110592x16xf32, #tpu.memory_space<hbm>> -> memref<110592x16xf32, #tpu.memory_space<hbm>>
      tpu.enqueue_indirect_dma source(%dma_start3A_1237 : memref<110592x16xf32, #tpu.memory_space<hbm>>) target(%arg20 : memref<128x16xf32, #tpu.memory_space<vmem>>) offsets(%arg12 : memref<128xi32, #tpu.memory_space<vmem>>) semaphore(%arg27 : memref<!tpu.dma_semaphore, #tpu.memory_space<semaphore_mem>>)
      %dma_wait3A_1238 = arith.constant 0 : i32
      %dma_wait3A_1239 = arith.constant 0 : i32
      %dma_wait3A_1240 = tpu.memref_slice %arg2[%dma_wait3A_1238, %dma_wait3A_1239] : memref<110592x16xf32, #tpu.memory_space<hbm>> -> memref<110592x16xf32, #tpu.memory_space<hbm>>
      tpu.wait_indirect_dma semaphore(%arg28 : memref<!tpu.dma_semaphore, #tpu.memory_space<semaphore_mem>>) src(%dma_wait3A_1240 : memref<110592x16xf32, #tpu.memory_space<hbm>>) dst(%arg21 : memref<128x16xf32, #tpu.memory_space<vmem>>)
      %dma_wait3A_1241 = arith.constant 0 : i32
      %dma_wait3A_1242 = arith.constant 0 : i32
      %dma_wait3A_1243 = tpu.memref_slice %arg2[%dma_wait3A_1241, %dma_wait3A_1242] : memref<110592x16xf32, #tpu.memory_space<hbm>> -> memref<110592x16xf32, #tpu.memory_space<hbm>>
      tpu.wait_indirect_dma semaphore(%arg28 : memref<!tpu.dma_semaphore, #tpu.memory_space<semaphore_mem>>) src(%dma_wait3A_1243 : memref<110592x16xf32, #tpu.memory_space<hbm>>) dst(%arg22 : memref<128x16xf32, #tpu.memory_space<vmem>>)
      %add3A_1244 = arith.constant 1 : i32
      %add3A_1245 = arith.addi %mul3A_500, %add3A_1244 : i32
      %mul3A_1246 = arith.constant 16 : i32
      %mul3A_1247 = arith.muli %add3A_1245, %mul3A_1246 : i32
      %get3A_1248 = arith.index_cast %mul3A_1247 : i32 to index
      %get3A_1249 = tpu.vector_load %arg7[%get3A_1248] {strides = array<i32>} : memref<7920xf32, #tpu.memory_space<vmem>>, vector<16xf32>,
      %get3A_1250 = arith.index_cast %mul3A_1247 : i32 to index
      %get3A_1251 = tpu.vector_load %arg8[%get3A_1250] {strides = array<i32>} : memref<7920xf32, #tpu.memory_space<vmem>>, vector<16xf32>,
      %get3A_1252 = arith.index_cast %mul3A_1247 : i32 to index
      %get3A_1253 = tpu.vector_load %arg9[%get3A_1252] {strides = array<i32>} : memref<7920xf32, #tpu.memory_space<vmem>>, vector<16xf32>,
      %convert_element_type3A_1254 = arith.fptosi %get3A_1249 : vector<16xf32> to vector<16xi32>
      %convert_element_type3A_1255 = arith.fptosi %get3A_1251 : vector<16xf32> to vector<16xi32>
      %convert_element_type3A_1256 = arith.fptosi %get3A_1253 : vector<16xf32> to vector<16xi32>
      %convert_element_type3A_1257 = arith.sitofp %convert_element_type3A_1254 : vector<16xi32> to vector<16xf32>
      %sub3A_1258 = arith.subf %get3A_1249, %convert_element_type3A_1257 : vector<16xf32>
      %mul3A_1259 = arith.constant -5.000000e-01 : f32
      %mul3A_1260 = vector.broadcast %mul3A_1259 : f32 to vector<16xf32>
      %mul3A_1261 = arith.mulf %mul3A_1260, %sub3A_1258 : vector<16xf32>
      %add3A_1262 = arith.constant 1.000000e+00 : f32
      %add3A_1263 = vector.broadcast %add3A_1262 : f32 to vector<16xf32>
      %add3A_1264 = arith.addf %mul3A_1261, %add3A_1263 : vector<16xf32>
      %mul3A_1265 = arith.mulf %add3A_1264, %sub3A_1258 : vector<16xf32>
      %sub3A_1266 = arith.constant 5.000000e-01 : f32
      %sub3A_1267 = vector.broadcast %sub3A_1266 : f32 to vector<16xf32>
      %sub3A_1268 = arith.subf %mul3A_1265, %sub3A_1267 : vector<16xf32>
      %mul3A_1269 = arith.mulf %sub3A_1268, %sub3A_1258 : vector<16xf32>
      %mul3A_1270 = arith.constant 1.500000e+00 : f32
      %mul3A_1271 = vector.broadcast %mul3A_1270 : f32 to vector<16xf32>
      %mul3A_1272 = arith.mulf %mul3A_1271, %sub3A_1258 : vector<16xf32>
      %sub3A_1273 = arith.constant 2.500000e+00 : f32
      %sub3A_1274 = vector.broadcast %sub3A_1273 : f32 to vector<16xf32>
      %sub3A_1275 = arith.subf %mul3A_1272, %sub3A_1274 : vector<16xf32>
      %mul3A_1276 = arith.mulf %sub3A_1275, %sub3A_1258 : vector<16xf32>
      %mul3A_1277 = arith.mulf %mul3A_1276, %sub3A_1258 : vector<16xf32>
      %add3A_1278 = arith.constant 1.000000e+00 : f32
      %add3A_1279 = vector.broadcast %add3A_1278 : f32 to vector<16xf32>
      %add3A_1280 = arith.addf %mul3A_1277, %add3A_1279 : vector<16xf32>
      %mul3A_1281 = arith.constant -1.500000e+00 : f32
      %mul3A_1282 = vector.broadcast %mul3A_1281 : f32 to vector<16xf32>
      %mul3A_1283 = arith.mulf %mul3A_1282, %sub3A_1258 : vector<16xf32>
      %add3A_1284 = arith.constant 2.000000e+00 : f32
      %add3A_1285 = vector.broadcast %add3A_1284 : f32 to vector<16xf32>
      %add3A_1286 = arith.addf %mul3A_1283, %add3A_1285 : vector<16xf32>
      %mul3A_1287 = arith.mulf %add3A_1286, %sub3A_1258 : vector<16xf32>
      %add3A_1288 = arith.constant 5.000000e-01 : f32
      %add3A_1289 = vector.broadcast %add3A_1288 : f32 to vector<16xf32>
      %add3A_1290 = arith.addf %mul3A_1287, %add3A_1289 : vector<16xf32>
      %mul3A_1291 = arith.mulf %add3A_1290, %sub3A_1258 : vector<16xf32>
      %mul3A_1292 = arith.constant 5.000000e-01 : f32
      %mul3A_1293 = vector.broadcast %mul3A_1292 : f32 to vector<16xf32>
      %mul3A_1294 = arith.mulf %mul3A_1293, %sub3A_1258 : vector<16xf32>
      %sub3A_1295 = arith.constant 5.000000e-01 : f32
      %sub3A_1296 = vector.broadcast %sub3A_1295 : f32 to vector<16xf32>
      %sub3A_1297 = arith.subf %mul3A_1294, %sub3A_1296 : vector<16xf32>
      %mul3A_1298 = arith.mulf %sub3A_1297, %sub3A_1258 : vector<16xf32>
      %mul3A_1299 = arith.mulf %mul3A_1298, %sub3A_1258 : vector<16xf32>
      %convert_element_type3A_1300 = arith.sitofp %convert_element_type3A_1255 : vector<16xi32> to vector<16xf32>
      %sub3A_1301 = arith.subf %get3A_1251, %convert_element_type3A_1300 : vector<16xf32>
      %mul3A_1302 = arith.constant -5.000000e-01 : f32
      %mul3A_1303 = vector.broadcast %mul3A_1302 : f32 to vector<16xf32>
      %mul3A_1304 = arith.mulf %mul3A_1303, %sub3A_1301 : vector<16xf32>
      %add3A_1305 = arith.constant 1.000000e+00 : f32
      %add3A_1306 = vector.broadcast %add3A_1305 : f32 to vector<16xf32>
      %add3A_1307 = arith.addf %mul3A_1304, %add3A_1306 : vector<16xf32>
      %mul3A_1308 = arith.mulf %add3A_1307, %sub3A_1301 : vector<16xf32>
      %sub3A_1309 = arith.constant 5.000000e-01 : f32
      %sub3A_1310 = vector.broadcast %sub3A_1309 : f32 to vector<16xf32>
      %sub3A_1311 = arith.subf %mul3A_1308, %sub3A_1310 : vector<16xf32>
      %mul3A_1312 = arith.mulf %sub3A_1311, %sub3A_1301 : vector<16xf32>
      %mul3A_1313 = arith.constant 1.500000e+00 : f32
      %mul3A_1314 = vector.broadcast %mul3A_1313 : f32 to vector<16xf32>
      %mul3A_1315 = arith.mulf %mul3A_1314, %sub3A_1301 : vector<16xf32>
      %sub3A_1316 = arith.constant 2.500000e+00 : f32
      %sub3A_1317 = vector.broadcast %sub3A_1316 : f32 to vector<16xf32>
      %sub3A_1318 = arith.subf %mul3A_1315, %sub3A_1317 : vector<16xf32>
      %mul3A_1319 = arith.mulf %sub3A_1318, %sub3A_1301 : vector<16xf32>
      %mul3A_1320 = arith.mulf %mul3A_1319, %sub3A_1301 : vector<16xf32>
      %add3A_1321 = arith.constant 1.000000e+00 : f32
      %add3A_1322 = vector.broadcast %add3A_1321 : f32 to vector<16xf32>
      %add3A_1323 = arith.addf %mul3A_1320, %add3A_1322 : vector<16xf32>
      %mul3A_1324 = arith.constant -1.500000e+00 : f32
      %mul3A_1325 = vector.broadcast %mul3A_1324 : f32 to vector<16xf32>
      %mul3A_1326 = arith.mulf %mul3A_1325, %sub3A_1301 : vector<16xf32>
      %add3A_1327 = arith.constant 2.000000e+00 : f32
      %add3A_1328 = vector.broadcast %add3A_1327 : f32 to vector<16xf32>
      %add3A_1329 = arith.addf %mul3A_1326, %add3A_1328 : vector<16xf32>
      %mul3A_1330 = arith.mulf %add3A_1329, %sub3A_1301 : vector<16xf32>
      %add3A_1331 = arith.constant 5.000000e-01 : f32
      %add3A_1332 = vector.broadcast %add3A_1331 : f32 to vector<16xf32>
      %add3A_1333 = arith.addf %mul3A_1330, %add3A_1332 : vector<16xf32>
      %mul3A_1334 = arith.mulf %add3A_1333, %sub3A_1301 : vector<16xf32>
      %mul3A_1335 = arith.constant 5.000000e-01 : f32
      %mul3A_1336 = vector.broadcast %mul3A_1335 : f32 to vector<16xf32>
      %mul3A_1337 = arith.mulf %mul3A_1336, %sub3A_1301 : vector<16xf32>
      %sub3A_1338 = arith.constant 5.000000e-01 : f32
      %sub3A_1339 = vector.broadcast %sub3A_1338 : f32 to vector<16xf32>
      %sub3A_1340 = arith.subf %mul3A_1337, %sub3A_1339 : vector<16xf32>
      %mul3A_1341 = arith.mulf %sub3A_1340, %sub3A_1301 : vector<16xf32>
      %mul3A_1342 = arith.mulf %mul3A_1341, %sub3A_1301 : vector<16xf32>
      %convert_element_type3A_1343 = arith.sitofp %convert_element_type3A_1256 : vector<16xi32> to vector<16xf32>
      %sub3A_1344 = arith.subf %get3A_1253, %convert_element_type3A_1343 : vector<16xf32>
      %mul3A_1345 = arith.constant -5.000000e-01 : f32
      %mul3A_1346 = vector.broadcast %mul3A_1345 : f32 to vector<16xf32>
      %mul3A_1347 = arith.mulf %mul3A_1346, %sub3A_1344 : vector<16xf32>
      %add3A_1348 = arith.constant 1.000000e+00 : f32
      %add3A_1349 = vector.broadcast %add3A_1348 : f32 to vector<16xf32>
      %add3A_1350 = arith.addf %mul3A_1347, %add3A_1349 : vector<16xf32>
      %mul3A_1351 = arith.mulf %add3A_1350, %sub3A_1344 : vector<16xf32>
      %sub3A_1352 = arith.constant 5.000000e-01 : f32
      %sub3A_1353 = vector.broadcast %sub3A_1352 : f32 to vector<16xf32>
      %sub3A_1354 = arith.subf %mul3A_1351, %sub3A_1353 : vector<16xf32>
      %mul3A_1355 = arith.mulf %sub3A_1354, %sub3A_1344 : vector<16xf32>
      %mul3A_1356 = arith.constant 1.500000e+00 : f32
      %mul3A_1357 = vector.broadcast %mul3A_1356 : f32 to vector<16xf32>
      %mul3A_1358 = arith.mulf %mul3A_1357, %sub3A_1344 : vector<16xf32>
      %sub3A_1359 = arith.constant 2.500000e+00 : f32
      %sub3A_1360 = vector.broadcast %sub3A_1359 : f32 to vector<16xf32>
      %sub3A_1361 = arith.subf %mul3A_1358, %sub3A_1360 : vector<16xf32>
      %mul3A_1362 = arith.mulf %sub3A_1361, %sub3A_1344 : vector<16xf32>
      %mul3A_1363 = arith.mulf %mul3A_1362, %sub3A_1344 : vector<16xf32>
      %add3A_1364 = arith.constant 1.000000e+00 : f32
      %add3A_1365 = vector.broadcast %add3A_1364 : f32 to vector<16xf32>
      %add3A_1366 = arith.addf %mul3A_1363, %add3A_1365 : vector<16xf32>
      %mul3A_1367 = arith.constant -1.500000e+00 : f32
      %mul3A_1368 = vector.broadcast %mul3A_1367 : f32 to vector<16xf32>
      %mul3A_1369 = arith.mulf %mul3A_1368, %sub3A_1344 : vector<16xf32>
      %add3A_1370 = arith.constant 2.000000e+00 : f32
      %add3A_1371 = vector.broadcast %add3A_1370 : f32 to vector<16xf32>
      %add3A_1372 = arith.addf %mul3A_1369, %add3A_1371 : vector<16xf32>
      %mul3A_1373 = arith.mulf %add3A_1372, %sub3A_1344 : vector<16xf32>
      %add3A_1374 = arith.constant 5.000000e-01 : f32
      %add3A_1375 = vector.broadcast %add3A_1374 : f32 to vector<16xf32>
      %add3A_1376 = arith.addf %mul3A_1373, %add3A_1375 : vector<16xf32>
      %mul3A_1377 = arith.mulf %add3A_1376, %sub3A_1344 : vector<16xf32>
      %mul3A_1378 = arith.constant 5.000000e-01 : f32
      %mul3A_1379 = vector.broadcast %mul3A_1378 : f32 to vector<16xf32>
      %mul3A_1380 = arith.mulf %mul3A_1379, %sub3A_1344 : vector<16xf32>
      %sub3A_1381 = arith.constant 5.000000e-01 : f32
      %sub3A_1382 = vector.broadcast %sub3A_1381 : f32 to vector<16xf32>
      %sub3A_1383 = arith.subf %mul3A_1380, %sub3A_1382 : vector<16xf32>
      %mul3A_1384 = arith.mulf %sub3A_1383, %sub3A_1344 : vector<16xf32>
      %mul3A_1385 = arith.mulf %mul3A_1384, %sub3A_1344 : vector<16xf32>
      %sub3A_1386 = arith.constant 1 : i32
      %sub3A_1387 = vector.broadcast %sub3A_1386 : i32 to vector<16xi32>
      %sub3A_1388 = arith.subi %convert_element_type3A_1256, %sub3A_1387 : vector<16xi32>
      %jit3A_1389 = arith.constant 0 : i32
      %jit3A_1390 = arith.constant 92 : i32
      %max3A_1391 = vector.broadcast %jit3A_1389 : i32 to vector<16xi32>
      %max3A_1392 = arith.maxsi %max3A_1391, %sub3A_1388 : vector<16xi32>
      %min3A_1393 = vector.broadcast %jit3A_1390 : i32 to vector<16xi32>
      %min3A_1394 = arith.minsi %min3A_1393, %max3A_1392 : vector<16xi32>
      %and3A_1395 = arith.constant 15 : i32
      %and3A_1396 = vector.broadcast %and3A_1395 : i32 to vector<16xi32>
      %and3A_1397 = arith.andi %min3A_1394, %and3A_1396 : vector<16xi32>
      %gt3A_1398 = arith.constant 12 : i32
      %gt3A_1399 = vector.broadcast %gt3A_1398 : i32 to vector<16xi32>
      %gt3A_1400 = arith.cmpi sgt, %and3A_1397, %gt3A_1399 : vector<16xi32>
      %jit3A_1401 = arith.constant 8 : i32
      %jit3A_1402 = arith.constant 0 : i32
      %broadcast_in_dim3A_1403 = vector.broadcast %jit3A_1401 : i32 to vector<16xi32>
      %broadcast_in_dim3A_1404 = vector.broadcast %jit3A_1402 : i32 to vector<16xi32>
      %select_n3A_1405 = arith.select %gt3A_1400, %broadcast_in_dim3A_1403, %broadcast_in_dim3A_1404 : vector<16xi1>, vector<16xi32>
      %sub3A_1406 = arith.subi %min3A_1394, %select_n3A_1405 : vector<16xi32>
      %jit3A_1407 = arith.constant 6 : i32
      %jit3A_1408 = arith.constant 0 : i32
      %broadcast_in_dim3A_1409 = vector.broadcast %jit3A_1407 : i32 to vector<16xi32>
      %broadcast_in_dim3A_1410 = vector.broadcast %jit3A_1408 : i32 to vector<16xi32>
      %select_n3A_1411 = arith.select %gt3A_1400, %broadcast_in_dim3A_1409, %broadcast_in_dim3A_1410 : vector<16xi1>, vector<16xi32>
      %shift_right_arithmetic3A_1412 = arith.constant 4 : i32
      %shift_right_arithmetic3A_1413 = vector.broadcast %shift_right_arithmetic3A_1412 : i32 to vector<16xi32>
      %shift_right_arithmetic3A_1414 = arith.shrsi %sub3A_1406, %shift_right_arithmetic3A_1413 : vector<16xi32>
      %add3A_1415 = arith.addi %select_n3A_1411, %shift_right_arithmetic3A_1414 : vector<16xi32>
      %and3A_1416 = arith.constant 15 : i32
      %and3A_1417 = vector.broadcast %and3A_1416 : i32 to vector<16xi32>
      %and3A_1418 = arith.andi %sub3A_1406, %and3A_1417 : vector<16xi32>
      %add3A_1419 = arith.constant 0 : i32
      %add3A_1420 = vector.broadcast %add3A_1419 : i32 to vector<16xi32>
      %add3A_1421 = arith.addi %and3A_1418, %add3A_1420 : vector<16xi32>
      %add3A_1422 = arith.constant 1 : i32
      %add3A_1423 = vector.broadcast %add3A_1422 : i32 to vector<16xi32>
      %add3A_1424 = arith.addi %and3A_1418, %add3A_1423 : vector<16xi32>
      %add3A_1425 = arith.constant 2 : i32
      %add3A_1426 = vector.broadcast %add3A_1425 : i32 to vector<16xi32>
      %add3A_1427 = arith.addi %and3A_1418, %add3A_1426 : vector<16xi32>
      %add3A_1428 = arith.constant 3 : i32
      %add3A_1429 = vector.broadcast %add3A_1428 : i32 to vector<16xi32>
      %add3A_1430 = arith.addi %and3A_1418, %add3A_1429 : vector<16xi32>
      %broadcast_in_dim3A_1431 = arith.constant 0.000000e+00 : f32
      %broadcast_in_dim3A_1432 = vector.broadcast %broadcast_in_dim3A_1431 : f32 to vector<16xf32>
      %broadcast_in_dim3A_1433 = arith.constant 0.000000e+00 : f32
      %broadcast_in_dim3A_1434 = vector.broadcast %broadcast_in_dim3A_1433 : f32 to vector<16xf32>
      %broadcast_in_dim3A_1435 = arith.constant 0.000000e+00 : f32
      %broadcast_in_dim3A_1436 = vector.broadcast %broadcast_in_dim3A_1435 : f32 to vector<16xf32>
      %broadcast_in_dim3A_1437 = arith.constant 0.000000e+00 : f32
      %broadcast_in_dim3A_1438 = vector.broadcast %broadcast_in_dim3A_1437 : f32 to vector<16xf32>
      %mul3A_1439 = arith.mulf %mul3A_1269, %mul3A_1312 : vector<16xf32>
      %gather3A_1440 = tpu.vector_load_idx %arg21[%add3A_5, %add3A_1421] : memref<128x16xf32, #tpu.memory_space<vmem>>[vector<16xi32>, vector<16xi32>], vector<16xf32>,
      %mul3A_1441 = arith.mulf %gather3A_1440, %mul3A_1439 : vector<16xf32>
      %add3A_1442 = arith.addf %broadcast_in_dim3A_1432, %mul3A_1441 : vector<16xf32>
      %gather3A_1443 = tpu.vector_load_idx %arg21[%add3A_5, %add3A_1424] : memref<128x16xf32, #tpu.memory_space<vmem>>[vector<16xi32>, vector<16xi32>], vector<16xf32>,
      %mul3A_1444 = arith.mulf %gather3A_1443, %mul3A_1439 : vector<16xf32>
      %add3A_1445 = arith.addf %broadcast_in_dim3A_1434, %mul3A_1444 : vector<16xf32>
      %gather3A_1446 = tpu.vector_load_idx %arg21[%add3A_5, %add3A_1427] : memref<128x16xf32, #tpu.memory_space<vmem>>[vector<16xi32>, vector<16xi32>], vector<16xf32>,
      %mul3A_1447 = arith.mulf %gather3A_1446, %mul3A_1439 : vector<16xf32>
      %add3A_1448 = arith.addf %broadcast_in_dim3A_1436, %mul3A_1447 : vector<16xf32>
      %gather3A_1449 = tpu.vector_load_idx %arg21[%add3A_5, %add3A_1430] : memref<128x16xf32, #tpu.memory_space<vmem>>[vector<16xi32>, vector<16xi32>], vector<16xf32>,
      %mul3A_1450 = arith.mulf %gather3A_1449, %mul3A_1439 : vector<16xf32>
      %add3A_1451 = arith.addf %broadcast_in_dim3A_1438, %mul3A_1450 : vector<16xf32>
      %mul3A_1452 = arith.mulf %mul3A_1269, %add3A_1323 : vector<16xf32>
      %gather3A_1453 = tpu.vector_load_idx %arg21[%add3A_8, %add3A_1421] : memref<128x16xf32, #tpu.memory_space<vmem>>[vector<16xi32>, vector<16xi32>], vector<16xf32>,
      %mul3A_1454 = arith.mulf %gather3A_1453, %mul3A_1452 : vector<16xf32>
      %add3A_1455 = arith.addf %add3A_1442, %mul3A_1454 : vector<16xf32>
      %gather3A_1456 = tpu.vector_load_idx %arg21[%add3A_8, %add3A_1424] : memref<128x16xf32, #tpu.memory_space<vmem>>[vector<16xi32>, vector<16xi32>], vector<16xf32>,
      %mul3A_1457 = arith.mulf %gather3A_1456, %mul3A_1452 : vector<16xf32>
      %add3A_1458 = arith.addf %add3A_1445, %mul3A_1457 : vector<16xf32>
      %gather3A_1459 = tpu.vector_load_idx %arg21[%add3A_8, %add3A_1427] : memref<128x16xf32, #tpu.memory_space<vmem>>[vector<16xi32>, vector<16xi32>], vector<16xf32>,
      %mul3A_1460 = arith.mulf %gather3A_1459, %mul3A_1452 : vector<16xf32>
      %add3A_1461 = arith.addf %add3A_1448, %mul3A_1460 : vector<16xf32>
      %gather3A_1462 = tpu.vector_load_idx %arg21[%add3A_8, %add3A_1430] : memref<128x16xf32, #tpu.memory_space<vmem>>[vector<16xi32>, vector<16xi32>], vector<16xf32>,
      %mul3A_1463 = arith.mulf %gather3A_1462, %mul3A_1452 : vector<16xf32>
      %add3A_1464 = arith.addf %add3A_1451, %mul3A_1463 : vector<16xf32>
      %mul3A_1465 = arith.mulf %mul3A_1269, %mul3A_1334 : vector<16xf32>
      %gather3A_1466 = tpu.vector_load_idx %arg21[%add3A_11, %add3A_1421] : memref<128x16xf32, #tpu.memory_space<vmem>>[vector<16xi32>, vector<16xi32>], vector<16xf32>,
      %mul3A_1467 = arith.mulf %gather3A_1466, %mul3A_1465 : vector<16xf32>
      %add3A_1468 = arith.addf %add3A_1455, %mul3A_1467 : vector<16xf32>
      %gather3A_1469 = tpu.vector_load_idx %arg21[%add3A_11, %add3A_1424] : memref<128x16xf32, #tpu.memory_space<vmem>>[vector<16xi32>, vector<16xi32>], vector<16xf32>,
      %mul3A_1470 = arith.mulf %gather3A_1469, %mul3A_1465 : vector<16xf32>
      %add3A_1471 = arith.addf %add3A_1458, %mul3A_1470 : vector<16xf32>
      %gather3A_1472 = tpu.vector_load_idx %arg21[%add3A_11, %add3A_1427] : memref<128x16xf32, #tpu.memory_space<vmem>>[vector<16xi32>, vector<16xi32>], vector<16xf32>,
      %mul3A_1473 = arith.mulf %gather3A_1472, %mul3A_1465 : vector<16xf32>
      %add3A_1474 = arith.addf %add3A_1461, %mul3A_1473 : vector<16xf32>
      %gather3A_1475 = tpu.vector_load_idx %arg21[%add3A_11, %add3A_1430] : memref<128x16xf32, #tpu.memory_space<vmem>>[vector<16xi32>, vector<16xi32>], vector<16xf32>,
      %mul3A_1476 = arith.mulf %gather3A_1475, %mul3A_1465 : vector<16xf32>
      %add3A_1477 = arith.addf %add3A_1464, %mul3A_1476 : vector<16xf32>
      %mul3A_1478 = arith.mulf %mul3A_1269, %mul3A_1342 : vector<16xf32>
      %gather3A_1479 = tpu.vector_load_idx %arg21[%add3A_14, %add3A_1421] : memref<128x16xf32, #tpu.memory_space<vmem>>[vector<16xi32>, vector<16xi32>], vector<16xf32>,
      %mul3A_1480 = arith.mulf %gather3A_1479, %mul3A_1478 : vector<16xf32>
      %add3A_1481 = arith.addf %add3A_1468, %mul3A_1480 : vector<16xf32>
      %gather3A_1482 = tpu.vector_load_idx %arg21[%add3A_14, %add3A_1424] : memref<128x16xf32, #tpu.memory_space<vmem>>[vector<16xi32>, vector<16xi32>], vector<16xf32>,
      %mul3A_1483 = arith.mulf %gather3A_1482, %mul3A_1478 : vector<16xf32>
      %add3A_1484 = arith.addf %add3A_1471, %mul3A_1483 : vector<16xf32>
      %gather3A_1485 = tpu.vector_load_idx %arg21[%add3A_14, %add3A_1427] : memref<128x16xf32, #tpu.memory_space<vmem>>[vector<16xi32>, vector<16xi32>], vector<16xf32>,
      %mul3A_1486 = arith.mulf %gather3A_1485, %mul3A_1478 : vector<16xf32>
      %add3A_1487 = arith.addf %add3A_1474, %mul3A_1486 : vector<16xf32>
      %gather3A_1488 = tpu.vector_load_idx %arg21[%add3A_14, %add3A_1430] : memref<128x16xf32, #tpu.memory_space<vmem>>[vector<16xi32>, vector<16xi32>], vector<16xf32>,
      %mul3A_1489 = arith.mulf %gather3A_1488, %mul3A_1478 : vector<16xf32>
      %add3A_1490 = arith.addf %add3A_1477, %mul3A_1489 : vector<16xf32>
      %mul3A_1491 = arith.mulf %add3A_1280, %mul3A_1312 : vector<16xf32>
      %gather3A_1492 = tpu.vector_load_idx %arg21[%add3A_17, %add3A_1421] : memref<128x16xf32, #tpu.memory_space<vmem>>[vector<16xi32>, vector<16xi32>], vector<16xf32>,
      %mul3A_1493 = arith.mulf %gather3A_1492, %mul3A_1491 : vector<16xf32>
      %add3A_1494 = arith.addf %add3A_1481, %mul3A_1493 : vector<16xf32>
      %gather3A_1495 = tpu.vector_load_idx %arg21[%add3A_17, %add3A_1424] : memref<128x16xf32, #tpu.memory_space<vmem>>[vector<16xi32>, vector<16xi32>], vector<16xf32>,
      %mul3A_1496 = arith.mulf %gather3A_1495, %mul3A_1491 : vector<16xf32>
      %add3A_1497 = arith.addf %add3A_1484, %mul3A_1496 : vector<16xf32>
      %gather3A_1498 = tpu.vector_load_idx %arg21[%add3A_17, %add3A_1427] : memref<128x16xf32, #tpu.memory_space<vmem>>[vector<16xi32>, vector<16xi32>], vector<16xf32>,
      %mul3A_1499 = arith.mulf %gather3A_1498, %mul3A_1491 : vector<16xf32>
      %add3A_1500 = arith.addf %add3A_1487, %mul3A_1499 : vector<16xf32>
      %gather3A_1501 = tpu.vector_load_idx %arg21[%add3A_17, %add3A_1430] : memref<128x16xf32, #tpu.memory_space<vmem>>[vector<16xi32>, vector<16xi32>], vector<16xf32>,
      %mul3A_1502 = arith.mulf %gather3A_1501, %mul3A_1491 : vector<16xf32>
      %add3A_1503 = arith.addf %add3A_1490, %mul3A_1502 : vector<16xf32>
      %mul3A_1504 = arith.mulf %add3A_1280, %add3A_1323 : vector<16xf32>
      %gather3A_1505 = tpu.vector_load_idx %arg21[%add3A_20, %add3A_1421] : memref<128x16xf32, #tpu.memory_space<vmem>>[vector<16xi32>, vector<16xi32>], vector<16xf32>,
      %mul3A_1506 = arith.mulf %gather3A_1505, %mul3A_1504 : vector<16xf32>
      %add3A_1507 = arith.addf %add3A_1494, %mul3A_1506 : vector<16xf32>
      %gather3A_1508 = tpu.vector_load_idx %arg21[%add3A_20, %add3A_1424] : memref<128x16xf32, #tpu.memory_space<vmem>>[vector<16xi32>, vector<16xi32>], vector<16xf32>,
      %mul3A_1509 = arith.mulf %gather3A_1508, %mul3A_1504 : vector<16xf32>
      %add3A_1510 = arith.addf %add3A_1497, %mul3A_1509 : vector<16xf32>
      %gather3A_1511 = tpu.vector_load_idx %arg21[%add3A_20, %add3A_1427] : memref<128x16xf32, #tpu.memory_space<vmem>>[vector<16xi32>, vector<16xi32>], vector<16xf32>,
      %mul3A_1512 = arith.mulf %gather3A_1511, %mul3A_1504 : vector<16xf32>
      %add3A_1513 = arith.addf %add3A_1500, %mul3A_1512 : vector<16xf32>
      %gather3A_1514 = tpu.vector_load_idx %arg21[%add3A_20, %add3A_1430] : memref<128x16xf32, #tpu.memory_space<vmem>>[vector<16xi32>, vector<16xi32>], vector<16xf32>,
      %mul3A_1515 = arith.mulf %gather3A_1514, %mul3A_1504 : vector<16xf32>
      %add3A_1516 = arith.addf %add3A_1503, %mul3A_1515 : vector<16xf32>
      %mul3A_1517 = arith.mulf %add3A_1280, %mul3A_1334 : vector<16xf32>
      %gather3A_1518 = tpu.vector_load_idx %arg21[%add3A_23, %add3A_1421] : memref<128x16xf32, #tpu.memory_space<vmem>>[vector<16xi32>, vector<16xi32>], vector<16xf32>,
      %mul3A_1519 = arith.mulf %gather3A_1518, %mul3A_1517 : vector<16xf32>
      %add3A_1520 = arith.addf %add3A_1507, %mul3A_1519 : vector<16xf32>
      %gather3A_1521 = tpu.vector_load_idx %arg21[%add3A_23, %add3A_1424] : memref<128x16xf32, #tpu.memory_space<vmem>>[vector<16xi32>, vector<16xi32>], vector<16xf32>,
      %mul3A_1522 = arith.mulf %gather3A_1521, %mul3A_1517 : vector<16xf32>
      %add3A_1523 = arith.addf %add3A_1510, %mul3A_1522 : vector<16xf32>
      %gather3A_1524 = tpu.vector_load_idx %arg21[%add3A_23, %add3A_1427] : memref<128x16xf32, #tpu.memory_space<vmem>>[vector<16xi32>, vector<16xi32>], vector<16xf32>,
      %mul3A_1525 = arith.mulf %gather3A_1524, %mul3A_1517 : vector<16xf32>
      %add3A_1526 = arith.addf %add3A_1513, %mul3A_1525 : vector<16xf32>
      %gather3A_1527 = tpu.vector_load_idx %arg21[%add3A_23, %add3A_1430] : memref<128x16xf32, #tpu.memory_space<vmem>>[vector<16xi32>, vector<16xi32>], vector<16xf32>,
      %mul3A_1528 = arith.mulf %gather3A_1527, %mul3A_1517 : vector<16xf32>
      %add3A_1529 = arith.addf %add3A_1516, %mul3A_1528 : vector<16xf32>
      %mul3A_1530 = arith.mulf %add3A_1280, %mul3A_1342 : vector<16xf32>
      %gather3A_1531 = tpu.vector_load_idx %arg21[%add3A_26, %add3A_1421] : memref<128x16xf32, #tpu.memory_space<vmem>>[vector<16xi32>, vector<16xi32>], vector<16xf32>,
      %mul3A_1532 = arith.mulf %gather3A_1531, %mul3A_1530 : vector<16xf32>
      %add3A_1533 = arith.addf %add3A_1520, %mul3A_1532 : vector<16xf32>
      %gather3A_1534 = tpu.vector_load_idx %arg21[%add3A_26, %add3A_1424] : memref<128x16xf32, #tpu.memory_space<vmem>>[vector<16xi32>, vector<16xi32>], vector<16xf32>,
      %mul3A_1535 = arith.mulf %gather3A_1534, %mul3A_1530 : vector<16xf32>
      %add3A_1536 = arith.addf %add3A_1523, %mul3A_1535 : vector<16xf32>
      %gather3A_1537 = tpu.vector_load_idx %arg21[%add3A_26, %add3A_1427] : memref<128x16xf32, #tpu.memory_space<vmem>>[vector<16xi32>, vector<16xi32>], vector<16xf32>,
      %mul3A_1538 = arith.mulf %gather3A_1537, %mul3A_1530 : vector<16xf32>
      %add3A_1539 = arith.addf %add3A_1526, %mul3A_1538 : vector<16xf32>
      %gather3A_1540 = tpu.vector_load_idx %arg21[%add3A_26, %add3A_1430] : memref<128x16xf32, #tpu.memory_space<vmem>>[vector<16xi32>, vector<16xi32>], vector<16xf32>,
      %mul3A_1541 = arith.mulf %gather3A_1540, %mul3A_1530 : vector<16xf32>
      %add3A_1542 = arith.addf %add3A_1529, %mul3A_1541 : vector<16xf32>
      %mul3A_1543 = arith.mulf %mul3A_1291, %mul3A_1312 : vector<16xf32>
      %gather3A_1544 = tpu.vector_load_idx %arg22[%add3A_5, %add3A_1421] : memref<128x16xf32, #tpu.memory_space<vmem>>[vector<16xi32>, vector<16xi32>], vector<16xf32>,
      %mul3A_1545 = arith.mulf %gather3A_1544, %mul3A_1543 : vector<16xf32>
      %add3A_1546 = arith.addf %add3A_1533, %mul3A_1545 : vector<16xf32>
      %gather3A_1547 = tpu.vector_load_idx %arg22[%add3A_5, %add3A_1424] : memref<128x16xf32, #tpu.memory_space<vmem>>[vector<16xi32>, vector<16xi32>], vector<16xf32>,
      %mul3A_1548 = arith.mulf %gather3A_1547, %mul3A_1543 : vector<16xf32>
      %add3A_1549 = arith.addf %add3A_1536, %mul3A_1548 : vector<16xf32>
      %gather3A_1550 = tpu.vector_load_idx %arg22[%add3A_5, %add3A_1427] : memref<128x16xf32, #tpu.memory_space<vmem>>[vector<16xi32>, vector<16xi32>], vector<16xf32>,
      %mul3A_1551 = arith.mulf %gather3A_1550, %mul3A_1543 : vector<16xf32>
      %add3A_1552 = arith.addf %add3A_1539, %mul3A_1551 : vector<16xf32>
      %gather3A_1553 = tpu.vector_load_idx %arg22[%add3A_5, %add3A_1430] : memref<128x16xf32, #tpu.memory_space<vmem>>[vector<16xi32>, vector<16xi32>], vector<16xf32>,
      %mul3A_1554 = arith.mulf %gather3A_1553, %mul3A_1543 : vector<16xf32>
      %add3A_1555 = arith.addf %add3A_1542, %mul3A_1554 : vector<16xf32>
      %mul3A_1556 = arith.mulf %mul3A_1291, %add3A_1323 : vector<16xf32>
      %gather3A_1557 = tpu.vector_load_idx %arg22[%add3A_8, %add3A_1421] : memref<128x16xf32, #tpu.memory_space<vmem>>[vector<16xi32>, vector<16xi32>], vector<16xf32>,
      %mul3A_1558 = arith.mulf %gather3A_1557, %mul3A_1556 : vector<16xf32>
      %add3A_1559 = arith.addf %add3A_1546, %mul3A_1558 : vector<16xf32>
      %gather3A_1560 = tpu.vector_load_idx %arg22[%add3A_8, %add3A_1424] : memref<128x16xf32, #tpu.memory_space<vmem>>[vector<16xi32>, vector<16xi32>], vector<16xf32>,
      %mul3A_1561 = arith.mulf %gather3A_1560, %mul3A_1556 : vector<16xf32>
      %add3A_1562 = arith.addf %add3A_1549, %mul3A_1561 : vector<16xf32>
      %gather3A_1563 = tpu.vector_load_idx %arg22[%add3A_8, %add3A_1427] : memref<128x16xf32, #tpu.memory_space<vmem>>[vector<16xi32>, vector<16xi32>], vector<16xf32>,
      %mul3A_1564 = arith.mulf %gather3A_1563, %mul3A_1556 : vector<16xf32>
      %add3A_1565 = arith.addf %add3A_1552, %mul3A_1564 : vector<16xf32>
      %gather3A_1566 = tpu.vector_load_idx %arg22[%add3A_8, %add3A_1430] : memref<128x16xf32, #tpu.memory_space<vmem>>[vector<16xi32>, vector<16xi32>], vector<16xf32>,
      %mul3A_1567 = arith.mulf %gather3A_1566, %mul3A_1556 : vector<16xf32>
      %add3A_1568 = arith.addf %add3A_1555, %mul3A_1567 : vector<16xf32>
      %mul3A_1569 = arith.mulf %mul3A_1291, %mul3A_1334 : vector<16xf32>
      %gather3A_1570 = tpu.vector_load_idx %arg22[%add3A_11, %add3A_1421] : memref<128x16xf32, #tpu.memory_space<vmem>>[vector<16xi32>, vector<16xi32>], vector<16xf32>,
      %mul3A_1571 = arith.mulf %gather3A_1570, %mul3A_1569 : vector<16xf32>
      %add3A_1572 = arith.addf %add3A_1559, %mul3A_1571 : vector<16xf32>
      %gather3A_1573 = tpu.vector_load_idx %arg22[%add3A_11, %add3A_1424] : memref<128x16xf32, #tpu.memory_space<vmem>>[vector<16xi32>, vector<16xi32>], vector<16xf32>,
      %mul3A_1574 = arith.mulf %gather3A_1573, %mul3A_1569 : vector<16xf32>
      %add3A_1575 = arith.addf %add3A_1562, %mul3A_1574 : vector<16xf32>
      %gather3A_1576 = tpu.vector_load_idx %arg22[%add3A_11, %add3A_1427] : memref<128x16xf32, #tpu.memory_space<vmem>>[vector<16xi32>, vector<16xi32>], vector<16xf32>,
      %mul3A_1577 = arith.mulf %gather3A_1576, %mul3A_1569 : vector<16xf32>
      %add3A_1578 = arith.addf %add3A_1565, %mul3A_1577 : vector<16xf32>
      %gather3A_1579 = tpu.vector_load_idx %arg22[%add3A_11, %add3A_1430] : memref<128x16xf32, #tpu.memory_space<vmem>>[vector<16xi32>, vector<16xi32>], vector<16xf32>,
      %mul3A_1580 = arith.mulf %gather3A_1579, %mul3A_1569 : vector<16xf32>
      %add3A_1581 = arith.addf %add3A_1568, %mul3A_1580 : vector<16xf32>
      %mul3A_1582 = arith.mulf %mul3A_1291, %mul3A_1342 : vector<16xf32>
      %gather3A_1583 = tpu.vector_load_idx %arg22[%add3A_14, %add3A_1421] : memref<128x16xf32, #tpu.memory_space<vmem>>[vector<16xi32>, vector<16xi32>], vector<16xf32>,
      %mul3A_1584 = arith.mulf %gather3A_1583, %mul3A_1582 : vector<16xf32>
      %add3A_1585 = arith.addf %add3A_1572, %mul3A_1584 : vector<16xf32>
      %gather3A_1586 = tpu.vector_load_idx %arg22[%add3A_14, %add3A_1424] : memref<128x16xf32, #tpu.memory_space<vmem>>[vector<16xi32>, vector<16xi32>], vector<16xf32>,
      %mul3A_1587 = arith.mulf %gather3A_1586, %mul3A_1582 : vector<16xf32>
      %add3A_1588 = arith.addf %add3A_1575, %mul3A_1587 : vector<16xf32>
      %gather3A_1589 = tpu.vector_load_idx %arg22[%add3A_14, %add3A_1427] : memref<128x16xf32, #tpu.memory_space<vmem>>[vector<16xi32>, vector<16xi32>], vector<16xf32>,
      %mul3A_1590 = arith.mulf %gather3A_1589, %mul3A_1582 : vector<16xf32>
      %add3A_1591 = arith.addf %add3A_1578, %mul3A_1590 : vector<16xf32>
      %gather3A_1592 = tpu.vector_load_idx %arg22[%add3A_14, %add3A_1430] : memref<128x16xf32, #tpu.memory_space<vmem>>[vector<16xi32>, vector<16xi32>], vector<16xf32>,
      %mul3A_1593 = arith.mulf %gather3A_1592, %mul3A_1582 : vector<16xf32>
      %add3A_1594 = arith.addf %add3A_1581, %mul3A_1593 : vector<16xf32>
      %mul3A_1595 = arith.mulf %mul3A_1299, %mul3A_1312 : vector<16xf32>
      %gather3A_1596 = tpu.vector_load_idx %arg22[%add3A_17, %add3A_1421] : memref<128x16xf32, #tpu.memory_space<vmem>>[vector<16xi32>, vector<16xi32>], vector<16xf32>,
      %mul3A_1597 = arith.mulf %gather3A_1596, %mul3A_1595 : vector<16xf32>
      %add3A_1598 = arith.addf %add3A_1585, %mul3A_1597 : vector<16xf32>
      %gather3A_1599 = tpu.vector_load_idx %arg22[%add3A_17, %add3A_1424] : memref<128x16xf32, #tpu.memory_space<vmem>>[vector<16xi32>, vector<16xi32>], vector<16xf32>,
      %mul3A_1600 = arith.mulf %gather3A_1599, %mul3A_1595 : vector<16xf32>
      %add3A_1601 = arith.addf %add3A_1588, %mul3A_1600 : vector<16xf32>
      %gather3A_1602 = tpu.vector_load_idx %arg22[%add3A_17, %add3A_1427] : memref<128x16xf32, #tpu.memory_space<vmem>>[vector<16xi32>, vector<16xi32>], vector<16xf32>,
      %mul3A_1603 = arith.mulf %gather3A_1602, %mul3A_1595 : vector<16xf32>
      %add3A_1604 = arith.addf %add3A_1591, %mul3A_1603 : vector<16xf32>
      %gather3A_1605 = tpu.vector_load_idx %arg22[%add3A_17, %add3A_1430] : memref<128x16xf32, #tpu.memory_space<vmem>>[vector<16xi32>, vector<16xi32>], vector<16xf32>,
      %mul3A_1606 = arith.mulf %gather3A_1605, %mul3A_1595 : vector<16xf32>
      %add3A_1607 = arith.addf %add3A_1594, %mul3A_1606 : vector<16xf32>
      %mul3A_1608 = arith.mulf %mul3A_1299, %add3A_1323 : vector<16xf32>
      %gather3A_1609 = tpu.vector_load_idx %arg22[%add3A_20, %add3A_1421] : memref<128x16xf32, #tpu.memory_space<vmem>>[vector<16xi32>, vector<16xi32>], vector<16xf32>,
      %mul3A_1610 = arith.mulf %gather3A_1609, %mul3A_1608 : vector<16xf32>
      %add3A_1611 = arith.addf %add3A_1598, %mul3A_1610 : vector<16xf32>
      %gather3A_1612 = tpu.vector_load_idx %arg22[%add3A_20, %add3A_1424] : memref<128x16xf32, #tpu.memory_space<vmem>>[vector<16xi32>, vector<16xi32>], vector<16xf32>,
      %mul3A_1613 = arith.mulf %gather3A_1612, %mul3A_1608 : vector<16xf32>
      %add3A_1614 = arith.addf %add3A_1601, %mul3A_1613 : vector<16xf32>
      %gather3A_1615 = tpu.vector_load_idx %arg22[%add3A_20, %add3A_1427] : memref<128x16xf32, #tpu.memory_space<vmem>>[vector<16xi32>, vector<16xi32>], vector<16xf32>,
      %mul3A_1616 = arith.mulf %gather3A_1615, %mul3A_1608 : vector<16xf32>
      %add3A_1617 = arith.addf %add3A_1604, %mul3A_1616 : vector<16xf32>
      %gather3A_1618 = tpu.vector_load_idx %arg22[%add3A_20, %add3A_1430] : memref<128x16xf32, #tpu.memory_space<vmem>>[vector<16xi32>, vector<16xi32>], vector<16xf32>,
      %mul3A_1619 = arith.mulf %gather3A_1618, %mul3A_1608 : vector<16xf32>
      %add3A_1620 = arith.addf %add3A_1607, %mul3A_1619 : vector<16xf32>
      %mul3A_1621 = arith.mulf %mul3A_1299, %mul3A_1334 : vector<16xf32>
      %gather3A_1622 = tpu.vector_load_idx %arg22[%add3A_23, %add3A_1421] : memref<128x16xf32, #tpu.memory_space<vmem>>[vector<16xi32>, vector<16xi32>], vector<16xf32>,
      %mul3A_1623 = arith.mulf %gather3A_1622, %mul3A_1621 : vector<16xf32>
      %add3A_1624 = arith.addf %add3A_1611, %mul3A_1623 : vector<16xf32>
      %gather3A_1625 = tpu.vector_load_idx %arg22[%add3A_23, %add3A_1424] : memref<128x16xf32, #tpu.memory_space<vmem>>[vector<16xi32>, vector<16xi32>], vector<16xf32>,
      %mul3A_1626 = arith.mulf %gather3A_1625, %mul3A_1621 : vector<16xf32>
      %add3A_1627 = arith.addf %add3A_1614, %mul3A_1626 : vector<16xf32>
      %gather3A_1628 = tpu.vector_load_idx %arg22[%add3A_23, %add3A_1427] : memref<128x16xf32, #tpu.memory_space<vmem>>[vector<16xi32>, vector<16xi32>], vector<16xf32>,
      %mul3A_1629 = arith.mulf %gather3A_1628, %mul3A_1621 : vector<16xf32>
      %add3A_1630 = arith.addf %add3A_1617, %mul3A_1629 : vector<16xf32>
      %gather3A_1631 = tpu.vector_load_idx %arg22[%add3A_23, %add3A_1430] : memref<128x16xf32, #tpu.memory_space<vmem>>[vector<16xi32>, vector<16xi32>], vector<16xf32>,
      %mul3A_1632 = arith.mulf %gather3A_1631, %mul3A_1621 : vector<16xf32>
      %add3A_1633 = arith.addf %add3A_1620, %mul3A_1632 : vector<16xf32>
      %mul3A_1634 = arith.mulf %mul3A_1299, %mul3A_1342 : vector<16xf32>
      %gather3A_1635 = tpu.vector_load_idx %arg22[%add3A_26, %add3A_1421] : memref<128x16xf32, #tpu.memory_space<vmem>>[vector<16xi32>, vector<16xi32>], vector<16xf32>,
      %mul3A_1636 = arith.mulf %gather3A_1635, %mul3A_1634 : vector<16xf32>
      %add3A_1637 = arith.addf %add3A_1624, %mul3A_1636 : vector<16xf32>
      %gather3A_1638 = tpu.vector_load_idx %arg22[%add3A_26, %add3A_1424] : memref<128x16xf32, #tpu.memory_space<vmem>>[vector<16xi32>, vector<16xi32>], vector<16xf32>,
      %mul3A_1639 = arith.mulf %gather3A_1638, %mul3A_1634 : vector<16xf32>
      %add3A_1640 = arith.addf %add3A_1627, %mul3A_1639 : vector<16xf32>
      %gather3A_1641 = tpu.vector_load_idx %arg22[%add3A_26, %add3A_1427] : memref<128x16xf32, #tpu.memory_space<vmem>>[vector<16xi32>, vector<16xi32>], vector<16xf32>,
      %mul3A_1642 = arith.mulf %gather3A_1641, %mul3A_1634 : vector<16xf32>
      %add3A_1643 = arith.addf %add3A_1630, %mul3A_1642 : vector<16xf32>
      %gather3A_1644 = tpu.vector_load_idx %arg22[%add3A_26, %add3A_1430] : memref<128x16xf32, #tpu.memory_space<vmem>>[vector<16xi32>, vector<16xi32>], vector<16xf32>,
      %mul3A_1645 = arith.mulf %gather3A_1644, %mul3A_1634 : vector<16xf32>
      %add3A_1646 = arith.addf %add3A_1633, %mul3A_1645 : vector<16xf32>
      %mul3A_1647 = arith.mulf %add3A_1637, %mul3A_1355 : vector<16xf32>
      %mul3A_1648 = arith.mulf %add3A_1640, %add3A_1366 : vector<16xf32>
      %add3A_1649 = arith.addf %mul3A_1647, %mul3A_1648 : vector<16xf32>
      %mul3A_1650 = arith.mulf %add3A_1643, %mul3A_1377 : vector<16xf32>
      %mul3A_1651 = arith.mulf %add3A_1646, %mul3A_1385 : vector<16xf32>
      %add3A_1652 = arith.addf %mul3A_1650, %mul3A_1651 : vector<16xf32>
      %add3A_1653 = arith.addf %add3A_1649, %add3A_1652 : vector<16xf32>
      %swap3A_1654 = arith.index_cast %mul3A_1247 : i32 to index
      %swap3A_1655 = tpu.vector_load %arg10[%swap3A_1654] {strides = array<i32>} : memref<7872xf32, #tpu.memory_space<vmem>>, vector<16xf32>,
      tpu.vector_store %arg10[%swap3A_1654], %add3A_1653 {strides = array<i32>} : memref<7872xf32, #tpu.memory_space<vmem>>, vector<16xf32>,
      %add3A_1656 = arith.constant 2 : i32
      %add3A_1657 = arith.addi %mul3A_500, %add3A_1656 : i32
      %add3A_1658 = arith.constant 3 : i32
      %add3A_1659 = arith.addi %add3A_1657, %add3A_1658 : i32
      %mul3A_1660 = arith.constant 16 : i32
      %mul3A_1661 = arith.muli %add3A_1659, %mul3A_1660 : i32
      %get3A_1662 = arith.index_cast %mul3A_1661 : i32 to index
      %get3A_1663 = tpu.vector_load %arg7[%get3A_1662] {strides = array<i32>} : memref<7920xf32, #tpu.memory_space<vmem>>, vector<16xf32>,
      %get3A_1664 = arith.index_cast %mul3A_1661 : i32 to index
      %get3A_1665 = tpu.vector_load %arg8[%get3A_1664] {strides = array<i32>} : memref<7920xf32, #tpu.memory_space<vmem>>, vector<16xf32>,
      %get3A_1666 = arith.index_cast %mul3A_1661 : i32 to index
      %get3A_1667 = tpu.vector_load %arg9[%get3A_1666] {strides = array<i32>} : memref<7920xf32, #tpu.memory_space<vmem>>, vector<16xf32>,
      %convert_element_type3A_1668 = arith.fptosi %get3A_1663 : vector<16xf32> to vector<16xi32>
      %sub3A_1669 = arith.constant 1 : i32
      %sub3A_1670 = vector.broadcast %sub3A_1669 : i32 to vector<16xi32>
      %sub3A_1671 = arith.subi %convert_element_type3A_1668, %sub3A_1670 : vector<16xi32>
      %jit3A_1672 = arith.constant 0 : i32
      %jit3A_1673 = arith.constant 92 : i32
      %max3A_1674 = vector.broadcast %jit3A_1672 : i32 to vector<16xi32>
      %max3A_1675 = arith.maxsi %max3A_1674, %sub3A_1671 : vector<16xi32>
      %min3A_1676 = vector.broadcast %jit3A_1673 : i32 to vector<16xi32>
      %min3A_1677 = arith.minsi %min3A_1676, %max3A_1675 : vector<16xi32>
      %convert_element_type3A_1678 = arith.fptosi %get3A_1665 : vector<16xf32> to vector<16xi32>
      %sub3A_1679 = arith.constant 1 : i32
      %sub3A_1680 = vector.broadcast %sub3A_1679 : i32 to vector<16xi32>
      %sub3A_1681 = arith.subi %convert_element_type3A_1678, %sub3A_1680 : vector<16xi32>
      %jit3A_1682 = arith.constant 0 : i32
      %jit3A_1683 = arith.constant 92 : i32
      %max3A_1684 = vector.broadcast %jit3A_1682 : i32 to vector<16xi32>
      %max3A_1685 = arith.maxsi %max3A_1684, %sub3A_1681 : vector<16xi32>
      %min3A_1686 = vector.broadcast %jit3A_1683 : i32 to vector<16xi32>
      %min3A_1687 = arith.minsi %min3A_1686, %max3A_1685 : vector<16xi32>
      %convert_element_type3A_1688 = arith.fptosi %get3A_1667 : vector<16xf32> to vector<16xi32>
      %sub3A_1689 = arith.constant 1 : i32
      %sub3A_1690 = vector.broadcast %sub3A_1689 : i32 to vector<16xi32>
      %sub3A_1691 = arith.subi %convert_element_type3A_1688, %sub3A_1690 : vector<16xi32>
      %jit3A_1692 = arith.constant 0 : i32
      %jit3A_1693 = arith.constant 92 : i32
      %max3A_1694 = vector.broadcast %jit3A_1692 : i32 to vector<16xi32>
      %max3A_1695 = arith.maxsi %max3A_1694, %sub3A_1691 : vector<16xi32>
      %min3A_1696 = vector.broadcast %jit3A_1693 : i32 to vector<16xi32>
      %min3A_1697 = arith.minsi %min3A_1696, %max3A_1695 : vector<16xi32>
      %and3A_1698 = arith.constant 15 : i32
      %and3A_1699 = vector.broadcast %and3A_1698 : i32 to vector<16xi32>
      %and3A_1700 = arith.andi %min3A_1697, %and3A_1699 : vector<16xi32>
      %gt3A_1701 = arith.constant 12 : i32
      %gt3A_1702 = vector.broadcast %gt3A_1701 : i32 to vector<16xi32>
      %gt3A_1703 = arith.cmpi sgt, %and3A_1700, %gt3A_1702 : vector<16xi32>
      %jit3A_1704 = arith.constant 8 : i32
      %jit3A_1705 = arith.constant 0 : i32
      %broadcast_in_dim3A_1706 = vector.broadcast %jit3A_1704 : i32 to vector<16xi32>
      %broadcast_in_dim3A_1707 = vector.broadcast %jit3A_1705 : i32 to vector<16xi32>
      %select_n3A_1708 = arith.select %gt3A_1703, %broadcast_in_dim3A_1706, %broadcast_in_dim3A_1707 : vector<16xi1>, vector<16xi32>
      %sub3A_1709 = arith.subi %min3A_1697, %select_n3A_1708 : vector<16xi32>
      %jit3A_1710 = arith.constant 6 : i32
      %jit3A_1711 = arith.constant 0 : i32
      %broadcast_in_dim3A_1712 = vector.broadcast %jit3A_1710 : i32 to vector<16xi32>
      %broadcast_in_dim3A_1713 = vector.broadcast %jit3A_1711 : i32 to vector<16xi32>
      %select_n3A_1714 = arith.select %gt3A_1703, %broadcast_in_dim3A_1712, %broadcast_in_dim3A_1713 : vector<16xi1>, vector<16xi32>
      %shift_right_arithmetic3A_1715 = arith.constant 4 : i32
      %shift_right_arithmetic3A_1716 = vector.broadcast %shift_right_arithmetic3A_1715 : i32 to vector<16xi32>
      %shift_right_arithmetic3A_1717 = arith.shrsi %sub3A_1709, %shift_right_arithmetic3A_1716 : vector<16xi32>
      %add3A_1718 = arith.addi %select_n3A_1714, %shift_right_arithmetic3A_1717 : vector<16xi32>
      %and3A_1719 = arith.constant 15 : i32
      %and3A_1720 = vector.broadcast %and3A_1719 : i32 to vector<16xi32>
      %and3A_1721 = arith.andi %sub3A_1709, %and3A_1720 : vector<16xi32>
      %mul3A_1722 = arith.constant 96 : i32
      %mul3A_1723 = vector.broadcast %mul3A_1722 : i32 to vector<16xi32>
      %mul3A_1724 = arith.muli %min3A_1677, %mul3A_1723 : vector<16xi32>
      %add3A_1725 = arith.addi %mul3A_1724, %min3A_1687 : vector<16xi32>
      %mul3A_1726 = arith.constant 12 : i32
      %mul3A_1727 = vector.broadcast %mul3A_1726 : i32 to vector<16xi32>
      %mul3A_1728 = arith.muli %add3A_1725, %mul3A_1727 : vector<16xi32>
      %add3A_1729 = arith.addi %mul3A_1728, %add3A_1718 : vector<16xi32>
      %add3A_1730 = arith.constant 0 : i32
      %add3A_1731 = vector.broadcast %add3A_1730 : i32 to vector<16xi32>
      %add3A_1732 = arith.addi %add3A_1729, %add3A_1731 : vector<16xi32>
      %swap3A_1733 = arith.constant 0 : index
      %swap3A_1734 = tpu.vector_load %arg13[%swap3A_1733] {strides = array<i32>} : memref<128xi32, #tpu.memory_space<vmem>>, vector<16xi32>,
      tpu.vector_store %arg13[%swap3A_1733], %add3A_1732 {strides = array<i32>} : memref<128xi32, #tpu.memory_space<vmem>>, vector<16xi32>,
      %add3A_1735 = arith.constant 12 : i32
      %add3A_1736 = vector.broadcast %add3A_1735 : i32 to vector<16xi32>
      %add3A_1737 = arith.addi %add3A_1729, %add3A_1736 : vector<16xi32>
      %swap3A_1738 = arith.constant 16 : index
      %swap3A_1739 = tpu.vector_load %arg13[%swap3A_1738] {strides = array<i32>} : memref<128xi32, #tpu.memory_space<vmem>>, vector<16xi32>,
      tpu.vector_store %arg13[%swap3A_1738], %add3A_1737 {strides = array<i32>} : memref<128xi32, #tpu.memory_space<vmem>>, vector<16xi32>,
      %add3A_1740 = arith.constant 24 : i32
      %add3A_1741 = vector.broadcast %add3A_1740 : i32 to vector<16xi32>
      %add3A_1742 = arith.addi %add3A_1729, %add3A_1741 : vector<16xi32>
      %swap3A_1743 = arith.constant 32 : index
      %swap3A_1744 = tpu.vector_load %arg13[%swap3A_1743] {strides = array<i32>} : memref<128xi32, #tpu.memory_space<vmem>>, vector<16xi32>,
      tpu.vector_store %arg13[%swap3A_1743], %add3A_1742 {strides = array<i32>} : memref<128xi32, #tpu.memory_space<vmem>>, vector<16xi32>,
      %add3A_1745 = arith.constant 36 : i32
      %add3A_1746 = vector.broadcast %add3A_1745 : i32 to vector<16xi32>
      %add3A_1747 = arith.addi %add3A_1729, %add3A_1746 : vector<16xi32>
      %swap3A_1748 = arith.constant 48 : index
      %swap3A_1749 = tpu.vector_load %arg13[%swap3A_1748] {strides = array<i32>} : memref<128xi32, #tpu.memory_space<vmem>>, vector<16xi32>,
      tpu.vector_store %arg13[%swap3A_1748], %add3A_1747 {strides = array<i32>} : memref<128xi32, #tpu.memory_space<vmem>>, vector<16xi32>,
      %add3A_1750 = arith.constant 1152 : i32
      %add3A_1751 = vector.broadcast %add3A_1750 : i32 to vector<16xi32>
      %add3A_1752 = arith.addi %add3A_1729, %add3A_1751 : vector<16xi32>
      %swap3A_1753 = arith.constant 64 : index
      %swap3A_1754 = tpu.vector_load %arg13[%swap3A_1753] {strides = array<i32>} : memref<128xi32, #tpu.memory_space<vmem>>, vector<16xi32>,
      tpu.vector_store %arg13[%swap3A_1753], %add3A_1752 {strides = array<i32>} : memref<128xi32, #tpu.memory_space<vmem>>, vector<16xi32>,
      %add3A_1755 = arith.constant 1164 : i32
      %add3A_1756 = vector.broadcast %add3A_1755 : i32 to vector<16xi32>
      %add3A_1757 = arith.addi %add3A_1729, %add3A_1756 : vector<16xi32>
      %swap3A_1758 = arith.constant 80 : index
      %swap3A_1759 = tpu.vector_load %arg13[%swap3A_1758] {strides = array<i32>} : memref<128xi32, #tpu.memory_space<vmem>>, vector<16xi32>,
      tpu.vector_store %arg13[%swap3A_1758], %add3A_1757 {strides = array<i32>} : memref<128xi32, #tpu.memory_space<vmem>>, vector<16xi32>,
      %add3A_1760 = arith.constant 1176 : i32
      %add3A_1761 = vector.broadcast %add3A_1760 : i32 to vector<16xi32>
      %add3A_1762 = arith.addi %add3A_1729, %add3A_1761 : vector<16xi32>
      %swap3A_1763 = arith.constant 96 : index
      %swap3A_1764 = tpu.vector_load %arg13[%swap3A_1763] {strides = array<i32>} : memref<128xi32, #tpu.memory_space<vmem>>, vector<16xi32>,
      tpu.vector_store %arg13[%swap3A_1763], %add3A_1762 {strides = array<i32>} : memref<128xi32, #tpu.memory_space<vmem>>, vector<16xi32>,
      %add3A_1765 = arith.constant 1188 : i32
      %add3A_1766 = vector.broadcast %add3A_1765 : i32 to vector<16xi32>
      %add3A_1767 = arith.addi %add3A_1729, %add3A_1766 : vector<16xi32>
      %swap3A_1768 = arith.constant 112 : index
      %swap3A_1769 = tpu.vector_load %arg13[%swap3A_1768] {strides = array<i32>} : memref<128xi32, #tpu.memory_space<vmem>>, vector<16xi32>,
      tpu.vector_store %arg13[%swap3A_1768], %add3A_1767 {strides = array<i32>} : memref<128xi32, #tpu.memory_space<vmem>>, vector<16xi32>,
      %add3A_1770 = arith.constant 2304 : i32
      %add3A_1771 = vector.broadcast %add3A_1770 : i32 to vector<16xi32>
      %add3A_1772 = arith.addi %add3A_1729, %add3A_1771 : vector<16xi32>
      %swap3A_1773 = arith.constant 0 : index
      %swap3A_1774 = tpu.vector_load %arg14[%swap3A_1773] {strides = array<i32>} : memref<128xi32, #tpu.memory_space<vmem>>, vector<16xi32>,
      tpu.vector_store %arg14[%swap3A_1773], %add3A_1772 {strides = array<i32>} : memref<128xi32, #tpu.memory_space<vmem>>, vector<16xi32>,
      %add3A_1775 = arith.constant 2316 : i32
      %add3A_1776 = vector.broadcast %add3A_1775 : i32 to vector<16xi32>
      %add3A_1777 = arith.addi %add3A_1729, %add3A_1776 : vector<16xi32>
      %swap3A_1778 = arith.constant 16 : index
      %swap3A_1779 = tpu.vector_load %arg14[%swap3A_1778] {strides = array<i32>} : memref<128xi32, #tpu.memory_space<vmem>>, vector<16xi32>,
      tpu.vector_store %arg14[%swap3A_1778], %add3A_1777 {strides = array<i32>} : memref<128xi32, #tpu.memory_space<vmem>>, vector<16xi32>,
      %add3A_1780 = arith.constant 2328 : i32
      %add3A_1781 = vector.broadcast %add3A_1780 : i32 to vector<16xi32>
      %add3A_1782 = arith.addi %add3A_1729, %add3A_1781 : vector<16xi32>
      %swap3A_1783 = arith.constant 32 : index
      %swap3A_1784 = tpu.vector_load %arg14[%swap3A_1783] {strides = array<i32>} : memref<128xi32, #tpu.memory_space<vmem>>, vector<16xi32>,
      tpu.vector_store %arg14[%swap3A_1783], %add3A_1782 {strides = array<i32>} : memref<128xi32, #tpu.memory_space<vmem>>, vector<16xi32>,
      %add3A_1785 = arith.constant 2340 : i32
      %add3A_1786 = vector.broadcast %add3A_1785 : i32 to vector<16xi32>
      %add3A_1787 = arith.addi %add3A_1729, %add3A_1786 : vector<16xi32>
      %swap3A_1788 = arith.constant 48 : index
      %swap3A_1789 = tpu.vector_load %arg14[%swap3A_1788] {strides = array<i32>} : memref<128xi32, #tpu.memory_space<vmem>>, vector<16xi32>,
      tpu.vector_store %arg14[%swap3A_1788], %add3A_1787 {strides = array<i32>} : memref<128xi32, #tpu.memory_space<vmem>>, vector<16xi32>,
      %add3A_1790 = arith.constant 3456 : i32
      %add3A_1791 = vector.broadcast %add3A_1790 : i32 to vector<16xi32>
      %add3A_1792 = arith.addi %add3A_1729, %add3A_1791 : vector<16xi32>
      %swap3A_1793 = arith.constant 64 : index
      %swap3A_1794 = tpu.vector_load %arg14[%swap3A_1793] {strides = array<i32>} : memref<128xi32, #tpu.memory_space<vmem>>, vector<16xi32>,
      tpu.vector_store %arg14[%swap3A_1793], %add3A_1792 {strides = array<i32>} : memref<128xi32, #tpu.memory_space<vmem>>, vector<16xi32>,
      %add3A_1795 = arith.constant 3468 : i32
      %add3A_1796 = vector.broadcast %add3A_1795 : i32 to vector<16xi32>
      %add3A_1797 = arith.addi %add3A_1729, %add3A_1796 : vector<16xi32>
      %swap3A_1798 = arith.constant 80 : index
      %swap3A_1799 = tpu.vector_load %arg14[%swap3A_1798] {strides = array<i32>} : memref<128xi32, #tpu.memory_space<vmem>>, vector<16xi32>,
      tpu.vector_store %arg14[%swap3A_1798], %add3A_1797 {strides = array<i32>} : memref<128xi32, #tpu.memory_space<vmem>>, vector<16xi32>,
      %add3A_1800 = arith.constant 3480 : i32
      %add3A_1801 = vector.broadcast %add3A_1800 : i32 to vector<16xi32>
      %add3A_1802 = arith.addi %add3A_1729, %add3A_1801 : vector<16xi32>
      %swap3A_1803 = arith.constant 96 : index
      %swap3A_1804 = tpu.vector_load %arg14[%swap3A_1803] {strides = array<i32>} : memref<128xi32, #tpu.memory_space<vmem>>, vector<16xi32>,
      tpu.vector_store %arg14[%swap3A_1803], %add3A_1802 {strides = array<i32>} : memref<128xi32, #tpu.memory_space<vmem>>, vector<16xi32>,
      %add3A_1805 = arith.constant 3492 : i32
      %add3A_1806 = vector.broadcast %add3A_1805 : i32 to vector<16xi32>
      %add3A_1807 = arith.addi %add3A_1729, %add3A_1806 : vector<16xi32>
      %swap3A_1808 = arith.constant 112 : index
      %swap3A_1809 = tpu.vector_load %arg14[%swap3A_1808] {strides = array<i32>} : memref<128xi32, #tpu.memory_space<vmem>>, vector<16xi32>,
      tpu.vector_store %arg14[%swap3A_1808], %add3A_1807 {strides = array<i32>} : memref<128xi32, #tpu.memory_space<vmem>>, vector<16xi32>,
      %dma_start3A_1810 = arith.constant 0 : i32
      %dma_start3A_1811 = arith.constant 0 : i32
      %dma_start3A_1812 = tpu.memref_slice %arg2[%dma_start3A_1810, %dma_start3A_1811] : memref<110592x16xf32, #tpu.memory_space<hbm>> -> memref<110592x16xf32, #tpu.memory_space<hbm>>
      tpu.enqueue_indirect_dma source(%dma_start3A_1812 : memref<110592x16xf32, #tpu.memory_space<hbm>>) target(%arg21 : memref<128x16xf32, #tpu.memory_space<vmem>>) offsets(%arg13 : memref<128xi32, #tpu.memory_space<vmem>>) semaphore(%arg28 : memref<!tpu.dma_semaphore, #tpu.memory_space<semaphore_mem>>)
      %dma_start3A_1813 = arith.constant 0 : i32
      %dma_start3A_1814 = arith.constant 0 : i32
      %dma_start3A_1815 = tpu.memref_slice %arg2[%dma_start3A_1813, %dma_start3A_1814] : memref<110592x16xf32, #tpu.memory_space<hbm>> -> memref<110592x16xf32, #tpu.memory_space<hbm>>
      tpu.enqueue_indirect_dma source(%dma_start3A_1815 : memref<110592x16xf32, #tpu.memory_space<hbm>>) target(%arg22 : memref<128x16xf32, #tpu.memory_space<vmem>>) offsets(%arg14 : memref<128xi32, #tpu.memory_space<vmem>>) semaphore(%arg28 : memref<!tpu.dma_semaphore, #tpu.memory_space<semaphore_mem>>)
      %dma_wait3A_1816 = arith.constant 0 : i32
      %dma_wait3A_1817 = arith.constant 0 : i32
      %dma_wait3A_1818 = tpu.memref_slice %arg2[%dma_wait3A_1816, %dma_wait3A_1817] : memref<110592x16xf32, #tpu.memory_space<hbm>> -> memref<110592x16xf32, #tpu.memory_space<hbm>>
      tpu.wait_indirect_dma semaphore(%arg29 : memref<!tpu.dma_semaphore, #tpu.memory_space<semaphore_mem>>) src(%dma_wait3A_1818 : memref<110592x16xf32, #tpu.memory_space<hbm>>) dst(%arg23 : memref<128x16xf32, #tpu.memory_space<vmem>>)
      %dma_wait3A_1819 = arith.constant 0 : i32
      %dma_wait3A_1820 = arith.constant 0 : i32
      %dma_wait3A_1821 = tpu.memref_slice %arg2[%dma_wait3A_1819, %dma_wait3A_1820] : memref<110592x16xf32, #tpu.memory_space<hbm>> -> memref<110592x16xf32, #tpu.memory_space<hbm>>
      tpu.wait_indirect_dma semaphore(%arg29 : memref<!tpu.dma_semaphore, #tpu.memory_space<semaphore_mem>>) src(%dma_wait3A_1821 : memref<110592x16xf32, #tpu.memory_space<hbm>>) dst(%arg24 : memref<128x16xf32, #tpu.memory_space<vmem>>)
      %add3A_1822 = arith.constant 2 : i32
      %add3A_1823 = arith.addi %mul3A_500, %add3A_1822 : i32
      %mul3A_1824 = arith.constant 16 : i32
      %mul3A_1825 = arith.muli %add3A_1823, %mul3A_1824 : i32
      %get3A_1826 = arith.index_cast %mul3A_1825 : i32 to index
      %get3A_1827 = tpu.vector_load %arg7[%get3A_1826] {strides = array<i32>} : memref<7920xf32, #tpu.memory_space<vmem>>, vector<16xf32>,
      %get3A_1828 = arith.index_cast %mul3A_1825 : i32 to index
      %get3A_1829 = tpu.vector_load %arg8[%get3A_1828] {strides = array<i32>} : memref<7920xf32, #tpu.memory_space<vmem>>, vector<16xf32>,
      %get3A_1830 = arith.index_cast %mul3A_1825 : i32 to index
      %get3A_1831 = tpu.vector_load %arg9[%get3A_1830] {strides = array<i32>} : memref<7920xf32, #tpu.memory_space<vmem>>, vector<16xf32>,
      %convert_element_type3A_1832 = arith.fptosi %get3A_1827 : vector<16xf32> to vector<16xi32>
      %convert_element_type3A_1833 = arith.fptosi %get3A_1829 : vector<16xf32> to vector<16xi32>
      %convert_element_type3A_1834 = arith.fptosi %get3A_1831 : vector<16xf32> to vector<16xi32>
      %convert_element_type3A_1835 = arith.sitofp %convert_element_type3A_1832 : vector<16xi32> to vector<16xf32>
      %sub3A_1836 = arith.subf %get3A_1827, %convert_element_type3A_1835 : vector<16xf32>
      %mul3A_1837 = arith.constant -5.000000e-01 : f32
      %mul3A_1838 = vector.broadcast %mul3A_1837 : f32 to vector<16xf32>
      %mul3A_1839 = arith.mulf %mul3A_1838, %sub3A_1836 : vector<16xf32>
      %add3A_1840 = arith.constant 1.000000e+00 : f32
      %add3A_1841 = vector.broadcast %add3A_1840 : f32 to vector<16xf32>
      %add3A_1842 = arith.addf %mul3A_1839, %add3A_1841 : vector<16xf32>
      %mul3A_1843 = arith.mulf %add3A_1842, %sub3A_1836 : vector<16xf32>
      %sub3A_1844 = arith.constant 5.000000e-01 : f32
      %sub3A_1845 = vector.broadcast %sub3A_1844 : f32 to vector<16xf32>
      %sub3A_1846 = arith.subf %mul3A_1843, %sub3A_1845 : vector<16xf32>
      %mul3A_1847 = arith.mulf %sub3A_1846, %sub3A_1836 : vector<16xf32>
      %mul3A_1848 = arith.constant 1.500000e+00 : f32
      %mul3A_1849 = vector.broadcast %mul3A_1848 : f32 to vector<16xf32>
      %mul3A_1850 = arith.mulf %mul3A_1849, %sub3A_1836 : vector<16xf32>
      %sub3A_1851 = arith.constant 2.500000e+00 : f32
      %sub3A_1852 = vector.broadcast %sub3A_1851 : f32 to vector<16xf32>
      %sub3A_1853 = arith.subf %mul3A_1850, %sub3A_1852 : vector<16xf32>
      %mul3A_1854 = arith.mulf %sub3A_1853, %sub3A_1836 : vector<16xf32>
      %mul3A_1855 = arith.mulf %mul3A_1854, %sub3A_1836 : vector<16xf32>
      %add3A_1856 = arith.constant 1.000000e+00 : f32
      %add3A_1857 = vector.broadcast %add3A_1856 : f32 to vector<16xf32>
      %add3A_1858 = arith.addf %mul3A_1855, %add3A_1857 : vector<16xf32>
      %mul3A_1859 = arith.constant -1.500000e+00 : f32
      %mul3A_1860 = vector.broadcast %mul3A_1859 : f32 to vector<16xf32>
      %mul3A_1861 = arith.mulf %mul3A_1860, %sub3A_1836 : vector<16xf32>
      %add3A_1862 = arith.constant 2.000000e+00 : f32
      %add3A_1863 = vector.broadcast %add3A_1862 : f32 to vector<16xf32>
      %add3A_1864 = arith.addf %mul3A_1861, %add3A_1863 : vector<16xf32>
      %mul3A_1865 = arith.mulf %add3A_1864, %sub3A_1836 : vector<16xf32>
      %add3A_1866 = arith.constant 5.000000e-01 : f32
      %add3A_1867 = vector.broadcast %add3A_1866 : f32 to vector<16xf32>
      %add3A_1868 = arith.addf %mul3A_1865, %add3A_1867 : vector<16xf32>
      %mul3A_1869 = arith.mulf %add3A_1868, %sub3A_1836 : vector<16xf32>
      %mul3A_1870 = arith.constant 5.000000e-01 : f32
      %mul3A_1871 = vector.broadcast %mul3A_1870 : f32 to vector<16xf32>
      %mul3A_1872 = arith.mulf %mul3A_1871, %sub3A_1836 : vector<16xf32>
      %sub3A_1873 = arith.constant 5.000000e-01 : f32
      %sub3A_1874 = vector.broadcast %sub3A_1873 : f32 to vector<16xf32>
      %sub3A_1875 = arith.subf %mul3A_1872, %sub3A_1874 : vector<16xf32>
      %mul3A_1876 = arith.mulf %sub3A_1875, %sub3A_1836 : vector<16xf32>
      %mul3A_1877 = arith.mulf %mul3A_1876, %sub3A_1836 : vector<16xf32>
      %convert_element_type3A_1878 = arith.sitofp %convert_element_type3A_1833 : vector<16xi32> to vector<16xf32>
      %sub3A_1879 = arith.subf %get3A_1829, %convert_element_type3A_1878 : vector<16xf32>
      %mul3A_1880 = arith.constant -5.000000e-01 : f32
      %mul3A_1881 = vector.broadcast %mul3A_1880 : f32 to vector<16xf32>
      %mul3A_1882 = arith.mulf %mul3A_1881, %sub3A_1879 : vector<16xf32>
      %add3A_1883 = arith.constant 1.000000e+00 : f32
      %add3A_1884 = vector.broadcast %add3A_1883 : f32 to vector<16xf32>
      %add3A_1885 = arith.addf %mul3A_1882, %add3A_1884 : vector<16xf32>
      %mul3A_1886 = arith.mulf %add3A_1885, %sub3A_1879 : vector<16xf32>
      %sub3A_1887 = arith.constant 5.000000e-01 : f32
      %sub3A_1888 = vector.broadcast %sub3A_1887 : f32 to vector<16xf32>
      %sub3A_1889 = arith.subf %mul3A_1886, %sub3A_1888 : vector<16xf32>
      %mul3A_1890 = arith.mulf %sub3A_1889, %sub3A_1879 : vector<16xf32>
      %mul3A_1891 = arith.constant 1.500000e+00 : f32
      %mul3A_1892 = vector.broadcast %mul3A_1891 : f32 to vector<16xf32>
      %mul3A_1893 = arith.mulf %mul3A_1892, %sub3A_1879 : vector<16xf32>
      %sub3A_1894 = arith.constant 2.500000e+00 : f32
      %sub3A_1895 = vector.broadcast %sub3A_1894 : f32 to vector<16xf32>
      %sub3A_1896 = arith.subf %mul3A_1893, %sub3A_1895 : vector<16xf32>
      %mul3A_1897 = arith.mulf %sub3A_1896, %sub3A_1879 : vector<16xf32>
      %mul3A_1898 = arith.mulf %mul3A_1897, %sub3A_1879 : vector<16xf32>
      %add3A_1899 = arith.constant 1.000000e+00 : f32
      %add3A_1900 = vector.broadcast %add3A_1899 : f32 to vector<16xf32>
      %add3A_1901 = arith.addf %mul3A_1898, %add3A_1900 : vector<16xf32>
      %mul3A_1902 = arith.constant -1.500000e+00 : f32
      %mul3A_1903 = vector.broadcast %mul3A_1902 : f32 to vector<16xf32>
      %mul3A_1904 = arith.mulf %mul3A_1903, %sub3A_1879 : vector<16xf32>
      %add3A_1905 = arith.constant 2.000000e+00 : f32
      %add3A_1906 = vector.broadcast %add3A_1905 : f32 to vector<16xf32>
      %add3A_1907 = arith.addf %mul3A_1904, %add3A_1906 : vector<16xf32>
      %mul3A_1908 = arith.mulf %add3A_1907, %sub3A_1879 : vector<16xf32>
      %add3A_1909 = arith.constant 5.000000e-01 : f32
      %add3A_1910 = vector.broadcast %add3A_1909 : f32 to vector<16xf32>
      %add3A_1911 = arith.addf %mul3A_1908, %add3A_1910 : vector<16xf32>
      %mul3A_1912 = arith.mulf %add3A_1911, %sub3A_1879 : vector<16xf32>
      %mul3A_1913 = arith.constant 5.000000e-01 : f32
      %mul3A_1914 = vector.broadcast %mul3A_1913 : f32 to vector<16xf32>
      %mul3A_1915 = arith.mulf %mul3A_1914, %sub3A_1879 : vector<16xf32>
      %sub3A_1916 = arith.constant 5.000000e-01 : f32
      %sub3A_1917 = vector.broadcast %sub3A_1916 : f32 to vector<16xf32>
      %sub3A_1918 = arith.subf %mul3A_1915, %sub3A_1917 : vector<16xf32>
      %mul3A_1919 = arith.mulf %sub3A_1918, %sub3A_1879 : vector<16xf32>
      %mul3A_1920 = arith.mulf %mul3A_1919, %sub3A_1879 : vector<16xf32>
      %convert_element_type3A_1921 = arith.sitofp %convert_element_type3A_1834 : vector<16xi32> to vector<16xf32>
      %sub3A_1922 = arith.subf %get3A_1831, %convert_element_type3A_1921 : vector<16xf32>
      %mul3A_1923 = arith.constant -5.000000e-01 : f32
      %mul3A_1924 = vector.broadcast %mul3A_1923 : f32 to vector<16xf32>
      %mul3A_1925 = arith.mulf %mul3A_1924, %sub3A_1922 : vector<16xf32>
      %add3A_1926 = arith.constant 1.000000e+00 : f32
      %add3A_1927 = vector.broadcast %add3A_1926 : f32 to vector<16xf32>
      %add3A_1928 = arith.addf %mul3A_1925, %add3A_1927 : vector<16xf32>
      %mul3A_1929 = arith.mulf %add3A_1928, %sub3A_1922 : vector<16xf32>
      %sub3A_1930 = arith.constant 5.000000e-01 : f32
      %sub3A_1931 = vector.broadcast %sub3A_1930 : f32 to vector<16xf32>
      %sub3A_1932 = arith.subf %mul3A_1929, %sub3A_1931 : vector<16xf32>
      %mul3A_1933 = arith.mulf %sub3A_1932, %sub3A_1922 : vector<16xf32>
      %mul3A_1934 = arith.constant 1.500000e+00 : f32
      %mul3A_1935 = vector.broadcast %mul3A_1934 : f32 to vector<16xf32>
      %mul3A_1936 = arith.mulf %mul3A_1935, %sub3A_1922 : vector<16xf32>
      %sub3A_1937 = arith.constant 2.500000e+00 : f32
      %sub3A_1938 = vector.broadcast %sub3A_1937 : f32 to vector<16xf32>
      %sub3A_1939 = arith.subf %mul3A_1936, %sub3A_1938 : vector<16xf32>
      %mul3A_1940 = arith.mulf %sub3A_1939, %sub3A_1922 : vector<16xf32>
      %mul3A_1941 = arith.mulf %mul3A_1940, %sub3A_1922 : vector<16xf32>
      %add3A_1942 = arith.constant 1.000000e+00 : f32
      %add3A_1943 = vector.broadcast %add3A_1942 : f32 to vector<16xf32>
      %add3A_1944 = arith.addf %mul3A_1941, %add3A_1943 : vector<16xf32>
      %mul3A_1945 = arith.constant -1.500000e+00 : f32
      %mul3A_1946 = vector.broadcast %mul3A_1945 : f32 to vector<16xf32>
      %mul3A_1947 = arith.mulf %mul3A_1946, %sub3A_1922 : vector<16xf32>
      %add3A_1948 = arith.constant 2.000000e+00 : f32
      %add3A_1949 = vector.broadcast %add3A_1948 : f32 to vector<16xf32>
      %add3A_1950 = arith.addf %mul3A_1947, %add3A_1949 : vector<16xf32>
      %mul3A_1951 = arith.mulf %add3A_1950, %sub3A_1922 : vector<16xf32>
      %add3A_1952 = arith.constant 5.000000e-01 : f32
      %add3A_1953 = vector.broadcast %add3A_1952 : f32 to vector<16xf32>
      %add3A_1954 = arith.addf %mul3A_1951, %add3A_1953 : vector<16xf32>
      %mul3A_1955 = arith.mulf %add3A_1954, %sub3A_1922 : vector<16xf32>
      %mul3A_1956 = arith.constant 5.000000e-01 : f32
      %mul3A_1957 = vector.broadcast %mul3A_1956 : f32 to vector<16xf32>
      %mul3A_1958 = arith.mulf %mul3A_1957, %sub3A_1922 : vector<16xf32>
      %sub3A_1959 = arith.constant 5.000000e-01 : f32
      %sub3A_1960 = vector.broadcast %sub3A_1959 : f32 to vector<16xf32>
      %sub3A_1961 = arith.subf %mul3A_1958, %sub3A_1960 : vector<16xf32>
      %mul3A_1962 = arith.mulf %sub3A_1961, %sub3A_1922 : vector<16xf32>
      %mul3A_1963 = arith.mulf %mul3A_1962, %sub3A_1922 : vector<16xf32>
      %sub3A_1964 = arith.constant 1 : i32
      %sub3A_1965 = vector.broadcast %sub3A_1964 : i32 to vector<16xi32>
      %sub3A_1966 = arith.subi %convert_element_type3A_1834, %sub3A_1965 : vector<16xi32>
      %jit3A_1967 = arith.constant 0 : i32
      %jit3A_1968 = arith.constant 92 : i32
      %max3A_1969 = vector.broadcast %jit3A_1967 : i32 to vector<16xi32>
      %max3A_1970 = arith.maxsi %max3A_1969, %sub3A_1966 : vector<16xi32>
      %min3A_1971 = vector.broadcast %jit3A_1968 : i32 to vector<16xi32>
      %min3A_1972 = arith.minsi %min3A_1971, %max3A_1970 : vector<16xi32>
      %and3A_1973 = arith.constant 15 : i32
      %and3A_1974 = vector.broadcast %and3A_1973 : i32 to vector<16xi32>
      %and3A_1975 = arith.andi %min3A_1972, %and3A_1974 : vector<16xi32>
      %gt3A_1976 = arith.constant 12 : i32
      %gt3A_1977 = vector.broadcast %gt3A_1976 : i32 to vector<16xi32>
      %gt3A_1978 = arith.cmpi sgt, %and3A_1975, %gt3A_1977 : vector<16xi32>
      %jit3A_1979 = arith.constant 8 : i32
      %jit3A_1980 = arith.constant 0 : i32
      %broadcast_in_dim3A_1981 = vector.broadcast %jit3A_1979 : i32 to vector<16xi32>
      %broadcast_in_dim3A_1982 = vector.broadcast %jit3A_1980 : i32 to vector<16xi32>
      %select_n3A_1983 = arith.select %gt3A_1978, %broadcast_in_dim3A_1981, %broadcast_in_dim3A_1982 : vector<16xi1>, vector<16xi32>
      %sub3A_1984 = arith.subi %min3A_1972, %select_n3A_1983 : vector<16xi32>
      %jit3A_1985 = arith.constant 6 : i32
      %jit3A_1986 = arith.constant 0 : i32
      %broadcast_in_dim3A_1987 = vector.broadcast %jit3A_1985 : i32 to vector<16xi32>
      %broadcast_in_dim3A_1988 = vector.broadcast %jit3A_1986 : i32 to vector<16xi32>
      %select_n3A_1989 = arith.select %gt3A_1978, %broadcast_in_dim3A_1987, %broadcast_in_dim3A_1988 : vector<16xi1>, vector<16xi32>
      %shift_right_arithmetic3A_1990 = arith.constant 4 : i32
      %shift_right_arithmetic3A_1991 = vector.broadcast %shift_right_arithmetic3A_1990 : i32 to vector<16xi32>
      %shift_right_arithmetic3A_1992 = arith.shrsi %sub3A_1984, %shift_right_arithmetic3A_1991 : vector<16xi32>
      %add3A_1993 = arith.addi %select_n3A_1989, %shift_right_arithmetic3A_1992 : vector<16xi32>
      %and3A_1994 = arith.constant 15 : i32
      %and3A_1995 = vector.broadcast %and3A_1994 : i32 to vector<16xi32>
      %and3A_1996 = arith.andi %sub3A_1984, %and3A_1995 : vector<16xi32>
      %add3A_1997 = arith.constant 0 : i32
      %add3A_1998 = vector.broadcast %add3A_1997 : i32 to vector<16xi32>
      %add3A_1999 = arith.addi %and3A_1996, %add3A_1998 : vector<16xi32>
      %add3A_2000 = arith.constant 1 : i32
      %add3A_2001 = vector.broadcast %add3A_2000 : i32 to vector<16xi32>
      %add3A_2002 = arith.addi %and3A_1996, %add3A_2001 : vector<16xi32>
      %add3A_2003 = arith.constant 2 : i32
      %add3A_2004 = vector.broadcast %add3A_2003 : i32 to vector<16xi32>
      %add3A_2005 = arith.addi %and3A_1996, %add3A_2004 : vector<16xi32>
      %add3A_2006 = arith.constant 3 : i32
      %add3A_2007 = vector.broadcast %add3A_2006 : i32 to vector<16xi32>
      %add3A_2008 = arith.addi %and3A_1996, %add3A_2007 : vector<16xi32>
      %broadcast_in_dim3A_2009 = arith.constant 0.000000e+00 : f32
      %broadcast_in_dim3A_2010 = vector.broadcast %broadcast_in_dim3A_2009 : f32 to vector<16xf32>
      %broadcast_in_dim3A_2011 = arith.constant 0.000000e+00 : f32
      %broadcast_in_dim3A_2012 = vector.broadcast %broadcast_in_dim3A_2011 : f32 to vector<16xf32>
      %broadcast_in_dim3A_2013 = arith.constant 0.000000e+00 : f32
      %broadcast_in_dim3A_2014 = vector.broadcast %broadcast_in_dim3A_2013 : f32 to vector<16xf32>
      %broadcast_in_dim3A_2015 = arith.constant 0.000000e+00 : f32
      %broadcast_in_dim3A_2016 = vector.broadcast %broadcast_in_dim3A_2015 : f32 to vector<16xf32>
      %mul3A_2017 = arith.mulf %mul3A_1847, %mul3A_1890 : vector<16xf32>
      %gather3A_2018 = tpu.vector_load_idx %arg23[%add3A_5, %add3A_1999] : memref<128x16xf32, #tpu.memory_space<vmem>>[vector<16xi32>, vector<16xi32>], vector<16xf32>,
      %mul3A_2019 = arith.mulf %gather3A_2018, %mul3A_2017 : vector<16xf32>
      %add3A_2020 = arith.addf %broadcast_in_dim3A_2010, %mul3A_2019 : vector<16xf32>
      %gather3A_2021 = tpu.vector_load_idx %arg23[%add3A_5, %add3A_2002] : memref<128x16xf32, #tpu.memory_space<vmem>>[vector<16xi32>, vector<16xi32>], vector<16xf32>,
      %mul3A_2022 = arith.mulf %gather3A_2021, %mul3A_2017 : vector<16xf32>
      %add3A_2023 = arith.addf %broadcast_in_dim3A_2012, %mul3A_2022 : vector<16xf32>
      %gather3A_2024 = tpu.vector_load_idx %arg23[%add3A_5, %add3A_2005] : memref<128x16xf32, #tpu.memory_space<vmem>>[vector<16xi32>, vector<16xi32>], vector<16xf32>,
      %mul3A_2025 = arith.mulf %gather3A_2024, %mul3A_2017 : vector<16xf32>
      %add3A_2026 = arith.addf %broadcast_in_dim3A_2014, %mul3A_2025 : vector<16xf32>
      %gather3A_2027 = tpu.vector_load_idx %arg23[%add3A_5, %add3A_2008] : memref<128x16xf32, #tpu.memory_space<vmem>>[vector<16xi32>, vector<16xi32>], vector<16xf32>,
      %mul3A_2028 = arith.mulf %gather3A_2027, %mul3A_2017 : vector<16xf32>
      %add3A_2029 = arith.addf %broadcast_in_dim3A_2016, %mul3A_2028 : vector<16xf32>
      %mul3A_2030 = arith.mulf %mul3A_1847, %add3A_1901 : vector<16xf32>
      %gather3A_2031 = tpu.vector_load_idx %arg23[%add3A_8, %add3A_1999] : memref<128x16xf32, #tpu.memory_space<vmem>>[vector<16xi32>, vector<16xi32>], vector<16xf32>,
      %mul3A_2032 = arith.mulf %gather3A_2031, %mul3A_2030 : vector<16xf32>
      %add3A_2033 = arith.addf %add3A_2020, %mul3A_2032 : vector<16xf32>
      %gather3A_2034 = tpu.vector_load_idx %arg23[%add3A_8, %add3A_2002] : memref<128x16xf32, #tpu.memory_space<vmem>>[vector<16xi32>, vector<16xi32>], vector<16xf32>,
      %mul3A_2035 = arith.mulf %gather3A_2034, %mul3A_2030 : vector<16xf32>
      %add3A_2036 = arith.addf %add3A_2023, %mul3A_2035 : vector<16xf32>
      %gather3A_2037 = tpu.vector_load_idx %arg23[%add3A_8, %add3A_2005] : memref<128x16xf32, #tpu.memory_space<vmem>>[vector<16xi32>, vector<16xi32>], vector<16xf32>,
      %mul3A_2038 = arith.mulf %gather3A_2037, %mul3A_2030 : vector<16xf32>
      %add3A_2039 = arith.addf %add3A_2026, %mul3A_2038 : vector<16xf32>
      %gather3A_2040 = tpu.vector_load_idx %arg23[%add3A_8, %add3A_2008] : memref<128x16xf32, #tpu.memory_space<vmem>>[vector<16xi32>, vector<16xi32>], vector<16xf32>,
      %mul3A_2041 = arith.mulf %gather3A_2040, %mul3A_2030 : vector<16xf32>
      %add3A_2042 = arith.addf %add3A_2029, %mul3A_2041 : vector<16xf32>
      %mul3A_2043 = arith.mulf %mul3A_1847, %mul3A_1912 : vector<16xf32>
      %gather3A_2044 = tpu.vector_load_idx %arg23[%add3A_11, %add3A_1999] : memref<128x16xf32, #tpu.memory_space<vmem>>[vector<16xi32>, vector<16xi32>], vector<16xf32>,
      %mul3A_2045 = arith.mulf %gather3A_2044, %mul3A_2043 : vector<16xf32>
      %add3A_2046 = arith.addf %add3A_2033, %mul3A_2045 : vector<16xf32>
      %gather3A_2047 = tpu.vector_load_idx %arg23[%add3A_11, %add3A_2002] : memref<128x16xf32, #tpu.memory_space<vmem>>[vector<16xi32>, vector<16xi32>], vector<16xf32>,
      %mul3A_2048 = arith.mulf %gather3A_2047, %mul3A_2043 : vector<16xf32>
      %add3A_2049 = arith.addf %add3A_2036, %mul3A_2048 : vector<16xf32>
      %gather3A_2050 = tpu.vector_load_idx %arg23[%add3A_11, %add3A_2005] : memref<128x16xf32, #tpu.memory_space<vmem>>[vector<16xi32>, vector<16xi32>], vector<16xf32>,
      %mul3A_2051 = arith.mulf %gather3A_2050, %mul3A_2043 : vector<16xf32>
      %add3A_2052 = arith.addf %add3A_2039, %mul3A_2051 : vector<16xf32>
      %gather3A_2053 = tpu.vector_load_idx %arg23[%add3A_11, %add3A_2008] : memref<128x16xf32, #tpu.memory_space<vmem>>[vector<16xi32>, vector<16xi32>], vector<16xf32>,
      %mul3A_2054 = arith.mulf %gather3A_2053, %mul3A_2043 : vector<16xf32>
      %add3A_2055 = arith.addf %add3A_2042, %mul3A_2054 : vector<16xf32>
      %mul3A_2056 = arith.mulf %mul3A_1847, %mul3A_1920 : vector<16xf32>
      %gather3A_2057 = tpu.vector_load_idx %arg23[%add3A_14, %add3A_1999] : memref<128x16xf32, #tpu.memory_space<vmem>>[vector<16xi32>, vector<16xi32>], vector<16xf32>,
      %mul3A_2058 = arith.mulf %gather3A_2057, %mul3A_2056 : vector<16xf32>
      %add3A_2059 = arith.addf %add3A_2046, %mul3A_2058 : vector<16xf32>
      %gather3A_2060 = tpu.vector_load_idx %arg23[%add3A_14, %add3A_2002] : memref<128x16xf32, #tpu.memory_space<vmem>>[vector<16xi32>, vector<16xi32>], vector<16xf32>,
      %mul3A_2061 = arith.mulf %gather3A_2060, %mul3A_2056 : vector<16xf32>
      %add3A_2062 = arith.addf %add3A_2049, %mul3A_2061 : vector<16xf32>
      %gather3A_2063 = tpu.vector_load_idx %arg23[%add3A_14, %add3A_2005] : memref<128x16xf32, #tpu.memory_space<vmem>>[vector<16xi32>, vector<16xi32>], vector<16xf32>,
      %mul3A_2064 = arith.mulf %gather3A_2063, %mul3A_2056 : vector<16xf32>
      %add3A_2065 = arith.addf %add3A_2052, %mul3A_2064 : vector<16xf32>
      %gather3A_2066 = tpu.vector_load_idx %arg23[%add3A_14, %add3A_2008] : memref<128x16xf32, #tpu.memory_space<vmem>>[vector<16xi32>, vector<16xi32>], vector<16xf32>,
      %mul3A_2067 = arith.mulf %gather3A_2066, %mul3A_2056 : vector<16xf32>
      %add3A_2068 = arith.addf %add3A_2055, %mul3A_2067 : vector<16xf32>
      %mul3A_2069 = arith.mulf %add3A_1858, %mul3A_1890 : vector<16xf32>
      %gather3A_2070 = tpu.vector_load_idx %arg23[%add3A_17, %add3A_1999] : memref<128x16xf32, #tpu.memory_space<vmem>>[vector<16xi32>, vector<16xi32>], vector<16xf32>,
      %mul3A_2071 = arith.mulf %gather3A_2070, %mul3A_2069 : vector<16xf32>
      %add3A_2072 = arith.addf %add3A_2059, %mul3A_2071 : vector<16xf32>
      %gather3A_2073 = tpu.vector_load_idx %arg23[%add3A_17, %add3A_2002] : memref<128x16xf32, #tpu.memory_space<vmem>>[vector<16xi32>, vector<16xi32>], vector<16xf32>,
      %mul3A_2074 = arith.mulf %gather3A_2073, %mul3A_2069 : vector<16xf32>
      %add3A_2075 = arith.addf %add3A_2062, %mul3A_2074 : vector<16xf32>
      %gather3A_2076 = tpu.vector_load_idx %arg23[%add3A_17, %add3A_2005] : memref<128x16xf32, #tpu.memory_space<vmem>>[vector<16xi32>, vector<16xi32>], vector<16xf32>,
      %mul3A_2077 = arith.mulf %gather3A_2076, %mul3A_2069 : vector<16xf32>
      %add3A_2078 = arith.addf %add3A_2065, %mul3A_2077 : vector<16xf32>
      %gather3A_2079 = tpu.vector_load_idx %arg23[%add3A_17, %add3A_2008] : memref<128x16xf32, #tpu.memory_space<vmem>>[vector<16xi32>, vector<16xi32>], vector<16xf32>,
      %mul3A_2080 = arith.mulf %gather3A_2079, %mul3A_2069 : vector<16xf32>
      %add3A_2081 = arith.addf %add3A_2068, %mul3A_2080 : vector<16xf32>
      %mul3A_2082 = arith.mulf %add3A_1858, %add3A_1901 : vector<16xf32>
      %gather3A_2083 = tpu.vector_load_idx %arg23[%add3A_20, %add3A_1999] : memref<128x16xf32, #tpu.memory_space<vmem>>[vector<16xi32>, vector<16xi32>], vector<16xf32>,
      %mul3A_2084 = arith.mulf %gather3A_2083, %mul3A_2082 : vector<16xf32>
      %add3A_2085 = arith.addf %add3A_2072, %mul3A_2084 : vector<16xf32>
      %gather3A_2086 = tpu.vector_load_idx %arg23[%add3A_20, %add3A_2002] : memref<128x16xf32, #tpu.memory_space<vmem>>[vector<16xi32>, vector<16xi32>], vector<16xf32>,
      %mul3A_2087 = arith.mulf %gather3A_2086, %mul3A_2082 : vector<16xf32>
      %add3A_2088 = arith.addf %add3A_2075, %mul3A_2087 : vector<16xf32>
      %gather3A_2089 = tpu.vector_load_idx %arg23[%add3A_20, %add3A_2005] : memref<128x16xf32, #tpu.memory_space<vmem>>[vector<16xi32>, vector<16xi32>], vector<16xf32>,
      %mul3A_2090 = arith.mulf %gather3A_2089, %mul3A_2082 : vector<16xf32>
      %add3A_2091 = arith.addf %add3A_2078, %mul3A_2090 : vector<16xf32>
      %gather3A_2092 = tpu.vector_load_idx %arg23[%add3A_20, %add3A_2008] : memref<128x16xf32, #tpu.memory_space<vmem>>[vector<16xi32>, vector<16xi32>], vector<16xf32>,
      %mul3A_2093 = arith.mulf %gather3A_2092, %mul3A_2082 : vector<16xf32>
      %add3A_2094 = arith.addf %add3A_2081, %mul3A_2093 : vector<16xf32>
      %mul3A_2095 = arith.mulf %add3A_1858, %mul3A_1912 : vector<16xf32>
      %gather3A_2096 = tpu.vector_load_idx %arg23[%add3A_23, %add3A_1999] : memref<128x16xf32, #tpu.memory_space<vmem>>[vector<16xi32>, vector<16xi32>], vector<16xf32>,
      %mul3A_2097 = arith.mulf %gather3A_2096, %mul3A_2095 : vector<16xf32>
      %add3A_2098 = arith.addf %add3A_2085, %mul3A_2097 : vector<16xf32>
      %gather3A_2099 = tpu.vector_load_idx %arg23[%add3A_23, %add3A_2002] : memref<128x16xf32, #tpu.memory_space<vmem>>[vector<16xi32>, vector<16xi32>], vector<16xf32>,
      %mul3A_2100 = arith.mulf %gather3A_2099, %mul3A_2095 : vector<16xf32>
      %add3A_2101 = arith.addf %add3A_2088, %mul3A_2100 : vector<16xf32>
      %gather3A_2102 = tpu.vector_load_idx %arg23[%add3A_23, %add3A_2005] : memref<128x16xf32, #tpu.memory_space<vmem>>[vector<16xi32>, vector<16xi32>], vector<16xf32>,
      %mul3A_2103 = arith.mulf %gather3A_2102, %mul3A_2095 : vector<16xf32>
      %add3A_2104 = arith.addf %add3A_2091, %mul3A_2103 : vector<16xf32>
      %gather3A_2105 = tpu.vector_load_idx %arg23[%add3A_23, %add3A_2008] : memref<128x16xf32, #tpu.memory_space<vmem>>[vector<16xi32>, vector<16xi32>], vector<16xf32>,
      %mul3A_2106 = arith.mulf %gather3A_2105, %mul3A_2095 : vector<16xf32>
      %add3A_2107 = arith.addf %add3A_2094, %mul3A_2106 : vector<16xf32>
      %mul3A_2108 = arith.mulf %add3A_1858, %mul3A_1920 : vector<16xf32>
      %gather3A_2109 = tpu.vector_load_idx %arg23[%add3A_26, %add3A_1999] : memref<128x16xf32, #tpu.memory_space<vmem>>[vector<16xi32>, vector<16xi32>], vector<16xf32>,
      %mul3A_2110 = arith.mulf %gather3A_2109, %mul3A_2108 : vector<16xf32>
      %add3A_2111 = arith.addf %add3A_2098, %mul3A_2110 : vector<16xf32>
      %gather3A_2112 = tpu.vector_load_idx %arg23[%add3A_26, %add3A_2002] : memref<128x16xf32, #tpu.memory_space<vmem>>[vector<16xi32>, vector<16xi32>], vector<16xf32>,
      %mul3A_2113 = arith.mulf %gather3A_2112, %mul3A_2108 : vector<16xf32>
      %add3A_2114 = arith.addf %add3A_2101, %mul3A_2113 : vector<16xf32>
      %gather3A_2115 = tpu.vector_load_idx %arg23[%add3A_26, %add3A_2005] : memref<128x16xf32, #tpu.memory_space<vmem>>[vector<16xi32>, vector<16xi32>], vector<16xf32>,
      %mul3A_2116 = arith.mulf %gather3A_2115, %mul3A_2108 : vector<16xf32>
      %add3A_2117 = arith.addf %add3A_2104, %mul3A_2116 : vector<16xf32>
      %gather3A_2118 = tpu.vector_load_idx %arg23[%add3A_26, %add3A_2008] : memref<128x16xf32, #tpu.memory_space<vmem>>[vector<16xi32>, vector<16xi32>], vector<16xf32>,
      %mul3A_2119 = arith.mulf %gather3A_2118, %mul3A_2108 : vector<16xf32>
      %add3A_2120 = arith.addf %add3A_2107, %mul3A_2119 : vector<16xf32>
      %mul3A_2121 = arith.mulf %mul3A_1869, %mul3A_1890 : vector<16xf32>
      %gather3A_2122 = tpu.vector_load_idx %arg24[%add3A_5, %add3A_1999] : memref<128x16xf32, #tpu.memory_space<vmem>>[vector<16xi32>, vector<16xi32>], vector<16xf32>,
      %mul3A_2123 = arith.mulf %gather3A_2122, %mul3A_2121 : vector<16xf32>
      %add3A_2124 = arith.addf %add3A_2111, %mul3A_2123 : vector<16xf32>
      %gather3A_2125 = tpu.vector_load_idx %arg24[%add3A_5, %add3A_2002] : memref<128x16xf32, #tpu.memory_space<vmem>>[vector<16xi32>, vector<16xi32>], vector<16xf32>,
      %mul3A_2126 = arith.mulf %gather3A_2125, %mul3A_2121 : vector<16xf32>
      %add3A_2127 = arith.addf %add3A_2114, %mul3A_2126 : vector<16xf32>
      %gather3A_2128 = tpu.vector_load_idx %arg24[%add3A_5, %add3A_2005] : memref<128x16xf32, #tpu.memory_space<vmem>>[vector<16xi32>, vector<16xi32>], vector<16xf32>,
      %mul3A_2129 = arith.mulf %gather3A_2128, %mul3A_2121 : vector<16xf32>
      %add3A_2130 = arith.addf %add3A_2117, %mul3A_2129 : vector<16xf32>
      %gather3A_2131 = tpu.vector_load_idx %arg24[%add3A_5, %add3A_2008] : memref<128x16xf32, #tpu.memory_space<vmem>>[vector<16xi32>, vector<16xi32>], vector<16xf32>,
      %mul3A_2132 = arith.mulf %gather3A_2131, %mul3A_2121 : vector<16xf32>
      %add3A_2133 = arith.addf %add3A_2120, %mul3A_2132 : vector<16xf32>
      %mul3A_2134 = arith.mulf %mul3A_1869, %add3A_1901 : vector<16xf32>
      %gather3A_2135 = tpu.vector_load_idx %arg24[%add3A_8, %add3A_1999] : memref<128x16xf32, #tpu.memory_space<vmem>>[vector<16xi32>, vector<16xi32>], vector<16xf32>,
      %mul3A_2136 = arith.mulf %gather3A_2135, %mul3A_2134 : vector<16xf32>
      %add3A_2137 = arith.addf %add3A_2124, %mul3A_2136 : vector<16xf32>
      %gather3A_2138 = tpu.vector_load_idx %arg24[%add3A_8, %add3A_2002] : memref<128x16xf32, #tpu.memory_space<vmem>>[vector<16xi32>, vector<16xi32>], vector<16xf32>,
      %mul3A_2139 = arith.mulf %gather3A_2138, %mul3A_2134 : vector<16xf32>
      %add3A_2140 = arith.addf %add3A_2127, %mul3A_2139 : vector<16xf32>
      %gather3A_2141 = tpu.vector_load_idx %arg24[%add3A_8, %add3A_2005] : memref<128x16xf32, #tpu.memory_space<vmem>>[vector<16xi32>, vector<16xi32>], vector<16xf32>,
      %mul3A_2142 = arith.mulf %gather3A_2141, %mul3A_2134 : vector<16xf32>
      %add3A_2143 = arith.addf %add3A_2130, %mul3A_2142 : vector<16xf32>
      %gather3A_2144 = tpu.vector_load_idx %arg24[%add3A_8, %add3A_2008] : memref<128x16xf32, #tpu.memory_space<vmem>>[vector<16xi32>, vector<16xi32>], vector<16xf32>,
      %mul3A_2145 = arith.mulf %gather3A_2144, %mul3A_2134 : vector<16xf32>
      %add3A_2146 = arith.addf %add3A_2133, %mul3A_2145 : vector<16xf32>
      %mul3A_2147 = arith.mulf %mul3A_1869, %mul3A_1912 : vector<16xf32>
      %gather3A_2148 = tpu.vector_load_idx %arg24[%add3A_11, %add3A_1999] : memref<128x16xf32, #tpu.memory_space<vmem>>[vector<16xi32>, vector<16xi32>], vector<16xf32>,
      %mul3A_2149 = arith.mulf %gather3A_2148, %mul3A_2147 : vector<16xf32>
      %add3A_2150 = arith.addf %add3A_2137, %mul3A_2149 : vector<16xf32>
      %gather3A_2151 = tpu.vector_load_idx %arg24[%add3A_11, %add3A_2002] : memref<128x16xf32, #tpu.memory_space<vmem>>[vector<16xi32>, vector<16xi32>], vector<16xf32>,
      %mul3A_2152 = arith.mulf %gather3A_2151, %mul3A_2147 : vector<16xf32>
      %add3A_2153 = arith.addf %add3A_2140, %mul3A_2152 : vector<16xf32>
      %gather3A_2154 = tpu.vector_load_idx %arg24[%add3A_11, %add3A_2005] : memref<128x16xf32, #tpu.memory_space<vmem>>[vector<16xi32>, vector<16xi32>], vector<16xf32>,
      %mul3A_2155 = arith.mulf %gather3A_2154, %mul3A_2147 : vector<16xf32>
      %add3A_2156 = arith.addf %add3A_2143, %mul3A_2155 : vector<16xf32>
      %gather3A_2157 = tpu.vector_load_idx %arg24[%add3A_11, %add3A_2008] : memref<128x16xf32, #tpu.memory_space<vmem>>[vector<16xi32>, vector<16xi32>], vector<16xf32>,
      %mul3A_2158 = arith.mulf %gather3A_2157, %mul3A_2147 : vector<16xf32>
      %add3A_2159 = arith.addf %add3A_2146, %mul3A_2158 : vector<16xf32>
      %mul3A_2160 = arith.mulf %mul3A_1869, %mul3A_1920 : vector<16xf32>
      %gather3A_2161 = tpu.vector_load_idx %arg24[%add3A_14, %add3A_1999] : memref<128x16xf32, #tpu.memory_space<vmem>>[vector<16xi32>, vector<16xi32>], vector<16xf32>,
      %mul3A_2162 = arith.mulf %gather3A_2161, %mul3A_2160 : vector<16xf32>
      %add3A_2163 = arith.addf %add3A_2150, %mul3A_2162 : vector<16xf32>
      %gather3A_2164 = tpu.vector_load_idx %arg24[%add3A_14, %add3A_2002] : memref<128x16xf32, #tpu.memory_space<vmem>>[vector<16xi32>, vector<16xi32>], vector<16xf32>,
      %mul3A_2165 = arith.mulf %gather3A_2164, %mul3A_2160 : vector<16xf32>
      %add3A_2166 = arith.addf %add3A_2153, %mul3A_2165 : vector<16xf32>
      %gather3A_2167 = tpu.vector_load_idx %arg24[%add3A_14, %add3A_2005] : memref<128x16xf32, #tpu.memory_space<vmem>>[vector<16xi32>, vector<16xi32>], vector<16xf32>,
      %mul3A_2168 = arith.mulf %gather3A_2167, %mul3A_2160 : vector<16xf32>
      %add3A_2169 = arith.addf %add3A_2156, %mul3A_2168 : vector<16xf32>
      %gather3A_2170 = tpu.vector_load_idx %arg24[%add3A_14, %add3A_2008] : memref<128x16xf32, #tpu.memory_space<vmem>>[vector<16xi32>, vector<16xi32>], vector<16xf32>,
      %mul3A_2171 = arith.mulf %gather3A_2170, %mul3A_2160 : vector<16xf32>
      %add3A_2172 = arith.addf %add3A_2159, %mul3A_2171 : vector<16xf32>
      %mul3A_2173 = arith.mulf %mul3A_1877, %mul3A_1890 : vector<16xf32>
      %gather3A_2174 = tpu.vector_load_idx %arg24[%add3A_17, %add3A_1999] : memref<128x16xf32, #tpu.memory_space<vmem>>[vector<16xi32>, vector<16xi32>], vector<16xf32>,
      %mul3A_2175 = arith.mulf %gather3A_2174, %mul3A_2173 : vector<16xf32>
      %add3A_2176 = arith.addf %add3A_2163, %mul3A_2175 : vector<16xf32>
      %gather3A_2177 = tpu.vector_load_idx %arg24[%add3A_17, %add3A_2002] : memref<128x16xf32, #tpu.memory_space<vmem>>[vector<16xi32>, vector<16xi32>], vector<16xf32>,
      %mul3A_2178 = arith.mulf %gather3A_2177, %mul3A_2173 : vector<16xf32>
      %add3A_2179 = arith.addf %add3A_2166, %mul3A_2178 : vector<16xf32>
      %gather3A_2180 = tpu.vector_load_idx %arg24[%add3A_17, %add3A_2005] : memref<128x16xf32, #tpu.memory_space<vmem>>[vector<16xi32>, vector<16xi32>], vector<16xf32>,
      %mul3A_2181 = arith.mulf %gather3A_2180, %mul3A_2173 : vector<16xf32>
      %add3A_2182 = arith.addf %add3A_2169, %mul3A_2181 : vector<16xf32>
      %gather3A_2183 = tpu.vector_load_idx %arg24[%add3A_17, %add3A_2008] : memref<128x16xf32, #tpu.memory_space<vmem>>[vector<16xi32>, vector<16xi32>], vector<16xf32>,
      %mul3A_2184 = arith.mulf %gather3A_2183, %mul3A_2173 : vector<16xf32>
      %add3A_2185 = arith.addf %add3A_2172, %mul3A_2184 : vector<16xf32>
      %mul3A_2186 = arith.mulf %mul3A_1877, %add3A_1901 : vector<16xf32>
      %gather3A_2187 = tpu.vector_load_idx %arg24[%add3A_20, %add3A_1999] : memref<128x16xf32, #tpu.memory_space<vmem>>[vector<16xi32>, vector<16xi32>], vector<16xf32>,
      %mul3A_2188 = arith.mulf %gather3A_2187, %mul3A_2186 : vector<16xf32>
      %add3A_2189 = arith.addf %add3A_2176, %mul3A_2188 : vector<16xf32>
      %gather3A_2190 = tpu.vector_load_idx %arg24[%add3A_20, %add3A_2002] : memref<128x16xf32, #tpu.memory_space<vmem>>[vector<16xi32>, vector<16xi32>], vector<16xf32>,
      %mul3A_2191 = arith.mulf %gather3A_2190, %mul3A_2186 : vector<16xf32>
      %add3A_2192 = arith.addf %add3A_2179, %mul3A_2191 : vector<16xf32>
      %gather3A_2193 = tpu.vector_load_idx %arg24[%add3A_20, %add3A_2005] : memref<128x16xf32, #tpu.memory_space<vmem>>[vector<16xi32>, vector<16xi32>], vector<16xf32>,
      %mul3A_2194 = arith.mulf %gather3A_2193, %mul3A_2186 : vector<16xf32>
      %add3A_2195 = arith.addf %add3A_2182, %mul3A_2194 : vector<16xf32>
      %gather3A_2196 = tpu.vector_load_idx %arg24[%add3A_20, %add3A_2008] : memref<128x16xf32, #tpu.memory_space<vmem>>[vector<16xi32>, vector<16xi32>], vector<16xf32>,
      %mul3A_2197 = arith.mulf %gather3A_2196, %mul3A_2186 : vector<16xf32>
      %add3A_2198 = arith.addf %add3A_2185, %mul3A_2197 : vector<16xf32>
      %mul3A_2199 = arith.mulf %mul3A_1877, %mul3A_1912 : vector<16xf32>
      %gather3A_2200 = tpu.vector_load_idx %arg24[%add3A_23, %add3A_1999] : memref<128x16xf32, #tpu.memory_space<vmem>>[vector<16xi32>, vector<16xi32>], vector<16xf32>,
      %mul3A_2201 = arith.mulf %gather3A_2200, %mul3A_2199 : vector<16xf32>
      %add3A_2202 = arith.addf %add3A_2189, %mul3A_2201 : vector<16xf32>
      %gather3A_2203 = tpu.vector_load_idx %arg24[%add3A_23, %add3A_2002] : memref<128x16xf32, #tpu.memory_space<vmem>>[vector<16xi32>, vector<16xi32>], vector<16xf32>,
      %mul3A_2204 = arith.mulf %gather3A_2203, %mul3A_2199 : vector<16xf32>
      %add3A_2205 = arith.addf %add3A_2192, %mul3A_2204 : vector<16xf32>
      %gather3A_2206 = tpu.vector_load_idx %arg24[%add3A_23, %add3A_2005] : memref<128x16xf32, #tpu.memory_space<vmem>>[vector<16xi32>, vector<16xi32>], vector<16xf32>,
      %mul3A_2207 = arith.mulf %gather3A_2206, %mul3A_2199 : vector<16xf32>
      %add3A_2208 = arith.addf %add3A_2195, %mul3A_2207 : vector<16xf32>
      %gather3A_2209 = tpu.vector_load_idx %arg24[%add3A_23, %add3A_2008] : memref<128x16xf32, #tpu.memory_space<vmem>>[vector<16xi32>, vector<16xi32>], vector<16xf32>,
      %mul3A_2210 = arith.mulf %gather3A_2209, %mul3A_2199 : vector<16xf32>
      %add3A_2211 = arith.addf %add3A_2198, %mul3A_2210 : vector<16xf32>
      %mul3A_2212 = arith.mulf %mul3A_1877, %mul3A_1920 : vector<16xf32>
      %gather3A_2213 = tpu.vector_load_idx %arg24[%add3A_26, %add3A_1999] : memref<128x16xf32, #tpu.memory_space<vmem>>[vector<16xi32>, vector<16xi32>], vector<16xf32>,
      %mul3A_2214 = arith.mulf %gather3A_2213, %mul3A_2212 : vector<16xf32>
      %add3A_2215 = arith.addf %add3A_2202, %mul3A_2214 : vector<16xf32>
      %gather3A_2216 = tpu.vector_load_idx %arg24[%add3A_26, %add3A_2002] : memref<128x16xf32, #tpu.memory_space<vmem>>[vector<16xi32>, vector<16xi32>], vector<16xf32>,
      %mul3A_2217 = arith.mulf %gather3A_2216, %mul3A_2212 : vector<16xf32>
      %add3A_2218 = arith.addf %add3A_2205, %mul3A_2217 : vector<16xf32>
      %gather3A_2219 = tpu.vector_load_idx %arg24[%add3A_26, %add3A_2005] : memref<128x16xf32, #tpu.memory_space<vmem>>[vector<16xi32>, vector<16xi32>], vector<16xf32>,
      %mul3A_2220 = arith.mulf %gather3A_2219, %mul3A_2212 : vector<16xf32>
      %add3A_2221 = arith.addf %add3A_2208, %mul3A_2220 : vector<16xf32>
      %gather3A_2222 = tpu.vector_load_idx %arg24[%add3A_26, %add3A_2008] : memref<128x16xf32, #tpu.memory_space<vmem>>[vector<16xi32>, vector<16xi32>], vector<16xf32>,
      %mul3A_2223 = arith.mulf %gather3A_2222, %mul3A_2212 : vector<16xf32>
      %add3A_2224 = arith.addf %add3A_2211, %mul3A_2223 : vector<16xf32>
      %mul3A_2225 = arith.mulf %add3A_2215, %mul3A_1933 : vector<16xf32>
      %mul3A_2226 = arith.mulf %add3A_2218, %add3A_1944 : vector<16xf32>
      %add3A_2227 = arith.addf %mul3A_2225, %mul3A_2226 : vector<16xf32>
      %mul3A_2228 = arith.mulf %add3A_2221, %mul3A_1955 : vector<16xf32>
      %mul3A_2229 = arith.mulf %add3A_2224, %mul3A_1963 : vector<16xf32>
      %add3A_2230 = arith.addf %mul3A_2228, %mul3A_2229 : vector<16xf32>
      %add3A_2231 = arith.addf %add3A_2227, %add3A_2230 : vector<16xf32>
      %swap3A_2232 = arith.index_cast %mul3A_1825 : i32 to index
      %swap3A_2233 = tpu.vector_load %arg10[%swap3A_2232] {strides = array<i32>} : memref<7872xf32, #tpu.memory_space<vmem>>, vector<16xf32>,
      tpu.vector_store %arg10[%swap3A_2232], %add3A_2231 {strides = array<i32>} : memref<7872xf32, #tpu.memory_space<vmem>>, vector<16xf32>,
      %add3A_2234 = arith.constant 3 : i32
      %add3A_2235 = arith.addi %mul3A_500, %add3A_2234 : i32
      %add3A_2236 = arith.constant 3 : i32
      %add3A_2237 = arith.addi %add3A_2235, %add3A_2236 : i32
      %mul3A_2238 = arith.constant 16 : i32
      %mul3A_2239 = arith.muli %add3A_2237, %mul3A_2238 : i32
      %get3A_2240 = arith.index_cast %mul3A_2239 : i32 to index
      %get3A_2241 = tpu.vector_load %arg7[%get3A_2240] {strides = array<i32>} : memref<7920xf32, #tpu.memory_space<vmem>>, vector<16xf32>,
      %get3A_2242 = arith.index_cast %mul3A_2239 : i32 to index
      %get3A_2243 = tpu.vector_load %arg8[%get3A_2242] {strides = array<i32>} : memref<7920xf32, #tpu.memory_space<vmem>>, vector<16xf32>,
      %get3A_2244 = arith.index_cast %mul3A_2239 : i32 to index
      %get3A_2245 = tpu.vector_load %arg9[%get3A_2244] {strides = array<i32>} : memref<7920xf32, #tpu.memory_space<vmem>>, vector<16xf32>,
      %convert_element_type3A_2246 = arith.fptosi %get3A_2241 : vector<16xf32> to vector<16xi32>
      %sub3A_2247 = arith.constant 1 : i32
      %sub3A_2248 = vector.broadcast %sub3A_2247 : i32 to vector<16xi32>
      %sub3A_2249 = arith.subi %convert_element_type3A_2246, %sub3A_2248 : vector<16xi32>
      %jit3A_2250 = arith.constant 0 : i32
      %jit3A_2251 = arith.constant 92 : i32
      %max3A_2252 = vector.broadcast %jit3A_2250 : i32 to vector<16xi32>
      %max3A_2253 = arith.maxsi %max3A_2252, %sub3A_2249 : vector<16xi32>
      %min3A_2254 = vector.broadcast %jit3A_2251 : i32 to vector<16xi32>
      %min3A_2255 = arith.minsi %min3A_2254, %max3A_2253 : vector<16xi32>
      %convert_element_type3A_2256 = arith.fptosi %get3A_2243 : vector<16xf32> to vector<16xi32>
      %sub3A_2257 = arith.constant 1 : i32
      %sub3A_2258 = vector.broadcast %sub3A_2257 : i32 to vector<16xi32>
      %sub3A_2259 = arith.subi %convert_element_type3A_2256, %sub3A_2258 : vector<16xi32>
      %jit3A_2260 = arith.constant 0 : i32
      %jit3A_2261 = arith.constant 92 : i32
      %max3A_2262 = vector.broadcast %jit3A_2260 : i32 to vector<16xi32>
      %max3A_2263 = arith.maxsi %max3A_2262, %sub3A_2259 : vector<16xi32>
      %min3A_2264 = vector.broadcast %jit3A_2261 : i32 to vector<16xi32>
      %min3A_2265 = arith.minsi %min3A_2264, %max3A_2263 : vector<16xi32>
      %convert_element_type3A_2266 = arith.fptosi %get3A_2245 : vector<16xf32> to vector<16xi32>
      %sub3A_2267 = arith.constant 1 : i32
      %sub3A_2268 = vector.broadcast %sub3A_2267 : i32 to vector<16xi32>
      %sub3A_2269 = arith.subi %convert_element_type3A_2266, %sub3A_2268 : vector<16xi32>
      %jit3A_2270 = arith.constant 0 : i32
      %jit3A_2271 = arith.constant 92 : i32
      %max3A_2272 = vector.broadcast %jit3A_2270 : i32 to vector<16xi32>
      %max3A_2273 = arith.maxsi %max3A_2272, %sub3A_2269 : vector<16xi32>
      %min3A_2274 = vector.broadcast %jit3A_2271 : i32 to vector<16xi32>
      %min3A_2275 = arith.minsi %min3A_2274, %max3A_2273 : vector<16xi32>
      %and3A_2276 = arith.constant 15 : i32
      %and3A_2277 = vector.broadcast %and3A_2276 : i32 to vector<16xi32>
      %and3A_2278 = arith.andi %min3A_2275, %and3A_2277 : vector<16xi32>
      %gt3A_2279 = arith.constant 12 : i32
      %gt3A_2280 = vector.broadcast %gt3A_2279 : i32 to vector<16xi32>
      %gt3A_2281 = arith.cmpi sgt, %and3A_2278, %gt3A_2280 : vector<16xi32>
      %jit3A_2282 = arith.constant 8 : i32
      %jit3A_2283 = arith.constant 0 : i32
      %broadcast_in_dim3A_2284 = vector.broadcast %jit3A_2282 : i32 to vector<16xi32>
      %broadcast_in_dim3A_2285 = vector.broadcast %jit3A_2283 : i32 to vector<16xi32>
      %select_n3A_2286 = arith.select %gt3A_2281, %broadcast_in_dim3A_2284, %broadcast_in_dim3A_2285 : vector<16xi1>, vector<16xi32>
      %sub3A_2287 = arith.subi %min3A_2275, %select_n3A_2286 : vector<16xi32>
      %jit3A_2288 = arith.constant 6 : i32
      %jit3A_2289 = arith.constant 0 : i32
      %broadcast_in_dim3A_2290 = vector.broadcast %jit3A_2288 : i32 to vector<16xi32>
      %broadcast_in_dim3A_2291 = vector.broadcast %jit3A_2289 : i32 to vector<16xi32>
      %select_n3A_2292 = arith.select %gt3A_2281, %broadcast_in_dim3A_2290, %broadcast_in_dim3A_2291 : vector<16xi1>, vector<16xi32>
      %shift_right_arithmetic3A_2293 = arith.constant 4 : i32
      %shift_right_arithmetic3A_2294 = vector.broadcast %shift_right_arithmetic3A_2293 : i32 to vector<16xi32>
      %shift_right_arithmetic3A_2295 = arith.shrsi %sub3A_2287, %shift_right_arithmetic3A_2294 : vector<16xi32>
      %add3A_2296 = arith.addi %select_n3A_2292, %shift_right_arithmetic3A_2295 : vector<16xi32>
      %and3A_2297 = arith.constant 15 : i32
      %and3A_2298 = vector.broadcast %and3A_2297 : i32 to vector<16xi32>
      %and3A_2299 = arith.andi %sub3A_2287, %and3A_2298 : vector<16xi32>
      %mul3A_2300 = arith.constant 96 : i32
      %mul3A_2301 = vector.broadcast %mul3A_2300 : i32 to vector<16xi32>
      %mul3A_2302 = arith.muli %min3A_2255, %mul3A_2301 : vector<16xi32>
      %add3A_2303 = arith.addi %mul3A_2302, %min3A_2265 : vector<16xi32>
      %mul3A_2304 = arith.constant 12 : i32
      %mul3A_2305 = vector.broadcast %mul3A_2304 : i32 to vector<16xi32>
      %mul3A_2306 = arith.muli %add3A_2303, %mul3A_2305 : vector<16xi32>
      %add3A_2307 = arith.addi %mul3A_2306, %add3A_2296 : vector<16xi32>
      %add3A_2308 = arith.constant 0 : i32
      %add3A_2309 = vector.broadcast %add3A_2308 : i32 to vector<16xi32>
      %add3A_2310 = arith.addi %add3A_2307, %add3A_2309 : vector<16xi32>
      %swap3A_2311 = arith.constant 0 : index
      %swap3A_2312 = tpu.vector_load %arg15[%swap3A_2311] {strides = array<i32>} : memref<128xi32, #tpu.memory_space<vmem>>, vector<16xi32>,
      tpu.vector_store %arg15[%swap3A_2311], %add3A_2310 {strides = array<i32>} : memref<128xi32, #tpu.memory_space<vmem>>, vector<16xi32>,
      %add3A_2313 = arith.constant 12 : i32
      %add3A_2314 = vector.broadcast %add3A_2313 : i32 to vector<16xi32>
      %add3A_2315 = arith.addi %add3A_2307, %add3A_2314 : vector<16xi32>
      %swap3A_2316 = arith.constant 16 : index
      %swap3A_2317 = tpu.vector_load %arg15[%swap3A_2316] {strides = array<i32>} : memref<128xi32, #tpu.memory_space<vmem>>, vector<16xi32>,
      tpu.vector_store %arg15[%swap3A_2316], %add3A_2315 {strides = array<i32>} : memref<128xi32, #tpu.memory_space<vmem>>, vector<16xi32>,
      %add3A_2318 = arith.constant 24 : i32
      %add3A_2319 = vector.broadcast %add3A_2318 : i32 to vector<16xi32>
      %add3A_2320 = arith.addi %add3A_2307, %add3A_2319 : vector<16xi32>
      %swap3A_2321 = arith.constant 32 : index
      %swap3A_2322 = tpu.vector_load %arg15[%swap3A_2321] {strides = array<i32>} : memref<128xi32, #tpu.memory_space<vmem>>, vector<16xi32>,
      tpu.vector_store %arg15[%swap3A_2321], %add3A_2320 {strides = array<i32>} : memref<128xi32, #tpu.memory_space<vmem>>, vector<16xi32>,
      %add3A_2323 = arith.constant 36 : i32
      %add3A_2324 = vector.broadcast %add3A_2323 : i32 to vector<16xi32>
      %add3A_2325 = arith.addi %add3A_2307, %add3A_2324 : vector<16xi32>
      %swap3A_2326 = arith.constant 48 : index
      %swap3A_2327 = tpu.vector_load %arg15[%swap3A_2326] {strides = array<i32>} : memref<128xi32, #tpu.memory_space<vmem>>, vector<16xi32>,
      tpu.vector_store %arg15[%swap3A_2326], %add3A_2325 {strides = array<i32>} : memref<128xi32, #tpu.memory_space<vmem>>, vector<16xi32>,
      %add3A_2328 = arith.constant 1152 : i32
      %add3A_2329 = vector.broadcast %add3A_2328 : i32 to vector<16xi32>
      %add3A_2330 = arith.addi %add3A_2307, %add3A_2329 : vector<16xi32>
      %swap3A_2331 = arith.constant 64 : index
      %swap3A_2332 = tpu.vector_load %arg15[%swap3A_2331] {strides = array<i32>} : memref<128xi32, #tpu.memory_space<vmem>>, vector<16xi32>,
      tpu.vector_store %arg15[%swap3A_2331], %add3A_2330 {strides = array<i32>} : memref<128xi32, #tpu.memory_space<vmem>>, vector<16xi32>,
      %add3A_2333 = arith.constant 1164 : i32
      %add3A_2334 = vector.broadcast %add3A_2333 : i32 to vector<16xi32>
      %add3A_2335 = arith.addi %add3A_2307, %add3A_2334 : vector<16xi32>
      %swap3A_2336 = arith.constant 80 : index
      %swap3A_2337 = tpu.vector_load %arg15[%swap3A_2336] {strides = array<i32>} : memref<128xi32, #tpu.memory_space<vmem>>, vector<16xi32>,
      tpu.vector_store %arg15[%swap3A_2336], %add3A_2335 {strides = array<i32>} : memref<128xi32, #tpu.memory_space<vmem>>, vector<16xi32>,
      %add3A_2338 = arith.constant 1176 : i32
      %add3A_2339 = vector.broadcast %add3A_2338 : i32 to vector<16xi32>
      %add3A_2340 = arith.addi %add3A_2307, %add3A_2339 : vector<16xi32>
      %swap3A_2341 = arith.constant 96 : index
      %swap3A_2342 = tpu.vector_load %arg15[%swap3A_2341] {strides = array<i32>} : memref<128xi32, #tpu.memory_space<vmem>>, vector<16xi32>,
      tpu.vector_store %arg15[%swap3A_2341], %add3A_2340 {strides = array<i32>} : memref<128xi32, #tpu.memory_space<vmem>>, vector<16xi32>,
      %add3A_2343 = arith.constant 1188 : i32
      %add3A_2344 = vector.broadcast %add3A_2343 : i32 to vector<16xi32>
      %add3A_2345 = arith.addi %add3A_2307, %add3A_2344 : vector<16xi32>
      %swap3A_2346 = arith.constant 112 : index
      %swap3A_2347 = tpu.vector_load %arg15[%swap3A_2346] {strides = array<i32>} : memref<128xi32, #tpu.memory_space<vmem>>, vector<16xi32>,
      tpu.vector_store %arg15[%swap3A_2346], %add3A_2345 {strides = array<i32>} : memref<128xi32, #tpu.memory_space<vmem>>, vector<16xi32>,
      %add3A_2348 = arith.constant 2304 : i32
      %add3A_2349 = vector.broadcast %add3A_2348 : i32 to vector<16xi32>
      %add3A_2350 = arith.addi %add3A_2307, %add3A_2349 : vector<16xi32>
      %swap3A_2351 = arith.constant 0 : index
      %swap3A_2352 = tpu.vector_load %arg16[%swap3A_2351] {strides = array<i32>} : memref<128xi32, #tpu.memory_space<vmem>>, vector<16xi32>,
      tpu.vector_store %arg16[%swap3A_2351], %add3A_2350 {strides = array<i32>} : memref<128xi32, #tpu.memory_space<vmem>>, vector<16xi32>,
      %add3A_2353 = arith.constant 2316 : i32
      %add3A_2354 = vector.broadcast %add3A_2353 : i32 to vector<16xi32>
      %add3A_2355 = arith.addi %add3A_2307, %add3A_2354 : vector<16xi32>
      %swap3A_2356 = arith.constant 16 : index
      %swap3A_2357 = tpu.vector_load %arg16[%swap3A_2356] {strides = array<i32>} : memref<128xi32, #tpu.memory_space<vmem>>, vector<16xi32>,
      tpu.vector_store %arg16[%swap3A_2356], %add3A_2355 {strides = array<i32>} : memref<128xi32, #tpu.memory_space<vmem>>, vector<16xi32>,
      %add3A_2358 = arith.constant 2328 : i32
      %add3A_2359 = vector.broadcast %add3A_2358 : i32 to vector<16xi32>
      %add3A_2360 = arith.addi %add3A_2307, %add3A_2359 : vector<16xi32>
      %swap3A_2361 = arith.constant 32 : index
      %swap3A_2362 = tpu.vector_load %arg16[%swap3A_2361] {strides = array<i32>} : memref<128xi32, #tpu.memory_space<vmem>>, vector<16xi32>,
      tpu.vector_store %arg16[%swap3A_2361], %add3A_2360 {strides = array<i32>} : memref<128xi32, #tpu.memory_space<vmem>>, vector<16xi32>,
      %add3A_2363 = arith.constant 2340 : i32
      %add3A_2364 = vector.broadcast %add3A_2363 : i32 to vector<16xi32>
      %add3A_2365 = arith.addi %add3A_2307, %add3A_2364 : vector<16xi32>
      %swap3A_2366 = arith.constant 48 : index
      %swap3A_2367 = tpu.vector_load %arg16[%swap3A_2366] {strides = array<i32>} : memref<128xi32, #tpu.memory_space<vmem>>, vector<16xi32>,
      tpu.vector_store %arg16[%swap3A_2366], %add3A_2365 {strides = array<i32>} : memref<128xi32, #tpu.memory_space<vmem>>, vector<16xi32>,
      %add3A_2368 = arith.constant 3456 : i32
      %add3A_2369 = vector.broadcast %add3A_2368 : i32 to vector<16xi32>
      %add3A_2370 = arith.addi %add3A_2307, %add3A_2369 : vector<16xi32>
      %swap3A_2371 = arith.constant 64 : index
      %swap3A_2372 = tpu.vector_load %arg16[%swap3A_2371] {strides = array<i32>} : memref<128xi32, #tpu.memory_space<vmem>>, vector<16xi32>,
      tpu.vector_store %arg16[%swap3A_2371], %add3A_2370 {strides = array<i32>} : memref<128xi32, #tpu.memory_space<vmem>>, vector<16xi32>,
      %add3A_2373 = arith.constant 3468 : i32
      %add3A_2374 = vector.broadcast %add3A_2373 : i32 to vector<16xi32>
      %add3A_2375 = arith.addi %add3A_2307, %add3A_2374 : vector<16xi32>
      %swap3A_2376 = arith.constant 80 : index
      %swap3A_2377 = tpu.vector_load %arg16[%swap3A_2376] {strides = array<i32>} : memref<128xi32, #tpu.memory_space<vmem>>, vector<16xi32>,
      tpu.vector_store %arg16[%swap3A_2376], %add3A_2375 {strides = array<i32>} : memref<128xi32, #tpu.memory_space<vmem>>, vector<16xi32>,
      %add3A_2378 = arith.constant 3480 : i32
      %add3A_2379 = vector.broadcast %add3A_2378 : i32 to vector<16xi32>
      %add3A_2380 = arith.addi %add3A_2307, %add3A_2379 : vector<16xi32>
      %swap3A_2381 = arith.constant 96 : index
      %swap3A_2382 = tpu.vector_load %arg16[%swap3A_2381] {strides = array<i32>} : memref<128xi32, #tpu.memory_space<vmem>>, vector<16xi32>,
      tpu.vector_store %arg16[%swap3A_2381], %add3A_2380 {strides = array<i32>} : memref<128xi32, #tpu.memory_space<vmem>>, vector<16xi32>,
      %add3A_2383 = arith.constant 3492 : i32
      %add3A_2384 = vector.broadcast %add3A_2383 : i32 to vector<16xi32>
      %add3A_2385 = arith.addi %add3A_2307, %add3A_2384 : vector<16xi32>
      %swap3A_2386 = arith.constant 112 : index
      %swap3A_2387 = tpu.vector_load %arg16[%swap3A_2386] {strides = array<i32>} : memref<128xi32, #tpu.memory_space<vmem>>, vector<16xi32>,
      tpu.vector_store %arg16[%swap3A_2386], %add3A_2385 {strides = array<i32>} : memref<128xi32, #tpu.memory_space<vmem>>, vector<16xi32>,
      %dma_start3A_2388 = arith.constant 0 : i32
      %dma_start3A_2389 = arith.constant 0 : i32
      %dma_start3A_2390 = tpu.memref_slice %arg2[%dma_start3A_2388, %dma_start3A_2389] : memref<110592x16xf32, #tpu.memory_space<hbm>> -> memref<110592x16xf32, #tpu.memory_space<hbm>>
      tpu.enqueue_indirect_dma source(%dma_start3A_2390 : memref<110592x16xf32, #tpu.memory_space<hbm>>) target(%arg23 : memref<128x16xf32, #tpu.memory_space<vmem>>) offsets(%arg15 : memref<128xi32, #tpu.memory_space<vmem>>) semaphore(%arg29 : memref<!tpu.dma_semaphore, #tpu.memory_space<semaphore_mem>>)
      %dma_start3A_2391 = arith.constant 0 : i32
      %dma_start3A_2392 = arith.constant 0 : i32
      %dma_start3A_2393 = tpu.memref_slice %arg2[%dma_start3A_2391, %dma_start3A_2392] : memref<110592x16xf32, #tpu.memory_space<hbm>> -> memref<110592x16xf32, #tpu.memory_space<hbm>>
      tpu.enqueue_indirect_dma source(%dma_start3A_2393 : memref<110592x16xf32, #tpu.memory_space<hbm>>) target(%arg24 : memref<128x16xf32, #tpu.memory_space<vmem>>) offsets(%arg16 : memref<128xi32, #tpu.memory_space<vmem>>) semaphore(%arg29 : memref<!tpu.dma_semaphore, #tpu.memory_space<semaphore_mem>>)
      %dma_wait3A_2394 = arith.constant 0 : i32
      %dma_wait3A_2395 = arith.constant 0 : i32
      %dma_wait3A_2396 = tpu.memref_slice %arg2[%dma_wait3A_2394, %dma_wait3A_2395] : memref<110592x16xf32, #tpu.memory_space<hbm>> -> memref<110592x16xf32, #tpu.memory_space<hbm>>
      tpu.wait_indirect_dma semaphore(%arg30 : memref<!tpu.dma_semaphore, #tpu.memory_space<semaphore_mem>>) src(%dma_wait3A_2396 : memref<110592x16xf32, #tpu.memory_space<hbm>>) dst(%arg25 : memref<128x16xf32, #tpu.memory_space<vmem>>)
      %dma_wait3A_2397 = arith.constant 0 : i32
      %dma_wait3A_2398 = arith.constant 0 : i32
      %dma_wait3A_2399 = tpu.memref_slice %arg2[%dma_wait3A_2397, %dma_wait3A_2398] : memref<110592x16xf32, #tpu.memory_space<hbm>> -> memref<110592x16xf32, #tpu.memory_space<hbm>>
      tpu.wait_indirect_dma semaphore(%arg30 : memref<!tpu.dma_semaphore, #tpu.memory_space<semaphore_mem>>) src(%dma_wait3A_2399 : memref<110592x16xf32, #tpu.memory_space<hbm>>) dst(%arg26 : memref<128x16xf32, #tpu.memory_space<vmem>>)
      %add3A_2400 = arith.constant 3 : i32
      %add3A_2401 = arith.addi %mul3A_500, %add3A_2400 : i32
      %mul3A_2402 = arith.constant 16 : i32
      %mul3A_2403 = arith.muli %add3A_2401, %mul3A_2402 : i32
      %get3A_2404 = arith.index_cast %mul3A_2403 : i32 to index
      %get3A_2405 = tpu.vector_load %arg7[%get3A_2404] {strides = array<i32>} : memref<7920xf32, #tpu.memory_space<vmem>>, vector<16xf32>,
      %get3A_2406 = arith.index_cast %mul3A_2403 : i32 to index
      %get3A_2407 = tpu.vector_load %arg8[%get3A_2406] {strides = array<i32>} : memref<7920xf32, #tpu.memory_space<vmem>>, vector<16xf32>,
      %get3A_2408 = arith.index_cast %mul3A_2403 : i32 to index
      %get3A_2409 = tpu.vector_load %arg9[%get3A_2408] {strides = array<i32>} : memref<7920xf32, #tpu.memory_space<vmem>>, vector<16xf32>,
      %convert_element_type3A_2410 = arith.fptosi %get3A_2405 : vector<16xf32> to vector<16xi32>
      %convert_element_type3A_2411 = arith.fptosi %get3A_2407 : vector<16xf32> to vector<16xi32>
      %convert_element_type3A_2412 = arith.fptosi %get3A_2409 : vector<16xf32> to vector<16xi32>
      %convert_element_type3A_2413 = arith.sitofp %convert_element_type3A_2410 : vector<16xi32> to vector<16xf32>
      %sub3A_2414 = arith.subf %get3A_2405, %convert_element_type3A_2413 : vector<16xf32>
      %mul3A_2415 = arith.constant -5.000000e-01 : f32
      %mul3A_2416 = vector.broadcast %mul3A_2415 : f32 to vector<16xf32>
      %mul3A_2417 = arith.mulf %mul3A_2416, %sub3A_2414 : vector<16xf32>
      %add3A_2418 = arith.constant 1.000000e+00 : f32
      %add3A_2419 = vector.broadcast %add3A_2418 : f32 to vector<16xf32>
      %add3A_2420 = arith.addf %mul3A_2417, %add3A_2419 : vector<16xf32>
      %mul3A_2421 = arith.mulf %add3A_2420, %sub3A_2414 : vector<16xf32>
      %sub3A_2422 = arith.constant 5.000000e-01 : f32
      %sub3A_2423 = vector.broadcast %sub3A_2422 : f32 to vector<16xf32>
      %sub3A_2424 = arith.subf %mul3A_2421, %sub3A_2423 : vector<16xf32>
      %mul3A_2425 = arith.mulf %sub3A_2424, %sub3A_2414 : vector<16xf32>
      %mul3A_2426 = arith.constant 1.500000e+00 : f32
      %mul3A_2427 = vector.broadcast %mul3A_2426 : f32 to vector<16xf32>
      %mul3A_2428 = arith.mulf %mul3A_2427, %sub3A_2414 : vector<16xf32>
      %sub3A_2429 = arith.constant 2.500000e+00 : f32
      %sub3A_2430 = vector.broadcast %sub3A_2429 : f32 to vector<16xf32>
      %sub3A_2431 = arith.subf %mul3A_2428, %sub3A_2430 : vector<16xf32>
      %mul3A_2432 = arith.mulf %sub3A_2431, %sub3A_2414 : vector<16xf32>
      %mul3A_2433 = arith.mulf %mul3A_2432, %sub3A_2414 : vector<16xf32>
      %add3A_2434 = arith.constant 1.000000e+00 : f32
      %add3A_2435 = vector.broadcast %add3A_2434 : f32 to vector<16xf32>
      %add3A_2436 = arith.addf %mul3A_2433, %add3A_2435 : vector<16xf32>
      %mul3A_2437 = arith.constant -1.500000e+00 : f32
      %mul3A_2438 = vector.broadcast %mul3A_2437 : f32 to vector<16xf32>
      %mul3A_2439 = arith.mulf %mul3A_2438, %sub3A_2414 : vector<16xf32>
      %add3A_2440 = arith.constant 2.000000e+00 : f32
      %add3A_2441 = vector.broadcast %add3A_2440 : f32 to vector<16xf32>
      %add3A_2442 = arith.addf %mul3A_2439, %add3A_2441 : vector<16xf32>
      %mul3A_2443 = arith.mulf %add3A_2442, %sub3A_2414 : vector<16xf32>
      %add3A_2444 = arith.constant 5.000000e-01 : f32
      %add3A_2445 = vector.broadcast %add3A_2444 : f32 to vector<16xf32>
      %add3A_2446 = arith.addf %mul3A_2443, %add3A_2445 : vector<16xf32>
      %mul3A_2447 = arith.mulf %add3A_2446, %sub3A_2414 : vector<16xf32>
      %mul3A_2448 = arith.constant 5.000000e-01 : f32
      %mul3A_2449 = vector.broadcast %mul3A_2448 : f32 to vector<16xf32>
      %mul3A_2450 = arith.mulf %mul3A_2449, %sub3A_2414 : vector<16xf32>
      %sub3A_2451 = arith.constant 5.000000e-01 : f32
      %sub3A_2452 = vector.broadcast %sub3A_2451 : f32 to vector<16xf32>
      %sub3A_2453 = arith.subf %mul3A_2450, %sub3A_2452 : vector<16xf32>
      %mul3A_2454 = arith.mulf %sub3A_2453, %sub3A_2414 : vector<16xf32>
      %mul3A_2455 = arith.mulf %mul3A_2454, %sub3A_2414 : vector<16xf32>
      %convert_element_type3A_2456 = arith.sitofp %convert_element_type3A_2411 : vector<16xi32> to vector<16xf32>
      %sub3A_2457 = arith.subf %get3A_2407, %convert_element_type3A_2456 : vector<16xf32>
      %mul3A_2458 = arith.constant -5.000000e-01 : f32
      %mul3A_2459 = vector.broadcast %mul3A_2458 : f32 to vector<16xf32>
      %mul3A_2460 = arith.mulf %mul3A_2459, %sub3A_2457 : vector<16xf32>
      %add3A_2461 = arith.constant 1.000000e+00 : f32
      %add3A_2462 = vector.broadcast %add3A_2461 : f32 to vector<16xf32>
      %add3A_2463 = arith.addf %mul3A_2460, %add3A_2462 : vector<16xf32>
      %mul3A_2464 = arith.mulf %add3A_2463, %sub3A_2457 : vector<16xf32>
      %sub3A_2465 = arith.constant 5.000000e-01 : f32
      %sub3A_2466 = vector.broadcast %sub3A_2465 : f32 to vector<16xf32>
      %sub3A_2467 = arith.subf %mul3A_2464, %sub3A_2466 : vector<16xf32>
      %mul3A_2468 = arith.mulf %sub3A_2467, %sub3A_2457 : vector<16xf32>
      %mul3A_2469 = arith.constant 1.500000e+00 : f32
      %mul3A_2470 = vector.broadcast %mul3A_2469 : f32 to vector<16xf32>
      %mul3A_2471 = arith.mulf %mul3A_2470, %sub3A_2457 : vector<16xf32>
      %sub3A_2472 = arith.constant 2.500000e+00 : f32
      %sub3A_2473 = vector.broadcast %sub3A_2472 : f32 to vector<16xf32>
      %sub3A_2474 = arith.subf %mul3A_2471, %sub3A_2473 : vector<16xf32>
      %mul3A_2475 = arith.mulf %sub3A_2474, %sub3A_2457 : vector<16xf32>
      %mul3A_2476 = arith.mulf %mul3A_2475, %sub3A_2457 : vector<16xf32>
      %add3A_2477 = arith.constant 1.000000e+00 : f32
      %add3A_2478 = vector.broadcast %add3A_2477 : f32 to vector<16xf32>
      %add3A_2479 = arith.addf %mul3A_2476, %add3A_2478 : vector<16xf32>
      %mul3A_2480 = arith.constant -1.500000e+00 : f32
      %mul3A_2481 = vector.broadcast %mul3A_2480 : f32 to vector<16xf32>
      %mul3A_2482 = arith.mulf %mul3A_2481, %sub3A_2457 : vector<16xf32>
      %add3A_2483 = arith.constant 2.000000e+00 : f32
      %add3A_2484 = vector.broadcast %add3A_2483 : f32 to vector<16xf32>
      %add3A_2485 = arith.addf %mul3A_2482, %add3A_2484 : vector<16xf32>
      %mul3A_2486 = arith.mulf %add3A_2485, %sub3A_2457 : vector<16xf32>
      %add3A_2487 = arith.constant 5.000000e-01 : f32
      %add3A_2488 = vector.broadcast %add3A_2487 : f32 to vector<16xf32>
      %add3A_2489 = arith.addf %mul3A_2486, %add3A_2488 : vector<16xf32>
      %mul3A_2490 = arith.mulf %add3A_2489, %sub3A_2457 : vector<16xf32>
      %mul3A_2491 = arith.constant 5.000000e-01 : f32
      %mul3A_2492 = vector.broadcast %mul3A_2491 : f32 to vector<16xf32>
      %mul3A_2493 = arith.mulf %mul3A_2492, %sub3A_2457 : vector<16xf32>
      %sub3A_2494 = arith.constant 5.000000e-01 : f32
      %sub3A_2495 = vector.broadcast %sub3A_2494 : f32 to vector<16xf32>
      %sub3A_2496 = arith.subf %mul3A_2493, %sub3A_2495 : vector<16xf32>
      %mul3A_2497 = arith.mulf %sub3A_2496, %sub3A_2457 : vector<16xf32>
      %mul3A_2498 = arith.mulf %mul3A_2497, %sub3A_2457 : vector<16xf32>
      %convert_element_type3A_2499 = arith.sitofp %convert_element_type3A_2412 : vector<16xi32> to vector<16xf32>
      %sub3A_2500 = arith.subf %get3A_2409, %convert_element_type3A_2499 : vector<16xf32>
      %mul3A_2501 = arith.constant -5.000000e-01 : f32
      %mul3A_2502 = vector.broadcast %mul3A_2501 : f32 to vector<16xf32>
      %mul3A_2503 = arith.mulf %mul3A_2502, %sub3A_2500 : vector<16xf32>
      %add3A_2504 = arith.constant 1.000000e+00 : f32
      %add3A_2505 = vector.broadcast %add3A_2504 : f32 to vector<16xf32>
      %add3A_2506 = arith.addf %mul3A_2503, %add3A_2505 : vector<16xf32>
      %mul3A_2507 = arith.mulf %add3A_2506, %sub3A_2500 : vector<16xf32>
      %sub3A_2508 = arith.constant 5.000000e-01 : f32
      %sub3A_2509 = vector.broadcast %sub3A_2508 : f32 to vector<16xf32>
      %sub3A_2510 = arith.subf %mul3A_2507, %sub3A_2509 : vector<16xf32>
      %mul3A_2511 = arith.mulf %sub3A_2510, %sub3A_2500 : vector<16xf32>
      %mul3A_2512 = arith.constant 1.500000e+00 : f32
      %mul3A_2513 = vector.broadcast %mul3A_2512 : f32 to vector<16xf32>
      %mul3A_2514 = arith.mulf %mul3A_2513, %sub3A_2500 : vector<16xf32>
      %sub3A_2515 = arith.constant 2.500000e+00 : f32
      %sub3A_2516 = vector.broadcast %sub3A_2515 : f32 to vector<16xf32>
      %sub3A_2517 = arith.subf %mul3A_2514, %sub3A_2516 : vector<16xf32>
      %mul3A_2518 = arith.mulf %sub3A_2517, %sub3A_2500 : vector<16xf32>
      %mul3A_2519 = arith.mulf %mul3A_2518, %sub3A_2500 : vector<16xf32>
      %add3A_2520 = arith.constant 1.000000e+00 : f32
      %add3A_2521 = vector.broadcast %add3A_2520 : f32 to vector<16xf32>
      %add3A_2522 = arith.addf %mul3A_2519, %add3A_2521 : vector<16xf32>
      %mul3A_2523 = arith.constant -1.500000e+00 : f32
      %mul3A_2524 = vector.broadcast %mul3A_2523 : f32 to vector<16xf32>
      %mul3A_2525 = arith.mulf %mul3A_2524, %sub3A_2500 : vector<16xf32>
      %add3A_2526 = arith.constant 2.000000e+00 : f32
      %add3A_2527 = vector.broadcast %add3A_2526 : f32 to vector<16xf32>
      %add3A_2528 = arith.addf %mul3A_2525, %add3A_2527 : vector<16xf32>
      %mul3A_2529 = arith.mulf %add3A_2528, %sub3A_2500 : vector<16xf32>
      %add3A_2530 = arith.constant 5.000000e-01 : f32
      %add3A_2531 = vector.broadcast %add3A_2530 : f32 to vector<16xf32>
      %add3A_2532 = arith.addf %mul3A_2529, %add3A_2531 : vector<16xf32>
      %mul3A_2533 = arith.mulf %add3A_2532, %sub3A_2500 : vector<16xf32>
      %mul3A_2534 = arith.constant 5.000000e-01 : f32
      %mul3A_2535 = vector.broadcast %mul3A_2534 : f32 to vector<16xf32>
      %mul3A_2536 = arith.mulf %mul3A_2535, %sub3A_2500 : vector<16xf32>
      %sub3A_2537 = arith.constant 5.000000e-01 : f32
      %sub3A_2538 = vector.broadcast %sub3A_2537 : f32 to vector<16xf32>
      %sub3A_2539 = arith.subf %mul3A_2536, %sub3A_2538 : vector<16xf32>
      %mul3A_2540 = arith.mulf %sub3A_2539, %sub3A_2500 : vector<16xf32>
      %mul3A_2541 = arith.mulf %mul3A_2540, %sub3A_2500 : vector<16xf32>
      %sub3A_2542 = arith.constant 1 : i32
      %sub3A_2543 = vector.broadcast %sub3A_2542 : i32 to vector<16xi32>
      %sub3A_2544 = arith.subi %convert_element_type3A_2412, %sub3A_2543 : vector<16xi32>
      %jit3A_2545 = arith.constant 0 : i32
      %jit3A_2546 = arith.constant 92 : i32
      %max3A_2547 = vector.broadcast %jit3A_2545 : i32 to vector<16xi32>
      %max3A_2548 = arith.maxsi %max3A_2547, %sub3A_2544 : vector<16xi32>
      %min3A_2549 = vector.broadcast %jit3A_2546 : i32 to vector<16xi32>
      %min3A_2550 = arith.minsi %min3A_2549, %max3A_2548 : vector<16xi32>
      %and3A_2551 = arith.constant 15 : i32
      %and3A_2552 = vector.broadcast %and3A_2551 : i32 to vector<16xi32>
      %and3A_2553 = arith.andi %min3A_2550, %and3A_2552 : vector<16xi32>
      %gt3A_2554 = arith.constant 12 : i32
      %gt3A_2555 = vector.broadcast %gt3A_2554 : i32 to vector<16xi32>
      %gt3A_2556 = arith.cmpi sgt, %and3A_2553, %gt3A_2555 : vector<16xi32>
      %jit3A_2557 = arith.constant 8 : i32
      %jit3A_2558 = arith.constant 0 : i32
      %broadcast_in_dim3A_2559 = vector.broadcast %jit3A_2557 : i32 to vector<16xi32>
      %broadcast_in_dim3A_2560 = vector.broadcast %jit3A_2558 : i32 to vector<16xi32>
      %select_n3A_2561 = arith.select %gt3A_2556, %broadcast_in_dim3A_2559, %broadcast_in_dim3A_2560 : vector<16xi1>, vector<16xi32>
      %sub3A_2562 = arith.subi %min3A_2550, %select_n3A_2561 : vector<16xi32>
      %jit3A_2563 = arith.constant 6 : i32
      %jit3A_2564 = arith.constant 0 : i32
      %broadcast_in_dim3A_2565 = vector.broadcast %jit3A_2563 : i32 to vector<16xi32>
      %broadcast_in_dim3A_2566 = vector.broadcast %jit3A_2564 : i32 to vector<16xi32>
      %select_n3A_2567 = arith.select %gt3A_2556, %broadcast_in_dim3A_2565, %broadcast_in_dim3A_2566 : vector<16xi1>, vector<16xi32>
      %shift_right_arithmetic3A_2568 = arith.constant 4 : i32
      %shift_right_arithmetic3A_2569 = vector.broadcast %shift_right_arithmetic3A_2568 : i32 to vector<16xi32>
      %shift_right_arithmetic3A_2570 = arith.shrsi %sub3A_2562, %shift_right_arithmetic3A_2569 : vector<16xi32>
      %add3A_2571 = arith.addi %select_n3A_2567, %shift_right_arithmetic3A_2570 : vector<16xi32>
      %and3A_2572 = arith.constant 15 : i32
      %and3A_2573 = vector.broadcast %and3A_2572 : i32 to vector<16xi32>
      %and3A_2574 = arith.andi %sub3A_2562, %and3A_2573 : vector<16xi32>
      %add3A_2575 = arith.constant 0 : i32
      %add3A_2576 = vector.broadcast %add3A_2575 : i32 to vector<16xi32>
      %add3A_2577 = arith.addi %and3A_2574, %add3A_2576 : vector<16xi32>
      %add3A_2578 = arith.constant 1 : i32
      %add3A_2579 = vector.broadcast %add3A_2578 : i32 to vector<16xi32>
      %add3A_2580 = arith.addi %and3A_2574, %add3A_2579 : vector<16xi32>
      %add3A_2581 = arith.constant 2 : i32
      %add3A_2582 = vector.broadcast %add3A_2581 : i32 to vector<16xi32>
      %add3A_2583 = arith.addi %and3A_2574, %add3A_2582 : vector<16xi32>
      %add3A_2584 = arith.constant 3 : i32
      %add3A_2585 = vector.broadcast %add3A_2584 : i32 to vector<16xi32>
      %add3A_2586 = arith.addi %and3A_2574, %add3A_2585 : vector<16xi32>
      %broadcast_in_dim3A_2587 = arith.constant 0.000000e+00 : f32
      %broadcast_in_dim3A_2588 = vector.broadcast %broadcast_in_dim3A_2587 : f32 to vector<16xf32>
      %broadcast_in_dim3A_2589 = arith.constant 0.000000e+00 : f32
      %broadcast_in_dim3A_2590 = vector.broadcast %broadcast_in_dim3A_2589 : f32 to vector<16xf32>
      %broadcast_in_dim3A_2591 = arith.constant 0.000000e+00 : f32
      %broadcast_in_dim3A_2592 = vector.broadcast %broadcast_in_dim3A_2591 : f32 to vector<16xf32>
      %broadcast_in_dim3A_2593 = arith.constant 0.000000e+00 : f32
      %broadcast_in_dim3A_2594 = vector.broadcast %broadcast_in_dim3A_2593 : f32 to vector<16xf32>
      %mul3A_2595 = arith.mulf %mul3A_2425, %mul3A_2468 : vector<16xf32>
      %gather3A_2596 = tpu.vector_load_idx %arg25[%add3A_5, %add3A_2577] : memref<128x16xf32, #tpu.memory_space<vmem>>[vector<16xi32>, vector<16xi32>], vector<16xf32>,
      %mul3A_2597 = arith.mulf %gather3A_2596, %mul3A_2595 : vector<16xf32>
      %add3A_2598 = arith.addf %broadcast_in_dim3A_2588, %mul3A_2597 : vector<16xf32>
      %gather3A_2599 = tpu.vector_load_idx %arg25[%add3A_5, %add3A_2580] : memref<128x16xf32, #tpu.memory_space<vmem>>[vector<16xi32>, vector<16xi32>], vector<16xf32>,
      %mul3A_2600 = arith.mulf %gather3A_2599, %mul3A_2595 : vector<16xf32>
      %add3A_2601 = arith.addf %broadcast_in_dim3A_2590, %mul3A_2600 : vector<16xf32>
      %gather3A_2602 = tpu.vector_load_idx %arg25[%add3A_5, %add3A_2583] : memref<128x16xf32, #tpu.memory_space<vmem>>[vector<16xi32>, vector<16xi32>], vector<16xf32>,
      %mul3A_2603 = arith.mulf %gather3A_2602, %mul3A_2595 : vector<16xf32>
      %add3A_2604 = arith.addf %broadcast_in_dim3A_2592, %mul3A_2603 : vector<16xf32>
      %gather3A_2605 = tpu.vector_load_idx %arg25[%add3A_5, %add3A_2586] : memref<128x16xf32, #tpu.memory_space<vmem>>[vector<16xi32>, vector<16xi32>], vector<16xf32>,
      %mul3A_2606 = arith.mulf %gather3A_2605, %mul3A_2595 : vector<16xf32>
      %add3A_2607 = arith.addf %broadcast_in_dim3A_2594, %mul3A_2606 : vector<16xf32>
      %mul3A_2608 = arith.mulf %mul3A_2425, %add3A_2479 : vector<16xf32>
      %gather3A_2609 = tpu.vector_load_idx %arg25[%add3A_8, %add3A_2577] : memref<128x16xf32, #tpu.memory_space<vmem>>[vector<16xi32>, vector<16xi32>], vector<16xf32>,
      %mul3A_2610 = arith.mulf %gather3A_2609, %mul3A_2608 : vector<16xf32>
      %add3A_2611 = arith.addf %add3A_2598, %mul3A_2610 : vector<16xf32>
      %gather3A_2612 = tpu.vector_load_idx %arg25[%add3A_8, %add3A_2580] : memref<128x16xf32, #tpu.memory_space<vmem>>[vector<16xi32>, vector<16xi32>], vector<16xf32>,
      %mul3A_2613 = arith.mulf %gather3A_2612, %mul3A_2608 : vector<16xf32>
      %add3A_2614 = arith.addf %add3A_2601, %mul3A_2613 : vector<16xf32>
      %gather3A_2615 = tpu.vector_load_idx %arg25[%add3A_8, %add3A_2583] : memref<128x16xf32, #tpu.memory_space<vmem>>[vector<16xi32>, vector<16xi32>], vector<16xf32>,
      %mul3A_2616 = arith.mulf %gather3A_2615, %mul3A_2608 : vector<16xf32>
      %add3A_2617 = arith.addf %add3A_2604, %mul3A_2616 : vector<16xf32>
      %gather3A_2618 = tpu.vector_load_idx %arg25[%add3A_8, %add3A_2586] : memref<128x16xf32, #tpu.memory_space<vmem>>[vector<16xi32>, vector<16xi32>], vector<16xf32>,
      %mul3A_2619 = arith.mulf %gather3A_2618, %mul3A_2608 : vector<16xf32>
      %add3A_2620 = arith.addf %add3A_2607, %mul3A_2619 : vector<16xf32>
      %mul3A_2621 = arith.mulf %mul3A_2425, %mul3A_2490 : vector<16xf32>
      %gather3A_2622 = tpu.vector_load_idx %arg25[%add3A_11, %add3A_2577] : memref<128x16xf32, #tpu.memory_space<vmem>>[vector<16xi32>, vector<16xi32>], vector<16xf32>,
      %mul3A_2623 = arith.mulf %gather3A_2622, %mul3A_2621 : vector<16xf32>
      %add3A_2624 = arith.addf %add3A_2611, %mul3A_2623 : vector<16xf32>
      %gather3A_2625 = tpu.vector_load_idx %arg25[%add3A_11, %add3A_2580] : memref<128x16xf32, #tpu.memory_space<vmem>>[vector<16xi32>, vector<16xi32>], vector<16xf32>,
      %mul3A_2626 = arith.mulf %gather3A_2625, %mul3A_2621 : vector<16xf32>
      %add3A_2627 = arith.addf %add3A_2614, %mul3A_2626 : vector<16xf32>
      %gather3A_2628 = tpu.vector_load_idx %arg25[%add3A_11, %add3A_2583] : memref<128x16xf32, #tpu.memory_space<vmem>>[vector<16xi32>, vector<16xi32>], vector<16xf32>,
      %mul3A_2629 = arith.mulf %gather3A_2628, %mul3A_2621 : vector<16xf32>
      %add3A_2630 = arith.addf %add3A_2617, %mul3A_2629 : vector<16xf32>
      %gather3A_2631 = tpu.vector_load_idx %arg25[%add3A_11, %add3A_2586] : memref<128x16xf32, #tpu.memory_space<vmem>>[vector<16xi32>, vector<16xi32>], vector<16xf32>,
      %mul3A_2632 = arith.mulf %gather3A_2631, %mul3A_2621 : vector<16xf32>
      %add3A_2633 = arith.addf %add3A_2620, %mul3A_2632 : vector<16xf32>
      %mul3A_2634 = arith.mulf %mul3A_2425, %mul3A_2498 : vector<16xf32>
      %gather3A_2635 = tpu.vector_load_idx %arg25[%add3A_14, %add3A_2577] : memref<128x16xf32, #tpu.memory_space<vmem>>[vector<16xi32>, vector<16xi32>], vector<16xf32>,
      %mul3A_2636 = arith.mulf %gather3A_2635, %mul3A_2634 : vector<16xf32>
      %add3A_2637 = arith.addf %add3A_2624, %mul3A_2636 : vector<16xf32>
      %gather3A_2638 = tpu.vector_load_idx %arg25[%add3A_14, %add3A_2580] : memref<128x16xf32, #tpu.memory_space<vmem>>[vector<16xi32>, vector<16xi32>], vector<16xf32>,
      %mul3A_2639 = arith.mulf %gather3A_2638, %mul3A_2634 : vector<16xf32>
      %add3A_2640 = arith.addf %add3A_2627, %mul3A_2639 : vector<16xf32>
      %gather3A_2641 = tpu.vector_load_idx %arg25[%add3A_14, %add3A_2583] : memref<128x16xf32, #tpu.memory_space<vmem>>[vector<16xi32>, vector<16xi32>], vector<16xf32>,
      %mul3A_2642 = arith.mulf %gather3A_2641, %mul3A_2634 : vector<16xf32>
      %add3A_2643 = arith.addf %add3A_2630, %mul3A_2642 : vector<16xf32>
      %gather3A_2644 = tpu.vector_load_idx %arg25[%add3A_14, %add3A_2586] : memref<128x16xf32, #tpu.memory_space<vmem>>[vector<16xi32>, vector<16xi32>], vector<16xf32>,
      %mul3A_2645 = arith.mulf %gather3A_2644, %mul3A_2634 : vector<16xf32>
      %add3A_2646 = arith.addf %add3A_2633, %mul3A_2645 : vector<16xf32>
      %mul3A_2647 = arith.mulf %add3A_2436, %mul3A_2468 : vector<16xf32>
      %gather3A_2648 = tpu.vector_load_idx %arg25[%add3A_17, %add3A_2577] : memref<128x16xf32, #tpu.memory_space<vmem>>[vector<16xi32>, vector<16xi32>], vector<16xf32>,
      %mul3A_2649 = arith.mulf %gather3A_2648, %mul3A_2647 : vector<16xf32>
      %add3A_2650 = arith.addf %add3A_2637, %mul3A_2649 : vector<16xf32>
      %gather3A_2651 = tpu.vector_load_idx %arg25[%add3A_17, %add3A_2580] : memref<128x16xf32, #tpu.memory_space<vmem>>[vector<16xi32>, vector<16xi32>], vector<16xf32>,
      %mul3A_2652 = arith.mulf %gather3A_2651, %mul3A_2647 : vector<16xf32>
      %add3A_2653 = arith.addf %add3A_2640, %mul3A_2652 : vector<16xf32>
      %gather3A_2654 = tpu.vector_load_idx %arg25[%add3A_17, %add3A_2583] : memref<128x16xf32, #tpu.memory_space<vmem>>[vector<16xi32>, vector<16xi32>], vector<16xf32>,
      %mul3A_2655 = arith.mulf %gather3A_2654, %mul3A_2647 : vector<16xf32>
      %add3A_2656 = arith.addf %add3A_2643, %mul3A_2655 : vector<16xf32>
      %gather3A_2657 = tpu.vector_load_idx %arg25[%add3A_17, %add3A_2586] : memref<128x16xf32, #tpu.memory_space<vmem>>[vector<16xi32>, vector<16xi32>], vector<16xf32>,
      %mul3A_2658 = arith.mulf %gather3A_2657, %mul3A_2647 : vector<16xf32>
      %add3A_2659 = arith.addf %add3A_2646, %mul3A_2658 : vector<16xf32>
      %mul3A_2660 = arith.mulf %add3A_2436, %add3A_2479 : vector<16xf32>
      %gather3A_2661 = tpu.vector_load_idx %arg25[%add3A_20, %add3A_2577] : memref<128x16xf32, #tpu.memory_space<vmem>>[vector<16xi32>, vector<16xi32>], vector<16xf32>,
      %mul3A_2662 = arith.mulf %gather3A_2661, %mul3A_2660 : vector<16xf32>
      %add3A_2663 = arith.addf %add3A_2650, %mul3A_2662 : vector<16xf32>
      %gather3A_2664 = tpu.vector_load_idx %arg25[%add3A_20, %add3A_2580] : memref<128x16xf32, #tpu.memory_space<vmem>>[vector<16xi32>, vector<16xi32>], vector<16xf32>,
      %mul3A_2665 = arith.mulf %gather3A_2664, %mul3A_2660 : vector<16xf32>
      %add3A_2666 = arith.addf %add3A_2653, %mul3A_2665 : vector<16xf32>
      %gather3A_2667 = tpu.vector_load_idx %arg25[%add3A_20, %add3A_2583] : memref<128x16xf32, #tpu.memory_space<vmem>>[vector<16xi32>, vector<16xi32>], vector<16xf32>,
      %mul3A_2668 = arith.mulf %gather3A_2667, %mul3A_2660 : vector<16xf32>
      %add3A_2669 = arith.addf %add3A_2656, %mul3A_2668 : vector<16xf32>
      %gather3A_2670 = tpu.vector_load_idx %arg25[%add3A_20, %add3A_2586] : memref<128x16xf32, #tpu.memory_space<vmem>>[vector<16xi32>, vector<16xi32>], vector<16xf32>,
      %mul3A_2671 = arith.mulf %gather3A_2670, %mul3A_2660 : vector<16xf32>
      %add3A_2672 = arith.addf %add3A_2659, %mul3A_2671 : vector<16xf32>
      %mul3A_2673 = arith.mulf %add3A_2436, %mul3A_2490 : vector<16xf32>
      %gather3A_2674 = tpu.vector_load_idx %arg25[%add3A_23, %add3A_2577] : memref<128x16xf32, #tpu.memory_space<vmem>>[vector<16xi32>, vector<16xi32>], vector<16xf32>,
      %mul3A_2675 = arith.mulf %gather3A_2674, %mul3A_2673 : vector<16xf32>
      %add3A_2676 = arith.addf %add3A_2663, %mul3A_2675 : vector<16xf32>
      %gather3A_2677 = tpu.vector_load_idx %arg25[%add3A_23, %add3A_2580] : memref<128x16xf32, #tpu.memory_space<vmem>>[vector<16xi32>, vector<16xi32>], vector<16xf32>,
      %mul3A_2678 = arith.mulf %gather3A_2677, %mul3A_2673 : vector<16xf32>
      %add3A_2679 = arith.addf %add3A_2666, %mul3A_2678 : vector<16xf32>
      %gather3A_2680 = tpu.vector_load_idx %arg25[%add3A_23, %add3A_2583] : memref<128x16xf32, #tpu.memory_space<vmem>>[vector<16xi32>, vector<16xi32>], vector<16xf32>,
      %mul3A_2681 = arith.mulf %gather3A_2680, %mul3A_2673 : vector<16xf32>
      %add3A_2682 = arith.addf %add3A_2669, %mul3A_2681 : vector<16xf32>
      %gather3A_2683 = tpu.vector_load_idx %arg25[%add3A_23, %add3A_2586] : memref<128x16xf32, #tpu.memory_space<vmem>>[vector<16xi32>, vector<16xi32>], vector<16xf32>,
      %mul3A_2684 = arith.mulf %gather3A_2683, %mul3A_2673 : vector<16xf32>
      %add3A_2685 = arith.addf %add3A_2672, %mul3A_2684 : vector<16xf32>
      %mul3A_2686 = arith.mulf %add3A_2436, %mul3A_2498 : vector<16xf32>
      %gather3A_2687 = tpu.vector_load_idx %arg25[%add3A_26, %add3A_2577] : memref<128x16xf32, #tpu.memory_space<vmem>>[vector<16xi32>, vector<16xi32>], vector<16xf32>,
      %mul3A_2688 = arith.mulf %gather3A_2687, %mul3A_2686 : vector<16xf32>
      %add3A_2689 = arith.addf %add3A_2676, %mul3A_2688 : vector<16xf32>
      %gather3A_2690 = tpu.vector_load_idx %arg25[%add3A_26, %add3A_2580] : memref<128x16xf32, #tpu.memory_space<vmem>>[vector<16xi32>, vector<16xi32>], vector<16xf32>,
      %mul3A_2691 = arith.mulf %gather3A_2690, %mul3A_2686 : vector<16xf32>
      %add3A_2692 = arith.addf %add3A_2679, %mul3A_2691 : vector<16xf32>
      %gather3A_2693 = tpu.vector_load_idx %arg25[%add3A_26, %add3A_2583] : memref<128x16xf32, #tpu.memory_space<vmem>>[vector<16xi32>, vector<16xi32>], vector<16xf32>,
      %mul3A_2694 = arith.mulf %gather3A_2693, %mul3A_2686 : vector<16xf32>
      %add3A_2695 = arith.addf %add3A_2682, %mul3A_2694 : vector<16xf32>
      %gather3A_2696 = tpu.vector_load_idx %arg25[%add3A_26, %add3A_2586] : memref<128x16xf32, #tpu.memory_space<vmem>>[vector<16xi32>, vector<16xi32>], vector<16xf32>,
      %mul3A_2697 = arith.mulf %gather3A_2696, %mul3A_2686 : vector<16xf32>
      %add3A_2698 = arith.addf %add3A_2685, %mul3A_2697 : vector<16xf32>
      %mul3A_2699 = arith.mulf %mul3A_2447, %mul3A_2468 : vector<16xf32>
      %gather3A_2700 = tpu.vector_load_idx %arg26[%add3A_5, %add3A_2577] : memref<128x16xf32, #tpu.memory_space<vmem>>[vector<16xi32>, vector<16xi32>], vector<16xf32>,
      %mul3A_2701 = arith.mulf %gather3A_2700, %mul3A_2699 : vector<16xf32>
      %add3A_2702 = arith.addf %add3A_2689, %mul3A_2701 : vector<16xf32>
      %gather3A_2703 = tpu.vector_load_idx %arg26[%add3A_5, %add3A_2580] : memref<128x16xf32, #tpu.memory_space<vmem>>[vector<16xi32>, vector<16xi32>], vector<16xf32>,
      %mul3A_2704 = arith.mulf %gather3A_2703, %mul3A_2699 : vector<16xf32>
      %add3A_2705 = arith.addf %add3A_2692, %mul3A_2704 : vector<16xf32>
      %gather3A_2706 = tpu.vector_load_idx %arg26[%add3A_5, %add3A_2583] : memref<128x16xf32, #tpu.memory_space<vmem>>[vector<16xi32>, vector<16xi32>], vector<16xf32>,
      %mul3A_2707 = arith.mulf %gather3A_2706, %mul3A_2699 : vector<16xf32>
      %add3A_2708 = arith.addf %add3A_2695, %mul3A_2707 : vector<16xf32>
      %gather3A_2709 = tpu.vector_load_idx %arg26[%add3A_5, %add3A_2586] : memref<128x16xf32, #tpu.memory_space<vmem>>[vector<16xi32>, vector<16xi32>], vector<16xf32>,
      %mul3A_2710 = arith.mulf %gather3A_2709, %mul3A_2699 : vector<16xf32>
      %add3A_2711 = arith.addf %add3A_2698, %mul3A_2710 : vector<16xf32>
      %mul3A_2712 = arith.mulf %mul3A_2447, %add3A_2479 : vector<16xf32>
      %gather3A_2713 = tpu.vector_load_idx %arg26[%add3A_8, %add3A_2577] : memref<128x16xf32, #tpu.memory_space<vmem>>[vector<16xi32>, vector<16xi32>], vector<16xf32>,
      %mul3A_2714 = arith.mulf %gather3A_2713, %mul3A_2712 : vector<16xf32>
      %add3A_2715 = arith.addf %add3A_2702, %mul3A_2714 : vector<16xf32>
      %gather3A_2716 = tpu.vector_load_idx %arg26[%add3A_8, %add3A_2580] : memref<128x16xf32, #tpu.memory_space<vmem>>[vector<16xi32>, vector<16xi32>], vector<16xf32>,
      %mul3A_2717 = arith.mulf %gather3A_2716, %mul3A_2712 : vector<16xf32>
      %add3A_2718 = arith.addf %add3A_2705, %mul3A_2717 : vector<16xf32>
      %gather3A_2719 = tpu.vector_load_idx %arg26[%add3A_8, %add3A_2583] : memref<128x16xf32, #tpu.memory_space<vmem>>[vector<16xi32>, vector<16xi32>], vector<16xf32>,
      %mul3A_2720 = arith.mulf %gather3A_2719, %mul3A_2712 : vector<16xf32>
      %add3A_2721 = arith.addf %add3A_2708, %mul3A_2720 : vector<16xf32>
      %gather3A_2722 = tpu.vector_load_idx %arg26[%add3A_8, %add3A_2586] : memref<128x16xf32, #tpu.memory_space<vmem>>[vector<16xi32>, vector<16xi32>], vector<16xf32>,
      %mul3A_2723 = arith.mulf %gather3A_2722, %mul3A_2712 : vector<16xf32>
      %add3A_2724 = arith.addf %add3A_2711, %mul3A_2723 : vector<16xf32>
      %mul3A_2725 = arith.mulf %mul3A_2447, %mul3A_2490 : vector<16xf32>
      %gather3A_2726 = tpu.vector_load_idx %arg26[%add3A_11, %add3A_2577] : memref<128x16xf32, #tpu.memory_space<vmem>>[vector<16xi32>, vector<16xi32>], vector<16xf32>,
      %mul3A_2727 = arith.mulf %gather3A_2726, %mul3A_2725 : vector<16xf32>
      %add3A_2728 = arith.addf %add3A_2715, %mul3A_2727 : vector<16xf32>
      %gather3A_2729 = tpu.vector_load_idx %arg26[%add3A_11, %add3A_2580] : memref<128x16xf32, #tpu.memory_space<vmem>>[vector<16xi32>, vector<16xi32>], vector<16xf32>,
      %mul3A_2730 = arith.mulf %gather3A_2729, %mul3A_2725 : vector<16xf32>
      %add3A_2731 = arith.addf %add3A_2718, %mul3A_2730 : vector<16xf32>
      %gather3A_2732 = tpu.vector_load_idx %arg26[%add3A_11, %add3A_2583] : memref<128x16xf32, #tpu.memory_space<vmem>>[vector<16xi32>, vector<16xi32>], vector<16xf32>,
      %mul3A_2733 = arith.mulf %gather3A_2732, %mul3A_2725 : vector<16xf32>
      %add3A_2734 = arith.addf %add3A_2721, %mul3A_2733 : vector<16xf32>
      %gather3A_2735 = tpu.vector_load_idx %arg26[%add3A_11, %add3A_2586] : memref<128x16xf32, #tpu.memory_space<vmem>>[vector<16xi32>, vector<16xi32>], vector<16xf32>,
      %mul3A_2736 = arith.mulf %gather3A_2735, %mul3A_2725 : vector<16xf32>
      %add3A_2737 = arith.addf %add3A_2724, %mul3A_2736 : vector<16xf32>
      %mul3A_2738 = arith.mulf %mul3A_2447, %mul3A_2498 : vector<16xf32>
      %gather3A_2739 = tpu.vector_load_idx %arg26[%add3A_14, %add3A_2577] : memref<128x16xf32, #tpu.memory_space<vmem>>[vector<16xi32>, vector<16xi32>], vector<16xf32>,
      %mul3A_2740 = arith.mulf %gather3A_2739, %mul3A_2738 : vector<16xf32>
      %add3A_2741 = arith.addf %add3A_2728, %mul3A_2740 : vector<16xf32>
      %gather3A_2742 = tpu.vector_load_idx %arg26[%add3A_14, %add3A_2580] : memref<128x16xf32, #tpu.memory_space<vmem>>[vector<16xi32>, vector<16xi32>], vector<16xf32>,
      %mul3A_2743 = arith.mulf %gather3A_2742, %mul3A_2738 : vector<16xf32>
      %add3A_2744 = arith.addf %add3A_2731, %mul3A_2743 : vector<16xf32>
      %gather3A_2745 = tpu.vector_load_idx %arg26[%add3A_14, %add3A_2583] : memref<128x16xf32, #tpu.memory_space<vmem>>[vector<16xi32>, vector<16xi32>], vector<16xf32>,
      %mul3A_2746 = arith.mulf %gather3A_2745, %mul3A_2738 : vector<16xf32>
      %add3A_2747 = arith.addf %add3A_2734, %mul3A_2746 : vector<16xf32>
      %gather3A_2748 = tpu.vector_load_idx %arg26[%add3A_14, %add3A_2586] : memref<128x16xf32, #tpu.memory_space<vmem>>[vector<16xi32>, vector<16xi32>], vector<16xf32>,
      %mul3A_2749 = arith.mulf %gather3A_2748, %mul3A_2738 : vector<16xf32>
      %add3A_2750 = arith.addf %add3A_2737, %mul3A_2749 : vector<16xf32>
      %mul3A_2751 = arith.mulf %mul3A_2455, %mul3A_2468 : vector<16xf32>
      %gather3A_2752 = tpu.vector_load_idx %arg26[%add3A_17, %add3A_2577] : memref<128x16xf32, #tpu.memory_space<vmem>>[vector<16xi32>, vector<16xi32>], vector<16xf32>,
      %mul3A_2753 = arith.mulf %gather3A_2752, %mul3A_2751 : vector<16xf32>
      %add3A_2754 = arith.addf %add3A_2741, %mul3A_2753 : vector<16xf32>
      %gather3A_2755 = tpu.vector_load_idx %arg26[%add3A_17, %add3A_2580] : memref<128x16xf32, #tpu.memory_space<vmem>>[vector<16xi32>, vector<16xi32>], vector<16xf32>,
      %mul3A_2756 = arith.mulf %gather3A_2755, %mul3A_2751 : vector<16xf32>
      %add3A_2757 = arith.addf %add3A_2744, %mul3A_2756 : vector<16xf32>
      %gather3A_2758 = tpu.vector_load_idx %arg26[%add3A_17, %add3A_2583] : memref<128x16xf32, #tpu.memory_space<vmem>>[vector<16xi32>, vector<16xi32>], vector<16xf32>,
      %mul3A_2759 = arith.mulf %gather3A_2758, %mul3A_2751 : vector<16xf32>
      %add3A_2760 = arith.addf %add3A_2747, %mul3A_2759 : vector<16xf32>
      %gather3A_2761 = tpu.vector_load_idx %arg26[%add3A_17, %add3A_2586] : memref<128x16xf32, #tpu.memory_space<vmem>>[vector<16xi32>, vector<16xi32>], vector<16xf32>,
      %mul3A_2762 = arith.mulf %gather3A_2761, %mul3A_2751 : vector<16xf32>
      %add3A_2763 = arith.addf %add3A_2750, %mul3A_2762 : vector<16xf32>
      %mul3A_2764 = arith.mulf %mul3A_2455, %add3A_2479 : vector<16xf32>
      %gather3A_2765 = tpu.vector_load_idx %arg26[%add3A_20, %add3A_2577] : memref<128x16xf32, #tpu.memory_space<vmem>>[vector<16xi32>, vector<16xi32>], vector<16xf32>,
      %mul3A_2766 = arith.mulf %gather3A_2765, %mul3A_2764 : vector<16xf32>
      %add3A_2767 = arith.addf %add3A_2754, %mul3A_2766 : vector<16xf32>
      %gather3A_2768 = tpu.vector_load_idx %arg26[%add3A_20, %add3A_2580] : memref<128x16xf32, #tpu.memory_space<vmem>>[vector<16xi32>, vector<16xi32>], vector<16xf32>,
      %mul3A_2769 = arith.mulf %gather3A_2768, %mul3A_2764 : vector<16xf32>
      %add3A_2770 = arith.addf %add3A_2757, %mul3A_2769 : vector<16xf32>
      %gather3A_2771 = tpu.vector_load_idx %arg26[%add3A_20, %add3A_2583] : memref<128x16xf32, #tpu.memory_space<vmem>>[vector<16xi32>, vector<16xi32>], vector<16xf32>,
      %mul3A_2772 = arith.mulf %gather3A_2771, %mul3A_2764 : vector<16xf32>
      %add3A_2773 = arith.addf %add3A_2760, %mul3A_2772 : vector<16xf32>
      %gather3A_2774 = tpu.vector_load_idx %arg26[%add3A_20, %add3A_2586] : memref<128x16xf32, #tpu.memory_space<vmem>>[vector<16xi32>, vector<16xi32>], vector<16xf32>,
      %mul3A_2775 = arith.mulf %gather3A_2774, %mul3A_2764 : vector<16xf32>
      %add3A_2776 = arith.addf %add3A_2763, %mul3A_2775 : vector<16xf32>
      %mul3A_2777 = arith.mulf %mul3A_2455, %mul3A_2490 : vector<16xf32>
      %gather3A_2778 = tpu.vector_load_idx %arg26[%add3A_23, %add3A_2577] : memref<128x16xf32, #tpu.memory_space<vmem>>[vector<16xi32>, vector<16xi32>], vector<16xf32>,
      %mul3A_2779 = arith.mulf %gather3A_2778, %mul3A_2777 : vector<16xf32>
      %add3A_2780 = arith.addf %add3A_2767, %mul3A_2779 : vector<16xf32>
      %gather3A_2781 = tpu.vector_load_idx %arg26[%add3A_23, %add3A_2580] : memref<128x16xf32, #tpu.memory_space<vmem>>[vector<16xi32>, vector<16xi32>], vector<16xf32>,
      %mul3A_2782 = arith.mulf %gather3A_2781, %mul3A_2777 : vector<16xf32>
      %add3A_2783 = arith.addf %add3A_2770, %mul3A_2782 : vector<16xf32>
      %gather3A_2784 = tpu.vector_load_idx %arg26[%add3A_23, %add3A_2583] : memref<128x16xf32, #tpu.memory_space<vmem>>[vector<16xi32>, vector<16xi32>], vector<16xf32>,
      %mul3A_2785 = arith.mulf %gather3A_2784, %mul3A_2777 : vector<16xf32>
      %add3A_2786 = arith.addf %add3A_2773, %mul3A_2785 : vector<16xf32>
      %gather3A_2787 = tpu.vector_load_idx %arg26[%add3A_23, %add3A_2586] : memref<128x16xf32, #tpu.memory_space<vmem>>[vector<16xi32>, vector<16xi32>], vector<16xf32>,
      %mul3A_2788 = arith.mulf %gather3A_2787, %mul3A_2777 : vector<16xf32>
      %add3A_2789 = arith.addf %add3A_2776, %mul3A_2788 : vector<16xf32>
      %mul3A_2790 = arith.mulf %mul3A_2455, %mul3A_2498 : vector<16xf32>
      %gather3A_2791 = tpu.vector_load_idx %arg26[%add3A_26, %add3A_2577] : memref<128x16xf32, #tpu.memory_space<vmem>>[vector<16xi32>, vector<16xi32>], vector<16xf32>,
      %mul3A_2792 = arith.mulf %gather3A_2791, %mul3A_2790 : vector<16xf32>
      %add3A_2793 = arith.addf %add3A_2780, %mul3A_2792 : vector<16xf32>
      %gather3A_2794 = tpu.vector_load_idx %arg26[%add3A_26, %add3A_2580] : memref<128x16xf32, #tpu.memory_space<vmem>>[vector<16xi32>, vector<16xi32>], vector<16xf32>,
      %mul3A_2795 = arith.mulf %gather3A_2794, %mul3A_2790 : vector<16xf32>
      %add3A_2796 = arith.addf %add3A_2783, %mul3A_2795 : vector<16xf32>
      %gather3A_2797 = tpu.vector_load_idx %arg26[%add3A_26, %add3A_2583] : memref<128x16xf32, #tpu.memory_space<vmem>>[vector<16xi32>, vector<16xi32>], vector<16xf32>,
      %mul3A_2798 = arith.mulf %gather3A_2797, %mul3A_2790 : vector<16xf32>
      %add3A_2799 = arith.addf %add3A_2786, %mul3A_2798 : vector<16xf32>
      %gather3A_2800 = tpu.vector_load_idx %arg26[%add3A_26, %add3A_2586] : memref<128x16xf32, #tpu.memory_space<vmem>>[vector<16xi32>, vector<16xi32>], vector<16xf32>,
      %mul3A_2801 = arith.mulf %gather3A_2800, %mul3A_2790 : vector<16xf32>
      %add3A_2802 = arith.addf %add3A_2789, %mul3A_2801 : vector<16xf32>
      %mul3A_2803 = arith.mulf %add3A_2793, %mul3A_2511 : vector<16xf32>
      %mul3A_2804 = arith.mulf %add3A_2796, %add3A_2522 : vector<16xf32>
      %add3A_2805 = arith.addf %mul3A_2803, %mul3A_2804 : vector<16xf32>
      %mul3A_2806 = arith.mulf %add3A_2799, %mul3A_2533 : vector<16xf32>
      %mul3A_2807 = arith.mulf %add3A_2802, %mul3A_2541 : vector<16xf32>
      %add3A_2808 = arith.addf %mul3A_2806, %mul3A_2807 : vector<16xf32>
      %add3A_2809 = arith.addf %add3A_2805, %add3A_2808 : vector<16xf32>
      %swap3A_2810 = arith.index_cast %mul3A_2403 : i32 to index
      %swap3A_2811 = tpu.vector_load %arg10[%swap3A_2810] {strides = array<i32>} : memref<7872xf32, #tpu.memory_space<vmem>>, vector<16xf32>,
      tpu.vector_store %arg10[%swap3A_2810], %add3A_2809 {strides = array<i32>} : memref<7872xf32, #tpu.memory_space<vmem>>, vector<16xf32>,
    }
    %scan3A_480 = arith.constant 123 : i32
    %dma_wait3A = arith.constant 0 : i32
    %dma_wait3A_481 = arith.constant 0 : i32
    %dma_wait3A_482 = tpu.memref_slice %arg2[%dma_wait3A, %dma_wait3A_481] : memref<110592x16xf32, #tpu.memory_space<hbm>> -> memref<110592x16xf32, #tpu.memory_space<hbm>>
    tpu.wait_indirect_dma semaphore(%arg27 : memref<!tpu.dma_semaphore, #tpu.memory_space<semaphore_mem>>) src(%dma_wait3A_482 : memref<110592x16xf32, #tpu.memory_space<hbm>>) dst(%arg19 : memref<128x16xf32, #tpu.memory_space<vmem>>)
    %dma_wait3A_483 = arith.constant 0 : i32
    %dma_wait3A_484 = arith.constant 0 : i32
    %dma_wait3A_485 = tpu.memref_slice %arg2[%dma_wait3A_483, %dma_wait3A_484] : memref<110592x16xf32, #tpu.memory_space<hbm>> -> memref<110592x16xf32, #tpu.memory_space<hbm>>
    tpu.wait_indirect_dma semaphore(%arg27 : memref<!tpu.dma_semaphore, #tpu.memory_space<semaphore_mem>>) src(%dma_wait3A_485 : memref<110592x16xf32, #tpu.memory_space<hbm>>) dst(%arg20 : memref<128x16xf32, #tpu.memory_space<vmem>>)
    %dma_wait3A_486 = arith.constant 0 : i32
    %dma_wait3A_487 = arith.constant 0 : i32
    %dma_wait3A_488 = tpu.memref_slice %arg2[%dma_wait3A_486, %dma_wait3A_487] : memref<110592x16xf32, #tpu.memory_space<hbm>> -> memref<110592x16xf32, #tpu.memory_space<hbm>>
    tpu.wait_indirect_dma semaphore(%arg28 : memref<!tpu.dma_semaphore, #tpu.memory_space<semaphore_mem>>) src(%dma_wait3A_488 : memref<110592x16xf32, #tpu.memory_space<hbm>>) dst(%arg21 : memref<128x16xf32, #tpu.memory_space<vmem>>)
    %dma_wait3A_489 = arith.constant 0 : i32
    %dma_wait3A_490 = arith.constant 0 : i32
    %dma_wait3A_491 = tpu.memref_slice %arg2[%dma_wait3A_489, %dma_wait3A_490] : memref<110592x16xf32, #tpu.memory_space<hbm>> -> memref<110592x16xf32, #tpu.memory_space<hbm>>
    tpu.wait_indirect_dma semaphore(%arg28 : memref<!tpu.dma_semaphore, #tpu.memory_space<semaphore_mem>>) src(%dma_wait3A_491 : memref<110592x16xf32, #tpu.memory_space<hbm>>) dst(%arg22 : memref<128x16xf32, #tpu.memory_space<vmem>>)
    %dma_wait3A_492 = arith.constant 0 : i32
    %dma_wait3A_493 = arith.constant 0 : i32
    %dma_wait3A_494 = tpu.memref_slice %arg2[%dma_wait3A_492, %dma_wait3A_493] : memref<110592x16xf32, #tpu.memory_space<hbm>> -> memref<110592x16xf32, #tpu.memory_space<hbm>>
    tpu.wait_indirect_dma semaphore(%arg29 : memref<!tpu.dma_semaphore, #tpu.memory_space<semaphore_mem>>) src(%dma_wait3A_494 : memref<110592x16xf32, #tpu.memory_space<hbm>>) dst(%arg23 : memref<128x16xf32, #tpu.memory_space<vmem>>)
    %dma_wait3A_495 = arith.constant 0 : i32
    %dma_wait3A_496 = arith.constant 0 : i32
    %dma_wait3A_497 = tpu.memref_slice %arg2[%dma_wait3A_495, %dma_wait3A_496] : memref<110592x16xf32, #tpu.memory_space<hbm>> -> memref<110592x16xf32, #tpu.memory_space<hbm>>
    tpu.wait_indirect_dma semaphore(%arg29 : memref<!tpu.dma_semaphore, #tpu.memory_space<semaphore_mem>>) src(%dma_wait3A_497 : memref<110592x16xf32, #tpu.memory_space<hbm>>) dst(%arg24 : memref<128x16xf32, #tpu.memory_space<vmem>>)
    "tpu.region"() ({
      %run_scoped3A = tpu.sem_alloc : memref<!tpu.dma_semaphore, #tpu.memory_space<semaphore_mem>>
      %dma_start3A_498 = tpu.memref_slice %arg6[%mul3A_2] : memref<251904xf32, #tpu.memory_space<hbm>> -> memref<7872xf32, #tpu.memory_space<hbm>>
      %dma_start3A_499 = tpu.memref_slice %arg6[%mul3A_2] : memref<251904xf32, #tpu.memory_space<hbm>> -> memref<7872xf32, #tpu.memory_space<hbm>>
      tpu.enqueue_dma source(%arg10 : memref<7872xf32, #tpu.memory_space<vmem>>) target(%dma_start3A_499 : memref<7872xf32, #tpu.memory_space<hbm>>) target_semaphore(%run_scoped3A : memref<!tpu.dma_semaphore, #tpu.memory_space<semaphore_mem>>)
      %dma_wait3A_500 = tpu.memref_slice %arg6[%mul3A_2] : memref<251904xf32, #tpu.memory_space<hbm>> -> memref<7872xf32, #tpu.memory_space<hbm>>
      %dma_wait3A_501 = tpu.memref_slice %arg6[%mul3A_2] : memref<251904xf32, #tpu.memory_space<hbm>> -> memref<7872xf32, #tpu.memory_space<hbm>>
      tpu.wait_dma2 semaphore(%run_scoped3A : memref<!tpu.dma_semaphore, #tpu.memory_space<semaphore_mem>>) src(%arg10 : memref<7872xf32, #tpu.memory_space<vmem>>) dst(%dma_wait3A_501 : memref<7872xf32, #tpu.memory_space<hbm>>)
      tpu.yield
    }) : () -> ()
    return
  }
}

module attributes {stable_mosaic.version = 14 : i64} {
  func.func @body(%arg0: i32, %arg1: memref<4xi32, #tpu.memory_space<smem>>, %arg2: memref<4xf32, #tpu.memory_space<smem>>, %arg3: memref<1x16x96x96xf32, #tpu.memory_space<vmem>>, %arg4: memref<1x16x96x96xf32, #tpu.memory_space<vmem>>, %arg5: memref<1x16x96x96xf32, #tpu.memory_space<vmem>>, %arg6: memref<1x16x96x96xf32, #tpu.memory_space<vmem>>, %arg7: memref<16x96x96xf32, #tpu.memory_space<vmem>>) attributes {dimension_semantics = [#tpu.dimension_semantics<arbitrary>], iteration_bounds = array<i64: 6>, scalar_prefetch = 2 : i64, scratch_operands = 0 : i64, tpu.core_type = #tpu.core_type<tc>, window_params = [{transform_indices = @transform_0, window_bounds = array<i64: 1, 16, 96, 96>}, {transform_indices = @transform_1, window_bounds = array<i64: 1, 16, 96, 96>}, {transform_indices = @transform_2, window_bounds = array<i64: 1, 16, 96, 96>}, {transform_indices = @transform_3, window_bounds = array<i64: 1, 16, 96, 96>}, {transform_indices = @transform_4, window_bounds = array<i64: 16, 96, 96>}]} {
    %get3A = arith.constant 0 : index
    %get3A_0 = memref.load %arg2[%get3A] : memref<4xf32, #tpu.memory_space<smem>>
    %get3A_1 = arith.constant 0 : index
    %get3A_2 = arith.constant 0 : index
    %get3A_3 = arith.constant 0 : index
    %get3A_4 = arith.constant 0 : index
    %get3A_5 = vector.load %arg3[%get3A_1, %get3A_2, %get3A_3, %get3A_4] : memref<1x16x96x96xf32, #tpu.memory_space<vmem>>, vector<1x16x96x96xf32>
    %get3A_6 = vector.shape_cast %get3A_5 : vector<1x16x96x96xf32> to vector<16x96x96xf32>
    %mul3A = vector.broadcast %get3A_0 : f32 to vector<16x96x96xf32>
    %mul3A_7 = arith.mulf %mul3A, %get3A_6 : vector<16x96x96xf32>
    %get3A_8 = arith.constant 1 : index
    %get3A_9 = memref.load %arg2[%get3A_8] : memref<4xf32, #tpu.memory_space<smem>>
    %get3A_10 = arith.constant 0 : index
    %get3A_11 = arith.constant 0 : index
    %get3A_12 = arith.constant 0 : index
    %get3A_13 = arith.constant 0 : index
    %get3A_14 = vector.load %arg4[%get3A_10, %get3A_11, %get3A_12, %get3A_13] : memref<1x16x96x96xf32, #tpu.memory_space<vmem>>, vector<1x16x96x96xf32>
    %get3A_15 = vector.shape_cast %get3A_14 : vector<1x16x96x96xf32> to vector<16x96x96xf32>
    %mul3A_16 = vector.broadcast %get3A_9 : f32 to vector<16x96x96xf32>
    %mul3A_17 = arith.mulf %mul3A_16, %get3A_15 : vector<16x96x96xf32>
    %add3A = arith.addf %mul3A_7, %mul3A_17 : vector<16x96x96xf32>
    %get3A_18 = arith.constant 2 : index
    %get3A_19 = memref.load %arg2[%get3A_18] : memref<4xf32, #tpu.memory_space<smem>>
    %get3A_20 = arith.constant 0 : index
    %get3A_21 = arith.constant 0 : index
    %get3A_22 = arith.constant 0 : index
    %get3A_23 = arith.constant 0 : index
    %get3A_24 = vector.load %arg5[%get3A_20, %get3A_21, %get3A_22, %get3A_23] : memref<1x16x96x96xf32, #tpu.memory_space<vmem>>, vector<1x16x96x96xf32>
    %get3A_25 = vector.shape_cast %get3A_24 : vector<1x16x96x96xf32> to vector<16x96x96xf32>
    %mul3A_26 = vector.broadcast %get3A_19 : f32 to vector<16x96x96xf32>
    %mul3A_27 = arith.mulf %mul3A_26, %get3A_25 : vector<16x96x96xf32>
    %add3A_28 = arith.addf %add3A, %mul3A_27 : vector<16x96x96xf32>
    %get3A_29 = arith.constant 3 : index
    %get3A_30 = memref.load %arg2[%get3A_29] : memref<4xf32, #tpu.memory_space<smem>>
    %get3A_31 = arith.constant 0 : index
    %get3A_32 = arith.constant 0 : index
    %get3A_33 = arith.constant 0 : index
    %get3A_34 = arith.constant 0 : index
    %get3A_35 = vector.load %arg6[%get3A_31, %get3A_32, %get3A_33, %get3A_34] : memref<1x16x96x96xf32, #tpu.memory_space<vmem>>, vector<1x16x96x96xf32>
    %get3A_36 = vector.shape_cast %get3A_35 : vector<1x16x96x96xf32> to vector<16x96x96xf32>
    %mul3A_37 = vector.broadcast %get3A_30 : f32 to vector<16x96x96xf32>
    %mul3A_38 = arith.mulf %mul3A_37, %get3A_36 : vector<16x96x96xf32>
    %add3A_39 = arith.addf %add3A_28, %mul3A_38 : vector<16x96x96xf32>
    %swap3A = arith.constant 0 : index
    %swap3A_40 = arith.constant 0 : index
    %swap3A_41 = arith.constant 0 : index
    %swap3A_42 = vector.load %arg7[%swap3A, %swap3A_40, %swap3A_41] : memref<16x96x96xf32, #tpu.memory_space<vmem>>, vector<16x96x96xf32>
    tpu.vector_store %arg7[%swap3A, %swap3A_40, %swap3A_41], %add3A_39 {strides = array<i32>} : memref<16x96x96xf32, #tpu.memory_space<vmem>>, vector<16x96x96xf32>,
    return
  }
  func.func @transform_0(%arg0: i32, %arg1: memref<4xi32, #tpu.memory_space<smem>>, %arg2: memref<4xf32, #tpu.memory_space<smem>>) -> (i32, i32, i32, i32) {
    %get3A = arith.constant 0 : index
    %get3A_0 = memref.load %arg1[%get3A] : memref<4xi32, #tpu.memory_space<smem>>
    %c0_i32 = arith.constant 0 : i32
    %c0_i32_1 = arith.constant 0 : i32
    %c0_i32_2 = arith.constant 0 : i32
    return %get3A_0, %arg0, %c0_i32, %c0_i32_1 : i32, i32, i32, i32
  }
  func.func @transform_1(%arg0: i32, %arg1: memref<4xi32, #tpu.memory_space<smem>>, %arg2: memref<4xf32, #tpu.memory_space<smem>>) -> (i32, i32, i32, i32) {
    %get3A = arith.constant 1 : index
    %get3A_0 = memref.load %arg1[%get3A] : memref<4xi32, #tpu.memory_space<smem>>
    %c0_i32 = arith.constant 0 : i32
    %c0_i32_1 = arith.constant 0 : i32
    %c0_i32_2 = arith.constant 0 : i32
    return %get3A_0, %arg0, %c0_i32, %c0_i32_1 : i32, i32, i32, i32
  }
  func.func @transform_2(%arg0: i32, %arg1: memref<4xi32, #tpu.memory_space<smem>>, %arg2: memref<4xf32, #tpu.memory_space<smem>>) -> (i32, i32, i32, i32) {
    %get3A = arith.constant 2 : index
    %get3A_0 = memref.load %arg1[%get3A] : memref<4xi32, #tpu.memory_space<smem>>
    %c0_i32 = arith.constant 0 : i32
    %c0_i32_1 = arith.constant 0 : i32
    %c0_i32_2 = arith.constant 0 : i32
    return %get3A_0, %arg0, %c0_i32, %c0_i32_1 : i32, i32, i32, i32
  }
  func.func @transform_3(%arg0: i32, %arg1: memref<4xi32, #tpu.memory_space<smem>>, %arg2: memref<4xf32, #tpu.memory_space<smem>>) -> (i32, i32, i32, i32) {
    %get3A = arith.constant 3 : index
    %get3A_0 = memref.load %arg1[%get3A] : memref<4xi32, #tpu.memory_space<smem>>
    %c0_i32 = arith.constant 0 : i32
    %c0_i32_1 = arith.constant 0 : i32
    %c0_i32_2 = arith.constant 0 : i32
    return %get3A_0, %arg0, %c0_i32, %c0_i32_1 : i32, i32, i32, i32
  }
  func.func @transform_4(%arg0: i32, %arg1: memref<4xi32, #tpu.memory_space<smem>>, %arg2: memref<4xf32, #tpu.memory_space<smem>>) -> (i32, i32, i32) {
    %c0_i32 = arith.constant 0 : i32
    %c0_i32_0 = arith.constant 0 : i32
    %c0_i32_1 = arith.constant 0 : i32
    return %arg0, %c0_i32, %c0_i32_0 : i32, i32, i32
  }
}

</mosaic_0001>

<sc_bundles>
// kernel: kernel.4.cloned.1.call-start
scs
__scs_entry_jumppad:
0x0: {  	(pc) =	sbr.rel $0x88, $3  }
0x1: {  	(tag) =	ssettag $0x0;
	lr =	simm.s32 $0x1  }
0x2: {  	[smem:$0x3F9D] =	sst lr;
	_ =	strace $0xD0000000  }
0x3: {  	_ = 	snop  }
0x4: {  	_ = 	snop  }
0x5: {  	_ = 	snop  }
0x6: {  	_ = 	snop  }
0x7: {  	_ = 	snop  }
__scs_overlays_trampoline_lowered:
0x8: {  	[smem:$0x3FAC] =	sst s0  }
0x9: {  	[smem:$0x3FAD] =	sst s1  }
0xa: {  	[smem:$0x3FAE] =	sst s2  }
0xb: {  	[smem:$0x3FAF] =	sst s3  }
0xc: {  	[smem:$0x3FB0] =	sst s4  }
0xd: {  	[smem:$0x3FB1] =	sst s5  }
0xe: {  	[smem:$0x3FB2] =	sst s6  }
0xf: {  	[smem:$0x3FB3] =	sst s7  }
0x10: {  	[smem:$0x3FB4] =	sst s8  }
0x11: {  	[smem:$0x3FB5] =	sst s9;
	s0 =	simm.s32 @!p0 $0x0  }
0x12: {  	s1 =	sld [smem:$0x3F9B];
	s0 =	simm.s32 @p0 $0x1  }
0x13: {  	[smem:$0x3FB6] =	sst s0;
	s0 =	simm.s32 @!p1 $0x0  }
0x14: {  	s2 =	sld [smem:$0x3F9A];
	s0 =	simm.s32 @p1 $0x1  }
0x15: {  	[smem:$0x3FB7] =	sst s0;
	s0 =	simm.s32 @!p2 $0x0  }
0x16: {  	s3 =	sld [smem:$0x3FDB];
	s0 =	simm.s32 @p2 $0x1  }
0x17: {  	s4 =	simm.s32 $0x1BF5;
	[smem:$0x3FB9] =	sst s0  }
0x18: {  	s0 =	sld [smem:$0x3F9C];
	_ =	swait.ge [sflag:s4], $0x0  }
0x19: {  	s7 =	sld [smem:$0x3F9D]  }
0x1a: {  	s8 =	sadd.s32 $0xFFFFE003, lr  }
0x1b: {  	s9 =	sadd.s32 $0xFFFFFEF7, lr;
	s5 =	simm.s32 $0xFFFFFFFF;
	p2 =	slt.u32 s8, $0xFFFFF086  }
0x1c: {  	p1 =	slt.u32 s9, $0xF7A;
	s5 =	simm.s32 @!p2 $0x0  }
0x1d: {  	s5 =	simm.s32 @p1 $0x1;
	p0 =	seq.s32 s7, s2  }
0x1e: {  	s7 =	smul.u32 @!p0 $0xF7A, s2;
	p2 =	seq.s32 @!p0 s5, $0x0  }
0x1f: {  	s9 =	smul.u32 $0xF7A, s1;
	s8 =	simm.s32 @!p0 $0x1BF5;
	p2 =	por !p2, p0  }
0x20: {  	[sflag:s8] =	ssyncset.s32 @!p0 $0xFFFFF086;
	s6 =	sadd.s32 @!p0 s3, s7;
	s7 =	simm.s32 @!p0 $0x108  }
0x21: {  	s3 =	sadd.s32 s3, s9;
	s6 =	sadd.s32 @!p0 $0x88, s6;
	s7 =	simm.s32 @p2 $0x1082  }
0x22: {  	[simem:s7], [sflag:s8] =	dma.local @!p0 [hbm:s6], $0xF7A  }
0x23: {  	s9 =	sor.u32 $0xD0000000, s2;
	s6 =	simm.s32 $0x108;
	_ =	swait.ge @!p0 [sflag:s8], $0x0  }
0x24: {  	s3 =	sadd.s32 $0x88, s3;
	s6 =	simm.s32 @!p1 $0x1082;
	[sflag:s4] =	ssyncset.s32 $0xFFFFF086  }
0x25: {  	[simem:s6], [sflag:s4] =	dma.local [hbm:s3], $0xF7A  }
0x26: {  	[smem:$0x3F9D] =	sst s1;
	(tag) =	ssettag s2;
	_ =	strace s9  }
0x27: {  	s1 =	sld [smem:$0x3FAD]  }
0x28: {  	s2 =	sld [smem:$0x3FAE]  }
0x29: {  	s4 =	sld [smem:$0x3FB0]  }
0x2a: {  	p0 =	seq.s32 s5, $0x0;
	s5 =	sld [smem:$0x3FB1]  }
0x2b: {  	s6 =	sld [smem:$0x3FB2]  }
0x2c: {  	s7 =	sld [smem:$0x3FB3]  }
0x2d: {  	s3 =	simm.s32 $0x108;
	s8 =	sld [smem:$0x3FB4]  }
0x2e: {  	s3 =	simm.s32 @!p0 $0x1082;
	s9 =	sld [smem:$0x3FB5]  }
0x2f: {  	lr =	sadd.s32 s0, s3;
	s0 =	sld [smem:$0x3FAC]  }
0x30: {  	s3 =	sld [smem:$0x3FAF]  }
0x31: {  	[smem:$0x3FB8] =	sst s10  }
0x32: {  	s10 =	sld [smem:$0x3FB6];
	_ =	sdelay $0x3  }
0x33: {  	p0 =	seq.s32 s10, $0x1;
	s10 =	sld [smem:$0x3FB8];
	_ =	sdelay $0x3  }
0x34: {  	[smem:$0x3FB8] =	sst s10  }
0x35: {  	s10 =	sld [smem:$0x3FB7];
	_ =	sdelay $0x3  }
0x36: {  	p1 =	seq.s32 s10, $0x1;
	s10 =	sld [smem:$0x3FB8];
	_ =	sdelay $0x3  }
0x37: {  	[smem:$0x3FB8] =	sst s10  }
0x38: {  	s10 =	sld [smem:$0x3FB9]  }
0x39: {  	_ = 	snop;
	(pc) =	sbr.ind lr, $3  }
0x3a: {  	_ = 	snop  }
0x3b: {  	_ = 	snop  }
0x3c: {  	p2 =	seq.s32 s10, $0x1;
	s10 =	sld [smem:$0x3FB8]  }
0x3d: {  	_ =	shalt  }
0x3e: {  	_ =	shalt  }
0x3f: {  	_ =	shalt  }
0x40: {  	_ =	shalt  }
0x41: {  	_ =	shalt  }
0x42: {  	_ =	shalt  }
0x43: {  	_ =	shalt  }
0x44: {  	_ =	shalt  }
0x45: {  	_ =	shalt  }
0x46: {  	_ =	shalt  }
0x47: {  	_ =	shalt  }
0x48: {  	_ =	shalt  }
0x49: {  	_ =	shalt  }
0x4a: {  	_ =	shalt  }
0x4b: {  	_ =	shalt  }
0x4c: {  	_ =	shalt  }
0x4d: {  	_ =	shalt  }
0x4e: {  	_ =	shalt  }
0x4f: {  	_ =	shalt  }
0x50: {  	_ =	shalt  }
0x51: {  	_ =	shalt  }
0x52: {  	_ =	shalt  }
0x53: {  	_ =	shalt  }
0x54: {  	_ =	shalt  }
0x55: {  	_ =	shalt  }
0x56: {  	_ =	shalt  }
0x57: {  	_ =	shalt  }
0x58: {  	_ =	shalt  }
0x59: {  	_ =	shalt  }
0x5a: {  	_ =	shalt  }
0x5b: {  	_ =	shalt  }
0x5c: {  	_ =	shalt  }
0x5d: {  	_ =	shalt  }
0x5e: {  	_ =	shalt  }
0x5f: {  	_ =	shalt  }
0x60: {  	_ =	shalt  }
0x61: {  	_ =	shalt  }
0x62: {  	_ =	shalt  }
0x63: {  	_ =	shalt  }
0x64: {  	_ =	shalt  }
0x65: {  	_ =	shalt  }
0x66: {  	_ =	shalt  }
0x67: {  	_ =	shalt  }
0x68: {  	_ =	shalt  }
0x69: {  	_ =	shalt  }
0x6a: {  	_ =	shalt  }
0x6b: {  	_ =	shalt  }
0x6c: {  	_ =	shalt  }
0x6d: {  	_ =	shalt  }
0x6e: {  	_ =	shalt  }
0x6f: {  	_ =	shalt  }
0x70: {  	_ =	shalt  }
0x71: {  	_ =	shalt  }
0x72: {  	_ =	shalt  }
0x73: {  	_ =	shalt  }
0x74: {  	_ =	shalt  }
0x75: {  	_ =	shalt  }
0x76: {  	_ =	shalt  }
0x77: {  	_ =	shalt  }
0x78: {  	_ =	shalt  }
0x79: {  	_ =	shalt  }
0x7a: {  	_ =	shalt  }
0x7b: {  	_ =	shalt  }
0x7c: {  	_ =	shalt  }
0x7d: {  	_ =	shalt  }
0x7e: {  	_ =	shalt  }
0x7f: {  	_ =	shalt  }
0x80: {  	_ =	shalt  }
0x81: {  	_ =	shalt  }
0x82: {  	_ =	shalt  }
0x83: {  	_ =	shalt  }
0x84: {  	_ =	shalt  }
0x85: {  	_ =	shalt  }
0x86: {  	_ =	shalt  }
0x87: {  	_ =	shalt  }
.Lfunc_end0:
.L_simem_size_0:
called_computation_lowered:
.L_overlay_start_0:
0x88: {  	s2 =	sld [smem:$0x3FD9]  }
0x89: {  	s3 =	sld [smem:$0x3FFE];
	_ =	sdelay $0x1  }
0x8a: {  	s1 =	srdreg.scid  }
0x8b: {  	s0 =	sand.u32 $0x1, s1  }
0x8c: {  	s16 =	sshll.u32 s0, $0xA;
	s2 =	sadd.s32 s3, s2  }
0x8d: {  	s2 =	sadd.s32 s2, s16  }
0x8e: {  	[smem:$0x3FC4] =	sst s2  }
0x8f: {  	_ = 	snop  }
0x90: {  	(tm) =	ssettm $0x1  }
0x91: {  	s17 =	sld [smem:$0x3FFB];
	_ =	sdelay $0x3  }
0x92: {  	_ =	strace s17  }
0x93: {  	s2 =	sld [smem:$0x3FFC];
	_ =	sdelay $0x3  }
0x94: {  	_ =	strace s2  }
0x95: {  	s2 =	sld [smem:$0x3FFD];
	_ =	sdelay $0x3  }
0x96: {  	_ =	strace s2  }
0x97: {  	_ =	strace $0x8FFFFFFF  }
0x98: {  	s18 =	sld [smem:$0x3FDB];
	_ =	sdelay $0x1  }
0x99: {  	s19 =	simm.s32 $_scs_section_size  }
0x9a: {  	s4 =	simm.s32 $_size__tile_overlayer_lowered;
	s5 =	simm.s32 $_tile_overlayer_lowered  }
0x9b: {  	s22 =	simm.s32 $0x1BFF;
	s21 =	sshll.u32 s5, $0x1;
	s2 =	sadd.s32 s19, s18  }
0x9c: {  	s6 =	simm.s32 $0x0;
	s20 =	sshll.u32 s4, $0x1;
	s4 =	sadd.s32 s21, s2  }
0x9d: {  	[timem:s6], [sflag:s22] =	dma.local [hbm:s4], s20  }
0x9e: {  	_ =	swait.ge [sflag:s22], s20  }
0x9f: {  	s3 =	ssub.s32 $0x0, s20;
	[sflag:s22] =	ssyncset.done $0x0  }
0xa0: {  	[sflag:s22] =	ssyncadd.s32 s3;
	_ =	sdelay $0x1  }
0xa1: {  	s23 =	simm.s32 $0x1B8B  }
0xa2: {  	_ =	swait.ge [sflag:s23], $0x1  }
0xa3: {  	[sflag:s23] =	ssyncset.done $0x0  }
0xa4: {  	s25 =	simm.s32 $0x1B8E;
	s24 =	sld [smem:$0x3FFE];
	[sflag:s23] =	ssyncadd.s32 $0xFFFFFFFF  }
0xa5: {  	s26 =	simm.s32 $execute0_lowered;
	[smem:$0x3FD2] =	sst s25  }
0xa6: {  	s4 =	sshll.u32 s26, $0x1;
	_ =	strace $0x80000046;
	[dreg:$0x1] =	wrdreg $0xFFFFFFFF  }
0xa7: {  	s28 =	simm.s32 $_size_execute0_lowered;
	s2 =	sadd.s32 s2, s4;
	[dreg:$0x0] =	wrdreg $0x0  }
0xa8: {  	s4 =	sshll.u32 s28, $0x1;
	[dreg:$0x2] =	wrdreg s2  }
0xa9: {  	[dreg:$0x3] =	wrdreg s4  }
0xaa: {  	[dreg:$0x4] =	wrdreg $0xC0  }
0xab: {  	_ =	task [dreg:s6], $0x5FFFF  }
0xac: {  	[dreg:$0x1] =	wrdreg $0xFFFFFFFF  }
0xad: {  	[dreg:$0x0] =	wrdreg $0x60  }
0xae: {  	[dreg:$0x2] =	wrdreg s24  }
0xaf: {  	[dreg:$0x3] =	wrdreg $0x9  }
0xb0: {  	_ =	task.clear_ibuf [dreg:s6], $0x4FFFF;
	_ =	strace $0x90000046  }
0xb1: {  	s29 =	simm.s32 $0x9;
	_ =	strace $0x80000048  }
0xb2: {  	_ =	swait.ge [sflag:s29], $0x1  }
0xb3: {  	[sflag:s29] =	ssyncadd.s32 $0xFFFFFFFF  }
0xb4: {  	_ =	strace $0x90000048  }
0xb5: {  	_ =	sfence  }
0xb6: {  	s30 =	sld [smem:$0x0];
	_ =	sdelay $0x2  }
0xb7: {  	s31 =	sshll.u32 s1, $0xD;
	s1 =	sshrl.u32 s1, $0x2  }
0xb8: {  	s3 =	sand.u32 $0x4000, s31;
	s1 =	sadd.s32 s1, s30  }
0xb9: {  	s0 =	sor.u32 s3, s0;
	s1 =	sshll.u32 s1, $0x11  }
0xba: {  	s0 =	sor.u32 s1, s0  }
0xbb: {  	s0 =	sadd.s32 $0x8F2B, s0  }
0xbc: {  	[sflag:s0] =	ssyncadd.remote.s32 $0x1  }
0xbd: {  	_ =	sfence.sel $0xFFFF  }
0xbe: {  	[dreg:$0x0] =	wrdreg $0xFFFFFFFF;
	(pc) =	sbr.abs _section_cstart, $3  }
0xbf: {  	[dreg:$0x1] =	wrdreg $0xFFFFFFFF  }
0xc0: {  	_ =	task.clear_ibuf [dreg:s6], $0x2FFFF;
	_ =	strace $0x9FFFFFFF  }
0xc1: {  	(tm) =	ssettm $0x7FFFFFFF  }
tec
execute0_lowered:
.L_overlay_start_1:
0x0: {  	(tag) =	ssettag $0x1  }
0x1: {  	s2 =	stileid.u32;
	v0 =	vlaneseq.u32  }
0x2: {  	s3 =	sshll.u32 s2, $0x1;
	s2 =	simm.s32 $0x0;
	v0 =	vmul.u32 $0x10, v0  }
0x3: {  	[smem:$0x7FF] =	sst s2  }
0x4: {  	s1 =	rddreg [dreg:$0x0];
	_ =	strace $0x80000047;
	v11 =	vor.u32 $0x700, v0;
	[tilespmem:$0x1FF60] =	vst v0  }
0x5: {  	v2 =	vor.u32 $0x1, v0;
	[tilespmem:$0x1FE00] =	vst v11  }
0x6: {  	v3 =	vor.u32 $0x2, v0;
	[tilespmem:$0x1FF70] =	vst v2  }
0x7: {  	v4 =	vor.u32 $0x3, v0;
	[tilespmem:$0x1FF80] =	vst v3  }
0x8: {  	v5 =	vor.u32 $0x100, v0;
	[tilespmem:$0x1FF90] =	vst v4  }
0x9: {  	v6 =	vor.u32 $0x200, v0;
	[tilespmem:$0x1FFA0] =	vst v5  }
0xa: {  	v7 =	vor.u32 $0x300, v0;
	[tilespmem:$0x1FFB0] =	vst v6  }
0xb: {  	v8 =	vor.u32 $0x400, v0;
	[tilespmem:$0x1FFC0] =	vst v7  }
0xc: {  	v9 =	vor.u32 $0x500, v0;
	[tilespmem:$0x1FFD0] =	vst v8  }
0xd: {  	v10 =	vor.u32 $0x600, v0;
	[tilespmem:$0x1FFE0] =	vst v9  }
0xe: {  	v11 =	vor.u32 $0x101, v0;
	[tilespmem:$0x1FFF0] =	vst v10  }
0xf: {  	[tilespmem:$0x1FE10] =	vst v11;
	v11 =	vor.u32 $0x102, v0  }
0x10: {  	[tilespmem:$0x1FE20] =	vst v11;
	v11 =	vor.u32 $0x103, v0  }
0x11: {  	[tilespmem:$0x1FE30] =	vst v11;
	v11 =	vor.u32 $0x201, v0  }
0x12: {  	[tilespmem:$0x1FE40] =	vst v11;
	v11 =	vor.u32 $0x202, v0  }
0x13: {  	[tilespmem:$0x1FE50] =	vst v11;
	v11 =	vor.u32 $0x203, v0  }
0x14: {  	[tilespmem:$0x1FE60] =	vst v11;
	v11 =	vor.u32 $0x301, v0  }
0x15: {  	[tilespmem:$0x1FE70] =	vst v11;
	v11 =	vor.u32 $0x302, v0  }
0x16: {  	[tilespmem:$0x1FE80] =	vst v11;
	v11 =	vor.u32 $0x303, v0  }
0x17: {  	s0 =	srdreg.scid;
	[tilespmem:$0x1FE90] =	vst v11;
	v11 =	vor.u32 $0x401, v0  }
0x18: {  	s9 =	simm.s32 $0x5;
	s12 =	simm.s32 $0x80;
	s13 =	simm.s32 $0x7B90;
	[tilespmem:$0x1FEA0] =	vst v11;
	v11 =	vor.u32 $0x402, v0  }
0x19: {  	s14 =	simm.s32 $0x7F90;
	s15 =	simm.s32 $0x7C10;
	s16 =	simm.s32 $0x8790;
	[tilespmem:$0x1FEB0] =	vst v11;
	v11 =	vor.u32 $0x403, v0  }
0x1a: {  	s17 =	simm.s32 $0x7C90;
	s18 =	simm.s32 $0x8F90;
	s19 =	simm.s32 $0x7D10;
	[tilespmem:$0x1FEC0] =	vst v11;
	v11 =	vor.u32 $0x501, v0  }
0x1b: {  	s20 =	simm.s32 $0x9790;
	s21 =	simm.s32 $0x7D90;
	s22 =	simm.s32 $0x9F90;
	[tilespmem:$0x1FED0] =	vst v11;
	v11 =	vor.u32 $0x502, v0  }
0x1c: {  	s23 =	simm.s32 $0x7E10;
	s24 =	simm.s32 $0xA790;
	s25 =	simm.s32 $0x7E90;
	[tilespmem:$0x1FEE0] =	vst v11;
	v11 =	vor.u32 $0x503, v0  }
0x1d: {  	s26 =	simm.s32 $0xAF90;
	s28 =	simm.s32 $0x7F10;
	s0 =	sand.u32 $0x1, s0;
	[tilespmem:$0x1FEF0] =	vst v11;
	v11 =	vor.u32 $0x601, v0  }
0x1e: {  	s29 =	simm.s32 $0xB790;
	s3 =	sor.u32 s0, s3;
	s0 =	ssub.s32 $0x2, s0;
	[tilespmem:$0x1FF00] =	vst v11;
	v11 =	vor.u32 $0x602, v0  }
0x1f: {  	s30 =	simm.s32 $0x1;
	s4 =	smul.u32 $0x3D8, s3;
	s5 =	sshrl.u32 s0, $0x1;
	[tilespmem:$0x1FF10] =	vst v11;
	v11 =	vor.u32 $0x603, v0  }
0x20: {  	s31 =	simm.s32 $0x2;
	s11 =	simm.s32 $0x0;
	s0 =	ssub.s32 s0, s5;
	[tilespmem:$0x1FF20] =	vst v11;
	v11 =	vor.u32 $0x701, v0  }
0x21: {  	s3 =	sadd.s32 $0x240000, s1;
	s4 =	sadd.s32 s1, s4;
	s8 =	smax.u32 s0, $0x1;
	[tilespmem:$0x1FF30] =	vst v11;
	v11 =	vor.u32 $0x702, v0  }
0x22: {  	s0 =	simm.s32 $0x4;
	s1 =	sadd.s32 $0xF800, s4;
	s6 =	sadd.s32 $0x7C00, s4;
	[tilespmem:$0x1FF40] =	vst v11;
	v11 =	vor.u32 $0x703, v0  }
0x23: {  	v1 =	vimm.s32 $0x0;
	s7 =	sadd.s32 $0x17400, s4;
	[dreg:$0x2] =	wrdreg s1;
	s1 =	simm.s32 $0x3;
	[tilespmem:$0x1FF50] =	vst v11  }
.LBB2_1:
0x24: {  	s5 =	rddreg [dreg:$0x2]  }
0x25: {  	[tilespmem:s2], [sflag:$0x5] =	stream.linear.gather [hbm4b:s5+s2], $0x1EF0, $0x38;
	[tilespmem:$0xBF90] =	vst v63  }
0x26: {  	_ =	swait.ge [sflag:s9], $0x1EF0  }
0x27: {  	[sflag:s9] =	ssyncset.done $0x0  }
0x28: {  	s10 =	simm.s32 $0x1EF0;
	[sflag:s9] =	ssyncadd.s32 $0xFFFFE110  }
0x29: {  	[tilespmem:s10], [sflag:$0x5] =	stream.linear.gather [hbm4b:s6+s2], $0x1EF0, $0x38;
	[tilespmem:$0xBF90] =	vst v63  }
0x2a: {  	_ =	swait.ge [sflag:s9], $0x1EF0  }
0x2b: {  	[sflag:s9] =	ssyncset.done $0x0  }
0x2c: {  	s10 =	simm.s32 $0x3DE0;
	[sflag:s9] =	ssyncadd.s32 $0xFFFFE110  }
0x2d: {  	[tilespmem:s10], [sflag:$0x5] =	stream.linear.gather [hbm4b:s4+s2], $0x1EF0, $0x38;
	[tilespmem:$0xBF90] =	vst v63  }
0x2e: {  	_ =	swait.ge [sflag:s9], $0x1EF0  }
0x2f: {  	[sflag:s9] =	ssyncset.done $0x0  }
0x30: {  	[sflag:s9] =	ssyncadd.s32 $0xFFFFE110  }
0x31: {  	v12 =	vld [tilespmem:$0x0]  }
0x32: {  	v13 =	vld [tilespmem:$0x3DE0]  }
0x33: {  	v14 =	vld [tilespmem:$0x1EF0];
	_ =	sdelay $0x2  }
0x34: {  	v12 =	vtrunc.f32 v12  }
0x35: {  	v13 =	vtrunc.f32 v13;
	v12 =	vcvt.f32.s32 v12  }
0x36: {  	v14 =	vtrunc.f32 v14;
	v13 =	vcvt.f32.s32 v13  }
0x37: {  	v14 =	vcvt.f32.s32 v14;
	v12 =	vadd.s32 $0xFFFFFFFF, v12  }
0x38: {  	v13 =	vadd.s32 $0xFFFFFFFF, v13;
	vm0 =	vgt.s32 v12, $0x0  }
0x39: {  	v14 =	vadd.s32 $0xFFFFFFFF, v14;
	vm5 =	vgt.s32 v13, $0x0;
	v12 =	vnsel vm0, $0x0, v12  }
0x3a: {  	vm6 =	vgt.s32 v14, $0x0;
	v13 =	vnsel vm5, $0x0, v13;
	v12 =	vmin.u32 v12, $0x5C  }
0x3b: {  	v14 =	vnsel vm6, $0x0, v14;
	v13 =	vmin.u32 v13, $0x5C;
	v12 =	vmul.u32 $0x60, v12  }
0x3c: {  	v14 =	vmin.u32 v14, $0x5C;
	v15 =	vand.u32 $0xF, v13  }
0x3d: {  	vm7 =	vgt.u32 v15, $0xC;
	v12 =	vadd.s32 v14, v12  }
0x3e: {  	v59 =	vsel vm7, $0xFFFFFFF8, v1;
	v12 =	vmul.u32 $0xC, v12  }
0x3f: {  	v60 =	vsel vm7, $0x6, v1;
	v13 =	vadd.s32 v13, v59  }
0x40: {  	v13 =	vshra.s32 v13, $0x4;
	v12 =	vadd.s32 v12, v60  }
0x41: {  	v12 =	vadd.s32 v13, v12  }
0x42: {  	[tilespmem:$0x7B90] =	vst v12;
	v13 =	vadd.s32 $0xC, v12  }
0x43: {  	v61 =	vadd.s32 $0x18, v12;
	[tilespmem:$0x7BA0] =	vst v13  }
0x44: {  	v62 =	vadd.s32 $0x24, v12;
	[tilespmem:$0x7BB0] =	vst v61  }
0x45: {  	v63 =	vadd.s32 $0x480, v12;
	[tilespmem:$0x7BC0] =	vst v62  }
0x46: {  	v16 =	vadd.s32 $0x48C, v12;
	[tilespmem:$0x7BD0] =	vst v63  }
0x47: {  	v17 =	vadd.s32 $0x498, v12;
	[tilespmem:$0x7BE0] =	vst v16  }
0x48: {  	v18 =	vadd.s32 $0x4A4, v12;
	[tilespmem:$0x7BF0] =	vst v17  }
0x49: {  	v19 =	vadd.s32 $0x900, v12;
	[tilespmem:$0x7C00] =	vst v18  }
0x4a: {  	v20 =	vadd.s32 $0x90C, v12;
	[tilespmem:$0x7C10] =	vst v19  }
0x4b: {  	v21 =	vadd.s32 $0x918, v12;
	[tilespmem:$0x7C20] =	vst v20  }
0x4c: {  	v22 =	vadd.s32 $0x924, v12;
	[tilespmem:$0x7C30] =	vst v21  }
0x4d: {  	v23 =	vadd.s32 $0xD80, v12;
	[tilespmem:$0x7C40] =	vst v22  }
0x4e: {  	v24 =	vadd.s32 $0xD8C, v12;
	[tilespmem:$0x7C50] =	vst v23  }
0x4f: {  	v25 =	vadd.s32 $0xD98, v12;
	[tilespmem:$0x7C60] =	vst v24  }
0x50: {  	v12 =	vadd.s32 $0xDA4, v12;
	[tilespmem:$0x7C70] =	vst v25  }
0x51: {  	[tilespmem:$0x7C80] =	vst v12  }
0x52: {  	[tilespmem:s14], [sflag:$0x1] =	stream.indirect.gather [hbm4b:s3+s12], $0x10, s13, s12, $0xb8;
	[tilespmem:$0xBF90] =	vst v63  }
0x53: {  	_ = 	snop  }
0x54: {  	[tilespmem:s16], [sflag:$0x1] =	stream.indirect.gather [hbm4b:s3+s12], $0x10, s15, s12, $0xb8;
	[tilespmem:$0xBF90] =	vst v63  }
0x55: {  	v26 =	vld [tilespmem:$0x10]  }
0x56: {  	v27 =	vld [tilespmem:$0x3DF0]  }
0x57: {  	v28 =	vld [tilespmem:$0x1F00];
	_ =	sdelay $0x2  }
0x58: {  	v12 =	vtrunc.f32 v26  }
0x59: {  	v13 =	vtrunc.f32 v27;
	v12 =	vcvt.f32.s32 v12  }
0x5a: {  	v14 =	vtrunc.f32 v28;
	v13 =	vcvt.f32.s32 v13  }
0x5b: {  	v14 =	vcvt.f32.s32 v14;
	v12 =	vadd.s32 $0xFFFFFFFF, v12  }
0x5c: {  	v13 =	vadd.s32 $0xFFFFFFFF, v13;
	vm8 =	vgt.s32 v12, $0x0  }
0x5d: {  	v14 =	vadd.s32 $0xFFFFFFFF, v14;
	vm9 =	vgt.s32 v13, $0x0;
	v12 =	vnsel vm8, $0x0, v12  }
0x5e: {  	vm10 =	vgt.s32 v14, $0x0;
	v13 =	vnsel vm9, $0x0, v13;
	v12 =	vmin.u32 v12, $0x5C  }
0x5f: {  	v14 =	vnsel vm10, $0x0, v14;
	v13 =	vmin.u32 v13, $0x5C;
	v12 =	vmul.u32 $0x60, v12  }
0x60: {  	v14 =	vmin.u32 v14, $0x5C;
	v29 =	vand.u32 $0xF, v13  }
0x61: {  	vm11 =	vgt.u32 v29, $0xC;
	v12 =	vadd.s32 v14, v12  }
0x62: {  	v30 =	vsel vm11, $0xFFFFFFF8, v1;
	v12 =	vmul.u32 $0xC, v12  }
0x63: {  	v31 =	vsel vm11, $0x6, v1;
	v13 =	vadd.s32 v13, v30  }
0x64: {  	v13 =	vshra.s32 v13, $0x4;
	v12 =	vadd.s32 v12, v31  }
0x65: {  	v12 =	vadd.s32 v13, v12  }
0x66: {  	[tilespmem:$0x7C90] =	vst v12;
	v13 =	vadd.s32 $0xC, v12  }
0x67: {  	v32 =	vadd.s32 $0x18, v12;
	[tilespmem:$0x7CA0] =	vst v13  }
0x68: {  	v33 =	vadd.s32 $0x24, v12;
	[tilespmem:$0x7CB0] =	vst v32  }
0x69: {  	v34 =	vadd.s32 $0x480, v12;
	[tilespmem:$0x7CC0] =	vst v33  }
0x6a: {  	v35 =	vadd.s32 $0x48C, v12;
	[tilespmem:$0x7CD0] =	vst v34  }
0x6b: {  	v36 =	vadd.s32 $0x498, v12;
	[tilespmem:$0x7CE0] =	vst v35  }
0x6c: {  	v37 =	vadd.s32 $0x4A4, v12;
	[tilespmem:$0x7CF0] =	vst v36  }
0x6d: {  	v38 =	vadd.s32 $0x900, v12;
	[tilespmem:$0x7D00] =	vst v37  }
0x6e: {  	v39 =	vadd.s32 $0x90C, v12;
	[tilespmem:$0x7D10] =	vst v38  }
0x6f: {  	v40 =	vadd.s32 $0x918, v12;
	[tilespmem:$0x7D20] =	vst v39  }
0x70: {  	v41 =	vadd.s32 $0x924, v12;
	[tilespmem:$0x7D30] =	vst v40  }
0x71: {  	v42 =	vadd.s32 $0xD80, v12;
	[tilespmem:$0x7D40] =	vst v41  }
0x72: {  	v43 =	vadd.s32 $0xD8C, v12;
	[tilespmem:$0x7D50] =	vst v42  }
0x73: {  	v44 =	vadd.s32 $0xD98, v12;
	[tilespmem:$0x7D60] =	vst v43  }
0x74: {  	v12 =	vadd.s32 $0xDA4, v12;
	[tilespmem:$0x7D70] =	vst v44  }
0x75: {  	[tilespmem:$0x7D80] =	vst v12  }
0x76: {  	[tilespmem:s18], [sflag:$0x2] =	stream.indirect.gather [hbm4b:s3+s12], $0x10, s17, s12, $0xb8;
	[tilespmem:$0xBF90] =	vst v63  }
0x77: {  	_ = 	snop  }
0x78: {  	[tilespmem:s20], [sflag:$0x2] =	stream.indirect.gather [hbm4b:s3+s12], $0x10, s19, s12, $0xb8;
	[tilespmem:$0xBF90] =	vst v63  }
0x79: {  	v45 =	vld [tilespmem:$0x20]  }
0x7a: {  	v46 =	vld [tilespmem:$0x3E00]  }
0x7b: {  	v47 =	vld [tilespmem:$0x1F10];
	_ =	sdelay $0x2  }
0x7c: {  	v12 =	vtrunc.f32 v45  }
0x7d: {  	v13 =	vtrunc.f32 v46;
	v12 =	vcvt.f32.s32 v12  }
0x7e: {  	v14 =	vtrunc.f32 v47;
	v13 =	vcvt.f32.s32 v13  }
0x7f: {  	v14 =	vcvt.f32.s32 v14;
	v12 =	vadd.s32 $0xFFFFFFFF, v12  }
0x80: {  	v13 =	vadd.s32 $0xFFFFFFFF, v13;
	vm12 =	vgt.s32 v12, $0x0  }
0x81: {  	v14 =	vadd.s32 $0xFFFFFFFF, v14;
	vm13 =	vgt.s32 v13, $0x0;
	v12 =	vnsel vm12, $0x0, v12  }
0x82: {  	vm14 =	vgt.s32 v14, $0x0;
	v13 =	vnsel vm13, $0x0, v13;
	v12 =	vmin.u32 v12, $0x5C  }
0x83: {  	v14 =	vnsel vm14, $0x0, v14;
	v13 =	vmin.u32 v13, $0x5C;
	v12 =	vmul.u32 $0x60, v12  }
0x84: {  	v14 =	vmin.u32 v14, $0x5C;
	v48 =	vand.u32 $0xF, v13  }
0x85: {  	vm15 =	vgt.u32 v48, $0xC;
	v12 =	vadd.s32 v14, v12  }
0x86: {  	v49 =	vsel vm15, $0xFFFFFFF8, v1;
	v12 =	vmul.u32 $0xC, v12  }
0x87: {  	v50 =	vsel vm15, $0x6, v1;
	v13 =	vadd.s32 v13, v49  }
0x88: {  	v13 =	vshra.s32 v13, $0x4;
	v12 =	vadd.s32 v12, v50  }
0x89: {  	v12 =	vadd.s32 v13, v12  }
0x8a: {  	[tilespmem:$0x7D90] =	vst v12;
	v13 =	vadd.s32 $0xC, v12  }
0x8b: {  	v51 =	vadd.s32 $0x18, v12;
	[tilespmem:$0x7DA0] =	vst v13  }
0x8c: {  	v52 =	vadd.s32 $0x24, v12;
	[tilespmem:$0x7DB0] =	vst v51  }
0x8d: {  	v53 =	vadd.s32 $0x480, v12;
	[tilespmem:$0x7DC0] =	vst v52  }
0x8e: {  	v54 =	vadd.s32 $0x48C, v12;
	[tilespmem:$0x7DD0] =	vst v53  }
0x8f: {  	v55 =	vadd.s32 $0x498, v12;
	[tilespmem:$0x7DE0] =	vst v54  }
0x90: {  	v56 =	vadd.s32 $0x4A4, v12;
	[tilespmem:$0x7DF0] =	vst v55  }
0x91: {  	v57 =	vadd.s32 $0x900, v12;
	[tilespmem:$0x7E00] =	vst v56  }
0x92: {  	v58 =	vadd.s32 $0x90C, v12;
	[tilespmem:$0x7E10] =	vst v57  }
0x93: {  	v59 =	vadd.s32 $0x918, v12;
	[tilespmem:$0x7E20] =	vst v58  }
0x94: {  	v60 =	vadd.s32 $0x924, v12;
	[tilespmem:$0x7E30] =	vst v59  }
0x95: {  	v61 =	vadd.s32 $0xD80, v12;
	[tilespmem:$0x7E40] =	vst v60  }
0x96: {  	v62 =	vadd.s32 $0xD8C, v12;
	[tilespmem:$0x7E50] =	vst v61  }
0x97: {  	v63 =	vadd.s32 $0xD98, v12;
	[tilespmem:$0x7E60] =	vst v62  }
0x98: {  	v12 =	vadd.s32 $0xDA4, v12;
	[tilespmem:$0x7E70] =	vst v63  }
0x99: {  	[tilespmem:$0x7E80] =	vst v12  }
0x9a: {  	[tilespmem:s22], [sflag:$0x3] =	stream.indirect.gather [hbm4b:s3+s12], $0x10, s21, s12, $0xb8;
	[tilespmem:$0xBF90] =	vst v63  }
0x9b: {  	s10 =	simm.s32 $0x0  }
0x9c: {  	[tilespmem:s24], [sflag:$0x3] =	stream.indirect.gather [hbm4b:s3+s12], $0x10, s23, s12, $0xb8;
	[tilespmem:$0xBF90] =	vst v63  }
.LBB2_2:
0x9d: {  	s5 =	sshra.s32 s10, $0x2  }
0x9e: {  	v12 =	vld [tilespmem:s5+$0x30]  }
0x9f: {  	v13 =	vld [tilespmem:s5+$0x3E10]  }
0xa0: {  	v14 =	vld [tilespmem:s5+$0x1F20];
	_ =	sdelay $0x2  }
0xa1: {  	v12 =	vtrunc.f32 v12  }
0xa2: {  	v13 =	vtrunc.f32 v13;
	v12 =	vcvt.f32.s32 v12  }
0xa3: {  	v14 =	vtrunc.f32 v14;
	v13 =	vcvt.f32.s32 v13  }
0xa4: {  	v14 =	vcvt.f32.s32 v14;
	v12 =	vadd.s32 $0xFFFFFFFF, v12  }
0xa5: {  	v13 =	vadd.s32 $0xFFFFFFFF, v13;
	vm0 =	vgt.s32 v12, $0x0  }
0xa6: {  	v14 =	vadd.s32 $0xFFFFFFFF, v14;
	vm5 =	vgt.s32 v13, $0x0;
	v12 =	vnsel vm0, $0x0, v12  }
0xa7: {  	vm6 =	vgt.s32 v14, $0x0;
	v13 =	vnsel vm5, $0x0, v13;
	v12 =	vmin.u32 v12, $0x5C  }
0xa8: {  	v14 =	vnsel vm6, $0x0, v14;
	v13 =	vmin.u32 v13, $0x5C;
	v12 =	vmul.u32 $0x60, v12  }
0xa9: {  	v14 =	vmin.u32 v14, $0x5C;
	v15 =	vand.u32 $0xF, v13  }
0xaa: {  	vm7 =	vgt.u32 v15, $0xC;
	v12 =	vadd.s32 v14, v12  }
0xab: {  	v60 =	vsel vm7, $0xFFFFFFF8, v1;
	v12 =	vmul.u32 $0xC, v12  }
0xac: {  	v61 =	vsel vm7, $0x6, v1;
	v13 =	vadd.s32 v13, v60  }
0xad: {  	v13 =	vshra.s32 v13, $0x4;
	v12 =	vadd.s32 v12, v61  }
0xae: {  	v12 =	vadd.s32 v13, v12  }
0xaf: {  	[tilespmem:$0x7E90] =	vst v12;
	v13 =	vadd.s32 $0xC, v12  }
0xb0: {  	v62 =	vadd.s32 $0x18, v12;
	[tilespmem:$0x7EA0] =	vst v13  }
0xb1: {  	v63 =	vadd.s32 $0x24, v12;
	[tilespmem:$0x7EB0] =	vst v62  }
0xb2: {  	v16 =	vadd.s32 $0x480, v12;
	[tilespmem:$0x7EC0] =	vst v63  }
0xb3: {  	v17 =	vadd.s32 $0x48C, v12;
	[tilespmem:$0x7ED0] =	vst v16  }
0xb4: {  	v18 =	vadd.s32 $0x498, v12;
	[tilespmem:$0x7EE0] =	vst v17  }
0xb5: {  	v19 =	vadd.s32 $0x4A4, v12;
	[tilespmem:$0x7EF0] =	vst v18  }
0xb6: {  	v20 =	vadd.s32 $0x900, v12;
	[tilespmem:$0x7F00] =	vst v19  }
0xb7: {  	v21 =	vadd.s32 $0x90C, v12;
	[tilespmem:$0x7F10] =	vst v20  }
0xb8: {  	v22 =	vadd.s32 $0x918, v12;
	[tilespmem:$0x7F20] =	vst v21  }
0xb9: {  	v23 =	vadd.s32 $0x924, v12;
	[tilespmem:$0x7F30] =	vst v22  }
0xba: {  	v24 =	vadd.s32 $0xD80, v12;
	[tilespmem:$0x7F40] =	vst v23  }
0xbb: {  	v25 =	vadd.s32 $0xD8C, v12;
	[tilespmem:$0x7F50] =	vst v24  }
0xbc: {  	v26 =	vadd.s32 $0xD98, v12;
	[tilespmem:$0x7F60] =	vst v25  }
0xbd: {  	v12 =	vadd.s32 $0xDA4, v12;
	[tilespmem:$0x7F70] =	vst v26  }
0xbe: {  	[tilespmem:$0x7F80] =	vst v12  }
0xbf: {  	[tilespmem:s26], [sflag:$0x4] =	stream.indirect.gather [hbm4b:s3+s12], $0x10, s25, s12, $0xb8;
	[tilespmem:$0xBF90] =	vst v63  }
0xc0: {  	_ = 	snop  }
0xc1: {  	[tilespmem:s29], [sflag:$0x4] =	stream.indirect.gather [hbm4b:s3+s12], $0x10, s28, s12, $0xb8;
	[tilespmem:$0xBF90] =	vst v63  }
0xc2: {  	_ =	swait.ge [sflag:s30], $0x800  }
0xc3: {  	[sflag:s30] =	ssyncset.done $0x0  }
0xc4: {  	[sflag:s30] =	ssyncadd.s32 $0xFFFFF800  }
0xc5: {  	_ =	swait.ge [sflag:s30], $0x800  }
0xc6: {  	[sflag:s30] =	ssyncset.done $0x0  }
0xc7: {  	[sflag:s30] =	ssyncadd.s32 $0xFFFFF800  }
0xc8: {  	v27 =	vld [tilespmem:s5+$0x0]  }
0xc9: {  	v28 =	vld [tilespmem:s5+$0x3DE0]  }
0xca: {  	v50 =	vld [tilespmem:s5+$0x1EF0];
	_ =	sdelay $0x3  }
0xcb: {  	v29 =	vtrunc.f32 v27  }
0xcc: {  	v30 =	vtrunc.f32 v28;
	v20 =	vtrunc.f32 v50  }
0xcd: {  	v14 =	vcvt.f32.s32 v29;
	v31 =	vcvt.f32.s32 v30  }
0xce: {  	v20 =	vcvt.f32.s32 v20  }
0xcf: {  	v14 =	vcvt.s32.f32 v14;
	v17 =	vadd.s32 $0xFFFFFFFF, v31  }
0xd0: {  	v20 =	vcvt.s32.f32 v20;
	vm8 =	vgt.s32 v17, $0x0  }
0xd1: {  	v12 =	vsub.f32 v27, v14;
	v17 =	vnsel vm8, $0x0, v17  }
0xd2: {  	v20 =	vsub.f32 v50, v20;
	v14 =	vcvt.s32.f32 v31;
	v17 =	vmin.u32 v17, $0x5C  }
0xd3: {  	v16 =	vmul.f32 $5.000000000e-01, v12;
	v19 =	vmul.f32 $1.500000000e+00, v12;
	v21 =	vand.u32 $0xF, v17  }
0xd4: {  	v36 =	vmul.f32 $5.000000000e-01, v20;
	v53 =	vmul.f32 $1.500000000e+00, v20;
	v24 =	vsub.f32 v28, v14  }
0xd5: {  	vm9 =	vgt.u32 v21, $0xC;
	v18 =	vsub.f32 $1.000000000e+00, v16;
	v33 =	vadd.f32 $-2.500000000e+00, v19  }
0xd6: {  	v21 =	vsel vm9, $0x8, v1;
	v19 =	vsub.f32 $2.000000000e+00, v19;
	v51 =	vadd.f32 $-5.000000000e-01, v16  }
0xd7: {  	v37 =	vsub.f32 $1.000000000e+00, v36;
	v38 =	vadd.f32 $-2.500000000e+00, v53;
	v21 =	vadd.s32 v17, v21  }
0xd8: {  	v17 =	vand.u32 $0x7, v17;
	v34 =	vand.u32 $0x8, v21;
	v21 =	vand.u32 $0xF, v21  }
0xd9: {  	v56 =	vsub.f32 $2.000000000e+00, v53;
	v40 =	vor.u32 v17, v34;
	v17 =	vadd.s32 v2, v21  }
0xda: {  	v58 =	vadd.f32 $-5.000000000e-01, v36;
	v25 =	vmul.f32 $5.000000000e-01, v24;
	v44 =	vadd.s32 v3, v21  }
0xdb: {  	v18 =	vmul.f32 v18, v12;
	v33 =	vmul.f32 v33, v12;
	v45 =	vadd.s32 v4, v21  }
0xdc: {  	v19 =	vmul.f32 v19, v12;
	v52 =	vmul.f32 v51, v12;
	v41 =	vor.u32 v0, v40  }
0xdd: {  	v54 =	vmul.f32 v37, v20;
	v42 =	vadd.s32 $0x1, v21;
	v0 =	vor.u32 v5, v40  }
0xde: {  	v22 =	vadd.s32 $0x2, v21;
	v23 =	vadd.s32 $0x3, v21;
	v1 =	vadd.s32 v5, v42;
	v21 =	vld.idx.msk [tilespmem:v17+s14+$0x0], $0xffff  }
0xdf: {  	v55 =	vmul.f32 v38, v20;
	v18 =	vadd.f32 $-5.000000000e-01, v18;
	v46 =	vadd.s32 v5, v22;
	v59 =	vld.idx.msk [tilespmem:v44+s14+$0x0], $0xffff  }
0xe0: {  	v33 =	vmul.f32 v33, v12;
	v19 =	vadd.f32 $5.000000000e-01, v19;
	v47 =	vadd.s32 v5, v23;
	v60 =	vld.idx.msk [tilespmem:v45+s14+$0x0], $0xffff  }
0xe1: {  	v48 =	vor.u32 v6, v40;
	v49 =	vadd.s32 v6, v42;
	v50 =	vadd.s32 v6, v22;
	v43 =	vld.idx.msk [tilespmem:v41+s14+$0x0], $0xffff  }
0xe2: {  	v18 =	vmul.f32 v18, v12;
	v39 =	vadd.f32 $1.000000000e+00, v33;
	v35 =	vmul.f32 v19, v12;
	v61 =	vld.idx.msk [tilespmem:v0+s14+$0x0], $0xffff  }
0xe3: {  	v33 =	vmul.f32 v52, v12;
	v19 =	vadd.f32 $-5.000000000e-01, v54;
	v12 =	vmul.f32 v55, v20;
	v62 =	vld.idx.msk [tilespmem:v1+s14+$0x0], $0xffff  }
0xe4: {  	v57 =	vmul.f32 v56, v20;
	v51 =	vadd.s32 v6, v23;
	v53 =	vadd.s32 v7, v42;
	v13 =	vld.idx.msk [tilespmem:v46+s14+$0x0], $0xffff  }
0xe5: {  	v56 =	vor.u32 v8, v40;
	v37 =	vmul.f32 v19, v20;
	v34 =	vadd.f32 $1.000000000e+00, v12;
	v14 =	vld.idx.msk [tilespmem:v47+s14+$0x0], $0xffff  }
0xe6: {  	v52 =	vor.u32 v7, v40;
	v12 =	vadd.f32 $5.000000000e-01, v57;
	v57 =	vsub.f32 $1.000000000e+00, v25;
	v26 =	vld.idx.msk [tilespmem:v48+s14+$0x0], $0xffff  }
0xe7: {  	v54 =	vadd.s32 v7, v22;
	v19 =	vmul.f32 v58, v20;
	v27 =	vld.idx.msk [tilespmem:v49+s14+$0x0], $0xffff;
	v63 =	vmul.f32 v37, v18  }
0xe8: {  	v55 =	vadd.s32 v7, v23;
	v28 =	vld.idx.msk [tilespmem:v50+s14+$0x0], $0xffff;
	v38 =	vmul.f32 v12, v20;
	v30 =	vmul.f32 v57, v24  }
0xe9: {  	v58 =	vadd.s32 v8, v22;
	v29 =	vld.idx.msk [tilespmem:v51+s14+$0x0], $0xffff;
	v15 =	vmul.f32 v63, v59;
	v16 =	vmul.f32 v63, v43  }
0xea: {  	v32 =	vld.idx.msk [tilespmem:v53+s14+$0x0], $0xffff;
	v57 =	vadd.s32 v8, v42;
	v43 =	vmul.f32 v63, v21;
	v21 =	vmul.f32 v34, v18  }
0xeb: {  	v36 =	vmul.f32 v19, v20;
	v31 =	vld.idx.msk [tilespmem:v52+s14+$0x0], $0xffff;
	v6 =	vmul.f32 v38, v18;
	v20 =	vadd.f32 $0.0e+00, v15  }
0xec: {  	[tilespmem:$0x1FCC0] =	vst v0;
	v2 =	vld.idx.msk [tilespmem:v54+s14+$0x0], $0xffff;
	v19 =	vadd.f32 $0.0e+00, v43;
	v0 =	vmul.f32 v21, v62;
	v13 =	vmul.f32 v21, v13  }
0xed: {  	v4 =	vor.u32 v10, v40;
	v3 =	vld.idx.msk [tilespmem:v55+s14+$0x0], $0xffff;
	v59 =	vadd.s32 v8, v23;
	v12 =	vadd.f32 $0.0e+00, v16  }
0xee: {  	v15 =	vld.idx.msk [tilespmem:v56+s14+$0x0], $0xffff;
	v0 =	vadd.f32 v19, v0;
	v19 =	vadd.f32 v20, v13;
	v20 =	vmul.f32 v27, v6  }
0xef: {  	v43 =	vmul.f32 v63, v60;
	v60 =	vor.u32 v9, v40;
	v63 =	vmul.f32 v21, v61;
	v16 =	vld.idx.msk [tilespmem:v57+s14+$0x0], $0xffff  }
0xf0: {  	v26 =	vmul.f32 v26, v6;
	v61 =	vadd.s32 v9, v42;
	v7 =	vadd.f32 v20, v0;
	v0 =	vld [tilespmem:$0x1FFF0]  }
0xf1: {  	v21 =	vmul.f32 v21, v14;
	v43 =	vadd.f32 $0.0e+00, v43;
	v5 =	vadd.f32 v12, v63;
	v12 =	vld.idx.msk [tilespmem:v58+s14+$0x0], $0xffff  }
0xf2: {  	v29 =	vmul.f32 v29, v6;
	v18 =	vmul.f32 v36, v18;
	v62 =	vadd.s32 v9, v22;
	v8 =	vld.idx.msk [tilespmem:v59+s14+$0x0], $0xffff  }
0xf3: {  	v63 =	vadd.s32 v9, v23;
	v11 =	vadd.f32 v43, v21;
	v21 =	vmul.f32 v28, v6;
	v6 =	vld.idx.msk [tilespmem:v4+s14+$0x0], $0xffff  }
0xf4: {  	v9 =	vld.idx.msk [tilespmem:v60+s14+$0x0], $0xffff  }
0xf5: {  	[tilespmem:$0x1FCD0] =	vst v1;
	v1 =	vadd.s32 v10, v42;
	v31 =	vmul.f32 v31, v18;
	v43 =	vadd.s32 v0, v23;
	v0 =	vld [tilespmem:$0x1FE00]  }
0xf6: {  	v14 =	vadd.s32 v10, v22;
	v32 =	vmul.f32 v32, v18;
	v2 =	vmul.f32 v2, v18;
	v27 =	vld.idx.msk [tilespmem:v61+s14+$0x0], $0xffff  }
0xf7: {  	v18 =	vmul.f32 v3, v18;
	v5 =	vadd.f32 v5, v26;
	v26 =	vld.idx.msk [tilespmem:v62+s14+$0x0], $0xffff;
	v29 =	vadd.f32 v29, v11  }
0xf8: {  	v25 =	vadd.f32 $-5.000000000e-01, v25;
	v10 =	vmul.f32 $1.500000000e+00, v24;
	v28 =	vld.idx.msk [tilespmem:v63+s14+$0x0], $0xffff  }
0xf9: {  	v30 =	vadd.f32 $-5.000000000e-01, v30;
	v18 =	vadd.f32 v18, v29;
	v29 =	vld.idx.msk [tilespmem:v44+s16+$0x0], $0xffff  }
0xfa: {  	v25 =	vmul.f32 v25, v24;
	v20 =	vsub.f32 $2.000000000e+00, v10;
	v44 =	vld [tilespmem:$0x1FCD0];
	v13 =	vor.u32 v0, v40  }
0xfb: {  	v30 =	vmul.f32 v30, v24;
	v40 =	vadd.f32 v21, v19;
	v19 =	vld.idx.msk [tilespmem:v1+s14+$0x0], $0xffff;
	v21 =	vadd.s32 v0, v42  }
0xfc: {  	v42 =	vadd.f32 $-2.500000000e+00, v10;
	v10 =	vld.idx.msk [tilespmem:v14+s14+$0x0], $0xffff;
	v11 =	vadd.s32 v0, v22;
	v22 =	vmul.f32 v20, v24  }
0xfd: {  	v31 =	vadd.f32 v31, v5;
	v20 =	vadd.s32 v0, v23;
	v23 =	vld.idx.msk [tilespmem:v41+s16+$0x0], $0xffff;
	v0 =	vmul.f32 v37, v39  }
0xfe: {  	v32 =	vadd.f32 v32, v7;
	v41 =	vld.idx.msk [tilespmem:v43+s14+$0x0], $0xffff;
	v3 =	vmul.f32 v42, v24;
	v22 =	vadd.f32 $5.000000000e-01, v22  }
0xff: {  	v7 =	vmul.f32 v15, v0;
	v2 =	vadd.f32 v2, v40;
	v40 =	vmul.f32 v16, v0;
	v42 =	vld.idx.msk [tilespmem:v13+s14+$0x0], $0xffff  }
0x100: {  	[tilespmem:$0x1FCE0] =	vst v4;
	v3 =	vmul.f32 v3, v24;
	v22 =	vmul.f32 v22, v24;
	v4 =	vld.idx.msk [tilespmem:v21+s14+$0x0], $0xffff  }
0x101: {  	v24 =	vmul.f32 v25, v24;
	v7 =	vadd.f32 v7, v31;
	v25 =	vmul.f32 v34, v39;
	v5 =	vld.idx.msk [tilespmem:v11+s14+$0x0], $0xffff  }
0x102: {  	[tilespmem:$0x1FCF0] =	vst v1;
	v1 =	vld.idx.msk [tilespmem:v20+s14+$0x0], $0xffff;
	v16 =	vadd.f32 $1.000000000e+00, v3;
	v3 =	vmul.f32 v12, v0;
	v0 =	vmul.f32 v8, v0  }
0x103: {  	v12 =	vadd.f32 v40, v32;
	v9 =	vmul.f32 v9, v25;
	v15 =	vmul.f32 v27, v25;
	v32 =	vld [tilespmem:$0x1FCC0]  }
0x104: {  	v8 =	vld.idx.msk [tilespmem:v45+s16+$0x0], $0xffff;
	v40 =	vmul.f32 v38, v39;
	v2 =	vadd.f32 v3, v2;
	v3 =	vmul.f32 v26, v25  }
0x105: {  	v45 =	vld.idx.msk [tilespmem:v46+s16+$0x0], $0xffff;
	v46 =	vmul.f32 v36, v39;
	v0 =	vadd.f32 v0, v18;
	v7 =	vadd.f32 v9, v7  }
0x106: {  	v9 =	vmul.f32 v28, v25;
	v2 =	vadd.f32 v3, v2;
	v3 =	vmul.f32 v6, v40;
	v6 =	vld.idx.msk [tilespmem:v47+s16+$0x0], $0xffff  }
0x107: {  	v12 =	vadd.f32 v15, v12;
	v47 =	vld.idx.msk [tilespmem:v48+s16+$0x0], $0xffff  }
0x108: {  	v0 =	vadd.f32 v9, v0;
	v9 =	vmul.f32 v19, v40;
	v48 =	vld.idx.msk [tilespmem:v49+s16+$0x0], $0xffff;
	v49 =	vmul.f32 v42, v46  }
0x109: {  	v17 =	vld.idx.msk [tilespmem:v17+s16+$0x0], $0xffff;
	v4 =	vmul.f32 v4, v46;
	v3 =	vadd.f32 v3, v7;
	v7 =	vmul.f32 v10, v40  }
0x10a: {  	v31 =	vld.idx.msk [tilespmem:v44+s16+$0x0], $0xffff;
	v5 =	vmul.f32 v5, v46;
	v10 =	vmul.f32 v41, v40  }
0x10b: {  	v9 =	vadd.f32 v9, v12;
	v27 =	vld.idx.msk [tilespmem:v32+s16+$0x0], $0xffff;
	v2 =	vadd.f32 v7, v2;
	v7 =	vmul.f32 v37, v35  }
0x10c: {  	v1 =	vmul.f32 v1, v46;
	v0 =	vadd.f32 v10, v0;
	v3 =	vadd.f32 v49, v3  }
0x10d: {  	v10 =	vld.idx.msk [tilespmem:v52+s16+$0x0], $0xffff;
	v52 =	vmul.f32 v34, v35;
	v2 =	vadd.f32 v5, v2;
	v5 =	vmul.f32 v23, v7  }
0x10e: {  	v4 =	vadd.f32 v4, v9;
	v9 =	vld.idx.msk [tilespmem:v53+s16+$0x0], $0xffff;
	v0 =	vadd.f32 v1, v0;
	v1 =	vmul.f32 v17, v7  }
0x10f: {  	v53 =	vld.idx.msk [tilespmem:v54+s16+$0x0], $0xffff;
	v54 =	vmul.f32 v31, v52;
	v3 =	vadd.f32 v5, v3;
	v5 =	vmul.f32 v29, v7  }
0x110: {  	v7 =	vmul.f32 v8, v7;
	v8 =	vld.idx.msk [tilespmem:v55+s16+$0x0], $0xffff;
	v1 =	vadd.f32 v1, v4;
	v4 =	vmul.f32 v27, v52  }
0x111: {  	v55 =	vld.idx.msk [tilespmem:v56+s16+$0x0], $0xffff;
	v56 =	vmul.f32 v38, v35;
	v2 =	vadd.f32 v5, v2;
	v5 =	vmul.f32 v45, v52  }
0x112: {  	v0 =	vadd.f32 v7, v0;
	v3 =	vadd.f32 v4, v3;
	v4 =	vmul.f32 v6, v52  }
0x113: {  	v1 =	vadd.f32 v54, v1;
	v7 =	vld.idx.msk [tilespmem:v59+s16+$0x0], $0xffff;
	v59 =	vmul.f32 v36, v35;
	v2 =	vadd.f32 v5, v2  }
0x114: {  	v5 =	vmul.f32 v47, v56;
	v0 =	vadd.f32 v4, v0;
	v4 =	vmul.f32 v48, v56  }
0x115: {  	v50 =	vld.idx.msk [tilespmem:v50+s16+$0x0], $0xffff  }
0x116: {  	v51 =	vld.idx.msk [tilespmem:v51+s16+$0x0], $0xffff;
	v3 =	vadd.f32 v5, v3;
	v1 =	vadd.f32 v4, v1;
	v4 =	vmul.f32 v10, v59  }
0x117: {  	v57 =	vld.idx.msk [tilespmem:v57+s16+$0x0], $0xffff;
	v9 =	vmul.f32 v9, v59  }
0x118: {  	v3 =	vadd.f32 v4, v3;
	v4 =	vmul.f32 v8, v59;
	v8 =	vld [tilespmem:$0x1FCE0]  }
0x119: {  	v1 =	vadd.f32 v9, v1;
	v9 =	vld [tilespmem:$0x1FCF0]  }
0x11a: {  	v60 =	vld.idx.msk [tilespmem:v60+s16+$0x0], $0xffff;
	v5 =	vmul.f32 v50, v56  }
0x11b: {  	v18 =	vmul.f32 v51, v56;
	v6 =	vld.idx.msk [tilespmem:v58+s16+$0x0], $0xffff  }
0x11c: {  	v10 =	vld.idx.msk [tilespmem:v62+s16+$0x0], $0xffff;
	v62 =	vmul.f32 v37, v33;
	v2 =	vadd.f32 v5, v2;
	v5 =	vmul.f32 v53, v59  }
0x11d: {  	v61 =	vld.idx.msk [tilespmem:v61+s16+$0x0], $0xffff;
	v0 =	vadd.f32 v18, v0  }
0x11e: {  	v14 =	vld.idx.msk [tilespmem:v14+s16+$0x0], $0xffff;
	v2 =	vadd.f32 v5, v2;
	v5 =	vmul.f32 v55, v62  }
0x11f: {  	v63 =	vld.idx.msk [tilespmem:v63+s16+$0x0], $0xffff;
	v18 =	vmul.f32 v34, v33;
	v0 =	vadd.f32 v4, v0  }
0x120: {  	v4 =	vmul.f32 v57, v62;
	v3 =	vadd.f32 v5, v3;
	v5 =	vmul.f32 v6, v62;
	v8 =	vld.idx.msk [tilespmem:v8+s16+$0x0], $0xffff  }
0x121: {  	v23 =	vmul.f32 v38, v33;
	v6 =	vmul.f32 v7, v62;
	v9 =	vld.idx.msk [tilespmem:v9+s16+$0x0], $0xffff  }
0x122: {  	v7 =	vld.idx.msk [tilespmem:v13+s16+$0x0], $0xffff;
	v1 =	vadd.f32 v4, v1;
	v2 =	vadd.f32 v5, v2;
	v5 =	vmul.f32 v61, v18  }
0x123: {  	v26 =	vld.idx.msk [tilespmem:v21+s16+$0x0], $0xffff;
	v27 =	vmul.f32 v14, v23;
	v4 =	vmul.f32 v60, v18  }
0x124: {  	v0 =	vadd.f32 v6, v0;
	v6 =	vld.idx.msk [tilespmem:v43+s16+$0x0], $0xffff;
	v1 =	vadd.f32 v5, v1;
	v5 =	vmul.f32 v10, v18  }
0x125: {  	v11 =	vld.idx.msk [tilespmem:v11+s16+$0x0], $0xffff;
	v3 =	vadd.f32 v4, v3;
	v4 =	vmul.f32 v8, v23;
	v8 =	vmul.f32 v36, v33  }
0x126: {  	v12 =	vmul.f32 v63, v18;
	v10 =	vld.idx.msk [tilespmem:v20+s16+$0x0], $0xffff;
	v9 =	vmul.f32 v9, v23  }
0x127: {  	v2 =	vadd.f32 v5, v2;
	v3 =	vadd.f32 v4, v3;
	v4 =	vmul.f32 v7, v8;
	v7 =	vld [tilespmem:s5+$0x40]  }
0x128: {  	v1 =	vadd.f32 v9, v1;
	v5 =	vmul.f32 v26, v8  }
0x129: {  	v0 =	vadd.f32 v12, v0;
	v6 =	vmul.f32 v6, v23;
	v2 =	vadd.f32 v27, v2;
	v9 =	vld [tilespmem:s5+$0x3E20]  }
0x12a: {  	v3 =	vadd.f32 v4, v3;
	v4 =	vld [tilespmem:s5+$0x1F30];
	v1 =	vadd.f32 v5, v1;
	v5 =	vmul.f32 v11, v8  }
0x12b: {  	v0 =	vadd.f32 v6, v0;
	v8 =	vmul.f32 v10, v8  }
0x12c: {  	v3 =	vmul.f32 v3, v30;
	v2 =	vadd.f32 v5, v2;
	v6 =	vtrunc.f32 v7  }
0x12d: {  	v1 =	vmul.f32 v1, v16;
	v5 =	vcvt.f32.s32 v6  }
0x12e: {  	v0 =	vadd.f32 v8, v0;
	v6 =	vtrunc.f32 v9;
	v2 =	vmul.f32 v2, v22  }
0x12f: {  	v4 =	vtrunc.f32 v4;
	v6 =	vcvt.f32.s32 v6  }
0x130: {  	v0 =	vmul.f32 v0, v24;
	v5 =	vadd.s32 $0xFFFFFFFF, v5;
	v4 =	vcvt.f32.s32 v4  }
0x131: {  	v1 =	vadd.f32 v1, v3;
	vm10 =	vgt.s32 v5, $0x0;
	v6 =	vadd.s32 $0xFFFFFFFF, v6  }
0x132: {  	v5 =	vnsel vm10, $0x0, v5;
	v4 =	vadd.s32 $0xFFFFFFFF, v4;
	vm11 =	vgt.s32 v6, $0x0  }
0x133: {  	v5 =	vmin.u32 v5, $0x5C;
	v6 =	vnsel vm11, $0x0, v6;
	vm12 =	vgt.s32 v4, $0x0  }
0x134: {  	v4 =	vnsel vm12, $0x0, v4;
	v6 =	vmin.u32 v6, $0x5C;
	v5 =	vmul.u32 $0x60, v5  }
0x135: {  	v0 =	vadd.f32 v0, v2;
	v3 =	vmin.u32 v4, $0x5C;
	v4 =	vand.u32 $0xF, v6  }
0x136: {  	vm13 =	vgt.u32 v4, $0xC;
	v2 =	vadd.s32 v3, v5;
	v3 =	vimm.s32 $0x0  }
0x137: {  	v0 =	vadd.f32 v0, v1;
	v3 =	vsel vm13, $0xFFFFFFF8, v3  }
0x138: {  	v2 =	vmul.u32 $0xC, v2;
	v1 =	vadd.s32 v6, v3;
	v3 =	vimm.s32 $0x0  }
0x139: {  	v3 =	vsel vm13, $0x6, v3  }
0x13a: {  	v1 =	vshra.s32 v1, $0x4;
	v2 =	vadd.s32 v2, v3  }
0x13b: {  	[tilespmem:s5+$0x5CD0] =	vst v0;
	v0 =	vadd.s32 v1, v2  }
0x13c: {  	[tilespmem:$0x7B90] =	vst v0;
	v1 =	vadd.s32 $0xC, v0  }
0x13d: {  	[tilespmem:$0x7BA0] =	vst v1;
	v1 =	vadd.s32 $0x18, v0  }
0x13e: {  	[tilespmem:$0x7BB0] =	vst v1;
	v1 =	vadd.s32 $0x24, v0  }
0x13f: {  	[tilespmem:$0x7BC0] =	vst v1;
	v1 =	vadd.s32 $0x480, v0  }
0x140: {  	[tilespmem:$0x7BD0] =	vst v1;
	v1 =	vadd.s32 $0x48C, v0  }
0x141: {  	[tilespmem:$0x7BE0] =	vst v1;
	v1 =	vadd.s32 $0x498, v0  }
0x142: {  	[tilespmem:$0x7BF0] =	vst v1;
	v1 =	vadd.s32 $0x4A4, v0  }
0x143: {  	[tilespmem:$0x7C00] =	vst v1;
	v1 =	vadd.s32 $0x900, v0  }
0x144: {  	[tilespmem:$0x7C10] =	vst v1;
	v1 =	vadd.s32 $0x90C, v0  }
0x145: {  	[tilespmem:$0x7C20] =	vst v1;
	v1 =	vadd.s32 $0x918, v0  }
0x146: {  	[tilespmem:$0x7C30] =	vst v1;
	v1 =	vadd.s32 $0x924, v0  }
0x147: {  	[tilespmem:$0x7C40] =	vst v1;
	v1 =	vadd.s32 $0xD80, v0  }
0x148: {  	[tilespmem:$0x7C50] =	vst v1;
	v1 =	vadd.s32 $0xD8C, v0  }
0x149: {  	[tilespmem:$0x7C60] =	vst v1;
	v1 =	vadd.s32 $0xD98, v0  }
0x14a: {  	v0 =	vadd.s32 $0xDA4, v0;
	[tilespmem:$0x7C70] =	vst v1  }
0x14b: {  	[tilespmem:$0x7C80] =	vst v0  }
0x14c: {  	[tilespmem:s14], [sflag:$0x1] =	stream.indirect.gather [hbm4b:s3+s12], $0x10, s13, s12, $0xb8;
	[tilespmem:$0xBF90] =	vst v63  }
0x14d: {  	_ = 	snop  }
0x14e: {  	[tilespmem:s16], [sflag:$0x1] =	stream.indirect.gather [hbm4b:s3+s12], $0x10, s15, s12, $0xb8;
	[tilespmem:$0xBF90] =	vst v63  }
0x14f: {  	_ =	swait.ge [sflag:s31], $0x800  }
0x150: {  	[sflag:s31] =	ssyncset.done $0x0  }
0x151: {  	[sflag:s31] =	ssyncadd.s32 $0xFFFFF800  }
0x152: {  	_ =	swait.ge [sflag:s31], $0x800  }
0x153: {  	[sflag:s31] =	ssyncset.done $0x0  }
0x154: {  	[sflag:s31] =	ssyncadd.s32 $0xFFFFF800  }
0x155: {  	v0 =	vld [tilespmem:s5+$0x10]  }
0x156: {  	v1 =	vld [tilespmem:s5+$0x3DF0];
	_ =	sdelay $0x3  }
0x157: {  	v4 =	vld [tilespmem:s5+$0x1F00];
	v2 =	vtrunc.f32 v0  }
0x158: {  	v3 =	vtrunc.f32 v1;
	v2 =	vcvt.f32.s32 v2  }
0x159: {  	v28 =	vld [tilespmem:$0x1FF80];
	v3 =	vcvt.f32.s32 v3  }
0x15a: {  	v29 =	vld [tilespmem:$0x1FFA0];
	v2 =	vcvt.s32.f32 v2  }
0x15b: {  	v56 =	vld [tilespmem:$0x1FE10];
	v5 =	vadd.s32 $0xFFFFFFFF, v3  }
0x15c: {  	v58 =	vld [tilespmem:$0x1FE20];
	v6 =	vtrunc.f32 v4;
	vm14 =	vgt.s32 v5, $0x0;
	v0 =	vsub.f32 v0, v2  }
0x15d: {  	v62 =	vld [tilespmem:$0x1FE30];
	v6 =	vcvt.f32.s32 v6;
	v2 =	vnsel vm14, $0x0, v5  }
0x15e: {  	v37 =	vld [tilespmem:$0x1FFB0];
	v2 =	vmin.u32 v2, $0x5C;
	v9 =	vmul.f32 $1.500000000e+00, v0  }
0x15f: {  	v38 =	vld [tilespmem:$0x1FE40];
	v6 =	vcvt.s32.f32 v6;
	v3 =	vcvt.s32.f32 v3;
	v7 =	vand.u32 $0xF, v2  }
0x160: {  	v40 =	vld [tilespmem:$0x1FE50];
	vm15 =	vgt.u32 v7, $0xC;
	v7 =	vimm.s32 $0x0;
	v10 =	vadd.f32 $-2.500000000e+00, v9  }
0x161: {  	v41 =	vld [tilespmem:$0x1FE60];
	v4 =	vsub.f32 v4, v6;
	v7 =	vsel vm15, $0x8, v7  }
0x162: {  	v42 =	vld [tilespmem:$0x1FFC0];
	v1 =	vsub.f32 v1, v3;
	v7 =	vadd.s32 v2, v7;
	v10 =	vmul.f32 v10, v0  }
0x163: {  	v54 =	vld [tilespmem:$0x1FE90];
	v5 =	vmul.f32 $5.000000000e-01, v0;
	v2 =	vand.u32 $0x7, v2;
	v11 =	vand.u32 $0x8, v7  }
0x164: {  	v30 =	vmul.f32 $1.500000000e+00, v4;
	v2 =	vor.u32 v2, v11;
	v11 =	vld [tilespmem:$0x1FF70];
	v10 =	vmul.f32 v10, v0  }
0x165: {  	v8 =	vsub.f32 $1.000000000e+00, v5;
	v9 =	vsub.f32 $2.000000000e+00, v9;
	v6 =	vand.u32 $0xF, v7;
	v7 =	vld [tilespmem:$0x1FF60]  }
0x166: {  	v5 =	vadd.f32 $-5.000000000e-01, v5;
	v39 =	vadd.f32 $1.000000000e+00, v10;
	v10 =	vld [tilespmem:$0x1FF90]  }
0x167: {  	v55 =	vld [tilespmem:$0x1FFD0];
	v60 =	vadd.f32 $-2.500000000e+00, v30;
	v8 =	vmul.f32 v8, v0;
	v9 =	vmul.f32 v9, v0  }
0x168: {  	v16 =	vld [tilespmem:$0x1FF00];
	v5 =	vmul.f32 v5, v0;
	v14 =	vadd.s32 v28, v6;
	v57 =	vadd.s32 v56, v6  }
0x169: {  	v3 =	vld [tilespmem:$0x1FE70];
	v59 =	vadd.s32 v58, v6;
	v17 =	vadd.s32 v11, v6;
	v11 =	vmul.f32 $5.000000000e-01, v4  }
0x16a: {  	v56 =	vld [tilespmem:$0x1FEA0];
	v8 =	vadd.f32 $-5.000000000e-01, v8;
	v9 =	vadd.f32 $5.000000000e-01, v9;
	v33 =	vmul.f32 v5, v0  }
0x16b: {  	v58 =	vld [tilespmem:$0x1FEC0];
	v13 =	vor.u32 v7, v2;
	v15 =	vadd.s32 v10, v6;
	v10 =	vsub.f32 $1.000000000e+00, v11  }
0x16c: {  	v44 =	vadd.s32 v62, v6;
	v62 =	vld [tilespmem:$0x1FEF0];
	v8 =	vmul.f32 v8, v0;
	v34 =	vmul.f32 v9, v0  }
0x16d: {  	v0 =	vmul.f32 v60, v4;
	v60 =	vld [tilespmem:$0x1FED0];
	v7 =	vor.u32 v29, v2;
	v9 =	vmul.f32 v10, v4  }
0x16e: {  	v47 =	vadd.s32 v40, v6;
	v61 =	vld.idx.msk [tilespmem:v14+s18+$0x0], $0xffff  }
0x16f: {  	v50 =	vadd.s32 v3, v6;
	v20 =	vld.idx.msk [tilespmem:v59+s18+$0x0], $0xffff;
	v9 =	vadd.f32 $-5.000000000e-01, v9  }
0x170: {  	v18 =	vsub.f32 $2.000000000e+00, v30;
	v52 =	vadd.s32 v54, v6;
	v31 =	vld.idx.msk [tilespmem:v13+s18+$0x0], $0xffff  }
0x171: {  	v45 =	vor.u32 v37, v2;
	v0 =	vmul.f32 v0, v4;
	v23 =	vld.idx.msk [tilespmem:v44+s18+$0x0], $0xffff;
	v37 =	vmul.f32 v9, v4  }
0x172: {  	v46 =	vadd.s32 v38, v6;
	v5 =	vld.idx.msk [tilespmem:v7+s18+$0x0], $0xffff  }
0x173: {  	v25 =	vld.idx.msk [tilespmem:v47+s18+$0x0], $0xffff;
	v38 =	vadd.f32 $1.000000000e+00, v0;
	v9 =	vmul.f32 v18, v4;
	v43 =	vmul.f32 v37, v8  }
0x174: {  	v29 =	vld.idx.msk [tilespmem:v50+s18+$0x0], $0xffff  }
0x175: {  	v32 =	vld.idx.msk [tilespmem:v52+s18+$0x0], $0xffff;
	v30 =	vmul.f32 v38, v8;
	v9 =	vadd.f32 $5.000000000e-01, v9;
	v19 =	vmul.f32 v43, v31  }
0x176: {  	v0 =	vld.idx.msk [tilespmem:v45+s18+$0x0], $0xffff;
	v11 =	vadd.f32 $-5.000000000e-01, v11  }
0x177: {  	[tilespmem:$0x1FD20] =	vst v59;
	v59 =	vld [tilespmem:$0x1FFE0];
	v5 =	vmul.f32 v30, v5;
	v35 =	vmul.f32 v9, v4;
	v19 =	vadd.f32 $0.0e+00, v19  }
0x178: {  	v48 =	vadd.s32 v41, v6;
	v10 =	vld.idx.msk [tilespmem:v17+s18+$0x0], $0xffff  }
0x179: {  	v3 =	vmul.f32 v11, v4;
	v11 =	vld [tilespmem:$0x1FE80];
	v5 =	vadd.f32 v19, v5;
	v19 =	vmul.f32 v35, v8  }
0x17a: {  	v18 =	vld.idx.msk [tilespmem:v57+s18+$0x0], $0xffff  }
0x17b: {  	v63 =	vld.idx.msk [tilespmem:v15+s18+$0x0], $0xffff;
	v0 =	vmul.f32 v0, v19  }
0x17c: {  	[tilespmem:$0x1FD10] =	vst v57;
	v49 =	vor.u32 v42, v2;
	v53 =	vor.u32 v55, v2;
	v57 =	vld [tilespmem:$0x1FEB0]  }
0x17d: {  	v54 =	vadd.s32 v56, v6;
	v10 =	vmul.f32 v43, v10;
	v5 =	vadd.f32 v5, v0;
	v0 =	vld [tilespmem:$0x1FF20]  }
0x17e: {  	v36 =	vmul.f32 v3, v4;
	v3 =	vmul.f32 $1.500000000e+00, v1;
	v51 =	vadd.s32 v11, v6;
	v4 =	vld.idx.msk [tilespmem:v48+s18+$0x0], $0xffff  }
0x17f: {  	v21 =	vmul.f32 v43, v61;
	v61 =	vld [tilespmem:$0x1FEE0];
	v18 =	vmul.f32 v30, v18;
	v10 =	vadd.f32 $0.0e+00, v10  }
0x180: {  	v56 =	vadd.s32 v58, v6;
	v11 =	vmul.f32 $5.000000000e-01, v1;
	v22 =	vmul.f32 v43, v63;
	v63 =	vld [tilespmem:$0x1FFF0]  }
0x181: {  	v58 =	vadd.s32 v60, v6;
	v28 =	vadd.f32 $-2.500000000e+00, v3;
	v10 =	vadd.f32 v10, v18;
	v18 =	vld [tilespmem:$0x1FF10]  }
0x182: {  	[tilespmem:$0x1FD00] =	vst v7;
	v7 =	vsub.f32 $2.000000000e+00, v3;
	v26 =	vsub.f32 $1.000000000e+00, v11;
	v3 =	vadd.s32 v0, v6;
	v0 =	vld [tilespmem:$0x1FE00]  }
0x183: {  	v27 =	vld.idx.msk [tilespmem:v49+s18+$0x0], $0xffff;
	v20 =	vmul.f32 v30, v20;
	v23 =	vmul.f32 v30, v23;
	v22 =	vadd.f32 $0.0e+00, v22  }
0x184: {  	v55 =	vadd.s32 v57, v6;
	v57 =	vor.u32 v59, v2;
	v26 =	vmul.f32 v26, v1;
	v31 =	vld.idx.msk [tilespmem:v51+s18+$0x0], $0xffff  }
0x185: {  	v24 =	vld.idx.msk [tilespmem:v53+s18+$0x0], $0xffff;
	v21 =	vadd.f32 $0.0e+00, v21;
	v22 =	vadd.f32 v22, v23;
	v59 =	vadd.s32 v61, v6  }
0x186: {  	v40 =	vld.idx.msk [tilespmem:v54+s18+$0x0], $0xffff;
	v61 =	vor.u32 v63, v2;
	v4 =	vmul.f32 v4, v19;
	v63 =	vadd.s32 v18, v6  }
0x187: {  	v18 =	vadd.f32 v21, v20;
	v20 =	vor.u32 v0, v2;
	v2 =	vmul.f32 v36, v8;
	v0 =	vld [tilespmem:$0x1FF30]  }
0x188: {  	v60 =	vadd.s32 v62, v6;
	v9 =	vld.idx.msk [tilespmem:v46+s18+$0x0], $0xffff;
	v22 =	vadd.f32 v4, v22;
	v4 =	vmul.f32 v7, v1  }
0x189: {  	v7 =	vadd.f32 $-5.000000000e-01, v26;
	v26 =	vmul.f32 v29, v2;
	v29 =	vmul.f32 v31, v2;
	v31 =	vld.idx.msk [tilespmem:v3+s18+$0x0], $0xffff  }
0x18a: {  	[tilespmem:$0x1FD30] =	vst v3;
	v3 =	vadd.f32 $5.000000000e-01, v4;
	v4 =	vld [tilespmem:$0x1FD00]  }
0x18b: {  	v42 =	vld.idx.msk [tilespmem:v56+s18+$0x0], $0xffff  }
0x18c: {  	v21 =	vadd.s32 v0, v6;
	v0 =	vld [tilespmem:$0x1FF40]  }
0x18d: {  	v17 =	vld.idx.msk [tilespmem:v17+s20+$0x0], $0xffff;
	v11 =	vadd.f32 $-5.000000000e-01, v11;
	v9 =	vmul.f32 v9, v19  }
0x18e: {  	v62 =	vadd.s32 v16, v6;
	v12 =	vld.idx.msk [tilespmem:v60+s18+$0x0], $0xffff;
	v27 =	vmul.f32 v27, v2  }
0x18f: {  	v28 =	vmul.f32 v28, v1;
	v43 =	vld.idx.msk [tilespmem:v58+s18+$0x0], $0xffff;
	v11 =	vmul.f32 v11, v1;
	v9 =	vadd.f32 v9, v10  }
0x190: {  	v41 =	vld.idx.msk [tilespmem:v55+s18+$0x0], $0xffff;
	v7 =	vmul.f32 v7, v1;
	v32 =	vmul.f32 v32, v2;
	v5 =	vadd.f32 v27, v5  }
0x191: {  	v27 =	vmul.f32 v28, v1;
	v26 =	vadd.f32 v26, v9;
	v16 =	vadd.s32 v0, v6;
	v0 =	vld [tilespmem:$0x1FF50]  }
0x192: {  	v9 =	vmul.f32 v3, v1;
	v1 =	vmul.f32 v11, v1;
	v11 =	vadd.f32 v32, v22;
	v32 =	vld.idx.msk [tilespmem:v4+s20+$0x0], $0xffff  }
0x193: {  	v4 =	vld [tilespmem:$0x1FD10]  }
0x194: {  	v30 =	vld.idx.msk [tilespmem:v57+s18+$0x0], $0xffff;
	v25 =	vmul.f32 v25, v19  }
0x195: {  	v23 =	vld.idx.msk [tilespmem:v59+s18+$0x0], $0xffff  }
0x196: {  	v19 =	vld.idx.msk [tilespmem:v61+s18+$0x0], $0xffff;
	v10 =	vadd.f32 v25, v18  }
0x197: {  	v8 =	vld.idx.msk [tilespmem:v62+s18+$0x0], $0xffff;
	v18 =	vadd.s32 v0, v6;
	v0 =	vmul.f32 v37, v39  }
0x198: {  	v25 =	vld.idx.msk [tilespmem:v63+s18+$0x0], $0xffff;
	v10 =	vadd.f32 v29, v10  }
0x199: {  	v29 =	vld.idx.msk [tilespmem:v14+s20+$0x0], $0xffff;
	[tilespmem:$0x1FD40] =	vst v1;
	v1 =	vadd.f32 $1.000000000e+00, v27;
	v27 =	vmul.f32 v35, v39;
	v40 =	vmul.f32 v40, v0  }
0x19a: {  	v2 =	vld.idx.msk [tilespmem:v21+s18+$0x0], $0xffff;
	v24 =	vmul.f32 v24, v0  }
0x19b: {  	v19 =	vmul.f32 v19, v27;
	v22 =	vadd.f32 v40, v26;
	v40 =	vld.idx.msk [tilespmem:v4+s20+$0x0], $0xffff  }
0x19c: {  	v8 =	vmul.f32 v8, v27;
	v5 =	vadd.f32 v24, v5;
	v24 =	vmul.f32 v38, v39;
	v4 =	vld [tilespmem:$0x1FD20]  }
0x19d: {  	v6 =	vld.idx.msk [tilespmem:v13+s20+$0x0], $0xffff;
	v41 =	vmul.f32 v41, v0;
	v0 =	vmul.f32 v42, v0  }
0x19e: {  	v13 =	vld.idx.msk [tilespmem:v20+s18+$0x0], $0xffff;
	v14 =	vmul.f32 v30, v24;
	v30 =	vmul.f32 v43, v24  }
0x19f: {  	v28 =	vld.idx.msk [tilespmem:v16+s18+$0x0], $0xffff;
	v10 =	vadd.f32 v41, v10;
	v0 =	vadd.f32 v0, v11;
	v11 =	vmul.f32 v12, v24  }
0x1a0: {  	v3 =	vld.idx.msk [tilespmem:v18+s18+$0x0], $0xffff;
	v23 =	vmul.f32 v23, v24;
	v5 =	vadd.f32 v14, v5;
	v43 =	vadd.f32 v30, v22  }
0x1a1: {  	v15 =	vld.idx.msk [tilespmem:v15+s20+$0x0], $0xffff;
	v0 =	vadd.f32 v11, v0;
	v11 =	vmul.f32 v36, v39;
	v30 =	vmul.f32 v25, v27  }
0x1a2: {  	v10 =	vadd.f32 v23, v10;
	v22 =	vld.idx.msk [tilespmem:v44+s20+$0x0], $0xffff;
	v39 =	vmul.f32 v31, v27;
	v44 =	vmul.f32 v37, v34  }
0x1a3: {  	v42 =	vld.idx.msk [tilespmem:v47+s20+$0x0], $0xffff;
	v5 =	vadd.f32 v19, v5;
	v8 =	vadd.f32 v8, v43;
	v2 =	vmul.f32 v2, v11  }
0x1a4: {  	v10 =	vadd.f32 v30, v10;
	v43 =	vmul.f32 v28, v11;
	v12 =	vld.idx.msk [tilespmem:v4+s20+$0x0], $0xffff;
	v4 =	vmul.f32 v13, v11  }
0x1a5: {  	v47 =	vld.idx.msk [tilespmem:v52+s20+$0x0], $0xffff;
	v0 =	vadd.f32 v39, v0;
	v3 =	vmul.f32 v3, v11;
	v6 =	vmul.f32 v6, v44  }
0x1a6: {  	v41 =	vld.idx.msk [tilespmem:v46+s20+$0x0], $0xffff;
	v15 =	vmul.f32 v15, v44;
	v2 =	vadd.f32 v2, v8;
	v4 =	vadd.f32 v4, v5  }
0x1a7: {  	v23 =	vld.idx.msk [tilespmem:v45+s20+$0x0], $0xffff;
	v0 =	vadd.f32 v3, v0;
	v3 =	vmul.f32 v17, v44;
	v11 =	vmul.f32 v38, v34  }
0x1a8: {  	v45 =	vld.idx.msk [tilespmem:v48+s20+$0x0], $0xffff;
	v8 =	vadd.f32 v43, v10;
	v4 =	vadd.f32 v6, v4;
	v6 =	vmul.f32 v29, v44  }
0x1a9: {  	v10 =	vld.idx.msk [tilespmem:v50+s20+$0x0], $0xffff;
	v50 =	vmul.f32 v35, v34;
	v2 =	vadd.f32 v3, v2;
	v3 =	vmul.f32 v32, v11  }
0x1aa: {  	v5 =	vld.idx.msk [tilespmem:v49+s20+$0x0], $0xffff;
	v48 =	vmul.f32 v40, v11;
	v6 =	vadd.f32 v6, v8;
	v8 =	vmul.f32 v12, v11  }
0x1ab: {  	v46 =	vld.idx.msk [tilespmem:v51+s20+$0x0], $0xffff;
	v0 =	vadd.f32 v15, v0;
	v3 =	vadd.f32 v3, v4;
	v4 =	vmul.f32 v22, v11  }
0x1ac: {  	v49 =	vld.idx.msk [tilespmem:v53+s20+$0x0], $0xffff;
	v53 =	vmul.f32 v36, v34;
	v6 =	vadd.f32 v8, v6;
	v8 =	vmul.f32 v23, v50  }
0x1ad: {  	v2 =	vadd.f32 v48, v2;
	v0 =	vadd.f32 v4, v0;
	v4 =	vmul.f32 v41, v50  }
0x1ae: {  	v52 =	vld.idx.msk [tilespmem:v56+s20+$0x0], $0xffff;
	v56 =	vmul.f32 v37, v33;
	v3 =	vadd.f32 v8, v3;
	v8 =	vmul.f32 v42, v50  }
0x1af: {  	v11 =	vld.idx.msk [tilespmem:v55+s20+$0x0], $0xffff;
	v12 =	vmul.f32 v45, v50;
	v2 =	vadd.f32 v4, v2;
	v4 =	vmul.f32 v5, v53  }
0x1b0: {  	v51 =	vld.idx.msk [tilespmem:v54+s20+$0x0], $0xffff;
	v5 =	vmul.f32 v10, v53;
	v6 =	vadd.f32 v8, v6;
	v8 =	vmul.f32 v46, v53  }
0x1b1: {  	v54 =	vld.idx.msk [tilespmem:v57+s20+$0x0], $0xffff;
	v0 =	vadd.f32 v12, v0;
	v3 =	vadd.f32 v4, v3;
	v4 =	vmul.f32 v47, v53  }
0x1b2: {  	v57 =	vld.idx.msk [tilespmem:v60+s20+$0x0], $0xffff;
	v2 =	vadd.f32 v5, v2;
	v5 =	vadd.f32 v8, v6;
	v6 =	vmul.f32 v49, v56  }
0x1b3: {  	v60 =	vld.idx.msk [tilespmem:v63+s20+$0x0], $0xffff;
	v0 =	vadd.f32 v4, v0  }
0x1b4: {  	v55 =	vld.idx.msk [tilespmem:v58+s20+$0x0], $0xffff;
	v3 =	vadd.f32 v6, v3;
	v6 =	vmul.f32 v11, v56;
	v11 =	vmul.f32 v52, v56  }
0x1b5: {  	v58 =	vld.idx.msk [tilespmem:v61+s20+$0x0], $0xffff  }
0x1b6: {  	v0 =	vadd.f32 v11, v0;
	v11 =	vld [tilespmem:$0x1FD30]  }
0x1b7: {  	v10 =	vld.idx.msk [tilespmem:v59+s20+$0x0], $0xffff  }
0x1b8: {  	v59 =	vmul.f32 v38, v33;
	v8 =	vld.idx.msk [tilespmem:v62+s20+$0x0], $0xffff;
	v4 =	vmul.f32 v51, v56  }
0x1b9: {  	v61 =	vld.idx.msk [tilespmem:v20+s20+$0x0], $0xffff  }
0x1ba: {  	v63 =	vld.idx.msk [tilespmem:v21+s20+$0x0], $0xffff;
	v62 =	vmul.f32 v35, v33;
	v2 =	vadd.f32 v4, v2;
	v4 =	vmul.f32 v54, v59  }
0x1bb: {  	v5 =	vadd.f32 v6, v5;
	v6 =	vmul.f32 v55, v59  }
0x1bc: {  	v21 =	vmul.f32 v36, v33;
	v26 =	vld [tilespmem:s5+$0x50];
	v3 =	vadd.f32 v4, v3;
	v4 =	vmul.f32 v58, v62  }
0x1bd: {  	v23 =	vld.idx.msk [tilespmem:v16+s20+$0x0], $0xffff;
	v8 =	vmul.f32 v8, v62;
	v2 =	vadd.f32 v6, v2;
	v6 =	vmul.f32 v10, v59  }
0x1be: {  	v3 =	vadd.f32 v4, v3;
	v4 =	vmul.f32 v61, v21;
	v11 =	vld.idx.msk [tilespmem:v11+s20+$0x0], $0xffff  }
0x1bf: {  	v10 =	vld.idx.msk [tilespmem:v18+s20+$0x0], $0xffff;
	v5 =	vadd.f32 v6, v5;
	v2 =	vadd.f32 v8, v2;
	v6 =	vmul.f32 v63, v21  }
0x1c0: {  	v27 =	vmul.f32 v60, v62;
	v8 =	vld [tilespmem:s5+$0x3E30];
	v3 =	vadd.f32 v4, v3  }
0x1c1: {  	v25 =	vmul.f32 v57, v59;
	v4 =	vld [tilespmem:s5+$0x1F40];
	v2 =	vadd.f32 v6, v2  }
0x1c2: {  	v6 =	vmul.f32 v23, v21;
	v5 =	vadd.f32 v27, v5;
	v3 =	vmul.f32 v3, v7  }
0x1c3: {  	v0 =	vadd.f32 v25, v0;
	v7 =	vtrunc.f32 v26;
	v11 =	vmul.f32 v11, v62  }
0x1c4: {  	v2 =	vmul.f32 v2, v1;
	v5 =	vadd.f32 v6, v5;
	v6 =	vcvt.f32.s32 v7;
	v1 =	vld [tilespmem:$0x1FD40]  }
0x1c5: {  	v10 =	vmul.f32 v10, v21;
	v7 =	vtrunc.f32 v8;
	v0 =	vadd.f32 v11, v0  }
0x1c6: {  	v4 =	vtrunc.f32 v4;
	v7 =	vcvt.f32.s32 v7;
	v6 =	vadd.s32 $0xFFFFFFFF, v6  }
0x1c7: {  	v4 =	vcvt.f32.s32 v4;
	vm4 =	vgt.s32 v6, $0x0;
	v0 =	vadd.f32 v10, v0  }
0x1c8: {  	v5 =	vmul.f32 v5, v9;
	v6 =	vnsel vm4, $0x0, v6  }
0x1c9: {  	v4 =	vadd.s32 $0xFFFFFFFF, v4;
	v0 =	vmul.f32 v0, v1;
	v1 =	vadd.s32 $0xFFFFFFFF, v7  }
0x1ca: {  	v6 =	vmin.u32 v6, $0x5C;
	vm6 =	vgt.s32 v4, $0x0;
	vm5 =	vgt.s32 v1, $0x0  }
0x1cb: {  	v4 =	vnsel vm6, $0x0, v4;
	v6 =	vmul.u32 $0x60, v6;
	v1 =	vnsel vm5, $0x0, v1  }
0x1cc: {  	v2 =	vadd.f32 v2, v3;
	v3 =	vmin.u32 v4, $0x5C;
	v1 =	vmin.u32 v1, $0x5C  }
0x1cd: {  	v3 =	vadd.s32 v3, v6;
	v0 =	vadd.f32 v0, v5;
	v4 =	vand.u32 $0xF, v1  }
0x1ce: {  	v3 =	vmul.u32 $0xC, v3;
	vm7 =	vgt.u32 v4, $0xC;
	v4 =	vimm.s32 $0x0  }
0x1cf: {  	v0 =	vadd.f32 v0, v2;
	v2 =	vimm.s32 $0x0;
	v4 =	vsel vm7, $0xFFFFFFF8, v4  }
0x1d0: {  	v2 =	vsel vm7, $0x6, v2;
	v1 =	vadd.s32 v1, v4  }
0x1d1: {  	v2 =	vadd.s32 v3, v2;
	v1 =	vshra.s32 v1, $0x4  }
0x1d2: {  	[tilespmem:s5+$0x5CE0] =	vst v0;
	v0 =	vadd.s32 v1, v2  }
0x1d3: {  	[tilespmem:$0x7C90] =	vst v0;
	v1 =	vadd.s32 $0xC, v0  }
0x1d4: {  	[tilespmem:$0x7CA0] =	vst v1;
	v1 =	vadd.s32 $0x18, v0  }
0x1d5: {  	[tilespmem:$0x7CB0] =	vst v1;
	v1 =	vadd.s32 $0x24, v0  }
0x1d6: {  	[tilespmem:$0x7CC0] =	vst v1;
	v1 =	vadd.s32 $0x480, v0  }
0x1d7: {  	[tilespmem:$0x7CD0] =	vst v1;
	v1 =	vadd.s32 $0x48C, v0  }
0x1d8: {  	[tilespmem:$0x7CE0] =	vst v1;
	v1 =	vadd.s32 $0x498, v0  }
0x1d9: {  	[tilespmem:$0x7CF0] =	vst v1;
	v1 =	vadd.s32 $0x4A4, v0  }
0x1da: {  	[tilespmem:$0x7D00] =	vst v1;
	v1 =	vadd.s32 $0x900, v0  }
0x1db: {  	[tilespmem:$0x7D10] =	vst v1;
	v1 =	vadd.s32 $0x90C, v0  }
0x1dc: {  	[tilespmem:$0x7D20] =	vst v1;
	v1 =	vadd.s32 $0x918, v0  }
0x1dd: {  	[tilespmem:$0x7D30] =	vst v1;
	v1 =	vadd.s32 $0x924, v0  }
0x1de: {  	[tilespmem:$0x7D40] =	vst v1;
	v1 =	vadd.s32 $0xD80, v0  }
0x1df: {  	[tilespmem:$0x7D50] =	vst v1;
	v1 =	vadd.s32 $0xD8C, v0  }
0x1e0: {  	[tilespmem:$0x7D60] =	vst v1;
	v1 =	vadd.s32 $0xD98, v0  }
0x1e1: {  	v0 =	vadd.s32 $0xDA4, v0;
	[tilespmem:$0x7D70] =	vst v1  }
0x1e2: {  	[tilespmem:$0x7D80] =	vst v0  }
0x1e3: {  	[tilespmem:s18], [sflag:$0x2] =	stream.indirect.gather [hbm4b:s3+s12], $0x10, s17, s12, $0xb8;
	[tilespmem:$0xBF90] =	vst v63  }
0x1e4: {  	_ = 	snop  }
0x1e5: {  	[tilespmem:s20], [sflag:$0x2] =	stream.indirect.gather [hbm4b:s3+s12], $0x10, s19, s12, $0xb8;
	[tilespmem:$0xBF90] =	vst v63  }
0x1e6: {  	_ =	swait.ge [sflag:s1], $0x800  }
0x1e7: {  	[sflag:s1] =	ssyncset.done $0x0  }
0x1e8: {  	[sflag:s1] =	ssyncadd.s32 $0xFFFFF800  }
0x1e9: {  	_ =	swait.ge [sflag:s1], $0x800  }
0x1ea: {  	[sflag:s1] =	ssyncset.done $0x0  }
0x1eb: {  	[sflag:s1] =	ssyncadd.s32 $0xFFFFF800  }
0x1ec: {  	v0 =	vld [tilespmem:s5+$0x20]  }
0x1ed: {  	v1 =	vld [tilespmem:s5+$0x3E00]  }
0x1ee: {  	v4 =	vld [tilespmem:s5+$0x1F10];
	_ =	sdelay $0x2  }
0x1ef: {  	v28 =	vld [tilespmem:$0x1FF80];
	v2 =	vtrunc.f32 v0  }
0x1f0: {  	v29 =	vld [tilespmem:$0x1FFA0];
	v3 =	vtrunc.f32 v1;
	v2 =	vcvt.f32.s32 v2  }
0x1f1: {  	v56 =	vld [tilespmem:$0x1FE10];
	v6 =	vtrunc.f32 v4;
	v3 =	vcvt.f32.s32 v3  }
0x1f2: {  	v58 =	vld [tilespmem:$0x1FE20];
	v6 =	vcvt.f32.s32 v6;
	v2 =	vcvt.s32.f32 v2  }
0x1f3: {  	v62 =	vld [tilespmem:$0x1FE30];
	v5 =	vadd.s32 $0xFFFFFFFF, v3  }
0x1f4: {  	v37 =	vld [tilespmem:$0x1FFB0];
	v6 =	vcvt.s32.f32 v6;
	vm8 =	vgt.s32 v5, $0x0;
	v0 =	vsub.f32 v0, v2  }
0x1f5: {  	v38 =	vld [tilespmem:$0x1FE40];
	v3 =	vcvt.s32.f32 v3;
	v2 =	vnsel vm8, $0x0, v5  }
0x1f6: {  	v40 =	vld [tilespmem:$0x1FE50];
	v4 =	vsub.f32 v4, v6;
	v2 =	vmin.u32 v2, $0x5C;
	v9 =	vmul.f32 $1.500000000e+00, v0  }
0x1f7: {  	v41 =	vld [tilespmem:$0x1FE60];
	v1 =	vsub.f32 v1, v3;
	v5 =	vmul.f32 $5.000000000e-01, v0;
	v7 =	vand.u32 $0xF, v2  }
0x1f8: {  	v42 =	vld [tilespmem:$0x1FFC0];
	vm9 =	vgt.u32 v7, $0xC;
	v7 =	vimm.s32 $0x0;
	v10 =	vadd.f32 $-2.500000000e+00, v9  }
0x1f9: {  	v54 =	vld [tilespmem:$0x1FE90];
	v30 =	vmul.f32 $1.500000000e+00, v4;
	v8 =	vsub.f32 $1.000000000e+00, v5;
	v7 =	vsel vm9, $0x8, v7  }
0x1fa: {  	v55 =	vld [tilespmem:$0x1FFD0];
	v9 =	vsub.f32 $2.000000000e+00, v9;
	v7 =	vadd.s32 v2, v7;
	v10 =	vmul.f32 v10, v0  }
0x1fb: {  	v16 =	vld [tilespmem:$0x1FF00];
	v5 =	vadd.f32 $-5.000000000e-01, v5;
	v2 =	vand.u32 $0x7, v2;
	v11 =	vand.u32 $0x8, v7  }
0x1fc: {  	v60 =	vadd.f32 $-2.500000000e+00, v30;
	v2 =	vor.u32 v2, v11;
	v11 =	vld [tilespmem:$0x1FF70];
	v10 =	vmul.f32 v10, v0  }
0x1fd: {  	v8 =	vmul.f32 v8, v0;
	v6 =	vand.u32 $0xF, v7;
	v7 =	vld [tilespmem:$0x1FF60];
	v9 =	vmul.f32 v9, v0  }
0x1fe: {  	v5 =	vmul.f32 v5, v0;
	v14 =	vadd.s32 v28, v6;
	v39 =	vadd.f32 $1.000000000e+00, v10;
	v10 =	vld [tilespmem:$0x1FF90]  }
0x1ff: {  	v3 =	vld [tilespmem:$0x1FE70];
	v57 =	vadd.s32 v56, v6;
	v59 =	vadd.s32 v58, v6;
	v8 =	vadd.f32 $-5.000000000e-01, v8  }
0x200: {  	v44 =	vadd.s32 v62, v6;
	v56 =	vld [tilespmem:$0x1FEA0];
	v9 =	vadd.f32 $5.000000000e-01, v9;
	v33 =	vmul.f32 v5, v0  }
0x201: {  	v58 =	vld [tilespmem:$0x1FEC0];
	v8 =	vmul.f32 v8, v0;
	v17 =	vadd.s32 v11, v6;
	v11 =	vmul.f32 $5.000000000e-01, v4  }
0x202: {  	v47 =	vadd.s32 v40, v6;
	v62 =	vld [tilespmem:$0x1FEF0];
	v34 =	vmul.f32 v9, v0;
	v0 =	vmul.f32 v60, v4  }
0x203: {  	v60 =	vld [tilespmem:$0x1FED0];
	v13 =	vor.u32 v7, v2;
	v15 =	vadd.s32 v10, v6;
	v10 =	vsub.f32 $1.000000000e+00, v11  }
0x204: {  	v50 =	vadd.s32 v3, v6;
	v61 =	vld.idx.msk [tilespmem:v14+s22+$0x0], $0xffff  }
0x205: {  	v7 =	vor.u32 v29, v2;
	v20 =	vld.idx.msk [tilespmem:v59+s22+$0x0], $0xffff;
	v9 =	vmul.f32 v10, v4  }
0x206: {  	v52 =	vadd.s32 v54, v6;
	v23 =	vld.idx.msk [tilespmem:v44+s22+$0x0], $0xffff  }
0x207: {  	v25 =	vld.idx.msk [tilespmem:v47+s22+$0x0], $0xffff;
	v9 =	vadd.f32 $-5.000000000e-01, v9  }
0x208: {  	v18 =	vsub.f32 $2.000000000e+00, v30;
	v49 =	vor.u32 v42, v2;
	v31 =	vld.idx.msk [tilespmem:v13+s22+$0x0], $0xffff  }
0x209: {  	v45 =	vor.u32 v37, v2;
	v0 =	vmul.f32 v0, v4;
	v29 =	vld.idx.msk [tilespmem:v50+s22+$0x0], $0xffff;
	v37 =	vmul.f32 v9, v4  }
0x20a: {  	v46 =	vadd.s32 v38, v6;
	v53 =	vor.u32 v55, v2;
	v5 =	vld.idx.msk [tilespmem:v7+s22+$0x0], $0xffff  }
0x20b: {  	v32 =	vld.idx.msk [tilespmem:v52+s22+$0x0], $0xffff;
	v38 =	vadd.f32 $1.000000000e+00, v0;
	v9 =	vmul.f32 v18, v4;
	v43 =	vmul.f32 v37, v8  }
0x20c: {  	[tilespmem:$0x1FD70] =	vst v59;
	v59 =	vld [tilespmem:$0x1FFE0]  }
0x20d: {  	v27 =	vld.idx.msk [tilespmem:v49+s22+$0x0], $0xffff;
	v30 =	vmul.f32 v38, v8;
	v9 =	vadd.f32 $5.000000000e-01, v9;
	v19 =	vmul.f32 v43, v31  }
0x20e: {  	v0 =	vld.idx.msk [tilespmem:v45+s22+$0x0], $0xffff;
	v11 =	vadd.f32 $-5.000000000e-01, v11  }
0x20f: {  	v24 =	vld.idx.msk [tilespmem:v53+s22+$0x0], $0xffff;
	v5 =	vmul.f32 v30, v5;
	v35 =	vmul.f32 v9, v4;
	v19 =	vadd.f32 $0.0e+00, v19  }
0x210: {  	v48 =	vadd.s32 v41, v6;
	v10 =	vld.idx.msk [tilespmem:v17+s22+$0x0], $0xffff  }
0x211: {  	v3 =	vmul.f32 v11, v4;
	v11 =	vld [tilespmem:$0x1FE80];
	v5 =	vadd.f32 v19, v5;
	v19 =	vmul.f32 v35, v8  }
0x212: {  	v18 =	vld.idx.msk [tilespmem:v57+s22+$0x0], $0xffff  }
0x213: {  	v63 =	vld.idx.msk [tilespmem:v15+s22+$0x0], $0xffff;
	v0 =	vmul.f32 v0, v19  }
0x214: {  	[tilespmem:$0x1FD60] =	vst v57;
	v54 =	vadd.s32 v56, v6;
	v57 =	vld [tilespmem:$0x1FEB0]  }
0x215: {  	v56 =	vadd.s32 v58, v6;
	v10 =	vmul.f32 v43, v10;
	v5 =	vadd.f32 v5, v0;
	v0 =	vld [tilespmem:$0x1FF20]  }
0x216: {  	v36 =	vmul.f32 v3, v4;
	v3 =	vmul.f32 $1.500000000e+00, v1;
	v51 =	vadd.s32 v11, v6;
	v4 =	vld.idx.msk [tilespmem:v48+s22+$0x0], $0xffff  }
0x217: {  	v21 =	vmul.f32 v43, v61;
	v61 =	vld [tilespmem:$0x1FEE0];
	v18 =	vmul.f32 v30, v18;
	v10 =	vadd.f32 $0.0e+00, v10  }
0x218: {  	v58 =	vadd.s32 v60, v6;
	v11 =	vmul.f32 $5.000000000e-01, v1;
	v22 =	vmul.f32 v43, v63;
	v63 =	vld [tilespmem:$0x1FFF0]  }
0x219: {  	v60 =	vadd.s32 v62, v6;
	v28 =	vadd.f32 $-2.500000000e+00, v3;
	v10 =	vadd.f32 v10, v18;
	v18 =	vld [tilespmem:$0x1FF10]  }
0x21a: {  	[tilespmem:$0x1FD50] =	vst v7;
	v7 =	vsub.f32 $2.000000000e+00, v3;
	v26 =	vsub.f32 $1.000000000e+00, v11;
	v3 =	vadd.s32 v0, v6;
	v0 =	vld [tilespmem:$0x1FE00]  }
0x21b: {  	v40 =	vld.idx.msk [tilespmem:v54+s22+$0x0], $0xffff;
	v20 =	vmul.f32 v30, v20;
	v23 =	vmul.f32 v30, v23;
	v22 =	vadd.f32 $0.0e+00, v22  }
0x21c: {  	v55 =	vadd.s32 v57, v6;
	v57 =	vor.u32 v59, v2;
	v26 =	vmul.f32 v26, v1;
	v31 =	vld.idx.msk [tilespmem:v51+s22+$0x0], $0xffff  }
0x21d: {  	v42 =	vld.idx.msk [tilespmem:v56+s22+$0x0], $0xffff;
	v21 =	vadd.f32 $0.0e+00, v21;
	v22 =	vadd.f32 v22, v23;
	v59 =	vadd.s32 v61, v6  }
0x21e: {  	v17 =	vld.idx.msk [tilespmem:v17+s24+$0x0], $0xffff;
	v61 =	vor.u32 v63, v2;
	v4 =	vmul.f32 v4, v19;
	v63 =	vadd.s32 v18, v6  }
0x21f: {  	v18 =	vadd.f32 v21, v20;
	v20 =	vor.u32 v0, v2;
	v2 =	vmul.f32 v36, v8;
	v0 =	vld [tilespmem:$0x1FF30]  }
0x220: {  	v9 =	vld.idx.msk [tilespmem:v46+s22+$0x0], $0xffff;
	v22 =	vadd.f32 v4, v22;
	v4 =	vmul.f32 v7, v1  }
0x221: {  	v7 =	vadd.f32 $-5.000000000e-01, v26;
	v26 =	vmul.f32 v29, v2;
	v29 =	vmul.f32 v31, v2;
	v31 =	vld.idx.msk [tilespmem:v3+s22+$0x0], $0xffff  }
0x222: {  	[tilespmem:$0x1FD80] =	vst v3;
	v3 =	vadd.f32 $5.000000000e-01, v4;
	v4 =	vld [tilespmem:$0x1FD50]  }
0x223: {  	v12 =	vld.idx.msk [tilespmem:v60+s22+$0x0], $0xffff  }
0x224: {  	v21 =	vadd.s32 v0, v6;
	v0 =	vld [tilespmem:$0x1FF40]  }
0x225: {  	v15 =	vld.idx.msk [tilespmem:v15+s24+$0x0], $0xffff;
	v11 =	vadd.f32 $-5.000000000e-01, v11;
	v9 =	vmul.f32 v9, v19  }
0x226: {  	v62 =	vadd.s32 v16, v6;
	v43 =	vld.idx.msk [tilespmem:v58+s22+$0x0], $0xffff;
	v27 =	vmul.f32 v27, v2  }
0x227: {  	v28 =	vmul.f32 v28, v1;
	v11 =	vmul.f32 v11, v1;
	v41 =	vld.idx.msk [tilespmem:v55+s22+$0x0], $0xffff;
	v9 =	vadd.f32 v9, v10  }
0x228: {  	v30 =	vld.idx.msk [tilespmem:v57+s22+$0x0], $0xffff;
	v7 =	vmul.f32 v7, v1;
	v32 =	vmul.f32 v32, v2;
	v5 =	vadd.f32 v27, v5  }
0x229: {  	v27 =	vmul.f32 v28, v1;
	v26 =	vadd.f32 v26, v9;
	v16 =	vadd.s32 v0, v6;
	v0 =	vld [tilespmem:$0x1FF50]  }
0x22a: {  	v9 =	vmul.f32 v3, v1;
	v1 =	vmul.f32 v11, v1;
	v11 =	vadd.f32 v32, v22;
	v32 =	vld.idx.msk [tilespmem:v4+s24+$0x0], $0xffff  }
0x22b: {  	v4 =	vld [tilespmem:$0x1FD60]  }
0x22c: {  	v25 =	vmul.f32 v25, v19;
	v23 =	vld.idx.msk [tilespmem:v59+s22+$0x0], $0xffff  }
0x22d: {  	v19 =	vld.idx.msk [tilespmem:v61+s22+$0x0], $0xffff  }
0x22e: {  	v10 =	vadd.f32 v25, v18;
	v25 =	vld.idx.msk [tilespmem:v63+s22+$0x0], $0xffff  }
0x22f: {  	v8 =	vld.idx.msk [tilespmem:v62+s22+$0x0], $0xffff;
	v18 =	vadd.s32 v0, v6;
	v0 =	vmul.f32 v37, v39  }
0x230: {  	v10 =	vadd.f32 v29, v10;
	v29 =	vld.idx.msk [tilespmem:v14+s24+$0x0], $0xffff  }
0x231: {  	v2 =	vld.idx.msk [tilespmem:v21+s22+$0x0], $0xffff;
	v40 =	vmul.f32 v40, v0  }
0x232: {  	v6 =	vld.idx.msk [tilespmem:v13+s24+$0x0], $0xffff;
	v24 =	vmul.f32 v24, v0  }
0x233: {  	[tilespmem:$0x1FD90] =	vst v1;
	v1 =	vadd.f32 $1.000000000e+00, v27;
	v27 =	vmul.f32 v35, v39;
	v22 =	vadd.f32 v40, v26;
	v40 =	vld.idx.msk [tilespmem:v4+s24+$0x0], $0xffff  }
0x234: {  	v41 =	vmul.f32 v41, v0;
	v5 =	vadd.f32 v24, v5;
	v24 =	vmul.f32 v38, v39;
	v4 =	vld [tilespmem:$0x1FD70]  }
0x235: {  	v19 =	vmul.f32 v19, v27;
	v13 =	vld.idx.msk [tilespmem:v20+s22+$0x0], $0xffff;
	v0 =	vmul.f32 v42, v0  }
0x236: {  	v8 =	vmul.f32 v8, v27;
	v28 =	vld.idx.msk [tilespmem:v16+s22+$0x0], $0xffff;
	v10 =	vadd.f32 v41, v10;
	v14 =	vmul.f32 v30, v24  }
0x237: {  	v0 =	vadd.f32 v0, v11;
	v41 =	vld.idx.msk [tilespmem:v45+s24+$0x0], $0xffff;
	v30 =	vmul.f32 v43, v24;
	v11 =	vmul.f32 v12, v24  }
0x238: {  	v42 =	vmul.f32 v25, v27;
	v3 =	vld.idx.msk [tilespmem:v18+s22+$0x0], $0xffff;
	v23 =	vmul.f32 v23, v24;
	v5 =	vadd.f32 v14, v5  }
0x239: {  	v45 =	vld.idx.msk [tilespmem:v47+s24+$0x0], $0xffff;
	v30 =	vadd.f32 v30, v22;
	v0 =	vadd.f32 v11, v0;
	v11 =	vmul.f32 v36, v39  }
0x23a: {  	v47 =	vmul.f32 v37, v34;
	v43 =	vmul.f32 v31, v27;
	v10 =	vadd.f32 v23, v10;
	v22 =	vld.idx.msk [tilespmem:v44+s24+$0x0], $0xffff  }
0x23b: {  	v44 =	vld.idx.msk [tilespmem:v46+s24+$0x0], $0xffff;
	v5 =	vadd.f32 v19, v5;
	v8 =	vadd.f32 v8, v30;
	v2 =	vmul.f32 v2, v11  }
0x23c: {  	v10 =	vadd.f32 v42, v10;
	v46 =	vmul.f32 v28, v11;
	v12 =	vld.idx.msk [tilespmem:v4+s24+$0x0], $0xffff;
	v4 =	vmul.f32 v13, v11  }
0x23d: {  	v0 =	vadd.f32 v43, v0;
	v3 =	vmul.f32 v3, v11;
	v2 =	vadd.f32 v2, v8  }
0x23e: {  	v48 =	vld.idx.msk [tilespmem:v48+s24+$0x0], $0xffff;
	v6 =	vmul.f32 v6, v47;
	v8 =	vadd.f32 v46, v10;
	v4 =	vadd.f32 v4, v5  }
0x23f: {  	v10 =	vld.idx.msk [tilespmem:v50+s24+$0x0], $0xffff;
	v0 =	vadd.f32 v3, v0;
	v3 =	vmul.f32 v17, v47;
	v11 =	vmul.f32 v38, v34  }
0x240: {  	v15 =	vmul.f32 v15, v47;
	v50 =	vld.idx.msk [tilespmem:v51+s24+$0x0], $0xffff;
	v4 =	vadd.f32 v6, v4;
	v6 =	vmul.f32 v29, v47  }
0x241: {  	v51 =	vld.idx.msk [tilespmem:v52+s24+$0x0], $0xffff;
	v2 =	vadd.f32 v3, v2;
	v3 =	vmul.f32 v32, v11;
	v52 =	vmul.f32 v40, v11  }
0x242: {  	v5 =	vld.idx.msk [tilespmem:v49+s24+$0x0], $0xffff;
	v32 =	vmul.f32 v35, v34;
	v6 =	vadd.f32 v6, v8;
	v8 =	vmul.f32 v12, v11  }
0x243: {  	v0 =	vadd.f32 v15, v0;
	v3 =	vadd.f32 v3, v4;
	v4 =	vmul.f32 v22, v11  }
0x244: {  	v2 =	vadd.f32 v52, v2;
	v6 =	vadd.f32 v8, v6;
	v8 =	vmul.f32 v41, v32  }
0x245: {  	v53 =	vld.idx.msk [tilespmem:v53+s24+$0x0], $0xffff;
	v0 =	vadd.f32 v4, v0;
	v4 =	vmul.f32 v44, v32;
	v41 =	vmul.f32 v36, v34  }
0x246: {  	v40 =	vld.idx.msk [tilespmem:v56+s24+$0x0], $0xffff;
	v12 =	vmul.f32 v48, v32;
	v3 =	vadd.f32 v8, v3;
	v8 =	vmul.f32 v45, v32  }
0x247: {  	v11 =	vld.idx.msk [tilespmem:v55+s24+$0x0], $0xffff;
	v44 =	vmul.f32 v37, v33;
	v2 =	vadd.f32 v4, v2;
	v4 =	vmul.f32 v5, v41  }
0x248: {  	v5 =	vmul.f32 v10, v41;
	v6 =	vadd.f32 v8, v6;
	v8 =	vmul.f32 v50, v41  }
0x249: {  	v39 =	vld.idx.msk [tilespmem:v54+s24+$0x0], $0xffff;
	v0 =	vadd.f32 v12, v0;
	v3 =	vadd.f32 v4, v3;
	v4 =	vmul.f32 v51, v41  }
0x24a: {  	v42 =	vld.idx.msk [tilespmem:v57+s24+$0x0], $0xffff;
	v2 =	vadd.f32 v5, v2;
	v5 =	vadd.f32 v8, v6;
	v6 =	vmul.f32 v53, v44  }
0x24b: {  	v43 =	vld.idx.msk [tilespmem:v58+s24+$0x0], $0xffff;
	v0 =	vadd.f32 v4, v0  }
0x24c: {  	v46 =	vld.idx.msk [tilespmem:v61+s24+$0x0], $0xffff;
	v3 =	vadd.f32 v6, v3;
	v6 =	vmul.f32 v11, v44;
	v11 =	vmul.f32 v40, v44  }
0x24d: {  	v49 =	vld.idx.msk [tilespmem:v20+s24+$0x0], $0xffff  }
0x24e: {  	v0 =	vadd.f32 v11, v0;
	v11 =	vld [tilespmem:$0x1FD80]  }
0x24f: {  	v10 =	vld.idx.msk [tilespmem:v59+s24+$0x0], $0xffff  }
0x250: {  	v47 =	vmul.f32 v38, v33;
	v8 =	vld.idx.msk [tilespmem:v62+s24+$0x0], $0xffff;
	v4 =	vmul.f32 v39, v44  }
0x251: {  	v48 =	vld.idx.msk [tilespmem:v63+s24+$0x0], $0xffff  }
0x252: {  	v50 =	vmul.f32 v35, v33;
	v51 =	vld.idx.msk [tilespmem:v21+s24+$0x0], $0xffff;
	v2 =	vadd.f32 v4, v2;
	v4 =	vmul.f32 v42, v47  }
0x253: {  	v55 =	vld [tilespmem:s5+$0x60];
	v5 =	vadd.f32 v6, v5;
	v6 =	vmul.f32 v43, v47  }
0x254: {  	v52 =	vmul.f32 v36, v33;
	v45 =	vld.idx.msk [tilespmem:v60+s24+$0x0], $0xffff;
	v3 =	vadd.f32 v4, v3;
	v4 =	vmul.f32 v46, v50  }
0x255: {  	v53 =	vld.idx.msk [tilespmem:v16+s24+$0x0], $0xffff;
	v8 =	vmul.f32 v8, v50;
	v2 =	vadd.f32 v6, v2;
	v6 =	vmul.f32 v10, v47  }
0x256: {  	v3 =	vadd.f32 v4, v3;
	v4 =	vmul.f32 v49, v52;
	v11 =	vld.idx.msk [tilespmem:v11+s24+$0x0], $0xffff  }
0x257: {  	v10 =	vld.idx.msk [tilespmem:v18+s24+$0x0], $0xffff;
	v5 =	vadd.f32 v6, v5;
	v2 =	vadd.f32 v8, v2;
	v6 =	vmul.f32 v51, v52  }
0x258: {  	v56 =	vmul.f32 v48, v50;
	v8 =	vld [tilespmem:s5+$0x3E40];
	v3 =	vadd.f32 v4, v3  }
0x259: {  	v54 =	vmul.f32 v45, v47;
	v4 =	vld [tilespmem:s5+$0x1F50];
	v2 =	vadd.f32 v6, v2  }
0x25a: {  	v6 =	vmul.f32 v53, v52;
	v5 =	vadd.f32 v56, v5;
	v3 =	vmul.f32 v3, v7  }
0x25b: {  	v0 =	vadd.f32 v54, v0;
	v7 =	vtrunc.f32 v55;
	v11 =	vmul.f32 v11, v50  }
0x25c: {  	v2 =	vmul.f32 v2, v1;
	v5 =	vadd.f32 v6, v5;
	v6 =	vcvt.f32.s32 v7;
	v1 =	vld [tilespmem:$0x1FD90]  }
0x25d: {  	v10 =	vmul.f32 v10, v52;
	v7 =	vtrunc.f32 v8;
	v0 =	vadd.f32 v11, v0  }
0x25e: {  	v4 =	vtrunc.f32 v4;
	v7 =	vcvt.f32.s32 v7;
	v6 =	vadd.s32 $0xFFFFFFFF, v6  }
0x25f: {  	v4 =	vcvt.f32.s32 v4;
	vm10 =	vgt.s32 v6, $0x0;
	v0 =	vadd.f32 v10, v0  }
0x260: {  	v5 =	vmul.f32 v5, v9;
	v6 =	vnsel vm10, $0x0, v6  }
0x261: {  	v4 =	vadd.s32 $0xFFFFFFFF, v4;
	v0 =	vmul.f32 v0, v1;
	v1 =	vadd.s32 $0xFFFFFFFF, v7  }
0x262: {  	v6 =	vmin.u32 v6, $0x5C;
	vm12 =	vgt.s32 v4, $0x0;
	vm11 =	vgt.s32 v1, $0x0  }
0x263: {  	v4 =	vnsel vm12, $0x0, v4;
	v6 =	vmul.u32 $0x60, v6;
	v1 =	vnsel vm11, $0x0, v1  }
0x264: {  	v2 =	vadd.f32 v2, v3;
	v3 =	vmin.u32 v4, $0x5C;
	v1 =	vmin.u32 v1, $0x5C  }
0x265: {  	v3 =	vadd.s32 v3, v6;
	v0 =	vadd.f32 v0, v5;
	v4 =	vand.u32 $0xF, v1  }
0x266: {  	v3 =	vmul.u32 $0xC, v3;
	vm13 =	vgt.u32 v4, $0xC;
	v4 =	vimm.s32 $0x0  }
0x267: {  	v0 =	vadd.f32 v0, v2;
	v2 =	vimm.s32 $0x0;
	v4 =	vsel vm13, $0xFFFFFFF8, v4  }
0x268: {  	v2 =	vsel vm13, $0x6, v2;
	v1 =	vadd.s32 v1, v4  }
0x269: {  	v2 =	vadd.s32 v3, v2;
	v1 =	vshra.s32 v1, $0x4  }
0x26a: {  	[tilespmem:s5+$0x5CF0] =	vst v0;
	v0 =	vadd.s32 v1, v2  }
0x26b: {  	[tilespmem:$0x7D90] =	vst v0;
	v1 =	vadd.s32 $0xC, v0  }
0x26c: {  	[tilespmem:$0x7DA0] =	vst v1;
	v1 =	vadd.s32 $0x18, v0  }
0x26d: {  	[tilespmem:$0x7DB0] =	vst v1;
	v1 =	vadd.s32 $0x24, v0  }
0x26e: {  	[tilespmem:$0x7DC0] =	vst v1;
	v1 =	vadd.s32 $0x480, v0  }
0x26f: {  	[tilespmem:$0x7DD0] =	vst v1;
	v1 =	vadd.s32 $0x48C, v0  }
0x270: {  	[tilespmem:$0x7DE0] =	vst v1;
	v1 =	vadd.s32 $0x498, v0  }
0x271: {  	[tilespmem:$0x7DF0] =	vst v1;
	v1 =	vadd.s32 $0x4A4, v0  }
0x272: {  	[tilespmem:$0x7E00] =	vst v1;
	v1 =	vadd.s32 $0x900, v0  }
0x273: {  	[tilespmem:$0x7E10] =	vst v1;
	v1 =	vadd.s32 $0x90C, v0  }
0x274: {  	[tilespmem:$0x7E20] =	vst v1;
	v1 =	vadd.s32 $0x918, v0  }
0x275: {  	[tilespmem:$0x7E30] =	vst v1;
	v1 =	vadd.s32 $0x924, v0  }
0x276: {  	[tilespmem:$0x7E40] =	vst v1;
	v1 =	vadd.s32 $0xD80, v0  }
0x277: {  	[tilespmem:$0x7E50] =	vst v1;
	v1 =	vadd.s32 $0xD8C, v0  }
0x278: {  	[tilespmem:$0x7E60] =	vst v1;
	v1 =	vadd.s32 $0xD98, v0  }
0x279: {  	v0 =	vadd.s32 $0xDA4, v0;
	[tilespmem:$0x7E70] =	vst v1  }
0x27a: {  	[tilespmem:$0x7E80] =	vst v0  }
0x27b: {  	[tilespmem:s22], [sflag:$0x3] =	stream.indirect.gather [hbm4b:s3+s12], $0x10, s21, s12, $0xb8;
	[tilespmem:$0xBF90] =	vst v63  }
0x27c: {  	_ = 	snop  }
0x27d: {  	[tilespmem:s24], [sflag:$0x3] =	stream.indirect.gather [hbm4b:s3+s12], $0x10, s23, s12, $0xb8;
	[tilespmem:$0xBF90] =	vst v63  }
0x27e: {  	_ =	swait.ge [sflag:s0], $0x800  }
0x27f: {  	[sflag:s0] =	ssyncset.done $0x0  }
0x280: {  	[sflag:s0] =	ssyncadd.s32 $0xFFFFF800  }
0x281: {  	_ =	swait.ge [sflag:s0], $0x800  }
0x282: {  	[sflag:s0] =	ssyncset.done $0x0  }
0x283: {  	[sflag:s0] =	ssyncadd.s32 $0xFFFFF800  }
0x284: {  	v0 =	vld [tilespmem:s5+$0x3E10];
	_ =	sdelay $0x4  }
0x285: {  	v1 =	vtrunc.f32 v0  }
0x286: {  	v2 =	vld [tilespmem:s5+$0x30];
	v1 =	vcvt.f32.s32 v1;
	_ =	sdelay $0x1  }
0x287: {  	v3 =	vadd.s32 $0xFFFFFFFF, v1  }
0x288: {  	vm14 =	vgt.s32 v3, $0x0  }
0x289: {  	v3 =	vnsel vm14, $0x0, v3  }
0x28a: {  	v4 =	vtrunc.f32 v2;
	v3 =	vmin.u32 v3, $0x5C  }
0x28b: {  	v59 =	vld [tilespmem:$0x1FE20];
	v4 =	vcvt.f32.s32 v4;
	v5 =	vand.u32 $0xF, v3  }
0x28c: {  	v6 =	vimm.s32 $0x0;
	vm15 =	vgt.u32 v5, $0xC  }
0x28d: {  	v7 =	vld [tilespmem:$0x1FF60];
	v4 =	vcvt.s32.f32 v4;
	v6 =	vsel vm15, $0x8, v6  }
0x28e: {  	v8 =	vld [tilespmem:$0x1FF70];
	v1 =	vcvt.s32.f32 v1;
	v6 =	vadd.s32 v3, v6  }
0x28f: {  	v10 =	vld [tilespmem:$0x1FF90];
	v2 =	vsub.f32 v2, v4;
	v4 =	vand.u32 $0x8, v6;
	v6 =	vand.u32 $0xF, v6  }
0x290: {  	v9 =	vld [tilespmem:$0x1FF80];
	v3 =	vand.u32 $0x7, v3;
	v60 =	vadd.s32 v59, v6  }
0x291: {  	v34 =	vsub.f32 v0, v1;
	v1 =	vld [tilespmem:$0x1FEE0];
	v3 =	vor.u32 v3, v4;
	v4 =	vmul.f32 $5.000000000e-01, v2  }
0x292: {  	v5 =	vld [tilespmem:s5+$0x1F20]  }
0x293: {  	v61 =	vld [tilespmem:$0x1FE30];
	v18 =	vadd.s32 v8, v6;
	v8 =	vsub.f32 $1.000000000e+00, v4;
	v4 =	vadd.f32 $-5.000000000e-01, v4  }
0x294: {  	v43 =	vadd.s32 v10, v6;
	v10 =	vld [tilespmem:$0x1FFA0]  }
0x295: {  	v4 =	vmul.f32 v4, v2;
	v27 =	vld.idx.msk [tilespmem:v60+s26+$0x0], $0xffff  }
0x296: {  	[tilespmem:$0x1FDC0] =	vst v60;
	v60 =	vadd.s32 v1, v6;
	v1 =	vld [tilespmem:$0x1FEF0]  }
0x297: {  	v19 =	vor.u32 v7, v3;
	v7 =	vtrunc.f32 v5;
	v33 =	vmul.f32 v4, v2;
	v4 =	vld [tilespmem:$0x1FE90]  }
0x298: {  	v7 =	vcvt.f32.s32 v7  }
0x299: {  	v17 =	vadd.s32 v9, v6;
	v9 =	vmul.f32 $1.500000000e+00, v2  }
0x29a: {  	v57 =	vld [tilespmem:$0x1FE10];
	v45 =	vadd.s32 v61, v6;
	v7 =	vcvt.s32.f32 v7;
	v44 =	vor.u32 v10, v3  }
0x29b: {  	v10 =	vadd.f32 $-2.500000000e+00, v9;
	v9 =	vsub.f32 $2.000000000e+00, v9;
	v61 =	vadd.s32 v1, v6;
	v1 =	vld [tilespmem:$0x1FFF0]  }
0x29c: {  	v8 =	vmul.f32 v8, v2;
	v5 =	vsub.f32 v5, v7;
	v53 =	vadd.s32 v4, v6;
	v4 =	vld [tilespmem:$0x1FFD0]  }
0x29d: {  	v63 =	vld [tilespmem:$0x1FFB0];
	v9 =	vmul.f32 v9, v2  }
0x29e: {  	v20 =	vld.idx.msk [tilespmem:v17+s26+$0x0], $0xffff;
	v8 =	vadd.f32 $-5.000000000e-01, v8;
	v62 =	vmul.f32 $5.000000000e-01, v5  }
0x29f: {  	v11 =	vld.idx.msk [tilespmem:v19+s26+$0x0], $0xffff;
	v10 =	vmul.f32 v10, v2;
	v16 =	vmul.f32 $1.500000000e+00, v5;
	v9 =	vadd.f32 $5.000000000e-01, v9  }
0x2a0: {  	v12 =	vsub.f32 $1.000000000e+00, v62;
	v21 =	vadd.f32 $-5.000000000e-01, v62;
	v62 =	vor.u32 v1, v3;
	v1 =	vld [tilespmem:$0x1FF00]  }
0x2a1: {  	v13 =	vmul.f32 v8, v2;
	v8 =	vmul.f32 v10, v2;
	v54 =	vor.u32 v4, v3;
	v4 =	vld [tilespmem:$0x1FEA0]  }
0x2a2: {  	v10 =	vld [tilespmem:$0x1FE40];
	v37 =	vmul.f32 v9, v2;
	v2 =	vsub.f32 $2.000000000e+00, v16;
	v24 =	vmul.f32 v12, v5  }
0x2a3: {  	v7 =	vld.idx.msk [tilespmem:v18+s26+$0x0], $0xffff;
	v40 =	vadd.f32 $-2.500000000e+00, v16  }
0x2a4: {  	v58 =	vadd.s32 v57, v6;
	v23 =	vld.idx.msk [tilespmem:v44+s26+$0x0], $0xffff;
	v2 =	vmul.f32 v2, v5;
	v24 =	vadd.f32 $-5.000000000e-01, v24  }
0x2a5: {  	v46 =	vor.u32 v63, v3;
	v28 =	vmul.f32 v40, v5;
	v63 =	vadd.s32 v1, v6;
	v1 =	vld [tilespmem:$0x1FF10]  }
0x2a6: {  	v2 =	vadd.f32 $5.000000000e-01, v2;
	v38 =	vmul.f32 v24, v5;
	v55 =	vadd.s32 v4, v6;
	v4 =	vld [tilespmem:$0x1FEB0]  }
0x2a7: {  	v21 =	vmul.f32 v21, v5;
	v47 =	vadd.s32 v10, v6;
	v10 =	vld [tilespmem:$0x1FE50];
	v41 =	vmul.f32 v28, v5  }
0x2a8: {  	v39 =	vmul.f32 v2, v5;
	v2 =	vld [tilespmem:$0x1FED0];
	v24 =	vmul.f32 v38, v13  }
0x2a9: {  	v22 =	vld.idx.msk [tilespmem:v43+s26+$0x0], $0xffff;
	v36 =	vadd.f32 $1.000000000e+00, v41  }
0x2aa: {  	v35 =	vmul.f32 v21, v5;
	v11 =	vmul.f32 v24, v11;
	v0 =	vadd.s32 v1, v6;
	v1 =	vld [tilespmem:$0x1FF20]  }
0x2ab: {  	v5 =	vmul.f32 v24, v7;
	v7 =	vmul.f32 v36, v13;
	v56 =	vadd.s32 v4, v6;
	v4 =	vld [tilespmem:$0x1FEC0]  }
0x2ac: {  	v26 =	vld.idx.msk [tilespmem:v58+s26+$0x0], $0xffff;
	v48 =	vadd.s32 v10, v6  }
0x2ad: {  	v10 =	vld [tilespmem:$0x1FE60];
	v59 =	vadd.s32 v2, v6;
	v2 =	vadd.f32 $0.0e+00, v11;
	v23 =	vmul.f32 v7, v23  }
0x2ae: {  	v29 =	vld.idx.msk [tilespmem:v45+s26+$0x0], $0xffff  }
0x2af: {  	v23 =	vadd.f32 v2, v23;
	v2 =	vadd.s32 v1, v6;
	v1 =	vld [tilespmem:$0x1FE00]  }
0x2b0: {  	v57 =	vadd.s32 v4, v6;
	v4 =	vld [tilespmem:$0x1FFE0]  }
0x2b1: {  	v19 =	vld.idx.msk [tilespmem:v19+s29+$0x0], $0xffff  }
0x2b2: {  	v49 =	vadd.s32 v10, v6;
	v10 =	vld [tilespmem:$0x1FFC0]  }
0x2b3: {  	v18 =	vld.idx.msk [tilespmem:v18+s29+$0x0], $0xffff  }
0x2b4: {  	v9 =	vld.idx.msk [tilespmem:v46+s26+$0x0], $0xffff  }
0x2b5: {  	[tilespmem:$0x1FDB0] =	vst v58;
	v58 =	vor.u32 v4, v3;
	v4 =	vor.u32 v1, v3;
	v1 =	vld [tilespmem:$0x1FF30]  }
0x2b6: {  	v14 =	vld.idx.msk [tilespmem:v61+s26+$0x0], $0xffff  }
0x2b7: {  	v50 =	vor.u32 v10, v3;
	v10 =	vld [tilespmem:$0x1FE70]  }
0x2b8: {  	v40 =	vld.idx.msk [tilespmem:v53+s26+$0x0], $0xffff  }
0x2b9: {  	v30 =	vld.idx.msk [tilespmem:v47+s26+$0x0], $0xffff  }
0x2ba: {  	v3 =	vadd.s32 v1, v6;
	v1 =	vld [tilespmem:$0x1FF40]  }
0x2bb: {  	v12 =	vld.idx.msk [tilespmem:v54+s26+$0x0], $0xffff  }
0x2bc: {  	v20 =	vmul.f32 v24, v20;
	v51 =	vadd.s32 v10, v6;
	v10 =	vld [tilespmem:$0x1FE80]  }
0x2bd: {  	[tilespmem:$0x1FDA0] =	vst v8;
	v8 =	vadd.f32 $0.0e+00, v5;
	v5 =	vmul.f32 v7, v26;
	v26 =	vld.idx.msk [tilespmem:v60+s26+$0x0], $0xffff  }
0x2be: {  	v20 =	vadd.f32 $0.0e+00, v20;
	v27 =	vmul.f32 v7, v27;
	v7 =	vmul.f32 v7, v29;
	v29 =	vld.idx.msk [tilespmem:v62+s26+$0x0], $0xffff  }
0x2bf: {  	v11 =	vadd.f32 v8, v5;
	v5 =	vadd.s32 v1, v6;
	v1 =	vld [tilespmem:$0x1FF50]  }
0x2c0: {  	v20 =	vadd.f32 v20, v27;
	v27 =	vld.idx.msk [tilespmem:v63+s26+$0x0], $0xffff  }
0x2c1: {  	v25 =	vld.idx.msk [tilespmem:v49+s26+$0x0], $0xffff;
	v52 =	vadd.s32 v10, v6  }
0x2c2: {  	v28 =	vld.idx.msk [tilespmem:v50+s26+$0x0], $0xffff  }
0x2c3: {  	v42 =	vmul.f32 v24, v22;
	v10 =	vld.idx.msk [tilespmem:v48+s26+$0x0], $0xffff  }
0x2c4: {  	v6 =	vadd.s32 v1, v6;
	v1 =	vld [tilespmem:$0x1FDA0]  }
0x2c5: {  	v21 =	vadd.f32 $0.0e+00, v42;
	v42 =	vmul.f32 v39, v13;
	v31 =	vld.idx.msk [tilespmem:v51+s26+$0x0], $0xffff  }
0x2c6: {  	v32 =	vld.idx.msk [tilespmem:v52+s26+$0x0], $0xffff  }
0x2c7: {  	v9 =	vmul.f32 v9, v42;
	v7 =	vadd.f32 v21, v7;
	v21 =	vmul.f32 v30, v42;
	v16 =	vld.idx.msk [tilespmem:v55+s26+$0x0], $0xffff  }
0x2c8: {  	v8 =	vmul.f32 v35, v13;
	v30 =	vld.idx.msk [tilespmem:v0+s26+$0x0], $0xffff;
	v10 =	vmul.f32 v10, v42  }
0x2c9: {  	[tilespmem:$0x1FDD0] =	vst v0;
	v0 =	vadd.f32 v21, v11;
	v15 =	vld.idx.msk [tilespmem:v56+s26+$0x0], $0xffff;
	v25 =	vmul.f32 v25, v42;
	v21 =	vadd.f32 $1.000000000e+00, v1  }
0x2ca: {  	v22 =	vld.idx.msk [tilespmem:v57+s26+$0x0], $0xffff;
	v10 =	vadd.f32 v10, v20;
	v20 =	vmul.f32 v28, v8;
	v28 =	vmul.f32 v31, v8  }
0x2cb: {  	v41 =	vld.idx.msk [tilespmem:v59+s26+$0x0], $0xffff;
	v13 =	vmul.f32 v32, v8;
	v32 =	vmul.f32 v38, v21  }
0x2cc: {  	v9 =	vadd.f32 v23, v9;
	v7 =	vadd.f32 v25, v7;
	v24 =	vld.idx.msk [tilespmem:v58+s26+$0x0], $0xffff;
	v8 =	vmul.f32 v40, v8  }
0x2cd: {  	[tilespmem:$0x1FDF0] =	vst v4;
	v42 =	vld.idx.msk [tilespmem:v4+s26+$0x0], $0xffff;
	v0 =	vadd.f32 v28, v0;
	v4 =	vmul.f32 v16, v32  }
0x2ce: {  	v23 =	vld.idx.msk [tilespmem:v2+s26+$0x0], $0xffff;
	v10 =	vadd.f32 v13, v10;
	v7 =	vadd.f32 v8, v7;
	v8 =	vmul.f32 v15, v32  }
0x2cf: {  	v25 =	vld.idx.msk [tilespmem:v43+s29+$0x0], $0xffff;
	v11 =	vmul.f32 v36, v21;
	v0 =	vadd.f32 v4, v0;
	v4 =	vmul.f32 v22, v32  }
0x2d0: {  	v43 =	vld.idx.msk [tilespmem:v50+s29+$0x0], $0xffff;
	v9 =	vadd.f32 v20, v9;
	v12 =	vmul.f32 v12, v32;
	v8 =	vadd.f32 v8, v10  }
0x2d1: {  	v31 =	vld.idx.msk [tilespmem:v3+s26+$0x0], $0xffff;
	v4 =	vadd.f32 v4, v7;
	v7 =	vmul.f32 v26, v11;
	v26 =	vmul.f32 v39, v21  }
0x2d2: {  	v28 =	vld.idx.msk [tilespmem:v44+s29+$0x0], $0xffff;
	v9 =	vadd.f32 v12, v9;
	v10 =	vmul.f32 v24, v11  }
0x2d3: {  	v7 =	vadd.f32 v7, v8;
	v8 =	vmul.f32 v29, v26;
	v29 =	vld [tilespmem:$0x1FDC0]  }
0x2d4: {  	v9 =	vadd.f32 v10, v9;
	v10 =	vld [tilespmem:$0x1FDB0]  }
0x2d5: {  	[tilespmem:$0x1FDE0] =	vst v2;
	v1 =	vld.idx.msk [tilespmem:v5+s26+$0x0], $0xffff;
	v2 =	vmul.f32 v14, v11  }
0x2d6: {  	v20 =	vld.idx.msk [tilespmem:v6+s26+$0x0], $0xffff;
	v24 =	vmul.f32 v41, v11  }
0x2d7: {  	v40 =	vld.idx.msk [tilespmem:v47+s29+$0x0], $0xffff;
	v2 =	vadd.f32 v2, v4;
	v4 =	vmul.f32 v30, v26;
	v30 =	vmul.f32 v35, v21  }
0x2d8: {  	v12 =	vld.idx.msk [tilespmem:v17+s29+$0x0], $0xffff;
	v0 =	vadd.f32 v24, v0;
	v8 =	vadd.f32 v8, v9;
	v9 =	vmul.f32 v23, v26  }
0x2d9: {  	v32 =	vld.idx.msk [tilespmem:v45+s29+$0x0], $0xffff;
	v11 =	vmul.f32 v27, v26;
	v4 =	vadd.f32 v4, v7;
	v7 =	vmul.f32 v42, v30  }
0x2da: {  	v41 =	vld.idx.msk [tilespmem:v48+s29+$0x0], $0xffff;
	v1 =	vmul.f32 v1, v30;
	v2 =	vadd.f32 v9, v2;
	v9 =	vmul.f32 v38, v37  }
0x2db: {  	v0 =	vadd.f32 v11, v0;
	v7 =	vadd.f32 v7, v8;
	v8 =	vmul.f32 v20, v30;
	v13 =	vld.idx.msk [tilespmem:v29+s29+$0x0], $0xffff  }
0x2dc: {  	v21 =	vmul.f32 v31, v30;
	v1 =	vadd.f32 v1, v4;
	v10 =	vld.idx.msk [tilespmem:v10+s29+$0x0], $0xffff;
	v4 =	vmul.f32 v19, v9  }
0x2dd: {  	v44 =	vmul.f32 v36, v37;
	v11 =	vld.idx.msk [tilespmem:v46+s29+$0x0], $0xffff;
	v2 =	vadd.f32 v8, v2;
	v8 =	vmul.f32 v12, v9  }
0x2de: {  	v45 =	vld.idx.msk [tilespmem:v51+s29+$0x0], $0xffff;
	v0 =	vadd.f32 v21, v0;
	v4 =	vadd.f32 v4, v7;
	v7 =	vmul.f32 v25, v9  }
0x2df: {  	v42 =	vld.idx.msk [tilespmem:v49+s29+$0x0], $0xffff;
	v18 =	vmul.f32 v18, v9;
	v1 =	vadd.f32 v8, v1;
	v8 =	vmul.f32 v28, v44  }
0x2e0: {  	v47 =	vmul.f32 v39, v37;
	v48 =	vld.idx.msk [tilespmem:v54+s29+$0x0], $0xffff;
	v2 =	vadd.f32 v7, v2;
	v7 =	vmul.f32 v13, v44  }
0x2e1: {  	v0 =	vadd.f32 v18, v0;
	v9 =	vld.idx.msk [tilespmem:v52+s29+$0x0], $0xffff;
	v4 =	vadd.f32 v8, v4;
	v10 =	vmul.f32 v10, v44  }
0x2e2: {  	v51 =	vld.idx.msk [tilespmem:v57+s29+$0x0], $0xffff;
	v8 =	vmul.f32 v32, v44;
	v1 =	vadd.f32 v7, v1;
	v7 =	vmul.f32 v11, v47  }
0x2e3: {  	v50 =	vmul.f32 v35, v37;
	v0 =	vadd.f32 v10, v0;
	v10 =	vld.idx.msk [tilespmem:v55+s29+$0x0], $0xffff;
	v11 =	vmul.f32 v40, v47  }
0x2e4: {  	v54 =	vld.idx.msk [tilespmem:v60+s29+$0x0], $0xffff;
	v2 =	vadd.f32 v8, v2;
	v4 =	vadd.f32 v7, v4;
	v7 =	vmul.f32 v42, v47  }
0x2e5: {  	v46 =	vld.idx.msk [tilespmem:v53+s29+$0x0], $0xffff;
	v52 =	vmul.f32 v45, v50;
	v0 =	vadd.f32 v11, v0  }
0x2e6: {  	v49 =	vld.idx.msk [tilespmem:v56+s29+$0x0], $0xffff;
	v2 =	vadd.f32 v7, v2;
	v7 =	vmul.f32 v9, v50;
	v9 =	vmul.f32 v38, v33  }
0x2e7: {  	v53 =	vld.idx.msk [tilespmem:v59+s29+$0x0], $0xffff  }
0x2e8: {  	v56 =	vld.idx.msk [tilespmem:v62+s29+$0x0], $0xffff;
	v8 =	vmul.f32 v41, v47;
	v0 =	vadd.f32 v52, v0;
	v10 =	vmul.f32 v10, v9  }
0x2e9: {  	v59 =	vld [tilespmem:$0x1FDE0]  }
0x2ea: {  	v1 =	vadd.f32 v8, v1;
	v8 =	vmul.f32 v43, v50;
	v0 =	vadd.f32 v10, v0;
	v10 =	vld [tilespmem:$0x1FDD0]  }
0x2eb: {  	v11 =	vld.idx.msk [tilespmem:v58+s29+$0x0], $0xffff  }
0x2ec: {  	v55 =	vld.idx.msk [tilespmem:v61+s29+$0x0], $0xffff;
	v4 =	vadd.f32 v8, v4;
	v8 =	vmul.f32 v46, v50  }
0x2ed: {  	v61 =	vld [tilespmem:$0x1FDF0];
	v1 =	vadd.f32 v7, v1;
	v7 =	vmul.f32 v48, v9  }
0x2ee: {  	v57 =	vmul.f32 v36, v33;
	v58 =	vld.idx.msk [tilespmem:v63+s29+$0x0], $0xffff;
	v2 =	vadd.f32 v8, v2;
	v8 =	vmul.f32 v49, v9  }
0x2ef: {  	v4 =	vadd.f32 v7, v4;
	v7 =	vmul.f32 v51, v9  }
0x2f0: {  	v3 =	vld.idx.msk [tilespmem:v3+s29+$0x0], $0xffff;
	v1 =	vadd.f32 v8, v1;
	v8 =	vmul.f32 v11, v57;
	v9 =	vmul.f32 v39, v33  }
0x2f1: {  	v6 =	vld.idx.msk [tilespmem:v6+s29+$0x0], $0xffff;
	v11 =	vmul.f32 v54, v57;
	v2 =	vadd.f32 v7, v2;
	v7 =	vmul.f32 v53, v57  }
0x2f2: {  	v4 =	vadd.f32 v8, v4;
	v8 =	vmul.f32 v55, v57;
	v60 =	vmul.f32 v56, v9;
	v10 =	vld.idx.msk [tilespmem:v10+s29+$0x0], $0xffff  }
0x2f3: {  	v16 =	vld.idx.msk [tilespmem:v59+s29+$0x0], $0xffff;
	v1 =	vadd.f32 v11, v1;
	v0 =	vadd.f32 v7, v0;
	v7 =	vmul.f32 v58, v9  }
0x2f4: {  	v11 =	vmul.f32 v35, v33;
	v2 =	vadd.f32 v8, v2;
	v8 =	vmul.f32 $5.000000000e-01, v34  }
0x2f5: {  	v5 =	vld.idx.msk [tilespmem:v5+s29+$0x0], $0xffff;
	v4 =	vadd.f32 v60, v4;
	v0 =	vadd.f32 v7, v0;
	v7 =	vmul.f32 $1.500000000e+00, v34  }
0x2f6: {  	v13 =	vld.idx.msk [tilespmem:v61+s29+$0x0], $0xffff;
	v3 =	vmul.f32 v3, v11;
	v62 =	vsub.f32 $1.000000000e+00, v8;
	v8 =	vadd.f32 $-5.000000000e-01, v8  }
0x2f7: {  	v63 =	vadd.f32 $-2.500000000e+00, v7;
	v7 =	vsub.f32 $2.000000000e+00, v7;
	v10 =	vmul.f32 v10, v9  }
0x2f8: {  	v0 =	vadd.f32 v3, v0;
	v3 =	vmul.f32 v6, v11;
	v9 =	vmul.f32 v16, v9  }
0x2f9: {  	v6 =	vmul.f32 v8, v34;
	v7 =	vmul.f32 v7, v34;
	v1 =	vadd.f32 v10, v1  }
0x2fa: {  	v2 =	vadd.f32 v9, v2;
	v9 =	vmul.f32 v62, v34;
	v10 =	vmul.f32 v63, v34  }
0x2fb: {  	v13 =	vmul.f32 v13, v11;
	v5 =	vmul.f32 v5, v11;
	v7 =	vadd.f32 $5.000000000e-01, v7  }
0x2fc: {  	v6 =	vmul.f32 v6, v34;
	v9 =	vadd.f32 $-5.000000000e-01, v9;
	v10 =	vmul.f32 v10, v34  }
0x2fd: {  	v7 =	vmul.f32 v7, v34;
	v1 =	vadd.f32 v5, v1;
	v5 =	vld [tilespmem:$0x1FFA0];
	v2 =	vadd.f32 v3, v2  }
0x2fe: {  	v4 =	vadd.f32 v13, v4;
	v8 =	vmul.f32 v9, v34;
	v9 =	vadd.f32 $1.000000000e+00, v10;
	v10 =	vld [tilespmem:$0x1FFF0]  }
0x2ff: {  	v1 =	vmul.f32 v1, v7;
	v7 =	vld [tilespmem:$0x1FFC0];
	v2 =	vmul.f32 v2, v6  }
0x300: {  	v6 =	vld [tilespmem:$0x1FFB0];
	v3 =	vmul.f32 v4, v8;
	v0 =	vmul.f32 v0, v9  }
0x301: {  	p0 =	sne.s32 s10, $0x7A00;
	v8 =	vld [tilespmem:$0x1FFD0]  }
.Ltmp0:
0x302: {  	v4 =	vld [tilespmem:$0x1FF90];
	v1 =	vadd.f32 v2, v1;
	v0 =	vadd.f32 v0, v3;
	(pc) =	sbr.rel @p0 .LBB2_2-.Ltmp0, $4  }
0x303: {  	v9 =	vld [tilespmem:$0x1FFE0]  }
0x304: {  	v2 =	vld [tilespmem:$0x1FF70];
	v0 =	vadd.f32 v1, v0  }
0x305: {  	v3 =	vld [tilespmem:$0x1FF80]  }
0x306: {  	s10 =	sadd.s32 $0x100, s10;
	v1 =	vimm.s32 $0x0;
	[tilespmem:s5+$0x5D00] =	vst v0;
	v0 =	vld [tilespmem:$0x1FF60]  }
0x307: {  	_ =	swait.ge [sflag:s30], $0x800  }
0x308: {  	[sflag:s30] =	ssyncset.done $0x0  }
0x309: {  	[sflag:s30] =	ssyncadd.s32 $0xFFFFF800  }
0x30a: {  	_ =	swait.ge [sflag:s30], $0x800  }
0x30b: {  	[sflag:s30] =	ssyncset.done $0x0  }
0x30c: {  	[sflag:s30] =	ssyncadd.s32 $0xFFFFF800  }
0x30d: {  	_ =	swait.ge [sflag:s31], $0x800  }
0x30e: {  	[sflag:s31] =	ssyncset.done $0x0  }
0x30f: {  	[sflag:s31] =	ssyncadd.s32 $0xFFFFF800  }
0x310: {  	_ =	swait.ge [sflag:s31], $0x800  }
0x311: {  	[sflag:s31] =	ssyncset.done $0x0  }
0x312: {  	[sflag:s31] =	ssyncadd.s32 $0xFFFFF800  }
0x313: {  	_ =	swait.ge [sflag:s1], $0x800  }
0x314: {  	[sflag:s1] =	ssyncset.done $0x0  }
0x315: {  	[sflag:s1] =	ssyncadd.s32 $0xFFFFF800  }
0x316: {  	s11 =	sadd.s32 $0x1, s11;
	_ =	swait.ge [sflag:s1], $0x800  }
0x317: {  	p0 =	sne.s32 s11, s8;
	[sflag:s1] =	ssyncset.done $0x0  }
.Ltmp1:
0x318: {  	s5 =	simm.s32 $0x5CD0;
	[sflag:s1] =	ssyncadd.s32 $0xFFFFF800;
	(pc) =	sbr.rel @p0 .LBB2_1-.Ltmp1, $4  }
0x319: {  	[hbm4b:s7+s2] =	stream.linear.scatter [tilespmem:s5], [sflag:$0x5], $0x1EC0, $0x38;
	[tilespmem:$0xBF90] =	vst v63  }
0x31a: {  	_ =	swait.ge [sflag:s9], $0x1EC0  }
0x31b: {  	[sflag:s9] =	ssyncset.done $0x0  }
0x31c: {  	[sflag:s9] =	ssyncadd.s32 $0xFFFFE140  }
0x31d: {  	_ =	sfence.sel $0x180000  }
0x31e: {  	[bflag:$0x0] =	sbarrier.arrive $0xFFFF  }
0x31f: {  	_ =	strace $0x90000047  }
0x320: {  	s0 =	stileid.u32;
	[bflag:$0x2] =	sbarrier.arrive $0xFFFF  }
0x321: {  	p0 =	sne.s32 s0, $0x0;
	s0 =	rddreg [dreg:$0x1]  }
0x322: {  	s0 =	sadd.s32 @!p0 $0x100000, s0  }
0x323: {  	[sflag:s0] =	ssyncadd.tile.s32 @!p0 $0x1;
	_ =	shalt  }
.Lfunc_end2:
_tile_overlayer_lowered:
.L_overlay_start_2:
0x324: {  	(tag) =	ssettag $0x2  }
0x325: {  	s0 =	rddreg [dreg:$0x0];
	s2 =	stileid.u32  }
0x326: {  	s1 =	rddreg [dreg:$0x1];
	p0 =	sne.s32 s2, $0x0  }
0x327: {  	s3 =	rddreg [dreg:$0x2];
	[bflag:$0x3] =	sbarrier.arrive $0xFFFF;
	s2 =	simm.s32 @!p0 $0x1C05  }
0x328: {  	[timem:s3], [sflag:s2] =	dma.local @!p0 [hbm:s0], s1  }
0x329: {  	s0 =	simm.s32 @!p0 $0x5  }
0x32a: {  	_ =	swait.ge @!p0 [sflag:s0], s1  }
0x32b: {  	s1 =	ssub.s32 @!p0 $0x0, s1;
	[sflag:s0] =	ssyncset.done @!p0 $0x0  }
0x32c: {  	[sflag:s0] =	ssyncadd.s32 @!p0 s1  }
0x32d: {  	[bflag:$0x3] =	sbarrier.arrive $0xFFFF  }
0x32e: {  	_ =	shalt  }

</sc_bundles>
